<compile_context>
chip_gen: v7x
topology: tpu7x:2x2x1
jax: 0.10.2.dev20260603
libtpu: 0.0.44.dev20260713+nightly
codegen_flags: <defaults>
</compile_context>

<pallas_src>
import jax
import jax.numpy as jnp
from jax import lax
from jax.experimental import pallas as pl
from jax.experimental.pallas import tpu as pltpu
from jax.experimental.pallas import tpu_sc as plsc

B = 16384
L = 20
D = 64
NC = 2
NS = 16
NW = NC * NS
RW = B // NW
C = 32
NCHUNK = RW // C


def _body(tok_tab, typ_tab, ids_t, typ_idx, scales, out,
          tok_idx_v, typ_idx_v, tok_rows_v, typ_rows_v, out_v, scale_v,
          ts0, ts1, ys0, ys1, os0, os1):
    tok_sems = (ts0, ts1)
    typ_sems = (ys0, ys1)
    out_sems = (os0, os1)
    wid = lax.axis_index("s") * NC + lax.axis_index("c")
    pltpu.sync_copy(scales, scale_v)
    s_typ = scale_v[0, :]
    s_tok = scale_v[1, :]
    pltpu.sync_copy(ids_t.at[:, pl.ds(wid * RW, RW)], tok_idx_v)
    pltpu.sync_copy(typ_idx.at[pl.ds(wid * RW, RW)], typ_idx_v)

    def issue(k, b):
        for j in range(L):
            pltpu.async_copy(tok_tab.at[tok_idx_v.at[j, pl.ds(k * C, C)]],
                             tok_rows_v.at[b, pl.ds(j * C, C)],
                             tok_sems[b])
        pltpu.async_copy(typ_tab.at[typ_idx_v.at[pl.ds(k * C, C)]],
                         typ_rows_v.at[b], typ_sems[b])

    def wait_gathers(b):
        pltpu.make_async_copy(tok_tab.at[pl.ds(0, C * L)],
                              tok_rows_v.at[b], tok_sems[b]).wait()
        pltpu.make_async_copy(typ_tab.at[pl.ds(0, C)],
                              typ_rows_v.at[b], typ_sems[b]).wait()

    def wait_out(b):
        pltpu.make_async_copy(out_v.at[b], out.at[pl.ds(0, C)],
                              out_sems[b]).wait()

    def compute(b):
        @plsc.parallel_loop(0, C, step=1, unroll=4)
        def row(r):
            for c in range(D // 16):
                sl = pl.ds(c * 16, 16)
                vs = [tok_rows_v[b, j * C + r, sl] for j in range(L)]
                while len(vs) > 1:
                    nxt = [vs[i] + vs[i + 1] for i in range(0, len(vs) - 1, 2)]
                    if len(vs) % 2:
                        nxt.append(vs[-1])
                    vs = nxt
                out_v[b, r, sl] = typ_rows_v[b, r, sl] * s_typ
                out_v[b, r, pl.ds(D + c * 16, 16)] = vs[0] * s_tok

    issue(0, 0)

    def pair(k2, carry):
        for b in range(2):
            k = k2 * 2 + b

            @pl.when(k + 1 < NCHUNK)
            def _():
                issue(k + 1, 1 - b)

            wait_gathers(b)

            @pl.when(k >= 2)
            def _():
                wait_out(b)

            compute(b)
            base = wid * RW + k * C
            pltpu.async_copy(out_v.at[b], out.at[pl.ds(base, C)], out_sems[b])
        return carry

    lax.fori_loop(0, NCHUNK // 2, pair, 0)
    wait_out(0)
    wait_out(1)


def kernel(type_index, sub_token_ids, reduce_dim, concat_dim, token_table, type_table):
    s_typ = jnp.float32(concat_dim)
    s_tok = jnp.float32(reduce_dim) * jnp.float32(concat_dim)
    scales = jnp.stack([jnp.full((16,), s_typ, jnp.float32),
                        jnp.full((16,), s_tok, jnp.float32)])
    mesh = plsc.VectorSubcoreMesh(core_axis_name="c", subcore_axis_name="s",
                                  num_cores=NC, num_subcores=NS)
    f = pl.kernel(
        _body,
        out_type=jax.ShapeDtypeStruct((B, 2 * D), jnp.float32),
        mesh=mesh,
        compiler_params=pltpu.CompilerParams(use_tc_tiling_on_sc=False),
        scratch_types=[
            pltpu.VMEM((L, RW), jnp.int32),
            pltpu.VMEM((RW,), jnp.int32),
            pltpu.VMEM((2, C * L, D), jnp.float32),
            pltpu.VMEM((2, C, D), jnp.float32),
            pltpu.VMEM((2, C, 2 * D), jnp.float32),
            pltpu.VMEM((2, 16), jnp.float32),
            pltpu.SemaphoreType.DMA,
            pltpu.SemaphoreType.DMA,
            pltpu.SemaphoreType.DMA,
            pltpu.SemaphoreType.DMA,
            pltpu.SemaphoreType.DMA,
            pltpu.SemaphoreType.DMA,
        ],
    )
    return f(token_table, type_table, sub_token_ids.T, type_index, scales)

# --- scband reference (transcript-rebuilt; emitter-appended) ---
"""Pipeline reference for scband-node-embedding-83296595739218 (READ-ONLY COPY).

The authoritative reference and input builder live on the scoring server;
editing this copy changes nothing except your own understanding.
"""

import jax, jax.numpy as jnp
import numpy as np

VOCAB_TOKEN = 100000
VOCAB_TYPE = 1000
IN_CHANNELS = 128
EMB = IN_CHANNELS // 2
B = 16384
L = 20


def setup_inputs(seed: int = 0) -> dict:
    key = jax.random.key(seed)
    k1, k2, k3, k4 = jax.random.split(key, 4)
    type_index = jax.random.randint(k1, (B,), 0, 1000, dtype=jnp.int32)
    sub_token_ids = jax.random.randint(k2, (B, L), 0, 100000, dtype=jnp.int32)
    # embedding tables (nn.Embedding default init ~ N(0,1)), padding_idx=0 row zeroed
    token_table = jax.random.normal(k3, (VOCAB_TOKEN + 1, EMB), dtype=jnp.float32)
    token_table = token_table.at[0].set(0.0)
    type_table = jax.random.normal(k4, (VOCAB_TYPE + 1, EMB), dtype=jnp.float32)
    type_table = type_table.at[0].set(0.0)
    return {
        "type_index": type_index,
        "sub_token_ids": sub_token_ids,
        "reduce_dim": 1,
        "concat_dim": 1,
        "token_table": token_table,
        "type_table": type_table,
    }


def reference(type_index, sub_token_ids, reduce_dim, concat_dim, token_table, type_table):
    # get_type_embedding
    type_embedding = jnp.take(type_table, type_index, axis=0)
    # get_token_embedding
    token_embedding = jnp.take(token_table, sub_token_ids, axis=0)
    if reduce_dim is not None:
        token_embedding = token_embedding.sum(axis=1) * reduce_dim
    return jnp.concatenate((type_embedding, token_embedding), axis=1) * concat_dim

if __name__ == "__main__":
    import jax
    _d = setup_inputs()
    print(jax.jit(kernel)(*tuple(_d.values())))

</pallas_src>

<mosaic_0001>
#map = affine_map<(d0, d1) -> (0, 0)>
#map1 = affine_map<(d0, d1) -> (0)>
module attributes {stable_mosaic.version = 14 : i64} {
  func.func @_body(%arg0: i32, %arg1: i32, %arg2: memref<100001x64xf32, #tpu.memory_space<hbm>>, %arg3: memref<1001x64xf32, #tpu.memory_space<hbm>>, %arg4: memref<20x16384xi32, #tpu.memory_space<hbm>>, %arg5: memref<16384xi32, #tpu.memory_space<hbm>>, %arg6: memref<2x16xf32, #tpu.memory_space<hbm>>, %arg7: memref<16384x128xf32, #tpu.memory_space<hbm>>, %arg8: memref<20x512xi32, #tpu.memory_space<vmem>>, %arg9: memref<512xi32, #tpu.memory_space<vmem>>, %arg10: memref<2x640x64xf32, #tpu.memory_space<vmem>>, %arg11: memref<2x32x64xf32, #tpu.memory_space<vmem>>, %arg12: memref<2x32x128xf32, #tpu.memory_space<vmem>>, %arg13: memref<2x16xf32, #tpu.memory_space<vmem>>, %arg14: memref<!tpu.dma_semaphore, #tpu.memory_space<semaphore_mem>>, %arg15: memref<!tpu.dma_semaphore, #tpu.memory_space<semaphore_mem>>, %arg16: memref<!tpu.dma_semaphore, #tpu.memory_space<semaphore_mem>>, %arg17: memref<!tpu.dma_semaphore, #tpu.memory_space<semaphore_mem>>, %arg18: memref<!tpu.dma_semaphore, #tpu.memory_space<semaphore_mem>>, %arg19: memref<!tpu.dma_semaphore, #tpu.memory_space<semaphore_mem>>) attributes {dimension_semantics = [#tpu.dimension_semantics<core_parallel>, #tpu.dimension_semantics<subcore_parallel>], iteration_bounds = array<i64: 2, 16>, scalar_prefetch = 0 : i64, scratch_operands = 12 : i64, tpu.core_type = #tpu.core_type<sc_vector_subcore>, window_params = [{transform_indices = #map}, {transform_indices = #map}, {transform_indices = #map}, {transform_indices = #map1}, {transform_indices = #map}, {transform_indices = #map}]} {
    %mul3A = arith.constant 2 : i32
    %mul3A_0 = arith.muli %arg1, %mul3A : i32
    %add3A = arith.addi %mul3A_0, %arg0 : i32
    "tpu.region"() ({
      %run_scoped3A = tpu.sem_alloc : memref<!tpu.dma_semaphore, #tpu.memory_space<semaphore_mem>>
      tpu.enqueue_dma source(%arg6 : memref<2x16xf32, #tpu.memory_space<hbm>>) target(%arg13 : memref<2x16xf32, #tpu.memory_space<vmem>>) target_semaphore(%run_scoped3A : memref<!tpu.dma_semaphore, #tpu.memory_space<semaphore_mem>>)
      tpu.wait_dma2 semaphore(%run_scoped3A : memref<!tpu.dma_semaphore, #tpu.memory_space<semaphore_mem>>) src(%arg6 : memref<2x16xf32, #tpu.memory_space<hbm>>) dst(%arg13 : memref<2x16xf32, #tpu.memory_space<vmem>>)
      tpu.yield
    }) : () -> ()
    %get3A = arith.constant 0 : i32
    %get3A_1 = arith.index_cast %get3A : i32 to index
    %get3A_2 = arith.constant 0 : index
    %get3A_3 = tpu.vector_load %arg13[%get3A_1, %get3A_2] {strides = array<i32>} : memref<2x16xf32, #tpu.memory_space<vmem>>, vector<1x16xf32>,
    %get3A_4 = vector.shape_cast %get3A_3 : vector<1x16xf32> to vector<16xf32>
    %get3A_5 = arith.constant 1 : i32
    %get3A_6 = arith.index_cast %get3A_5 : i32 to index
    %get3A_7 = arith.constant 0 : index
    %get3A_8 = tpu.vector_load %arg13[%get3A_6, %get3A_7] {strides = array<i32>} : memref<2x16xf32, #tpu.memory_space<vmem>>, vector<1x16xf32>,
    %get3A_9 = vector.shape_cast %get3A_8 : vector<1x16xf32> to vector<16xf32>
    %mul3A_10 = arith.constant 512 : i32
    %mul3A_11 = arith.muli %add3A, %mul3A_10 : i32
    "tpu.region"() ({
      %run_scoped3A = tpu.sem_alloc : memref<!tpu.dma_semaphore, #tpu.memory_space<semaphore_mem>>
      %dma_start3A_297 = arith.constant 0 : i32
      %dma_start3A_298 = tpu.memref_slice %arg4[%dma_start3A_297, %mul3A_11] : memref<20x16384xi32, #tpu.memory_space<hbm>> -> memref<20x512xi32, #tpu.memory_space<hbm>>
      %dma_start3A_299 = arith.constant 0 : i32
      %dma_start3A_300 = tpu.memref_slice %arg4[%dma_start3A_299, %mul3A_11] : memref<20x16384xi32, #tpu.memory_space<hbm>> -> memref<20x512xi32, #tpu.memory_space<hbm>>
      tpu.enqueue_dma source(%dma_start3A_300 : memref<20x512xi32, #tpu.memory_space<hbm>>) target(%arg8 : memref<20x512xi32, #tpu.memory_space<vmem>>) target_semaphore(%run_scoped3A : memref<!tpu.dma_semaphore, #tpu.memory_space<semaphore_mem>>)
      %dma_wait3A_301 = arith.constant 0 : i32
      %dma_wait3A_302 = tpu.memref_slice %arg4[%dma_wait3A_301, %mul3A_11] : memref<20x16384xi32, #tpu.memory_space<hbm>> -> memref<20x512xi32, #tpu.memory_space<hbm>>
      %dma_wait3A_303 = arith.constant 0 : i32
      %dma_wait3A_304 = tpu.memref_slice %arg4[%dma_wait3A_303, %mul3A_11] : memref<20x16384xi32, #tpu.memory_space<hbm>> -> memref<20x512xi32, #tpu.memory_space<hbm>>
      tpu.wait_dma2 semaphore(%run_scoped3A : memref<!tpu.dma_semaphore, #tpu.memory_space<semaphore_mem>>) src(%dma_wait3A_304 : memref<20x512xi32, #tpu.memory_space<hbm>>) dst(%arg8 : memref<20x512xi32, #tpu.memory_space<vmem>>)
      tpu.yield
    }) : () -> ()
    %mul3A_12 = arith.constant 512 : i32
    %mul3A_13 = arith.muli %add3A, %mul3A_12 : i32
    "tpu.region"() ({
      %run_scoped3A = tpu.sem_alloc : memref<!tpu.dma_semaphore, #tpu.memory_space<semaphore_mem>>
      %dma_start3A_297 = tpu.memref_slice %arg5[%mul3A_13] : memref<16384xi32, #tpu.memory_space<hbm>> -> memref<512xi32, #tpu.memory_space<hbm>>
      %dma_start3A_298 = tpu.memref_slice %arg5[%mul3A_13] : memref<16384xi32, #tpu.memory_space<hbm>> -> memref<512xi32, #tpu.memory_space<hbm>>
      tpu.enqueue_dma source(%dma_start3A_298 : memref<512xi32, #tpu.memory_space<hbm>>) target(%arg9 : memref<512xi32, #tpu.memory_space<vmem>>) target_semaphore(%run_scoped3A : memref<!tpu.dma_semaphore, #tpu.memory_space<semaphore_mem>>)
      %dma_wait3A_299 = tpu.memref_slice %arg5[%mul3A_13] : memref<16384xi32, #tpu.memory_space<hbm>> -> memref<512xi32, #tpu.memory_space<hbm>>
      %dma_wait3A_300 = tpu.memref_slice %arg5[%mul3A_13] : memref<16384xi32, #tpu.memory_space<hbm>> -> memref<512xi32, #tpu.memory_space<hbm>>
      tpu.wait_dma2 semaphore(%run_scoped3A : memref<!tpu.dma_semaphore, #tpu.memory_space<semaphore_mem>>) src(%dma_wait3A_300 : memref<512xi32, #tpu.memory_space<hbm>>) dst(%arg9 : memref<512xi32, #tpu.memory_space<vmem>>)
      tpu.yield
    }) : () -> ()
    %dma_start3A = arith.constant 0 : i32
    %dma_start3A_14 = arith.constant 0 : i32
    %dma_start3A_15 = arith.constant 0 : i32
    %dma_start3A_16 = arith.constant 0 : i32
    %dma_start3A_17 = tpu.memref_slice %arg10[%dma_start3A_14, %dma_start3A_15, %dma_start3A_16] : memref<2x640x64xf32, #tpu.memory_space<vmem>> -> memref<1x32x64xf32, #tpu.memory_space<vmem>>
    %dma_start3A_18 = tpu.memref_squeeze %dma_start3A_17 : memref<1x32x64xf32, #tpu.memory_space<vmem>> -> memref<32x64xf32, #tpu.memory_space<vmem>>
    %dma_start3A_19 = arith.constant 0 : i32
    %dma_start3A_20 = tpu.memref_slice %arg8[%dma_start3A, %dma_start3A_19] : memref<20x512xi32, #tpu.memory_space<vmem>> -> memref<1x32xi32, #tpu.memory_space<vmem>>
    %dma_start3A_21 = tpu.memref_squeeze %dma_start3A_20 : memref<1x32xi32, #tpu.memory_space<vmem>> -> memref<32xi32, #tpu.memory_space<vmem>>
    %dma_start3A_22 = arith.constant 0 : i32
    %dma_start3A_23 = arith.constant 0 : i32
    %dma_start3A_24 = tpu.memref_slice %arg2[%dma_start3A_22, %dma_start3A_23] : memref<100001x64xf32, #tpu.memory_space<hbm>> -> memref<100001x64xf32, #tpu.memory_space<hbm>>
    tpu.enqueue_indirect_dma source(%dma_start3A_24 : memref<100001x64xf32, #tpu.memory_space<hbm>>) target(%dma_start3A_18 : memref<32x64xf32, #tpu.memory_space<vmem>>) offsets(%dma_start3A_21 : memref<32xi32, #tpu.memory_space<vmem>>) semaphore(%arg14 : memref<!tpu.dma_semaphore, #tpu.memory_space<semaphore_mem>>)
    %dma_start3A_25 = arith.constant 1 : i32
    %dma_start3A_26 = arith.constant 0 : i32
    %dma_start3A_27 = arith.constant 32 : i32
    %dma_start3A_28 = arith.constant 0 : i32
    %dma_start3A_29 = tpu.memref_slice %arg10[%dma_start3A_26, %dma_start3A_27, %dma_start3A_28] : memref<2x640x64xf32, #tpu.memory_space<vmem>> -> memref<1x32x64xf32, #tpu.memory_space<vmem>>
    %dma_start3A_30 = tpu.memref_squeeze %dma_start3A_29 : memref<1x32x64xf32, #tpu.memory_space<vmem>> -> memref<32x64xf32, #tpu.memory_space<vmem>>
    %dma_start3A_31 = arith.constant 0 : i32
    %dma_start3A_32 = tpu.memref_slice %arg8[%dma_start3A_25, %dma_start3A_31] : memref<20x512xi32, #tpu.memory_space<vmem>> -> memref<1x32xi32, #tpu.memory_space<vmem>>
    %dma_start3A_33 = tpu.memref_squeeze %dma_start3A_32 : memref<1x32xi32, #tpu.memory_space<vmem>> -> memref<32xi32, #tpu.memory_space<vmem>>
    %dma_start3A_34 = arith.constant 0 : i32
    %dma_start3A_35 = arith.constant 0 : i32
    %dma_start3A_36 = tpu.memref_slice %arg2[%dma_start3A_34, %dma_start3A_35] : memref<100001x64xf32, #tpu.memory_space<hbm>> -> memref<100001x64xf32, #tpu.memory_space<hbm>>
    tpu.enqueue_indirect_dma source(%dma_start3A_36 : memref<100001x64xf32, #tpu.memory_space<hbm>>) target(%dma_start3A_30 : memref<32x64xf32, #tpu.memory_space<vmem>>) offsets(%dma_start3A_33 : memref<32xi32, #tpu.memory_space<vmem>>) semaphore(%arg14 : memref<!tpu.dma_semaphore, #tpu.memory_space<semaphore_mem>>)
    %dma_start3A_37 = arith.constant 2 : i32
    %dma_start3A_38 = arith.constant 0 : i32
    %dma_start3A_39 = arith.constant 64 : i32
    %dma_start3A_40 = arith.constant 0 : i32
    %dma_start3A_41 = tpu.memref_slice %arg10[%dma_start3A_38, %dma_start3A_39, %dma_start3A_40] : memref<2x640x64xf32, #tpu.memory_space<vmem>> -> memref<1x32x64xf32, #tpu.memory_space<vmem>>
    %dma_start3A_42 = tpu.memref_squeeze %dma_start3A_41 : memref<1x32x64xf32, #tpu.memory_space<vmem>> -> memref<32x64xf32, #tpu.memory_space<vmem>>
    %dma_start3A_43 = arith.constant 0 : i32
    %dma_start3A_44 = tpu.memref_slice %arg8[%dma_start3A_37, %dma_start3A_43] : memref<20x512xi32, #tpu.memory_space<vmem>> -> memref<1x32xi32, #tpu.memory_space<vmem>>
    %dma_start3A_45 = tpu.memref_squeeze %dma_start3A_44 : memref<1x32xi32, #tpu.memory_space<vmem>> -> memref<32xi32, #tpu.memory_space<vmem>>
    %dma_start3A_46 = arith.constant 0 : i32
    %dma_start3A_47 = arith.constant 0 : i32
    %dma_start3A_48 = tpu.memref_slice %arg2[%dma_start3A_46, %dma_start3A_47] : memref<100001x64xf32, #tpu.memory_space<hbm>> -> memref<100001x64xf32, #tpu.memory_space<hbm>>
    tpu.enqueue_indirect_dma source(%dma_start3A_48 : memref<100001x64xf32, #tpu.memory_space<hbm>>) target(%dma_start3A_42 : memref<32x64xf32, #tpu.memory_space<vmem>>) offsets(%dma_start3A_45 : memref<32xi32, #tpu.memory_space<vmem>>) semaphore(%arg14 : memref<!tpu.dma_semaphore, #tpu.memory_space<semaphore_mem>>)
    %dma_start3A_49 = arith.constant 3 : i32
    %dma_start3A_50 = arith.constant 0 : i32
    %dma_start3A_51 = arith.constant 96 : i32
    %dma_start3A_52 = arith.constant 0 : i32
    %dma_start3A_53 = tpu.memref_slice %arg10[%dma_start3A_50, %dma_start3A_51, %dma_start3A_52] : memref<2x640x64xf32, #tpu.memory_space<vmem>> -> memref<1x32x64xf32, #tpu.memory_space<vmem>>
    %dma_start3A_54 = tpu.memref_squeeze %dma_start3A_53 : memref<1x32x64xf32, #tpu.memory_space<vmem>> -> memref<32x64xf32, #tpu.memory_space<vmem>>
    %dma_start3A_55 = arith.constant 0 : i32
    %dma_start3A_56 = tpu.memref_slice %arg8[%dma_start3A_49, %dma_start3A_55] : memref<20x512xi32, #tpu.memory_space<vmem>> -> memref<1x32xi32, #tpu.memory_space<vmem>>
    %dma_start3A_57 = tpu.memref_squeeze %dma_start3A_56 : memref<1x32xi32, #tpu.memory_space<vmem>> -> memref<32xi32, #tpu.memory_space<vmem>>
    %dma_start3A_58 = arith.constant 0 : i32
    %dma_start3A_59 = arith.constant 0 : i32
    %dma_start3A_60 = tpu.memref_slice %arg2[%dma_start3A_58, %dma_start3A_59] : memref<100001x64xf32, #tpu.memory_space<hbm>> -> memref<100001x64xf32, #tpu.memory_space<hbm>>
    tpu.enqueue_indirect_dma source(%dma_start3A_60 : memref<100001x64xf32, #tpu.memory_space<hbm>>) target(%dma_start3A_54 : memref<32x64xf32, #tpu.memory_space<vmem>>) offsets(%dma_start3A_57 : memref<32xi32, #tpu.memory_space<vmem>>) semaphore(%arg14 : memref<!tpu.dma_semaphore, #tpu.memory_space<semaphore_mem>>)
    %dma_start3A_61 = arith.constant 4 : i32
    %dma_start3A_62 = arith.constant 0 : i32
    %dma_start3A_63 = arith.constant 128 : i32
    %dma_start3A_64 = arith.constant 0 : i32
    %dma_start3A_65 = tpu.memref_slice %arg10[%dma_start3A_62, %dma_start3A_63, %dma_start3A_64] : memref<2x640x64xf32, #tpu.memory_space<vmem>> -> memref<1x32x64xf32, #tpu.memory_space<vmem>>
    %dma_start3A_66 = tpu.memref_squeeze %dma_start3A_65 : memref<1x32x64xf32, #tpu.memory_space<vmem>> -> memref<32x64xf32, #tpu.memory_space<vmem>>
    %dma_start3A_67 = arith.constant 0 : i32
    %dma_start3A_68 = tpu.memref_slice %arg8[%dma_start3A_61, %dma_start3A_67] : memref<20x512xi32, #tpu.memory_space<vmem>> -> memref<1x32xi32, #tpu.memory_space<vmem>>
    %dma_start3A_69 = tpu.memref_squeeze %dma_start3A_68 : memref<1x32xi32, #tpu.memory_space<vmem>> -> memref<32xi32, #tpu.memory_space<vmem>>
    %dma_start3A_70 = arith.constant 0 : i32
    %dma_start3A_71 = arith.constant 0 : i32
    %dma_start3A_72 = tpu.memref_slice %arg2[%dma_start3A_70, %dma_start3A_71] : memref<100001x64xf32, #tpu.memory_space<hbm>> -> memref<100001x64xf32, #tpu.memory_space<hbm>>
    tpu.enqueue_indirect_dma source(%dma_start3A_72 : memref<100001x64xf32, #tpu.memory_space<hbm>>) target(%dma_start3A_66 : memref<32x64xf32, #tpu.memory_space<vmem>>) offsets(%dma_start3A_69 : memref<32xi32, #tpu.memory_space<vmem>>) semaphore(%arg14 : memref<!tpu.dma_semaphore, #tpu.memory_space<semaphore_mem>>)
    %dma_start3A_73 = arith.constant 5 : i32
    %dma_start3A_74 = arith.constant 0 : i32
    %dma_start3A_75 = arith.constant 160 : i32
    %dma_start3A_76 = arith.constant 0 : i32
    %dma_start3A_77 = tpu.memref_slice %arg10[%dma_start3A_74, %dma_start3A_75, %dma_start3A_76] : memref<2x640x64xf32, #tpu.memory_space<vmem>> -> memref<1x32x64xf32, #tpu.memory_space<vmem>>
    %dma_start3A_78 = tpu.memref_squeeze %dma_start3A_77 : memref<1x32x64xf32, #tpu.memory_space<vmem>> -> memref<32x64xf32, #tpu.memory_space<vmem>>
    %dma_start3A_79 = arith.constant 0 : i32
    %dma_start3A_80 = tpu.memref_slice %arg8[%dma_start3A_73, %dma_start3A_79] : memref<20x512xi32, #tpu.memory_space<vmem>> -> memref<1x32xi32, #tpu.memory_space<vmem>>
    %dma_start3A_81 = tpu.memref_squeeze %dma_start3A_80 : memref<1x32xi32, #tpu.memory_space<vmem>> -> memref<32xi32, #tpu.memory_space<vmem>>
    %dma_start3A_82 = arith.constant 0 : i32
    %dma_start3A_83 = arith.constant 0 : i32
    %dma_start3A_84 = tpu.memref_slice %arg2[%dma_start3A_82, %dma_start3A_83] : memref<100001x64xf32, #tpu.memory_space<hbm>> -> memref<100001x64xf32, #tpu.memory_space<hbm>>
    tpu.enqueue_indirect_dma source(%dma_start3A_84 : memref<100001x64xf32, #tpu.memory_space<hbm>>) target(%dma_start3A_78 : memref<32x64xf32, #tpu.memory_space<vmem>>) offsets(%dma_start3A_81 : memref<32xi32, #tpu.memory_space<vmem>>) semaphore(%arg14 : memref<!tpu.dma_semaphore, #tpu.memory_space<semaphore_mem>>)
    %dma_start3A_85 = arith.constant 6 : i32
    %dma_start3A_86 = arith.constant 0 : i32
    %dma_start3A_87 = arith.constant 192 : i32
    %dma_start3A_88 = arith.constant 0 : i32
    %dma_start3A_89 = tpu.memref_slice %arg10[%dma_start3A_86, %dma_start3A_87, %dma_start3A_88] : memref<2x640x64xf32, #tpu.memory_space<vmem>> -> memref<1x32x64xf32, #tpu.memory_space<vmem>>
    %dma_start3A_90 = tpu.memref_squeeze %dma_start3A_89 : memref<1x32x64xf32, #tpu.memory_space<vmem>> -> memref<32x64xf32, #tpu.memory_space<vmem>>
    %dma_start3A_91 = arith.constant 0 : i32
    %dma_start3A_92 = tpu.memref_slice %arg8[%dma_start3A_85, %dma_start3A_91] : memref<20x512xi32, #tpu.memory_space<vmem>> -> memref<1x32xi32, #tpu.memory_space<vmem>>
    %dma_start3A_93 = tpu.memref_squeeze %dma_start3A_92 : memref<1x32xi32, #tpu.memory_space<vmem>> -> memref<32xi32, #tpu.memory_space<vmem>>
    %dma_start3A_94 = arith.constant 0 : i32
    %dma_start3A_95 = arith.constant 0 : i32
    %dma_start3A_96 = tpu.memref_slice %arg2[%dma_start3A_94, %dma_start3A_95] : memref<100001x64xf32, #tpu.memory_space<hbm>> -> memref<100001x64xf32, #tpu.memory_space<hbm>>
    tpu.enqueue_indirect_dma source(%dma_start3A_96 : memref<100001x64xf32, #tpu.memory_space<hbm>>) target(%dma_start3A_90 : memref<32x64xf32, #tpu.memory_space<vmem>>) offsets(%dma_start3A_93 : memref<32xi32, #tpu.memory_space<vmem>>) semaphore(%arg14 : memref<!tpu.dma_semaphore, #tpu.memory_space<semaphore_mem>>)
    %dma_start3A_97 = arith.constant 7 : i32
    %dma_start3A_98 = arith.constant 0 : i32
    %dma_start3A_99 = arith.constant 224 : i32
    %dma_start3A_100 = arith.constant 0 : i32
    %dma_start3A_101 = tpu.memref_slice %arg10[%dma_start3A_98, %dma_start3A_99, %dma_start3A_100] : memref<2x640x64xf32, #tpu.memory_space<vmem>> -> memref<1x32x64xf32, #tpu.memory_space<vmem>>
    %dma_start3A_102 = tpu.memref_squeeze %dma_start3A_101 : memref<1x32x64xf32, #tpu.memory_space<vmem>> -> memref<32x64xf32, #tpu.memory_space<vmem>>
    %dma_start3A_103 = arith.constant 0 : i32
    %dma_start3A_104 = tpu.memref_slice %arg8[%dma_start3A_97, %dma_start3A_103] : memref<20x512xi32, #tpu.memory_space<vmem>> -> memref<1x32xi32, #tpu.memory_space<vmem>>
    %dma_start3A_105 = tpu.memref_squeeze %dma_start3A_104 : memref<1x32xi32, #tpu.memory_space<vmem>> -> memref<32xi32, #tpu.memory_space<vmem>>
    %dma_start3A_106 = arith.constant 0 : i32
    %dma_start3A_107 = arith.constant 0 : i32
    %dma_start3A_108 = tpu.memref_slice %arg2[%dma_start3A_106, %dma_start3A_107] : memref<100001x64xf32, #tpu.memory_space<hbm>> -> memref<100001x64xf32, #tpu.memory_space<hbm>>
    tpu.enqueue_indirect_dma source(%dma_start3A_108 : memref<100001x64xf32, #tpu.memory_space<hbm>>) target(%dma_start3A_102 : memref<32x64xf32, #tpu.memory_space<vmem>>) offsets(%dma_start3A_105 : memref<32xi32, #tpu.memory_space<vmem>>) semaphore(%arg14 : memref<!tpu.dma_semaphore, #tpu.memory_space<semaphore_mem>>)
    %dma_start3A_109 = arith.constant 8 : i32
    %dma_start3A_110 = arith.constant 0 : i32
    %dma_start3A_111 = arith.constant 256 : i32
    %dma_start3A_112 = arith.constant 0 : i32
    %dma_start3A_113 = tpu.memref_slice %arg10[%dma_start3A_110, %dma_start3A_111, %dma_start3A_112] : memref<2x640x64xf32, #tpu.memory_space<vmem>> -> memref<1x32x64xf32, #tpu.memory_space<vmem>>
    %dma_start3A_114 = tpu.memref_squeeze %dma_start3A_113 : memref<1x32x64xf32, #tpu.memory_space<vmem>> -> memref<32x64xf32, #tpu.memory_space<vmem>>
    %dma_start3A_115 = arith.constant 0 : i32
    %dma_start3A_116 = tpu.memref_slice %arg8[%dma_start3A_109, %dma_start3A_115] : memref<20x512xi32, #tpu.memory_space<vmem>> -> memref<1x32xi32, #tpu.memory_space<vmem>>
    %dma_start3A_117 = tpu.memref_squeeze %dma_start3A_116 : memref<1x32xi32, #tpu.memory_space<vmem>> -> memref<32xi32, #tpu.memory_space<vmem>>
    %dma_start3A_118 = arith.constant 0 : i32
    %dma_start3A_119 = arith.constant 0 : i32
    %dma_start3A_120 = tpu.memref_slice %arg2[%dma_start3A_118, %dma_start3A_119] : memref<100001x64xf32, #tpu.memory_space<hbm>> -> memref<100001x64xf32, #tpu.memory_space<hbm>>
    tpu.enqueue_indirect_dma source(%dma_start3A_120 : memref<100001x64xf32, #tpu.memory_space<hbm>>) target(%dma_start3A_114 : memref<32x64xf32, #tpu.memory_space<vmem>>) offsets(%dma_start3A_117 : memref<32xi32, #tpu.memory_space<vmem>>) semaphore(%arg14 : memref<!tpu.dma_semaphore, #tpu.memory_space<semaphore_mem>>)
    %dma_start3A_121 = arith.constant 9 : i32
    %dma_start3A_122 = arith.constant 0 : i32
    %dma_start3A_123 = arith.constant 288 : i32
    %dma_start3A_124 = arith.constant 0 : i32
    %dma_start3A_125 = tpu.memref_slice %arg10[%dma_start3A_122, %dma_start3A_123, %dma_start3A_124] : memref<2x640x64xf32, #tpu.memory_space<vmem>> -> memref<1x32x64xf32, #tpu.memory_space<vmem>>
    %dma_start3A_126 = tpu.memref_squeeze %dma_start3A_125 : memref<1x32x64xf32, #tpu.memory_space<vmem>> -> memref<32x64xf32, #tpu.memory_space<vmem>>
    %dma_start3A_127 = arith.constant 0 : i32
    %dma_start3A_128 = tpu.memref_slice %arg8[%dma_start3A_121, %dma_start3A_127] : memref<20x512xi32, #tpu.memory_space<vmem>> -> memref<1x32xi32, #tpu.memory_space<vmem>>
    %dma_start3A_129 = tpu.memref_squeeze %dma_start3A_128 : memref<1x32xi32, #tpu.memory_space<vmem>> -> memref<32xi32, #tpu.memory_space<vmem>>
    %dma_start3A_130 = arith.constant 0 : i32
    %dma_start3A_131 = arith.constant 0 : i32
    %dma_start3A_132 = tpu.memref_slice %arg2[%dma_start3A_130, %dma_start3A_131] : memref<100001x64xf32, #tpu.memory_space<hbm>> -> memref<100001x64xf32, #tpu.memory_space<hbm>>
    tpu.enqueue_indirect_dma source(%dma_start3A_132 : memref<100001x64xf32, #tpu.memory_space<hbm>>) target(%dma_start3A_126 : memref<32x64xf32, #tpu.memory_space<vmem>>) offsets(%dma_start3A_129 : memref<32xi32, #tpu.memory_space<vmem>>) semaphore(%arg14 : memref<!tpu.dma_semaphore, #tpu.memory_space<semaphore_mem>>)
    %dma_start3A_133 = arith.constant 10 : i32
    %dma_start3A_134 = arith.constant 0 : i32
    %dma_start3A_135 = arith.constant 320 : i32
    %dma_start3A_136 = arith.constant 0 : i32
    %dma_start3A_137 = tpu.memref_slice %arg10[%dma_start3A_134, %dma_start3A_135, %dma_start3A_136] : memref<2x640x64xf32, #tpu.memory_space<vmem>> -> memref<1x32x64xf32, #tpu.memory_space<vmem>>
    %dma_start3A_138 = tpu.memref_squeeze %dma_start3A_137 : memref<1x32x64xf32, #tpu.memory_space<vmem>> -> memref<32x64xf32, #tpu.memory_space<vmem>>
    %dma_start3A_139 = arith.constant 0 : i32
    %dma_start3A_140 = tpu.memref_slice %arg8[%dma_start3A_133, %dma_start3A_139] : memref<20x512xi32, #tpu.memory_space<vmem>> -> memref<1x32xi32, #tpu.memory_space<vmem>>
    %dma_start3A_141 = tpu.memref_squeeze %dma_start3A_140 : memref<1x32xi32, #tpu.memory_space<vmem>> -> memref<32xi32, #tpu.memory_space<vmem>>
    %dma_start3A_142 = arith.constant 0 : i32
    %dma_start3A_143 = arith.constant 0 : i32
    %dma_start3A_144 = tpu.memref_slice %arg2[%dma_start3A_142, %dma_start3A_143] : memref<100001x64xf32, #tpu.memory_space<hbm>> -> memref<100001x64xf32, #tpu.memory_space<hbm>>
    tpu.enqueue_indirect_dma source(%dma_start3A_144 : memref<100001x64xf32, #tpu.memory_space<hbm>>) target(%dma_start3A_138 : memref<32x64xf32, #tpu.memory_space<vmem>>) offsets(%dma_start3A_141 : memref<32xi32, #tpu.memory_space<vmem>>) semaphore(%arg14 : memref<!tpu.dma_semaphore, #tpu.memory_space<semaphore_mem>>)
    %dma_start3A_145 = arith.constant 11 : i32
    %dma_start3A_146 = arith.constant 0 : i32
    %dma_start3A_147 = arith.constant 352 : i32
    %dma_start3A_148 = arith.constant 0 : i32
    %dma_start3A_149 = tpu.memref_slice %arg10[%dma_start3A_146, %dma_start3A_147, %dma_start3A_148] : memref<2x640x64xf32, #tpu.memory_space<vmem>> -> memref<1x32x64xf32, #tpu.memory_space<vmem>>
    %dma_start3A_150 = tpu.memref_squeeze %dma_start3A_149 : memref<1x32x64xf32, #tpu.memory_space<vmem>> -> memref<32x64xf32, #tpu.memory_space<vmem>>
    %dma_start3A_151 = arith.constant 0 : i32
    %dma_start3A_152 = tpu.memref_slice %arg8[%dma_start3A_145, %dma_start3A_151] : memref<20x512xi32, #tpu.memory_space<vmem>> -> memref<1x32xi32, #tpu.memory_space<vmem>>
    %dma_start3A_153 = tpu.memref_squeeze %dma_start3A_152 : memref<1x32xi32, #tpu.memory_space<vmem>> -> memref<32xi32, #tpu.memory_space<vmem>>
    %dma_start3A_154 = arith.constant 0 : i32
    %dma_start3A_155 = arith.constant 0 : i32
    %dma_start3A_156 = tpu.memref_slice %arg2[%dma_start3A_154, %dma_start3A_155] : memref<100001x64xf32, #tpu.memory_space<hbm>> -> memref<100001x64xf32, #tpu.memory_space<hbm>>
    tpu.enqueue_indirect_dma source(%dma_start3A_156 : memref<100001x64xf32, #tpu.memory_space<hbm>>) target(%dma_start3A_150 : memref<32x64xf32, #tpu.memory_space<vmem>>) offsets(%dma_start3A_153 : memref<32xi32, #tpu.memory_space<vmem>>) semaphore(%arg14 : memref<!tpu.dma_semaphore, #tpu.memory_space<semaphore_mem>>)
    %dma_start3A_157 = arith.constant 12 : i32
    %dma_start3A_158 = arith.constant 0 : i32
    %dma_start3A_159 = arith.constant 384 : i32
    %dma_start3A_160 = arith.constant 0 : i32
    %dma_start3A_161 = tpu.memref_slice %arg10[%dma_start3A_158, %dma_start3A_159, %dma_start3A_160] : memref<2x640x64xf32, #tpu.memory_space<vmem>> -> memref<1x32x64xf32, #tpu.memory_space<vmem>>
    %dma_start3A_162 = tpu.memref_squeeze %dma_start3A_161 : memref<1x32x64xf32, #tpu.memory_space<vmem>> -> memref<32x64xf32, #tpu.memory_space<vmem>>
    %dma_start3A_163 = arith.constant 0 : i32
    %dma_start3A_164 = tpu.memref_slice %arg8[%dma_start3A_157, %dma_start3A_163] : memref<20x512xi32, #tpu.memory_space<vmem>> -> memref<1x32xi32, #tpu.memory_space<vmem>>
    %dma_start3A_165 = tpu.memref_squeeze %dma_start3A_164 : memref<1x32xi32, #tpu.memory_space<vmem>> -> memref<32xi32, #tpu.memory_space<vmem>>
    %dma_start3A_166 = arith.constant 0 : i32
    %dma_start3A_167 = arith.constant 0 : i32
    %dma_start3A_168 = tpu.memref_slice %arg2[%dma_start3A_166, %dma_start3A_167] : memref<100001x64xf32, #tpu.memory_space<hbm>> -> memref<100001x64xf32, #tpu.memory_space<hbm>>
    tpu.enqueue_indirect_dma source(%dma_start3A_168 : memref<100001x64xf32, #tpu.memory_space<hbm>>) target(%dma_start3A_162 : memref<32x64xf32, #tpu.memory_space<vmem>>) offsets(%dma_start3A_165 : memref<32xi32, #tpu.memory_space<vmem>>) semaphore(%arg14 : memref<!tpu.dma_semaphore, #tpu.memory_space<semaphore_mem>>)
    %dma_start3A_169 = arith.constant 13 : i32
    %dma_start3A_170 = arith.constant 0 : i32
    %dma_start3A_171 = arith.constant 416 : i32
    %dma_start3A_172 = arith.constant 0 : i32
    %dma_start3A_173 = tpu.memref_slice %arg10[%dma_start3A_170, %dma_start3A_171, %dma_start3A_172] : memref<2x640x64xf32, #tpu.memory_space<vmem>> -> memref<1x32x64xf32, #tpu.memory_space<vmem>>
    %dma_start3A_174 = tpu.memref_squeeze %dma_start3A_173 : memref<1x32x64xf32, #tpu.memory_space<vmem>> -> memref<32x64xf32, #tpu.memory_space<vmem>>
    %dma_start3A_175 = arith.constant 0 : i32
    %dma_start3A_176 = tpu.memref_slice %arg8[%dma_start3A_169, %dma_start3A_175] : memref<20x512xi32, #tpu.memory_space<vmem>> -> memref<1x32xi32, #tpu.memory_space<vmem>>
    %dma_start3A_177 = tpu.memref_squeeze %dma_start3A_176 : memref<1x32xi32, #tpu.memory_space<vmem>> -> memref<32xi32, #tpu.memory_space<vmem>>
    %dma_start3A_178 = arith.constant 0 : i32
    %dma_start3A_179 = arith.constant 0 : i32
    %dma_start3A_180 = tpu.memref_slice %arg2[%dma_start3A_178, %dma_start3A_179] : memref<100001x64xf32, #tpu.memory_space<hbm>> -> memref<100001x64xf32, #tpu.memory_space<hbm>>
    tpu.enqueue_indirect_dma source(%dma_start3A_180 : memref<100001x64xf32, #tpu.memory_space<hbm>>) target(%dma_start3A_174 : memref<32x64xf32, #tpu.memory_space<vmem>>) offsets(%dma_start3A_177 : memref<32xi32, #tpu.memory_space<vmem>>) semaphore(%arg14 : memref<!tpu.dma_semaphore, #tpu.memory_space<semaphore_mem>>)
    %dma_start3A_181 = arith.constant 14 : i32
    %dma_start3A_182 = arith.constant 0 : i32
    %dma_start3A_183 = arith.constant 448 : i32
    %dma_start3A_184 = arith.constant 0 : i32
    %dma_start3A_185 = tpu.memref_slice %arg10[%dma_start3A_182, %dma_start3A_183, %dma_start3A_184] : memref<2x640x64xf32, #tpu.memory_space<vmem>> -> memref<1x32x64xf32, #tpu.memory_space<vmem>>
    %dma_start3A_186 = tpu.memref_squeeze %dma_start3A_185 : memref<1x32x64xf32, #tpu.memory_space<vmem>> -> memref<32x64xf32, #tpu.memory_space<vmem>>
    %dma_start3A_187 = arith.constant 0 : i32
    %dma_start3A_188 = tpu.memref_slice %arg8[%dma_start3A_181, %dma_start3A_187] : memref<20x512xi32, #tpu.memory_space<vmem>> -> memref<1x32xi32, #tpu.memory_space<vmem>>
    %dma_start3A_189 = tpu.memref_squeeze %dma_start3A_188 : memref<1x32xi32, #tpu.memory_space<vmem>> -> memref<32xi32, #tpu.memory_space<vmem>>
    %dma_start3A_190 = arith.constant 0 : i32
    %dma_start3A_191 = arith.constant 0 : i32
    %dma_start3A_192 = tpu.memref_slice %arg2[%dma_start3A_190, %dma_start3A_191] : memref<100001x64xf32, #tpu.memory_space<hbm>> -> memref<100001x64xf32, #tpu.memory_space<hbm>>
    tpu.enqueue_indirect_dma source(%dma_start3A_192 : memref<100001x64xf32, #tpu.memory_space<hbm>>) target(%dma_start3A_186 : memref<32x64xf32, #tpu.memory_space<vmem>>) offsets(%dma_start3A_189 : memref<32xi32, #tpu.memory_space<vmem>>) semaphore(%arg14 : memref<!tpu.dma_semaphore, #tpu.memory_space<semaphore_mem>>)
    %dma_start3A_193 = arith.constant 15 : i32
    %dma_start3A_194 = arith.constant 0 : i32
    %dma_start3A_195 = arith.constant 480 : i32
    %dma_start3A_196 = arith.constant 0 : i32
    %dma_start3A_197 = tpu.memref_slice %arg10[%dma_start3A_194, %dma_start3A_195, %dma_start3A_196] : memref<2x640x64xf32, #tpu.memory_space<vmem>> -> memref<1x32x64xf32, #tpu.memory_space<vmem>>
    %dma_start3A_198 = tpu.memref_squeeze %dma_start3A_197 : memref<1x32x64xf32, #tpu.memory_space<vmem>> -> memref<32x64xf32, #tpu.memory_space<vmem>>
    %dma_start3A_199 = arith.constant 0 : i32
    %dma_start3A_200 = tpu.memref_slice %arg8[%dma_start3A_193, %dma_start3A_199] : memref<20x512xi32, #tpu.memory_space<vmem>> -> memref<1x32xi32, #tpu.memory_space<vmem>>
    %dma_start3A_201 = tpu.memref_squeeze %dma_start3A_200 : memref<1x32xi32, #tpu.memory_space<vmem>> -> memref<32xi32, #tpu.memory_space<vmem>>
    %dma_start3A_202 = arith.constant 0 : i32
    %dma_start3A_203 = arith.constant 0 : i32
    %dma_start3A_204 = tpu.memref_slice %arg2[%dma_start3A_202, %dma_start3A_203] : memref<100001x64xf32, #tpu.memory_space<hbm>> -> memref<100001x64xf32, #tpu.memory_space<hbm>>
    tpu.enqueue_indirect_dma source(%dma_start3A_204 : memref<100001x64xf32, #tpu.memory_space<hbm>>) target(%dma_start3A_198 : memref<32x64xf32, #tpu.memory_space<vmem>>) offsets(%dma_start3A_201 : memref<32xi32, #tpu.memory_space<vmem>>) semaphore(%arg14 : memref<!tpu.dma_semaphore, #tpu.memory_space<semaphore_mem>>)
    %dma_start3A_205 = arith.constant 16 : i32
    %dma_start3A_206 = arith.constant 0 : i32
    %dma_start3A_207 = arith.constant 512 : i32
    %dma_start3A_208 = arith.constant 0 : i32
    %dma_start3A_209 = tpu.memref_slice %arg10[%dma_start3A_206, %dma_start3A_207, %dma_start3A_208] : memref<2x640x64xf32, #tpu.memory_space<vmem>> -> memref<1x32x64xf32, #tpu.memory_space<vmem>>
    %dma_start3A_210 = tpu.memref_squeeze %dma_start3A_209 : memref<1x32x64xf32, #tpu.memory_space<vmem>> -> memref<32x64xf32, #tpu.memory_space<vmem>>
    %dma_start3A_211 = arith.constant 0 : i32
    %dma_start3A_212 = tpu.memref_slice %arg8[%dma_start3A_205, %dma_start3A_211] : memref<20x512xi32, #tpu.memory_space<vmem>> -> memref<1x32xi32, #tpu.memory_space<vmem>>
    %dma_start3A_213 = tpu.memref_squeeze %dma_start3A_212 : memref<1x32xi32, #tpu.memory_space<vmem>> -> memref<32xi32, #tpu.memory_space<vmem>>
    %dma_start3A_214 = arith.constant 0 : i32
    %dma_start3A_215 = arith.constant 0 : i32
    %dma_start3A_216 = tpu.memref_slice %arg2[%dma_start3A_214, %dma_start3A_215] : memref<100001x64xf32, #tpu.memory_space<hbm>> -> memref<100001x64xf32, #tpu.memory_space<hbm>>
    tpu.enqueue_indirect_dma source(%dma_start3A_216 : memref<100001x64xf32, #tpu.memory_space<hbm>>) target(%dma_start3A_210 : memref<32x64xf32, #tpu.memory_space<vmem>>) offsets(%dma_start3A_213 : memref<32xi32, #tpu.memory_space<vmem>>) semaphore(%arg14 : memref<!tpu.dma_semaphore, #tpu.memory_space<semaphore_mem>>)
    %dma_start3A_217 = arith.constant 17 : i32
    %dma_start3A_218 = arith.constant 0 : i32
    %dma_start3A_219 = arith.constant 544 : i32
    %dma_start3A_220 = arith.constant 0 : i32
    %dma_start3A_221 = tpu.memref_slice %arg10[%dma_start3A_218, %dma_start3A_219, %dma_start3A_220] : memref<2x640x64xf32, #tpu.memory_space<vmem>> -> memref<1x32x64xf32, #tpu.memory_space<vmem>>
    %dma_start3A_222 = tpu.memref_squeeze %dma_start3A_221 : memref<1x32x64xf32, #tpu.memory_space<vmem>> -> memref<32x64xf32, #tpu.memory_space<vmem>>
    %dma_start3A_223 = arith.constant 0 : i32
    %dma_start3A_224 = tpu.memref_slice %arg8[%dma_start3A_217, %dma_start3A_223] : memref<20x512xi32, #tpu.memory_space<vmem>> -> memref<1x32xi32, #tpu.memory_space<vmem>>
    %dma_start3A_225 = tpu.memref_squeeze %dma_start3A_224 : memref<1x32xi32, #tpu.memory_space<vmem>> -> memref<32xi32, #tpu.memory_space<vmem>>
    %dma_start3A_226 = arith.constant 0 : i32
    %dma_start3A_227 = arith.constant 0 : i32
    %dma_start3A_228 = tpu.memref_slice %arg2[%dma_start3A_226, %dma_start3A_227] : memref<100001x64xf32, #tpu.memory_space<hbm>> -> memref<100001x64xf32, #tpu.memory_space<hbm>>
    tpu.enqueue_indirect_dma source(%dma_start3A_228 : memref<100001x64xf32, #tpu.memory_space<hbm>>) target(%dma_start3A_222 : memref<32x64xf32, #tpu.memory_space<vmem>>) offsets(%dma_start3A_225 : memref<32xi32, #tpu.memory_space<vmem>>) semaphore(%arg14 : memref<!tpu.dma_semaphore, #tpu.memory_space<semaphore_mem>>)
    %dma_start3A_229 = arith.constant 18 : i32
    %dma_start3A_230 = arith.constant 0 : i32
    %dma_start3A_231 = arith.constant 576 : i32
    %dma_start3A_232 = arith.constant 0 : i32
    %dma_start3A_233 = tpu.memref_slice %arg10[%dma_start3A_230, %dma_start3A_231, %dma_start3A_232] : memref<2x640x64xf32, #tpu.memory_space<vmem>> -> memref<1x32x64xf32, #tpu.memory_space<vmem>>
    %dma_start3A_234 = tpu.memref_squeeze %dma_start3A_233 : memref<1x32x64xf32, #tpu.memory_space<vmem>> -> memref<32x64xf32, #tpu.memory_space<vmem>>
    %dma_start3A_235 = arith.constant 0 : i32
    %dma_start3A_236 = tpu.memref_slice %arg8[%dma_start3A_229, %dma_start3A_235] : memref<20x512xi32, #tpu.memory_space<vmem>> -> memref<1x32xi32, #tpu.memory_space<vmem>>
    %dma_start3A_237 = tpu.memref_squeeze %dma_start3A_236 : memref<1x32xi32, #tpu.memory_space<vmem>> -> memref<32xi32, #tpu.memory_space<vmem>>
    %dma_start3A_238 = arith.constant 0 : i32
    %dma_start3A_239 = arith.constant 0 : i32
    %dma_start3A_240 = tpu.memref_slice %arg2[%dma_start3A_238, %dma_start3A_239] : memref<100001x64xf32, #tpu.memory_space<hbm>> -> memref<100001x64xf32, #tpu.memory_space<hbm>>
    tpu.enqueue_indirect_dma source(%dma_start3A_240 : memref<100001x64xf32, #tpu.memory_space<hbm>>) target(%dma_start3A_234 : memref<32x64xf32, #tpu.memory_space<vmem>>) offsets(%dma_start3A_237 : memref<32xi32, #tpu.memory_space<vmem>>) semaphore(%arg14 : memref<!tpu.dma_semaphore, #tpu.memory_space<semaphore_mem>>)
    %dma_start3A_241 = arith.constant 19 : i32
    %dma_start3A_242 = arith.constant 0 : i32
    %dma_start3A_243 = arith.constant 608 : i32
    %dma_start3A_244 = arith.constant 0 : i32
    %dma_start3A_245 = tpu.memref_slice %arg10[%dma_start3A_242, %dma_start3A_243, %dma_start3A_244] : memref<2x640x64xf32, #tpu.memory_space<vmem>> -> memref<1x32x64xf32, #tpu.memory_space<vmem>>
    %dma_start3A_246 = tpu.memref_squeeze %dma_start3A_245 : memref<1x32x64xf32, #tpu.memory_space<vmem>> -> memref<32x64xf32, #tpu.memory_space<vmem>>
    %dma_start3A_247 = arith.constant 0 : i32
    %dma_start3A_248 = tpu.memref_slice %arg8[%dma_start3A_241, %dma_start3A_247] : memref<20x512xi32, #tpu.memory_space<vmem>> -> memref<1x32xi32, #tpu.memory_space<vmem>>
    %dma_start3A_249 = tpu.memref_squeeze %dma_start3A_248 : memref<1x32xi32, #tpu.memory_space<vmem>> -> memref<32xi32, #tpu.memory_space<vmem>>
    %dma_start3A_250 = arith.constant 0 : i32
    %dma_start3A_251 = arith.constant 0 : i32
    %dma_start3A_252 = tpu.memref_slice %arg2[%dma_start3A_250, %dma_start3A_251] : memref<100001x64xf32, #tpu.memory_space<hbm>> -> memref<100001x64xf32, #tpu.memory_space<hbm>>
    tpu.enqueue_indirect_dma source(%dma_start3A_252 : memref<100001x64xf32, #tpu.memory_space<hbm>>) target(%dma_start3A_246 : memref<32x64xf32, #tpu.memory_space<vmem>>) offsets(%dma_start3A_249 : memref<32xi32, #tpu.memory_space<vmem>>) semaphore(%arg14 : memref<!tpu.dma_semaphore, #tpu.memory_space<semaphore_mem>>)
    %dma_start3A_253 = arith.constant 0 : i32
    %dma_start3A_254 = arith.constant 0 : i32
    %dma_start3A_255 = arith.constant 0 : i32
    %dma_start3A_256 = tpu.memref_slice %arg11[%dma_start3A_253, %dma_start3A_254, %dma_start3A_255] : memref<2x32x64xf32, #tpu.memory_space<vmem>> -> memref<1x32x64xf32, #tpu.memory_space<vmem>>
    %dma_start3A_257 = tpu.memref_squeeze %dma_start3A_256 : memref<1x32x64xf32, #tpu.memory_space<vmem>> -> memref<32x64xf32, #tpu.memory_space<vmem>>
    %dma_start3A_258 = arith.constant 0 : i32
    %dma_start3A_259 = tpu.memref_slice %arg9[%dma_start3A_258] : memref<512xi32, #tpu.memory_space<vmem>> -> memref<32xi32, #tpu.memory_space<vmem>>
    %dma_start3A_260 = arith.constant 0 : i32
    %dma_start3A_261 = arith.constant 0 : i32
    %dma_start3A_262 = tpu.memref_slice %arg3[%dma_start3A_260, %dma_start3A_261] : memref<1001x64xf32, #tpu.memory_space<hbm>> -> memref<1001x64xf32, #tpu.memory_space<hbm>>
    tpu.enqueue_indirect_dma source(%dma_start3A_262 : memref<1001x64xf32, #tpu.memory_space<hbm>>) target(%dma_start3A_257 : memref<32x64xf32, #tpu.memory_space<vmem>>) offsets(%dma_start3A_259 : memref<32xi32, #tpu.memory_space<vmem>>) semaphore(%arg16 : memref<!tpu.dma_semaphore, #tpu.memory_space<semaphore_mem>>)
    %scan3A = arith.constant 0 : i32
    %scan3A_263 = arith.constant 0 : i32
    %scan3A_264 = arith.constant 8 : i32
    %scan3A_265 = arith.addi %scan3A_263, %scan3A_264 : i32
    %scan3A_266 = arith.constant 1 : i32
    scf.for %scan3A_297 = %scan3A_263 to %scan3A_265 step %scan3A_266  : i32 {
      %mul3A_298 = arith.constant 2 : i32
      %mul3A_299 = arith.muli %scan3A_297, %mul3A_298 : i32
      %add3A_300 = arith.constant 0 : i32
      %add3A_301 = arith.addi %mul3A_299, %add3A_300 : i32
      %add3A_302 = arith.constant 1 : i32
      %add3A_303 = arith.addi %add3A_301, %add3A_302 : i32
      %lt3A = arith.constant 16 : i32
      %lt3A_304 = arith.cmpi slt, %add3A_303, %lt3A : i32
      %convert_element_type3A = arith.extui %lt3A_304 : i1 to i32
      %cond3A = arith.constant 0 : i32
      %cond3A_305 = arith.cmpi ne, %convert_element_type3A, %cond3A : i32
      scf.if %cond3A_305 {
        %add3A_427 = arith.constant 1 : i32
        %add3A_428 = arith.addi %add3A_301, %add3A_427 : i32
        %mul3A_429 = arith.constant 32 : i32
        %mul3A_430 = arith.muli %add3A_428, %mul3A_429 : i32
        %dma_start3A_431 = arith.constant 0 : i32
        %dma_start3A_432 = arith.constant 1 : i32
        %dma_start3A_433 = arith.constant 0 : i32
        %dma_start3A_434 = arith.constant 0 : i32
        %dma_start3A_435 = tpu.memref_slice %arg10[%dma_start3A_432, %dma_start3A_433, %dma_start3A_434] : memref<2x640x64xf32, #tpu.memory_space<vmem>> -> memref<1x32x64xf32, #tpu.memory_space<vmem>>
        %dma_start3A_436 = tpu.memref_squeeze %dma_start3A_435 : memref<1x32x64xf32, #tpu.memory_space<vmem>> -> memref<32x64xf32, #tpu.memory_space<vmem>>
        %dma_start3A_437 = tpu.memref_slice %arg8[%dma_start3A_431, %mul3A_430] : memref<20x512xi32, #tpu.memory_space<vmem>> -> memref<1x32xi32, #tpu.memory_space<vmem>>
        %dma_start3A_438 = tpu.memref_squeeze %dma_start3A_437 : memref<1x32xi32, #tpu.memory_space<vmem>> -> memref<32xi32, #tpu.memory_space<vmem>>
        %dma_start3A_439 = arith.constant 0 : i32
        %dma_start3A_440 = arith.constant 0 : i32
        %dma_start3A_441 = tpu.memref_slice %arg2[%dma_start3A_439, %dma_start3A_440] : memref<100001x64xf32, #tpu.memory_space<hbm>> -> memref<100001x64xf32, #tpu.memory_space<hbm>>
        tpu.enqueue_indirect_dma source(%dma_start3A_441 : memref<100001x64xf32, #tpu.memory_space<hbm>>) target(%dma_start3A_436 : memref<32x64xf32, #tpu.memory_space<vmem>>) offsets(%dma_start3A_438 : memref<32xi32, #tpu.memory_space<vmem>>) semaphore(%arg15 : memref<!tpu.dma_semaphore, #tpu.memory_space<semaphore_mem>>)
        %mul3A_442 = arith.constant 32 : i32
        %mul3A_443 = arith.muli %add3A_428, %mul3A_442 : i32
        %dma_start3A_444 = arith.constant 1 : i32
        %dma_start3A_445 = arith.constant 1 : i32
        %dma_start3A_446 = arith.constant 32 : i32
        %dma_start3A_447 = arith.constant 0 : i32
        %dma_start3A_448 = tpu.memref_slice %arg10[%dma_start3A_445, %dma_start3A_446, %dma_start3A_447] : memref<2x640x64xf32, #tpu.memory_space<vmem>> -> memref<1x32x64xf32, #tpu.memory_space<vmem>>
        %dma_start3A_449 = tpu.memref_squeeze %dma_start3A_448 : memref<1x32x64xf32, #tpu.memory_space<vmem>> -> memref<32x64xf32, #tpu.memory_space<vmem>>
        %dma_start3A_450 = tpu.memref_slice %arg8[%dma_start3A_444, %mul3A_443] : memref<20x512xi32, #tpu.memory_space<vmem>> -> memref<1x32xi32, #tpu.memory_space<vmem>>
        %dma_start3A_451 = tpu.memref_squeeze %dma_start3A_450 : memref<1x32xi32, #tpu.memory_space<vmem>> -> memref<32xi32, #tpu.memory_space<vmem>>
        %dma_start3A_452 = arith.constant 0 : i32
        %dma_start3A_453 = arith.constant 0 : i32
        %dma_start3A_454 = tpu.memref_slice %arg2[%dma_start3A_452, %dma_start3A_453] : memref<100001x64xf32, #tpu.memory_space<hbm>> -> memref<100001x64xf32, #tpu.memory_space<hbm>>
        tpu.enqueue_indirect_dma source(%dma_start3A_454 : memref<100001x64xf32, #tpu.memory_space<hbm>>) target(%dma_start3A_449 : memref<32x64xf32, #tpu.memory_space<vmem>>) offsets(%dma_start3A_451 : memref<32xi32, #tpu.memory_space<vmem>>) semaphore(%arg15 : memref<!tpu.dma_semaphore, #tpu.memory_space<semaphore_mem>>)
        %mul3A_455 = arith.constant 32 : i32
        %mul3A_456 = arith.muli %add3A_428, %mul3A_455 : i32
        %dma_start3A_457 = arith.constant 2 : i32
        %dma_start3A_458 = arith.constant 1 : i32
        %dma_start3A_459 = arith.constant 64 : i32
        %dma_start3A_460 = arith.constant 0 : i32
        %dma_start3A_461 = tpu.memref_slice %arg10[%dma_start3A_458, %dma_start3A_459, %dma_start3A_460] : memref<2x640x64xf32, #tpu.memory_space<vmem>> -> memref<1x32x64xf32, #tpu.memory_space<vmem>>
        %dma_start3A_462 = tpu.memref_squeeze %dma_start3A_461 : memref<1x32x64xf32, #tpu.memory_space<vmem>> -> memref<32x64xf32, #tpu.memory_space<vmem>>
        %dma_start3A_463 = tpu.memref_slice %arg8[%dma_start3A_457, %mul3A_456] : memref<20x512xi32, #tpu.memory_space<vmem>> -> memref<1x32xi32, #tpu.memory_space<vmem>>
        %dma_start3A_464 = tpu.memref_squeeze %dma_start3A_463 : memref<1x32xi32, #tpu.memory_space<vmem>> -> memref<32xi32, #tpu.memory_space<vmem>>
        %dma_start3A_465 = arith.constant 0 : i32
        %dma_start3A_466 = arith.constant 0 : i32
        %dma_start3A_467 = tpu.memref_slice %arg2[%dma_start3A_465, %dma_start3A_466] : memref<100001x64xf32, #tpu.memory_space<hbm>> -> memref<100001x64xf32, #tpu.memory_space<hbm>>
        tpu.enqueue_indirect_dma source(%dma_start3A_467 : memref<100001x64xf32, #tpu.memory_space<hbm>>) target(%dma_start3A_462 : memref<32x64xf32, #tpu.memory_space<vmem>>) offsets(%dma_start3A_464 : memref<32xi32, #tpu.memory_space<vmem>>) semaphore(%arg15 : memref<!tpu.dma_semaphore, #tpu.memory_space<semaphore_mem>>)
        %mul3A_468 = arith.constant 32 : i32
        %mul3A_469 = arith.muli %add3A_428, %mul3A_468 : i32
        %dma_start3A_470 = arith.constant 3 : i32
        %dma_start3A_471 = arith.constant 1 : i32
        %dma_start3A_472 = arith.constant 96 : i32
        %dma_start3A_473 = arith.constant 0 : i32
        %dma_start3A_474 = tpu.memref_slice %arg10[%dma_start3A_471, %dma_start3A_472, %dma_start3A_473] : memref<2x640x64xf32, #tpu.memory_space<vmem>> -> memref<1x32x64xf32, #tpu.memory_space<vmem>>
        %dma_start3A_475 = tpu.memref_squeeze %dma_start3A_474 : memref<1x32x64xf32, #tpu.memory_space<vmem>> -> memref<32x64xf32, #tpu.memory_space<vmem>>
        %dma_start3A_476 = tpu.memref_slice %arg8[%dma_start3A_470, %mul3A_469] : memref<20x512xi32, #tpu.memory_space<vmem>> -> memref<1x32xi32, #tpu.memory_space<vmem>>
        %dma_start3A_477 = tpu.memref_squeeze %dma_start3A_476 : memref<1x32xi32, #tpu.memory_space<vmem>> -> memref<32xi32, #tpu.memory_space<vmem>>
        %dma_start3A_478 = arith.constant 0 : i32
        %dma_start3A_479 = arith.constant 0 : i32
        %dma_start3A_480 = tpu.memref_slice %arg2[%dma_start3A_478, %dma_start3A_479] : memref<100001x64xf32, #tpu.memory_space<hbm>> -> memref<100001x64xf32, #tpu.memory_space<hbm>>
        tpu.enqueue_indirect_dma source(%dma_start3A_480 : memref<100001x64xf32, #tpu.memory_space<hbm>>) target(%dma_start3A_475 : memref<32x64xf32, #tpu.memory_space<vmem>>) offsets(%dma_start3A_477 : memref<32xi32, #tpu.memory_space<vmem>>) semaphore(%arg15 : memref<!tpu.dma_semaphore, #tpu.memory_space<semaphore_mem>>)
        %mul3A_481 = arith.constant 32 : i32
        %mul3A_482 = arith.muli %add3A_428, %mul3A_481 : i32
        %dma_start3A_483 = arith.constant 4 : i32
        %dma_start3A_484 = arith.constant 1 : i32
        %dma_start3A_485 = arith.constant 128 : i32
        %dma_start3A_486 = arith.constant 0 : i32
        %dma_start3A_487 = tpu.memref_slice %arg10[%dma_start3A_484, %dma_start3A_485, %dma_start3A_486] : memref<2x640x64xf32, #tpu.memory_space<vmem>> -> memref<1x32x64xf32, #tpu.memory_space<vmem>>
        %dma_start3A_488 = tpu.memref_squeeze %dma_start3A_487 : memref<1x32x64xf32, #tpu.memory_space<vmem>> -> memref<32x64xf32, #tpu.memory_space<vmem>>
        %dma_start3A_489 = tpu.memref_slice %arg8[%dma_start3A_483, %mul3A_482] : memref<20x512xi32, #tpu.memory_space<vmem>> -> memref<1x32xi32, #tpu.memory_space<vmem>>
        %dma_start3A_490 = tpu.memref_squeeze %dma_start3A_489 : memref<1x32xi32, #tpu.memory_space<vmem>> -> memref<32xi32, #tpu.memory_space<vmem>>
        %dma_start3A_491 = arith.constant 0 : i32
        %dma_start3A_492 = arith.constant 0 : i32
        %dma_start3A_493 = tpu.memref_slice %arg2[%dma_start3A_491, %dma_start3A_492] : memref<100001x64xf32, #tpu.memory_space<hbm>> -> memref<100001x64xf32, #tpu.memory_space<hbm>>
        tpu.enqueue_indirect_dma source(%dma_start3A_493 : memref<100001x64xf32, #tpu.memory_space<hbm>>) target(%dma_start3A_488 : memref<32x64xf32, #tpu.memory_space<vmem>>) offsets(%dma_start3A_490 : memref<32xi32, #tpu.memory_space<vmem>>) semaphore(%arg15 : memref<!tpu.dma_semaphore, #tpu.memory_space<semaphore_mem>>)
        %mul3A_494 = arith.constant 32 : i32
        %mul3A_495 = arith.muli %add3A_428, %mul3A_494 : i32
        %dma_start3A_496 = arith.constant 5 : i32
        %dma_start3A_497 = arith.constant 1 : i32
        %dma_start3A_498 = arith.constant 160 : i32
        %dma_start3A_499 = arith.constant 0 : i32
        %dma_start3A_500 = tpu.memref_slice %arg10[%dma_start3A_497, %dma_start3A_498, %dma_start3A_499] : memref<2x640x64xf32, #tpu.memory_space<vmem>> -> memref<1x32x64xf32, #tpu.memory_space<vmem>>
        %dma_start3A_501 = tpu.memref_squeeze %dma_start3A_500 : memref<1x32x64xf32, #tpu.memory_space<vmem>> -> memref<32x64xf32, #tpu.memory_space<vmem>>
        %dma_start3A_502 = tpu.memref_slice %arg8[%dma_start3A_496, %mul3A_495] : memref<20x512xi32, #tpu.memory_space<vmem>> -> memref<1x32xi32, #tpu.memory_space<vmem>>
        %dma_start3A_503 = tpu.memref_squeeze %dma_start3A_502 : memref<1x32xi32, #tpu.memory_space<vmem>> -> memref<32xi32, #tpu.memory_space<vmem>>
        %dma_start3A_504 = arith.constant 0 : i32
        %dma_start3A_505 = arith.constant 0 : i32
        %dma_start3A_506 = tpu.memref_slice %arg2[%dma_start3A_504, %dma_start3A_505] : memref<100001x64xf32, #tpu.memory_space<hbm>> -> memref<100001x64xf32, #tpu.memory_space<hbm>>
        tpu.enqueue_indirect_dma source(%dma_start3A_506 : memref<100001x64xf32, #tpu.memory_space<hbm>>) target(%dma_start3A_501 : memref<32x64xf32, #tpu.memory_space<vmem>>) offsets(%dma_start3A_503 : memref<32xi32, #tpu.memory_space<vmem>>) semaphore(%arg15 : memref<!tpu.dma_semaphore, #tpu.memory_space<semaphore_mem>>)
        %mul3A_507 = arith.constant 32 : i32
        %mul3A_508 = arith.muli %add3A_428, %mul3A_507 : i32
        %dma_start3A_509 = arith.constant 6 : i32
        %dma_start3A_510 = arith.constant 1 : i32
        %dma_start3A_511 = arith.constant 192 : i32
        %dma_start3A_512 = arith.constant 0 : i32
        %dma_start3A_513 = tpu.memref_slice %arg10[%dma_start3A_510, %dma_start3A_511, %dma_start3A_512] : memref<2x640x64xf32, #tpu.memory_space<vmem>> -> memref<1x32x64xf32, #tpu.memory_space<vmem>>
        %dma_start3A_514 = tpu.memref_squeeze %dma_start3A_513 : memref<1x32x64xf32, #tpu.memory_space<vmem>> -> memref<32x64xf32, #tpu.memory_space<vmem>>
        %dma_start3A_515 = tpu.memref_slice %arg8[%dma_start3A_509, %mul3A_508] : memref<20x512xi32, #tpu.memory_space<vmem>> -> memref<1x32xi32, #tpu.memory_space<vmem>>
        %dma_start3A_516 = tpu.memref_squeeze %dma_start3A_515 : memref<1x32xi32, #tpu.memory_space<vmem>> -> memref<32xi32, #tpu.memory_space<vmem>>
        %dma_start3A_517 = arith.constant 0 : i32
        %dma_start3A_518 = arith.constant 0 : i32
        %dma_start3A_519 = tpu.memref_slice %arg2[%dma_start3A_517, %dma_start3A_518] : memref<100001x64xf32, #tpu.memory_space<hbm>> -> memref<100001x64xf32, #tpu.memory_space<hbm>>
        tpu.enqueue_indirect_dma source(%dma_start3A_519 : memref<100001x64xf32, #tpu.memory_space<hbm>>) target(%dma_start3A_514 : memref<32x64xf32, #tpu.memory_space<vmem>>) offsets(%dma_start3A_516 : memref<32xi32, #tpu.memory_space<vmem>>) semaphore(%arg15 : memref<!tpu.dma_semaphore, #tpu.memory_space<semaphore_mem>>)
        %mul3A_520 = arith.constant 32 : i32
        %mul3A_521 = arith.muli %add3A_428, %mul3A_520 : i32
        %dma_start3A_522 = arith.constant 7 : i32
        %dma_start3A_523 = arith.constant 1 : i32
        %dma_start3A_524 = arith.constant 224 : i32
        %dma_start3A_525 = arith.constant 0 : i32
        %dma_start3A_526 = tpu.memref_slice %arg10[%dma_start3A_523, %dma_start3A_524, %dma_start3A_525] : memref<2x640x64xf32, #tpu.memory_space<vmem>> -> memref<1x32x64xf32, #tpu.memory_space<vmem>>
        %dma_start3A_527 = tpu.memref_squeeze %dma_start3A_526 : memref<1x32x64xf32, #tpu.memory_space<vmem>> -> memref<32x64xf32, #tpu.memory_space<vmem>>
        %dma_start3A_528 = tpu.memref_slice %arg8[%dma_start3A_522, %mul3A_521] : memref<20x512xi32, #tpu.memory_space<vmem>> -> memref<1x32xi32, #tpu.memory_space<vmem>>
        %dma_start3A_529 = tpu.memref_squeeze %dma_start3A_528 : memref<1x32xi32, #tpu.memory_space<vmem>> -> memref<32xi32, #tpu.memory_space<vmem>>
        %dma_start3A_530 = arith.constant 0 : i32
        %dma_start3A_531 = arith.constant 0 : i32
        %dma_start3A_532 = tpu.memref_slice %arg2[%dma_start3A_530, %dma_start3A_531] : memref<100001x64xf32, #tpu.memory_space<hbm>> -> memref<100001x64xf32, #tpu.memory_space<hbm>>
        tpu.enqueue_indirect_dma source(%dma_start3A_532 : memref<100001x64xf32, #tpu.memory_space<hbm>>) target(%dma_start3A_527 : memref<32x64xf32, #tpu.memory_space<vmem>>) offsets(%dma_start3A_529 : memref<32xi32, #tpu.memory_space<vmem>>) semaphore(%arg15 : memref<!tpu.dma_semaphore, #tpu.memory_space<semaphore_mem>>)
        %mul3A_533 = arith.constant 32 : i32
        %mul3A_534 = arith.muli %add3A_428, %mul3A_533 : i32
        %dma_start3A_535 = arith.constant 8 : i32
        %dma_start3A_536 = arith.constant 1 : i32
        %dma_start3A_537 = arith.constant 256 : i32
        %dma_start3A_538 = arith.constant 0 : i32
        %dma_start3A_539 = tpu.memref_slice %arg10[%dma_start3A_536, %dma_start3A_537, %dma_start3A_538] : memref<2x640x64xf32, #tpu.memory_space<vmem>> -> memref<1x32x64xf32, #tpu.memory_space<vmem>>
        %dma_start3A_540 = tpu.memref_squeeze %dma_start3A_539 : memref<1x32x64xf32, #tpu.memory_space<vmem>> -> memref<32x64xf32, #tpu.memory_space<vmem>>
        %dma_start3A_541 = tpu.memref_slice %arg8[%dma_start3A_535, %mul3A_534] : memref<20x512xi32, #tpu.memory_space<vmem>> -> memref<1x32xi32, #tpu.memory_space<vmem>>
        %dma_start3A_542 = tpu.memref_squeeze %dma_start3A_541 : memref<1x32xi32, #tpu.memory_space<vmem>> -> memref<32xi32, #tpu.memory_space<vmem>>
        %dma_start3A_543 = arith.constant 0 : i32
        %dma_start3A_544 = arith.constant 0 : i32
        %dma_start3A_545 = tpu.memref_slice %arg2[%dma_start3A_543, %dma_start3A_544] : memref<100001x64xf32, #tpu.memory_space<hbm>> -> memref<100001x64xf32, #tpu.memory_space<hbm>>
        tpu.enqueue_indirect_dma source(%dma_start3A_545 : memref<100001x64xf32, #tpu.memory_space<hbm>>) target(%dma_start3A_540 : memref<32x64xf32, #tpu.memory_space<vmem>>) offsets(%dma_start3A_542 : memref<32xi32, #tpu.memory_space<vmem>>) semaphore(%arg15 : memref<!tpu.dma_semaphore, #tpu.memory_space<semaphore_mem>>)
        %mul3A_546 = arith.constant 32 : i32
        %mul3A_547 = arith.muli %add3A_428, %mul3A_546 : i32
        %dma_start3A_548 = arith.constant 9 : i32
        %dma_start3A_549 = arith.constant 1 : i32
        %dma_start3A_550 = arith.constant 288 : i32
        %dma_start3A_551 = arith.constant 0 : i32
        %dma_start3A_552 = tpu.memref_slice %arg10[%dma_start3A_549, %dma_start3A_550, %dma_start3A_551] : memref<2x640x64xf32, #tpu.memory_space<vmem>> -> memref<1x32x64xf32, #tpu.memory_space<vmem>>
        %dma_start3A_553 = tpu.memref_squeeze %dma_start3A_552 : memref<1x32x64xf32, #tpu.memory_space<vmem>> -> memref<32x64xf32, #tpu.memory_space<vmem>>
        %dma_start3A_554 = tpu.memref_slice %arg8[%dma_start3A_548, %mul3A_547] : memref<20x512xi32, #tpu.memory_space<vmem>> -> memref<1x32xi32, #tpu.memory_space<vmem>>
        %dma_start3A_555 = tpu.memref_squeeze %dma_start3A_554 : memref<1x32xi32, #tpu.memory_space<vmem>> -> memref<32xi32, #tpu.memory_space<vmem>>
        %dma_start3A_556 = arith.constant 0 : i32
        %dma_start3A_557 = arith.constant 0 : i32
        %dma_start3A_558 = tpu.memref_slice %arg2[%dma_start3A_556, %dma_start3A_557] : memref<100001x64xf32, #tpu.memory_space<hbm>> -> memref<100001x64xf32, #tpu.memory_space<hbm>>
        tpu.enqueue_indirect_dma source(%dma_start3A_558 : memref<100001x64xf32, #tpu.memory_space<hbm>>) target(%dma_start3A_553 : memref<32x64xf32, #tpu.memory_space<vmem>>) offsets(%dma_start3A_555 : memref<32xi32, #tpu.memory_space<vmem>>) semaphore(%arg15 : memref<!tpu.dma_semaphore, #tpu.memory_space<semaphore_mem>>)
        %mul3A_559 = arith.constant 32 : i32
        %mul3A_560 = arith.muli %add3A_428, %mul3A_559 : i32
        %dma_start3A_561 = arith.constant 10 : i32
        %dma_start3A_562 = arith.constant 1 : i32
        %dma_start3A_563 = arith.constant 320 : i32
        %dma_start3A_564 = arith.constant 0 : i32
        %dma_start3A_565 = tpu.memref_slice %arg10[%dma_start3A_562, %dma_start3A_563, %dma_start3A_564] : memref<2x640x64xf32, #tpu.memory_space<vmem>> -> memref<1x32x64xf32, #tpu.memory_space<vmem>>
        %dma_start3A_566 = tpu.memref_squeeze %dma_start3A_565 : memref<1x32x64xf32, #tpu.memory_space<vmem>> -> memref<32x64xf32, #tpu.memory_space<vmem>>
        %dma_start3A_567 = tpu.memref_slice %arg8[%dma_start3A_561, %mul3A_560] : memref<20x512xi32, #tpu.memory_space<vmem>> -> memref<1x32xi32, #tpu.memory_space<vmem>>
        %dma_start3A_568 = tpu.memref_squeeze %dma_start3A_567 : memref<1x32xi32, #tpu.memory_space<vmem>> -> memref<32xi32, #tpu.memory_space<vmem>>
        %dma_start3A_569 = arith.constant 0 : i32
        %dma_start3A_570 = arith.constant 0 : i32
        %dma_start3A_571 = tpu.memref_slice %arg2[%dma_start3A_569, %dma_start3A_570] : memref<100001x64xf32, #tpu.memory_space<hbm>> -> memref<100001x64xf32, #tpu.memory_space<hbm>>
        tpu.enqueue_indirect_dma source(%dma_start3A_571 : memref<100001x64xf32, #tpu.memory_space<hbm>>) target(%dma_start3A_566 : memref<32x64xf32, #tpu.memory_space<vmem>>) offsets(%dma_start3A_568 : memref<32xi32, #tpu.memory_space<vmem>>) semaphore(%arg15 : memref<!tpu.dma_semaphore, #tpu.memory_space<semaphore_mem>>)
        %mul3A_572 = arith.constant 32 : i32
        %mul3A_573 = arith.muli %add3A_428, %mul3A_572 : i32
        %dma_start3A_574 = arith.constant 11 : i32
        %dma_start3A_575 = arith.constant 1 : i32
        %dma_start3A_576 = arith.constant 352 : i32
        %dma_start3A_577 = arith.constant 0 : i32
        %dma_start3A_578 = tpu.memref_slice %arg10[%dma_start3A_575, %dma_start3A_576, %dma_start3A_577] : memref<2x640x64xf32, #tpu.memory_space<vmem>> -> memref<1x32x64xf32, #tpu.memory_space<vmem>>
        %dma_start3A_579 = tpu.memref_squeeze %dma_start3A_578 : memref<1x32x64xf32, #tpu.memory_space<vmem>> -> memref<32x64xf32, #tpu.memory_space<vmem>>
        %dma_start3A_580 = tpu.memref_slice %arg8[%dma_start3A_574, %mul3A_573] : memref<20x512xi32, #tpu.memory_space<vmem>> -> memref<1x32xi32, #tpu.memory_space<vmem>>
        %dma_start3A_581 = tpu.memref_squeeze %dma_start3A_580 : memref<1x32xi32, #tpu.memory_space<vmem>> -> memref<32xi32, #tpu.memory_space<vmem>>
        %dma_start3A_582 = arith.constant 0 : i32
        %dma_start3A_583 = arith.constant 0 : i32
        %dma_start3A_584 = tpu.memref_slice %arg2[%dma_start3A_582, %dma_start3A_583] : memref<100001x64xf32, #tpu.memory_space<hbm>> -> memref<100001x64xf32, #tpu.memory_space<hbm>>
        tpu.enqueue_indirect_dma source(%dma_start3A_584 : memref<100001x64xf32, #tpu.memory_space<hbm>>) target(%dma_start3A_579 : memref<32x64xf32, #tpu.memory_space<vmem>>) offsets(%dma_start3A_581 : memref<32xi32, #tpu.memory_space<vmem>>) semaphore(%arg15 : memref<!tpu.dma_semaphore, #tpu.memory_space<semaphore_mem>>)
        %mul3A_585 = arith.constant 32 : i32
        %mul3A_586 = arith.muli %add3A_428, %mul3A_585 : i32
        %dma_start3A_587 = arith.constant 12 : i32
        %dma_start3A_588 = arith.constant 1 : i32
        %dma_start3A_589 = arith.constant 384 : i32
        %dma_start3A_590 = arith.constant 0 : i32
        %dma_start3A_591 = tpu.memref_slice %arg10[%dma_start3A_588, %dma_start3A_589, %dma_start3A_590] : memref<2x640x64xf32, #tpu.memory_space<vmem>> -> memref<1x32x64xf32, #tpu.memory_space<vmem>>
        %dma_start3A_592 = tpu.memref_squeeze %dma_start3A_591 : memref<1x32x64xf32, #tpu.memory_space<vmem>> -> memref<32x64xf32, #tpu.memory_space<vmem>>
        %dma_start3A_593 = tpu.memref_slice %arg8[%dma_start3A_587, %mul3A_586] : memref<20x512xi32, #tpu.memory_space<vmem>> -> memref<1x32xi32, #tpu.memory_space<vmem>>
        %dma_start3A_594 = tpu.memref_squeeze %dma_start3A_593 : memref<1x32xi32, #tpu.memory_space<vmem>> -> memref<32xi32, #tpu.memory_space<vmem>>
        %dma_start3A_595 = arith.constant 0 : i32
        %dma_start3A_596 = arith.constant 0 : i32
        %dma_start3A_597 = tpu.memref_slice %arg2[%dma_start3A_595, %dma_start3A_596] : memref<100001x64xf32, #tpu.memory_space<hbm>> -> memref<100001x64xf32, #tpu.memory_space<hbm>>
        tpu.enqueue_indirect_dma source(%dma_start3A_597 : memref<100001x64xf32, #tpu.memory_space<hbm>>) target(%dma_start3A_592 : memref<32x64xf32, #tpu.memory_space<vmem>>) offsets(%dma_start3A_594 : memref<32xi32, #tpu.memory_space<vmem>>) semaphore(%arg15 : memref<!tpu.dma_semaphore, #tpu.memory_space<semaphore_mem>>)
        %mul3A_598 = arith.constant 32 : i32
        %mul3A_599 = arith.muli %add3A_428, %mul3A_598 : i32
        %dma_start3A_600 = arith.constant 13 : i32
        %dma_start3A_601 = arith.constant 1 : i32
        %dma_start3A_602 = arith.constant 416 : i32
        %dma_start3A_603 = arith.constant 0 : i32
        %dma_start3A_604 = tpu.memref_slice %arg10[%dma_start3A_601, %dma_start3A_602, %dma_start3A_603] : memref<2x640x64xf32, #tpu.memory_space<vmem>> -> memref<1x32x64xf32, #tpu.memory_space<vmem>>
        %dma_start3A_605 = tpu.memref_squeeze %dma_start3A_604 : memref<1x32x64xf32, #tpu.memory_space<vmem>> -> memref<32x64xf32, #tpu.memory_space<vmem>>
        %dma_start3A_606 = tpu.memref_slice %arg8[%dma_start3A_600, %mul3A_599] : memref<20x512xi32, #tpu.memory_space<vmem>> -> memref<1x32xi32, #tpu.memory_space<vmem>>
        %dma_start3A_607 = tpu.memref_squeeze %dma_start3A_606 : memref<1x32xi32, #tpu.memory_space<vmem>> -> memref<32xi32, #tpu.memory_space<vmem>>
        %dma_start3A_608 = arith.constant 0 : i32
        %dma_start3A_609 = arith.constant 0 : i32
        %dma_start3A_610 = tpu.memref_slice %arg2[%dma_start3A_608, %dma_start3A_609] : memref<100001x64xf32, #tpu.memory_space<hbm>> -> memref<100001x64xf32, #tpu.memory_space<hbm>>
        tpu.enqueue_indirect_dma source(%dma_start3A_610 : memref<100001x64xf32, #tpu.memory_space<hbm>>) target(%dma_start3A_605 : memref<32x64xf32, #tpu.memory_space<vmem>>) offsets(%dma_start3A_607 : memref<32xi32, #tpu.memory_space<vmem>>) semaphore(%arg15 : memref<!tpu.dma_semaphore, #tpu.memory_space<semaphore_mem>>)
        %mul3A_611 = arith.constant 32 : i32
        %mul3A_612 = arith.muli %add3A_428, %mul3A_611 : i32
        %dma_start3A_613 = arith.constant 14 : i32
        %dma_start3A_614 = arith.constant 1 : i32
        %dma_start3A_615 = arith.constant 448 : i32
        %dma_start3A_616 = arith.constant 0 : i32
        %dma_start3A_617 = tpu.memref_slice %arg10[%dma_start3A_614, %dma_start3A_615, %dma_start3A_616] : memref<2x640x64xf32, #tpu.memory_space<vmem>> -> memref<1x32x64xf32, #tpu.memory_space<vmem>>
        %dma_start3A_618 = tpu.memref_squeeze %dma_start3A_617 : memref<1x32x64xf32, #tpu.memory_space<vmem>> -> memref<32x64xf32, #tpu.memory_space<vmem>>
        %dma_start3A_619 = tpu.memref_slice %arg8[%dma_start3A_613, %mul3A_612] : memref<20x512xi32, #tpu.memory_space<vmem>> -> memref<1x32xi32, #tpu.memory_space<vmem>>
        %dma_start3A_620 = tpu.memref_squeeze %dma_start3A_619 : memref<1x32xi32, #tpu.memory_space<vmem>> -> memref<32xi32, #tpu.memory_space<vmem>>
        %dma_start3A_621 = arith.constant 0 : i32
        %dma_start3A_622 = arith.constant 0 : i32
        %dma_start3A_623 = tpu.memref_slice %arg2[%dma_start3A_621, %dma_start3A_622] : memref<100001x64xf32, #tpu.memory_space<hbm>> -> memref<100001x64xf32, #tpu.memory_space<hbm>>
        tpu.enqueue_indirect_dma source(%dma_start3A_623 : memref<100001x64xf32, #tpu.memory_space<hbm>>) target(%dma_start3A_618 : memref<32x64xf32, #tpu.memory_space<vmem>>) offsets(%dma_start3A_620 : memref<32xi32, #tpu.memory_space<vmem>>) semaphore(%arg15 : memref<!tpu.dma_semaphore, #tpu.memory_space<semaphore_mem>>)
        %mul3A_624 = arith.constant 32 : i32
        %mul3A_625 = arith.muli %add3A_428, %mul3A_624 : i32
        %dma_start3A_626 = arith.constant 15 : i32
        %dma_start3A_627 = arith.constant 1 : i32
        %dma_start3A_628 = arith.constant 480 : i32
        %dma_start3A_629 = arith.constant 0 : i32
        %dma_start3A_630 = tpu.memref_slice %arg10[%dma_start3A_627, %dma_start3A_628, %dma_start3A_629] : memref<2x640x64xf32, #tpu.memory_space<vmem>> -> memref<1x32x64xf32, #tpu.memory_space<vmem>>
        %dma_start3A_631 = tpu.memref_squeeze %dma_start3A_630 : memref<1x32x64xf32, #tpu.memory_space<vmem>> -> memref<32x64xf32, #tpu.memory_space<vmem>>
        %dma_start3A_632 = tpu.memref_slice %arg8[%dma_start3A_626, %mul3A_625] : memref<20x512xi32, #tpu.memory_space<vmem>> -> memref<1x32xi32, #tpu.memory_space<vmem>>
        %dma_start3A_633 = tpu.memref_squeeze %dma_start3A_632 : memref<1x32xi32, #tpu.memory_space<vmem>> -> memref<32xi32, #tpu.memory_space<vmem>>
        %dma_start3A_634 = arith.constant 0 : i32
        %dma_start3A_635 = arith.constant 0 : i32
        %dma_start3A_636 = tpu.memref_slice %arg2[%dma_start3A_634, %dma_start3A_635] : memref<100001x64xf32, #tpu.memory_space<hbm>> -> memref<100001x64xf32, #tpu.memory_space<hbm>>
        tpu.enqueue_indirect_dma source(%dma_start3A_636 : memref<100001x64xf32, #tpu.memory_space<hbm>>) target(%dma_start3A_631 : memref<32x64xf32, #tpu.memory_space<vmem>>) offsets(%dma_start3A_633 : memref<32xi32, #tpu.memory_space<vmem>>) semaphore(%arg15 : memref<!tpu.dma_semaphore, #tpu.memory_space<semaphore_mem>>)
        %mul3A_637 = arith.constant 32 : i32
        %mul3A_638 = arith.muli %add3A_428, %mul3A_637 : i32
        %dma_start3A_639 = arith.constant 16 : i32
        %dma_start3A_640 = arith.constant 1 : i32
        %dma_start3A_641 = arith.constant 512 : i32
        %dma_start3A_642 = arith.constant 0 : i32
        %dma_start3A_643 = tpu.memref_slice %arg10[%dma_start3A_640, %dma_start3A_641, %dma_start3A_642] : memref<2x640x64xf32, #tpu.memory_space<vmem>> -> memref<1x32x64xf32, #tpu.memory_space<vmem>>
        %dma_start3A_644 = tpu.memref_squeeze %dma_start3A_643 : memref<1x32x64xf32, #tpu.memory_space<vmem>> -> memref<32x64xf32, #tpu.memory_space<vmem>>
        %dma_start3A_645 = tpu.memref_slice %arg8[%dma_start3A_639, %mul3A_638] : memref<20x512xi32, #tpu.memory_space<vmem>> -> memref<1x32xi32, #tpu.memory_space<vmem>>
        %dma_start3A_646 = tpu.memref_squeeze %dma_start3A_645 : memref<1x32xi32, #tpu.memory_space<vmem>> -> memref<32xi32, #tpu.memory_space<vmem>>
        %dma_start3A_647 = arith.constant 0 : i32
        %dma_start3A_648 = arith.constant 0 : i32
        %dma_start3A_649 = tpu.memref_slice %arg2[%dma_start3A_647, %dma_start3A_648] : memref<100001x64xf32, #tpu.memory_space<hbm>> -> memref<100001x64xf32, #tpu.memory_space<hbm>>
        tpu.enqueue_indirect_dma source(%dma_start3A_649 : memref<100001x64xf32, #tpu.memory_space<hbm>>) target(%dma_start3A_644 : memref<32x64xf32, #tpu.memory_space<vmem>>) offsets(%dma_start3A_646 : memref<32xi32, #tpu.memory_space<vmem>>) semaphore(%arg15 : memref<!tpu.dma_semaphore, #tpu.memory_space<semaphore_mem>>)
        %mul3A_650 = arith.constant 32 : i32
        %mul3A_651 = arith.muli %add3A_428, %mul3A_650 : i32
        %dma_start3A_652 = arith.constant 17 : i32
        %dma_start3A_653 = arith.constant 1 : i32
        %dma_start3A_654 = arith.constant 544 : i32
        %dma_start3A_655 = arith.constant 0 : i32
        %dma_start3A_656 = tpu.memref_slice %arg10[%dma_start3A_653, %dma_start3A_654, %dma_start3A_655] : memref<2x640x64xf32, #tpu.memory_space<vmem>> -> memref<1x32x64xf32, #tpu.memory_space<vmem>>
        %dma_start3A_657 = tpu.memref_squeeze %dma_start3A_656 : memref<1x32x64xf32, #tpu.memory_space<vmem>> -> memref<32x64xf32, #tpu.memory_space<vmem>>
        %dma_start3A_658 = tpu.memref_slice %arg8[%dma_start3A_652, %mul3A_651] : memref<20x512xi32, #tpu.memory_space<vmem>> -> memref<1x32xi32, #tpu.memory_space<vmem>>
        %dma_start3A_659 = tpu.memref_squeeze %dma_start3A_658 : memref<1x32xi32, #tpu.memory_space<vmem>> -> memref<32xi32, #tpu.memory_space<vmem>>
        %dma_start3A_660 = arith.constant 0 : i32
        %dma_start3A_661 = arith.constant 0 : i32
        %dma_start3A_662 = tpu.memref_slice %arg2[%dma_start3A_660, %dma_start3A_661] : memref<100001x64xf32, #tpu.memory_space<hbm>> -> memref<100001x64xf32, #tpu.memory_space<hbm>>
        tpu.enqueue_indirect_dma source(%dma_start3A_662 : memref<100001x64xf32, #tpu.memory_space<hbm>>) target(%dma_start3A_657 : memref<32x64xf32, #tpu.memory_space<vmem>>) offsets(%dma_start3A_659 : memref<32xi32, #tpu.memory_space<vmem>>) semaphore(%arg15 : memref<!tpu.dma_semaphore, #tpu.memory_space<semaphore_mem>>)
        %mul3A_663 = arith.constant 32 : i32
        %mul3A_664 = arith.muli %add3A_428, %mul3A_663 : i32
        %dma_start3A_665 = arith.constant 18 : i32
        %dma_start3A_666 = arith.constant 1 : i32
        %dma_start3A_667 = arith.constant 576 : i32
        %dma_start3A_668 = arith.constant 0 : i32
        %dma_start3A_669 = tpu.memref_slice %arg10[%dma_start3A_666, %dma_start3A_667, %dma_start3A_668] : memref<2x640x64xf32, #tpu.memory_space<vmem>> -> memref<1x32x64xf32, #tpu.memory_space<vmem>>
        %dma_start3A_670 = tpu.memref_squeeze %dma_start3A_669 : memref<1x32x64xf32, #tpu.memory_space<vmem>> -> memref<32x64xf32, #tpu.memory_space<vmem>>
        %dma_start3A_671 = tpu.memref_slice %arg8[%dma_start3A_665, %mul3A_664] : memref<20x512xi32, #tpu.memory_space<vmem>> -> memref<1x32xi32, #tpu.memory_space<vmem>>
        %dma_start3A_672 = tpu.memref_squeeze %dma_start3A_671 : memref<1x32xi32, #tpu.memory_space<vmem>> -> memref<32xi32, #tpu.memory_space<vmem>>
        %dma_start3A_673 = arith.constant 0 : i32
        %dma_start3A_674 = arith.constant 0 : i32
        %dma_start3A_675 = tpu.memref_slice %arg2[%dma_start3A_673, %dma_start3A_674] : memref<100001x64xf32, #tpu.memory_space<hbm>> -> memref<100001x64xf32, #tpu.memory_space<hbm>>
        tpu.enqueue_indirect_dma source(%dma_start3A_675 : memref<100001x64xf32, #tpu.memory_space<hbm>>) target(%dma_start3A_670 : memref<32x64xf32, #tpu.memory_space<vmem>>) offsets(%dma_start3A_672 : memref<32xi32, #tpu.memory_space<vmem>>) semaphore(%arg15 : memref<!tpu.dma_semaphore, #tpu.memory_space<semaphore_mem>>)
        %mul3A_676 = arith.constant 32 : i32
        %mul3A_677 = arith.muli %add3A_428, %mul3A_676 : i32
        %dma_start3A_678 = arith.constant 19 : i32
        %dma_start3A_679 = arith.constant 1 : i32
        %dma_start3A_680 = arith.constant 608 : i32
        %dma_start3A_681 = arith.constant 0 : i32
        %dma_start3A_682 = tpu.memref_slice %arg10[%dma_start3A_679, %dma_start3A_680, %dma_start3A_681] : memref<2x640x64xf32, #tpu.memory_space<vmem>> -> memref<1x32x64xf32, #tpu.memory_space<vmem>>
        %dma_start3A_683 = tpu.memref_squeeze %dma_start3A_682 : memref<1x32x64xf32, #tpu.memory_space<vmem>> -> memref<32x64xf32, #tpu.memory_space<vmem>>
        %dma_start3A_684 = tpu.memref_slice %arg8[%dma_start3A_678, %mul3A_677] : memref<20x512xi32, #tpu.memory_space<vmem>> -> memref<1x32xi32, #tpu.memory_space<vmem>>
        %dma_start3A_685 = tpu.memref_squeeze %dma_start3A_684 : memref<1x32xi32, #tpu.memory_space<vmem>> -> memref<32xi32, #tpu.memory_space<vmem>>
        %dma_start3A_686 = arith.constant 0 : i32
        %dma_start3A_687 = arith.constant 0 : i32
        %dma_start3A_688 = tpu.memref_slice %arg2[%dma_start3A_686, %dma_start3A_687] : memref<100001x64xf32, #tpu.memory_space<hbm>> -> memref<100001x64xf32, #tpu.memory_space<hbm>>
        tpu.enqueue_indirect_dma source(%dma_start3A_688 : memref<100001x64xf32, #tpu.memory_space<hbm>>) target(%dma_start3A_683 : memref<32x64xf32, #tpu.memory_space<vmem>>) offsets(%dma_start3A_685 : memref<32xi32, #tpu.memory_space<vmem>>) semaphore(%arg15 : memref<!tpu.dma_semaphore, #tpu.memory_space<semaphore_mem>>)
        %mul3A_689 = arith.constant 32 : i32
        %mul3A_690 = arith.muli %add3A_428, %mul3A_689 : i32
        %dma_start3A_691 = arith.constant 1 : i32
        %dma_start3A_692 = arith.constant 0 : i32
        %dma_start3A_693 = arith.constant 0 : i32
        %dma_start3A_694 = tpu.memref_slice %arg11[%dma_start3A_691, %dma_start3A_692, %dma_start3A_693] : memref<2x32x64xf32, #tpu.memory_space<vmem>> -> memref<1x32x64xf32, #tpu.memory_space<vmem>>
        %dma_start3A_695 = tpu.memref_squeeze %dma_start3A_694 : memref<1x32x64xf32, #tpu.memory_space<vmem>> -> memref<32x64xf32, #tpu.memory_space<vmem>>
        %dma_start3A_696 = tpu.memref_slice %arg9[%mul3A_690] : memref<512xi32, #tpu.memory_space<vmem>> -> memref<32xi32, #tpu.memory_space<vmem>>
        %dma_start3A_697 = arith.constant 0 : i32
        %dma_start3A_698 = arith.constant 0 : i32
        %dma_start3A_699 = tpu.memref_slice %arg3[%dma_start3A_697, %dma_start3A_698] : memref<1001x64xf32, #tpu.memory_space<hbm>> -> memref<1001x64xf32, #tpu.memory_space<hbm>>
        tpu.enqueue_indirect_dma source(%dma_start3A_699 : memref<1001x64xf32, #tpu.memory_space<hbm>>) target(%dma_start3A_695 : memref<32x64xf32, #tpu.memory_space<vmem>>) offsets(%dma_start3A_696 : memref<32xi32, #tpu.memory_space<vmem>>) semaphore(%arg17 : memref<!tpu.dma_semaphore, #tpu.memory_space<semaphore_mem>>)
      } else {
      }
      %dma_wait3A_306 = arith.constant 0 : i32
      %dma_wait3A_307 = arith.constant 0 : i32
      %dma_wait3A_308 = arith.constant 0 : i32
      %dma_wait3A_309 = tpu.memref_slice %arg10[%dma_wait3A_306, %dma_wait3A_307, %dma_wait3A_308] : memref<2x640x64xf32, #tpu.memory_space<vmem>> -> memref<1x640x64xf32, #tpu.memory_space<vmem>>
      %dma_wait3A_310 = tpu.memref_squeeze %dma_wait3A_309 : memref<1x640x64xf32, #tpu.memory_space<vmem>> -> memref<640x64xf32, #tpu.memory_space<vmem>>
      %dma_wait3A_311 = arith.constant 0 : i32
      %dma_wait3A_312 = arith.constant 0 : i32
      %dma_wait3A_313 = tpu.memref_slice %arg2[%dma_wait3A_311, %dma_wait3A_312] : memref<100001x64xf32, #tpu.memory_space<hbm>> -> memref<640x64xf32, #tpu.memory_space<hbm>>
      %dma_wait3A_314 = arith.constant 0 : i32
      %dma_wait3A_315 = arith.constant 0 : i32
      %dma_wait3A_316 = tpu.memref_slice %arg10[%dma_wait3A_306, %dma_wait3A_314, %dma_wait3A_315] : memref<2x640x64xf32, #tpu.memory_space<vmem>> -> memref<1x640x64xf32, #tpu.memory_space<vmem>>
      %dma_wait3A_317 = tpu.memref_squeeze %dma_wait3A_316 : memref<1x640x64xf32, #tpu.memory_space<vmem>> -> memref<640x64xf32, #tpu.memory_space<vmem>>
      %dma_wait3A_318 = arith.constant 0 : i32
      %dma_wait3A_319 = arith.constant 0 : i32
      %dma_wait3A_320 = tpu.memref_slice %arg2[%dma_wait3A_318, %dma_wait3A_319] : memref<100001x64xf32, #tpu.memory_space<hbm>> -> memref<640x64xf32, #tpu.memory_space<hbm>>
      tpu.wait_dma2 semaphore(%arg14 : memref<!tpu.dma_semaphore, #tpu.memory_space<semaphore_mem>>) src(%dma_wait3A_320 : memref<640x64xf32, #tpu.memory_space<hbm>>) dst(%dma_wait3A_317 : memref<640x64xf32, #tpu.memory_space<vmem>>)
      %dma_wait3A_321 = arith.constant 0 : i32
      %dma_wait3A_322 = arith.constant 0 : i32
      %dma_wait3A_323 = arith.constant 0 : i32
      %dma_wait3A_324 = tpu.memref_slice %arg11[%dma_wait3A_321, %dma_wait3A_322, %dma_wait3A_323] : memref<2x32x64xf32, #tpu.memory_space<vmem>> -> memref<1x32x64xf32, #tpu.memory_space<vmem>>
      %dma_wait3A_325 = tpu.memref_squeeze %dma_wait3A_324 : memref<1x32x64xf32, #tpu.memory_space<vmem>> -> memref<32x64xf32, #tpu.memory_space<vmem>>
      %dma_wait3A_326 = arith.constant 0 : i32
      %dma_wait3A_327 = arith.constant 0 : i32
      %dma_wait3A_328 = tpu.memref_slice %arg3[%dma_wait3A_326, %dma_wait3A_327] : memref<1001x64xf32, #tpu.memory_space<hbm>> -> memref<32x64xf32, #tpu.memory_space<hbm>>
      %dma_wait3A_329 = arith.constant 0 : i32
      %dma_wait3A_330 = arith.constant 0 : i32
      %dma_wait3A_331 = tpu.memref_slice %arg11[%dma_wait3A_321, %dma_wait3A_329, %dma_wait3A_330] : memref<2x32x64xf32, #tpu.memory_space<vmem>> -> memref<1x32x64xf32, #tpu.memory_space<vmem>>
      %dma_wait3A_332 = tpu.memref_squeeze %dma_wait3A_331 : memref<1x32x64xf32, #tpu.memory_space<vmem>> -> memref<32x64xf32, #tpu.memory_space<vmem>>
      %dma_wait3A_333 = arith.constant 0 : i32
      %dma_wait3A_334 = arith.constant 0 : i32
      %dma_wait3A_335 = tpu.memref_slice %arg3[%dma_wait3A_333, %dma_wait3A_334] : memref<1001x64xf32, #tpu.memory_space<hbm>> -> memref<32x64xf32, #tpu.memory_space<hbm>>
      tpu.wait_dma2 semaphore(%arg16 : memref<!tpu.dma_semaphore, #tpu.memory_space<semaphore_mem>>) src(%dma_wait3A_335 : memref<32x64xf32, #tpu.memory_space<hbm>>) dst(%dma_wait3A_332 : memref<32x64xf32, #tpu.memory_space<vmem>>)
      %ge3A = arith.constant 2 : i32
      %ge3A_336 = arith.cmpi sge, %add3A_301, %ge3A : i32
      %convert_element_type3A_337 = arith.extui %ge3A_336 : i1 to i32
      %cond3A_338 = arith.constant 0 : i32
      %cond3A_339 = arith.cmpi ne, %convert_element_type3A_337, %cond3A_338 : i32
      scf.if %cond3A_339 {
        %dma_wait3A_427 = arith.constant 0 : i32
        %dma_wait3A_428 = arith.constant 0 : i32
        %dma_wait3A_429 = arith.constant 0 : i32
        %dma_wait3A_430 = tpu.memref_slice %arg12[%dma_wait3A_427, %dma_wait3A_428, %dma_wait3A_429] : memref<2x32x128xf32, #tpu.memory_space<vmem>> -> memref<1x32x128xf32, #tpu.memory_space<vmem>>
        %dma_wait3A_431 = tpu.memref_squeeze %dma_wait3A_430 : memref<1x32x128xf32, #tpu.memory_space<vmem>> -> memref<32x128xf32, #tpu.memory_space<vmem>>
        %dma_wait3A_432 = arith.constant 0 : i32
        %dma_wait3A_433 = arith.constant 0 : i32
        %dma_wait3A_434 = tpu.memref_slice %arg7[%dma_wait3A_432, %dma_wait3A_433] : memref<16384x128xf32, #tpu.memory_space<hbm>> -> memref<32x128xf32, #tpu.memory_space<hbm>>
        %dma_wait3A_435 = arith.constant 0 : i32
        %dma_wait3A_436 = arith.constant 0 : i32
        %dma_wait3A_437 = tpu.memref_slice %arg7[%dma_wait3A_435, %dma_wait3A_436] : memref<16384x128xf32, #tpu.memory_space<hbm>> -> memref<32x128xf32, #tpu.memory_space<hbm>>
        %dma_wait3A_438 = arith.constant 0 : i32
        %dma_wait3A_439 = arith.constant 0 : i32
        %dma_wait3A_440 = tpu.memref_slice %arg12[%dma_wait3A_427, %dma_wait3A_438, %dma_wait3A_439] : memref<2x32x128xf32, #tpu.memory_space<vmem>> -> memref<1x32x128xf32, #tpu.memory_space<vmem>>
        %dma_wait3A_441 = tpu.memref_squeeze %dma_wait3A_440 : memref<1x32x128xf32, #tpu.memory_space<vmem>> -> memref<32x128xf32, #tpu.memory_space<vmem>>
        tpu.wait_dma2 semaphore(%arg18 : memref<!tpu.dma_semaphore, #tpu.memory_space<semaphore_mem>>) src(%dma_wait3A_441 : memref<32x128xf32, #tpu.memory_space<vmem>>) dst(%dma_wait3A_437 : memref<32x128xf32, #tpu.memory_space<hbm>>)
      } else {
      }
      %parallel_loop3A = arith.constant 0 : i32
      %parallel_loop3A_340 = arith.constant 32 : i32
      %parallel_loop3A_341 = arith.constant 1 : i32
      scf.for %parallel_loop3A_427 = %parallel_loop3A to %parallel_loop3A_340 step %parallel_loop3A_341  : i32 {
        %parallel_loop3A_428 = arith.constant 0 : i32
        %parallel_loop3A_429 = arith.addi %parallel_loop3A_428, %parallel_loop3A_427 : i32
        %parallel_loop3A_430 = arith.constant 0 : i32
        %parallel_loop3A_431 = arith.index_cast %parallel_loop3A_430 : i32 to index
        %parallel_loop3A_432 = arith.index_cast %parallel_loop3A_429 : i32 to index
        %parallel_loop3A_433 = arith.constant 0 : index
        %parallel_loop3A_434 = tpu.vector_load %arg10[%parallel_loop3A_431, %parallel_loop3A_432, %parallel_loop3A_433] {strides = array<i32>} : memref<2x640x64xf32, #tpu.memory_space<vmem>>, vector<1x1x16xf32>,
        %parallel_loop3A_435 = vector.shape_cast %parallel_loop3A_434 : vector<1x1x16xf32> to vector<16xf32>
        %parallel_loop3A_436 = arith.constant 32 : i32
        %parallel_loop3A_437 = arith.addi %parallel_loop3A_436, %parallel_loop3A_427 : i32
        %parallel_loop3A_438 = arith.constant 0 : i32
        %parallel_loop3A_439 = arith.index_cast %parallel_loop3A_438 : i32 to index
        %parallel_loop3A_440 = arith.index_cast %parallel_loop3A_437 : i32 to index
        %parallel_loop3A_441 = arith.constant 0 : index
        %parallel_loop3A_442 = tpu.vector_load %arg10[%parallel_loop3A_439, %parallel_loop3A_440, %parallel_loop3A_441] {strides = array<i32>} : memref<2x640x64xf32, #tpu.memory_space<vmem>>, vector<1x1x16xf32>,
        %parallel_loop3A_443 = vector.shape_cast %parallel_loop3A_442 : vector<1x1x16xf32> to vector<16xf32>
        %parallel_loop3A_444 = arith.constant 64 : i32
        %parallel_loop3A_445 = arith.addi %parallel_loop3A_444, %parallel_loop3A_427 : i32
        %parallel_loop3A_446 = arith.constant 0 : i32
        %parallel_loop3A_447 = arith.index_cast %parallel_loop3A_446 : i32 to index
        %parallel_loop3A_448 = arith.index_cast %parallel_loop3A_445 : i32 to index
        %parallel_loop3A_449 = arith.constant 0 : index
        %parallel_loop3A_450 = tpu.vector_load %arg10[%parallel_loop3A_447, %parallel_loop3A_448, %parallel_loop3A_449] {strides = array<i32>} : memref<2x640x64xf32, #tpu.memory_space<vmem>>, vector<1x1x16xf32>,
        %parallel_loop3A_451 = vector.shape_cast %parallel_loop3A_450 : vector<1x1x16xf32> to vector<16xf32>
        %parallel_loop3A_452 = arith.constant 96 : i32
        %parallel_loop3A_453 = arith.addi %parallel_loop3A_452, %parallel_loop3A_427 : i32
        %parallel_loop3A_454 = arith.constant 0 : i32
        %parallel_loop3A_455 = arith.index_cast %parallel_loop3A_454 : i32 to index
        %parallel_loop3A_456 = arith.index_cast %parallel_loop3A_453 : i32 to index
        %parallel_loop3A_457 = arith.constant 0 : index
        %parallel_loop3A_458 = tpu.vector_load %arg10[%parallel_loop3A_455, %parallel_loop3A_456, %parallel_loop3A_457] {strides = array<i32>} : memref<2x640x64xf32, #tpu.memory_space<vmem>>, vector<1x1x16xf32>,
        %parallel_loop3A_459 = vector.shape_cast %parallel_loop3A_458 : vector<1x1x16xf32> to vector<16xf32>
        %parallel_loop3A_460 = arith.constant 128 : i32
        %parallel_loop3A_461 = arith.addi %parallel_loop3A_460, %parallel_loop3A_427 : i32
        %parallel_loop3A_462 = arith.constant 0 : i32
        %parallel_loop3A_463 = arith.index_cast %parallel_loop3A_462 : i32 to index
        %parallel_loop3A_464 = arith.index_cast %parallel_loop3A_461 : i32 to index
        %parallel_loop3A_465 = arith.constant 0 : index
        %parallel_loop3A_466 = tpu.vector_load %arg10[%parallel_loop3A_463, %parallel_loop3A_464, %parallel_loop3A_465] {strides = array<i32>} : memref<2x640x64xf32, #tpu.memory_space<vmem>>, vector<1x1x16xf32>,
        %parallel_loop3A_467 = vector.shape_cast %parallel_loop3A_466 : vector<1x1x16xf32> to vector<16xf32>
        %parallel_loop3A_468 = arith.constant 160 : i32
        %parallel_loop3A_469 = arith.addi %parallel_loop3A_468, %parallel_loop3A_427 : i32
        %parallel_loop3A_470 = arith.constant 0 : i32
        %parallel_loop3A_471 = arith.index_cast %parallel_loop3A_470 : i32 to index
        %parallel_loop3A_472 = arith.index_cast %parallel_loop3A_469 : i32 to index
        %parallel_loop3A_473 = arith.constant 0 : index
        %parallel_loop3A_474 = tpu.vector_load %arg10[%parallel_loop3A_471, %parallel_loop3A_472, %parallel_loop3A_473] {strides = array<i32>} : memref<2x640x64xf32, #tpu.memory_space<vmem>>, vector<1x1x16xf32>,
        %parallel_loop3A_475 = vector.shape_cast %parallel_loop3A_474 : vector<1x1x16xf32> to vector<16xf32>
        %parallel_loop3A_476 = arith.constant 192 : i32
        %parallel_loop3A_477 = arith.addi %parallel_loop3A_476, %parallel_loop3A_427 : i32
        %parallel_loop3A_478 = arith.constant 0 : i32
        %parallel_loop3A_479 = arith.index_cast %parallel_loop3A_478 : i32 to index
        %parallel_loop3A_480 = arith.index_cast %parallel_loop3A_477 : i32 to index
        %parallel_loop3A_481 = arith.constant 0 : index
        %parallel_loop3A_482 = tpu.vector_load %arg10[%parallel_loop3A_479, %parallel_loop3A_480, %parallel_loop3A_481] {strides = array<i32>} : memref<2x640x64xf32, #tpu.memory_space<vmem>>, vector<1x1x16xf32>,
        %parallel_loop3A_483 = vector.shape_cast %parallel_loop3A_482 : vector<1x1x16xf32> to vector<16xf32>
        %parallel_loop3A_484 = arith.constant 224 : i32
        %parallel_loop3A_485 = arith.addi %parallel_loop3A_484, %parallel_loop3A_427 : i32
        %parallel_loop3A_486 = arith.constant 0 : i32
        %parallel_loop3A_487 = arith.index_cast %parallel_loop3A_486 : i32 to index
        %parallel_loop3A_488 = arith.index_cast %parallel_loop3A_485 : i32 to index
        %parallel_loop3A_489 = arith.constant 0 : index
        %parallel_loop3A_490 = tpu.vector_load %arg10[%parallel_loop3A_487, %parallel_loop3A_488, %parallel_loop3A_489] {strides = array<i32>} : memref<2x640x64xf32, #tpu.memory_space<vmem>>, vector<1x1x16xf32>,
        %parallel_loop3A_491 = vector.shape_cast %parallel_loop3A_490 : vector<1x1x16xf32> to vector<16xf32>
        %parallel_loop3A_492 = arith.constant 256 : i32
        %parallel_loop3A_493 = arith.addi %parallel_loop3A_492, %parallel_loop3A_427 : i32
        %parallel_loop3A_494 = arith.constant 0 : i32
        %parallel_loop3A_495 = arith.index_cast %parallel_loop3A_494 : i32 to index
        %parallel_loop3A_496 = arith.index_cast %parallel_loop3A_493 : i32 to index
        %parallel_loop3A_497 = arith.constant 0 : index
        %parallel_loop3A_498 = tpu.vector_load %arg10[%parallel_loop3A_495, %parallel_loop3A_496, %parallel_loop3A_497] {strides = array<i32>} : memref<2x640x64xf32, #tpu.memory_space<vmem>>, vector<1x1x16xf32>,
        %parallel_loop3A_499 = vector.shape_cast %parallel_loop3A_498 : vector<1x1x16xf32> to vector<16xf32>
        %parallel_loop3A_500 = arith.constant 288 : i32
        %parallel_loop3A_501 = arith.addi %parallel_loop3A_500, %parallel_loop3A_427 : i32
        %parallel_loop3A_502 = arith.constant 0 : i32
        %parallel_loop3A_503 = arith.index_cast %parallel_loop3A_502 : i32 to index
        %parallel_loop3A_504 = arith.index_cast %parallel_loop3A_501 : i32 to index
        %parallel_loop3A_505 = arith.constant 0 : index
        %parallel_loop3A_506 = tpu.vector_load %arg10[%parallel_loop3A_503, %parallel_loop3A_504, %parallel_loop3A_505] {strides = array<i32>} : memref<2x640x64xf32, #tpu.memory_space<vmem>>, vector<1x1x16xf32>,
        %parallel_loop3A_507 = vector.shape_cast %parallel_loop3A_506 : vector<1x1x16xf32> to vector<16xf32>
        %parallel_loop3A_508 = arith.constant 320 : i32
        %parallel_loop3A_509 = arith.addi %parallel_loop3A_508, %parallel_loop3A_427 : i32
        %parallel_loop3A_510 = arith.constant 0 : i32
        %parallel_loop3A_511 = arith.index_cast %parallel_loop3A_510 : i32 to index
        %parallel_loop3A_512 = arith.index_cast %parallel_loop3A_509 : i32 to index
        %parallel_loop3A_513 = arith.constant 0 : index
        %parallel_loop3A_514 = tpu.vector_load %arg10[%parallel_loop3A_511, %parallel_loop3A_512, %parallel_loop3A_513] {strides = array<i32>} : memref<2x640x64xf32, #tpu.memory_space<vmem>>, vector<1x1x16xf32>,
        %parallel_loop3A_515 = vector.shape_cast %parallel_loop3A_514 : vector<1x1x16xf32> to vector<16xf32>
        %parallel_loop3A_516 = arith.constant 352 : i32
        %parallel_loop3A_517 = arith.addi %parallel_loop3A_516, %parallel_loop3A_427 : i32
        %parallel_loop3A_518 = arith.constant 0 : i32
        %parallel_loop3A_519 = arith.index_cast %parallel_loop3A_518 : i32 to index
        %parallel_loop3A_520 = arith.index_cast %parallel_loop3A_517 : i32 to index
        %parallel_loop3A_521 = arith.constant 0 : index
        %parallel_loop3A_522 = tpu.vector_load %arg10[%parallel_loop3A_519, %parallel_loop3A_520, %parallel_loop3A_521] {strides = array<i32>} : memref<2x640x64xf32, #tpu.memory_space<vmem>>, vector<1x1x16xf32>,
        %parallel_loop3A_523 = vector.shape_cast %parallel_loop3A_522 : vector<1x1x16xf32> to vector<16xf32>
        %parallel_loop3A_524 = arith.constant 384 : i32
        %parallel_loop3A_525 = arith.addi %parallel_loop3A_524, %parallel_loop3A_427 : i32
        %parallel_loop3A_526 = arith.constant 0 : i32
        %parallel_loop3A_527 = arith.index_cast %parallel_loop3A_526 : i32 to index
        %parallel_loop3A_528 = arith.index_cast %parallel_loop3A_525 : i32 to index
        %parallel_loop3A_529 = arith.constant 0 : index
        %parallel_loop3A_530 = tpu.vector_load %arg10[%parallel_loop3A_527, %parallel_loop3A_528, %parallel_loop3A_529] {strides = array<i32>} : memref<2x640x64xf32, #tpu.memory_space<vmem>>, vector<1x1x16xf32>,
        %parallel_loop3A_531 = vector.shape_cast %parallel_loop3A_530 : vector<1x1x16xf32> to vector<16xf32>
        %parallel_loop3A_532 = arith.constant 416 : i32
        %parallel_loop3A_533 = arith.addi %parallel_loop3A_532, %parallel_loop3A_427 : i32
        %parallel_loop3A_534 = arith.constant 0 : i32
        %parallel_loop3A_535 = arith.index_cast %parallel_loop3A_534 : i32 to index
        %parallel_loop3A_536 = arith.index_cast %parallel_loop3A_533 : i32 to index
        %parallel_loop3A_537 = arith.constant 0 : index
        %parallel_loop3A_538 = tpu.vector_load %arg10[%parallel_loop3A_535, %parallel_loop3A_536, %parallel_loop3A_537] {strides = array<i32>} : memref<2x640x64xf32, #tpu.memory_space<vmem>>, vector<1x1x16xf32>,
        %parallel_loop3A_539 = vector.shape_cast %parallel_loop3A_538 : vector<1x1x16xf32> to vector<16xf32>
        %parallel_loop3A_540 = arith.constant 448 : i32
        %parallel_loop3A_541 = arith.addi %parallel_loop3A_540, %parallel_loop3A_427 : i32
        %parallel_loop3A_542 = arith.constant 0 : i32
        %parallel_loop3A_543 = arith.index_cast %parallel_loop3A_542 : i32 to index
        %parallel_loop3A_544 = arith.index_cast %parallel_loop3A_541 : i32 to index
        %parallel_loop3A_545 = arith.constant 0 : index
        %parallel_loop3A_546 = tpu.vector_load %arg10[%parallel_loop3A_543, %parallel_loop3A_544, %parallel_loop3A_545] {strides = array<i32>} : memref<2x640x64xf32, #tpu.memory_space<vmem>>, vector<1x1x16xf32>,
        %parallel_loop3A_547 = vector.shape_cast %parallel_loop3A_546 : vector<1x1x16xf32> to vector<16xf32>
        %parallel_loop3A_548 = arith.constant 480 : i32
        %parallel_loop3A_549 = arith.addi %parallel_loop3A_548, %parallel_loop3A_427 : i32
        %parallel_loop3A_550 = arith.constant 0 : i32
        %parallel_loop3A_551 = arith.index_cast %parallel_loop3A_550 : i32 to index
        %parallel_loop3A_552 = arith.index_cast %parallel_loop3A_549 : i32 to index
        %parallel_loop3A_553 = arith.constant 0 : index
        %parallel_loop3A_554 = tpu.vector_load %arg10[%parallel_loop3A_551, %parallel_loop3A_552, %parallel_loop3A_553] {strides = array<i32>} : memref<2x640x64xf32, #tpu.memory_space<vmem>>, vector<1x1x16xf32>,
        %parallel_loop3A_555 = vector.shape_cast %parallel_loop3A_554 : vector<1x1x16xf32> to vector<16xf32>
        %parallel_loop3A_556 = arith.constant 512 : i32
        %parallel_loop3A_557 = arith.addi %parallel_loop3A_556, %parallel_loop3A_427 : i32
        %parallel_loop3A_558 = arith.constant 0 : i32
        %parallel_loop3A_559 = arith.index_cast %parallel_loop3A_558 : i32 to index
        %parallel_loop3A_560 = arith.index_cast %parallel_loop3A_557 : i32 to index
        %parallel_loop3A_561 = arith.constant 0 : index
        %parallel_loop3A_562 = tpu.vector_load %arg10[%parallel_loop3A_559, %parallel_loop3A_560, %parallel_loop3A_561] {strides = array<i32>} : memref<2x640x64xf32, #tpu.memory_space<vmem>>, vector<1x1x16xf32>,
        %parallel_loop3A_563 = vector.shape_cast %parallel_loop3A_562 : vector<1x1x16xf32> to vector<16xf32>
        %parallel_loop3A_564 = arith.constant 544 : i32
        %parallel_loop3A_565 = arith.addi %parallel_loop3A_564, %parallel_loop3A_427 : i32
        %parallel_loop3A_566 = arith.constant 0 : i32
        %parallel_loop3A_567 = arith.index_cast %parallel_loop3A_566 : i32 to index
        %parallel_loop3A_568 = arith.index_cast %parallel_loop3A_565 : i32 to index
        %parallel_loop3A_569 = arith.constant 0 : index
        %parallel_loop3A_570 = tpu.vector_load %arg10[%parallel_loop3A_567, %parallel_loop3A_568, %parallel_loop3A_569] {strides = array<i32>} : memref<2x640x64xf32, #tpu.memory_space<vmem>>, vector<1x1x16xf32>,
        %parallel_loop3A_571 = vector.shape_cast %parallel_loop3A_570 : vector<1x1x16xf32> to vector<16xf32>
        %parallel_loop3A_572 = arith.constant 576 : i32
        %parallel_loop3A_573 = arith.addi %parallel_loop3A_572, %parallel_loop3A_427 : i32
        %parallel_loop3A_574 = arith.constant 0 : i32
        %parallel_loop3A_575 = arith.index_cast %parallel_loop3A_574 : i32 to index
        %parallel_loop3A_576 = arith.index_cast %parallel_loop3A_573 : i32 to index
        %parallel_loop3A_577 = arith.constant 0 : index
        %parallel_loop3A_578 = tpu.vector_load %arg10[%parallel_loop3A_575, %parallel_loop3A_576, %parallel_loop3A_577] {strides = array<i32>} : memref<2x640x64xf32, #tpu.memory_space<vmem>>, vector<1x1x16xf32>,
        %parallel_loop3A_579 = vector.shape_cast %parallel_loop3A_578 : vector<1x1x16xf32> to vector<16xf32>
        %parallel_loop3A_580 = arith.constant 608 : i32
        %parallel_loop3A_581 = arith.addi %parallel_loop3A_580, %parallel_loop3A_427 : i32
        %parallel_loop3A_582 = arith.constant 0 : i32
        %parallel_loop3A_583 = arith.index_cast %parallel_loop3A_582 : i32 to index
        %parallel_loop3A_584 = arith.index_cast %parallel_loop3A_581 : i32 to index
        %parallel_loop3A_585 = arith.constant 0 : index
        %parallel_loop3A_586 = tpu.vector_load %arg10[%parallel_loop3A_583, %parallel_loop3A_584, %parallel_loop3A_585] {strides = array<i32>} : memref<2x640x64xf32, #tpu.memory_space<vmem>>, vector<1x1x16xf32>,
        %parallel_loop3A_587 = vector.shape_cast %parallel_loop3A_586 : vector<1x1x16xf32> to vector<16xf32>
        %parallel_loop3A_588 = arith.addf %parallel_loop3A_435, %parallel_loop3A_443 : vector<16xf32>
        %parallel_loop3A_589 = arith.addf %parallel_loop3A_451, %parallel_loop3A_459 : vector<16xf32>
        %parallel_loop3A_590 = arith.addf %parallel_loop3A_467, %parallel_loop3A_475 : vector<16xf32>
        %parallel_loop3A_591 = arith.addf %parallel_loop3A_483, %parallel_loop3A_491 : vector<16xf32>
        %parallel_loop3A_592 = arith.addf %parallel_loop3A_499, %parallel_loop3A_507 : vector<16xf32>
        %parallel_loop3A_593 = arith.addf %parallel_loop3A_515, %parallel_loop3A_523 : vector<16xf32>
        %parallel_loop3A_594 = arith.addf %parallel_loop3A_531, %parallel_loop3A_539 : vector<16xf32>
        %parallel_loop3A_595 = arith.addf %parallel_loop3A_547, %parallel_loop3A_555 : vector<16xf32>
        %parallel_loop3A_596 = arith.addf %parallel_loop3A_563, %parallel_loop3A_571 : vector<16xf32>
        %parallel_loop3A_597 = arith.addf %parallel_loop3A_579, %parallel_loop3A_587 : vector<16xf32>
        %parallel_loop3A_598 = arith.addf %parallel_loop3A_588, %parallel_loop3A_589 : vector<16xf32>
        %parallel_loop3A_599 = arith.addf %parallel_loop3A_590, %parallel_loop3A_591 : vector<16xf32>
        %parallel_loop3A_600 = arith.addf %parallel_loop3A_592, %parallel_loop3A_593 : vector<16xf32>
        %parallel_loop3A_601 = arith.addf %parallel_loop3A_594, %parallel_loop3A_595 : vector<16xf32>
        %parallel_loop3A_602 = arith.addf %parallel_loop3A_596, %parallel_loop3A_597 : vector<16xf32>
        %parallel_loop3A_603 = arith.addf %parallel_loop3A_598, %parallel_loop3A_599 : vector<16xf32>
        %parallel_loop3A_604 = arith.addf %parallel_loop3A_600, %parallel_loop3A_601 : vector<16xf32>
        %parallel_loop3A_605 = arith.addf %parallel_loop3A_603, %parallel_loop3A_604 : vector<16xf32>
        %parallel_loop3A_606 = arith.addf %parallel_loop3A_605, %parallel_loop3A_602 : vector<16xf32>
        %parallel_loop3A_607 = arith.constant 0 : i32
        %parallel_loop3A_608 = arith.index_cast %parallel_loop3A_607 : i32 to index
        %parallel_loop3A_609 = arith.index_cast %parallel_loop3A_427 : i32 to index
        %parallel_loop3A_610 = arith.constant 0 : index
        %parallel_loop3A_611 = tpu.vector_load %arg11[%parallel_loop3A_608, %parallel_loop3A_609, %parallel_loop3A_610] {strides = array<i32>} : memref<2x32x64xf32, #tpu.memory_space<vmem>>, vector<1x1x16xf32>,
        %parallel_loop3A_612 = vector.shape_cast %parallel_loop3A_611 : vector<1x1x16xf32> to vector<16xf32>
        %parallel_loop3A_613 = arith.mulf %parallel_loop3A_612, %get3A_4 : vector<16xf32>
        %parallel_loop3A_614 = arith.constant 0 : i32
        %parallel_loop3A_615 = arith.index_cast %parallel_loop3A_614 : i32 to index
        %parallel_loop3A_616 = arith.index_cast %parallel_loop3A_427 : i32 to index
        %parallel_loop3A_617 = arith.constant 0 : index
        %parallel_loop3A_618 = tpu.vector_load %arg12[%parallel_loop3A_615, %parallel_loop3A_616, %parallel_loop3A_617] {strides = array<i32>} : memref<2x32x128xf32, #tpu.memory_space<vmem>>, vector<1x1x16xf32>,
        %parallel_loop3A_619 = vector.shape_cast %parallel_loop3A_618 : vector<1x1x16xf32> to vector<16xf32>
        %parallel_loop3A_620 = vector.shape_cast %parallel_loop3A_613 : vector<16xf32> to vector<1x1x16xf32>
        tpu.vector_store %arg12[%parallel_loop3A_615, %parallel_loop3A_616, %parallel_loop3A_617], %parallel_loop3A_620 {strides = array<i32>} : memref<2x32x128xf32, #tpu.memory_space<vmem>>, vector<1x1x16xf32>,
        %parallel_loop3A_621 = arith.mulf %parallel_loop3A_606, %get3A_9 : vector<16xf32>
        %parallel_loop3A_622 = arith.constant 0 : i32
        %parallel_loop3A_623 = arith.index_cast %parallel_loop3A_622 : i32 to index
        %parallel_loop3A_624 = arith.index_cast %parallel_loop3A_427 : i32 to index
        %parallel_loop3A_625 = arith.constant 64 : index
        %parallel_loop3A_626 = tpu.vector_load %arg12[%parallel_loop3A_623, %parallel_loop3A_624, %parallel_loop3A_625] {strides = array<i32>} : memref<2x32x128xf32, #tpu.memory_space<vmem>>, vector<1x1x16xf32>,
        %parallel_loop3A_627 = vector.shape_cast %parallel_loop3A_626 : vector<1x1x16xf32> to vector<16xf32>
        %parallel_loop3A_628 = vector.shape_cast %parallel_loop3A_621 : vector<16xf32> to vector<1x1x16xf32>
        tpu.vector_store %arg12[%parallel_loop3A_623, %parallel_loop3A_624, %parallel_loop3A_625], %parallel_loop3A_628 {strides = array<i32>} : memref<2x32x128xf32, #tpu.memory_space<vmem>>, vector<1x1x16xf32>,
        %parallel_loop3A_629 = arith.constant 0 : i32
        %parallel_loop3A_630 = arith.addi %parallel_loop3A_629, %parallel_loop3A_427 : i32
        %parallel_loop3A_631 = arith.constant 0 : i32
        %parallel_loop3A_632 = arith.index_cast %parallel_loop3A_631 : i32 to index
        %parallel_loop3A_633 = arith.index_cast %parallel_loop3A_630 : i32 to index
        %parallel_loop3A_634 = arith.constant 16 : index
        %parallel_loop3A_635 = tpu.vector_load %arg10[%parallel_loop3A_632, %parallel_loop3A_633, %parallel_loop3A_634] {strides = array<i32>} : memref<2x640x64xf32, #tpu.memory_space<vmem>>, vector<1x1x16xf32>,
        %parallel_loop3A_636 = vector.shape_cast %parallel_loop3A_635 : vector<1x1x16xf32> to vector<16xf32>
        %parallel_loop3A_637 = arith.constant 32 : i32
        %parallel_loop3A_638 = arith.addi %parallel_loop3A_637, %parallel_loop3A_427 : i32
        %parallel_loop3A_639 = arith.constant 0 : i32
        %parallel_loop3A_640 = arith.index_cast %parallel_loop3A_639 : i32 to index
        %parallel_loop3A_641 = arith.index_cast %parallel_loop3A_638 : i32 to index
        %parallel_loop3A_642 = arith.constant 16 : index
        %parallel_loop3A_643 = tpu.vector_load %arg10[%parallel_loop3A_640, %parallel_loop3A_641, %parallel_loop3A_642] {strides = array<i32>} : memref<2x640x64xf32, #tpu.memory_space<vmem>>, vector<1x1x16xf32>,
        %parallel_loop3A_644 = vector.shape_cast %parallel_loop3A_643 : vector<1x1x16xf32> to vector<16xf32>
        %parallel_loop3A_645 = arith.constant 64 : i32
        %parallel_loop3A_646 = arith.addi %parallel_loop3A_645, %parallel_loop3A_427 : i32
        %parallel_loop3A_647 = arith.constant 0 : i32
        %parallel_loop3A_648 = arith.index_cast %parallel_loop3A_647 : i32 to index
        %parallel_loop3A_649 = arith.index_cast %parallel_loop3A_646 : i32 to index
        %parallel_loop3A_650 = arith.constant 16 : index
        %parallel_loop3A_651 = tpu.vector_load %arg10[%parallel_loop3A_648, %parallel_loop3A_649, %parallel_loop3A_650] {strides = array<i32>} : memref<2x640x64xf32, #tpu.memory_space<vmem>>, vector<1x1x16xf32>,
        %parallel_loop3A_652 = vector.shape_cast %parallel_loop3A_651 : vector<1x1x16xf32> to vector<16xf32>
        %parallel_loop3A_653 = arith.constant 96 : i32
        %parallel_loop3A_654 = arith.addi %parallel_loop3A_653, %parallel_loop3A_427 : i32
        %parallel_loop3A_655 = arith.constant 0 : i32
        %parallel_loop3A_656 = arith.index_cast %parallel_loop3A_655 : i32 to index
        %parallel_loop3A_657 = arith.index_cast %parallel_loop3A_654 : i32 to index
        %parallel_loop3A_658 = arith.constant 16 : index
        %parallel_loop3A_659 = tpu.vector_load %arg10[%parallel_loop3A_656, %parallel_loop3A_657, %parallel_loop3A_658] {strides = array<i32>} : memref<2x640x64xf32, #tpu.memory_space<vmem>>, vector<1x1x16xf32>,
        %parallel_loop3A_660 = vector.shape_cast %parallel_loop3A_659 : vector<1x1x16xf32> to vector<16xf32>
        %parallel_loop3A_661 = arith.constant 128 : i32
        %parallel_loop3A_662 = arith.addi %parallel_loop3A_661, %parallel_loop3A_427 : i32
        %parallel_loop3A_663 = arith.constant 0 : i32
        %parallel_loop3A_664 = arith.index_cast %parallel_loop3A_663 : i32 to index
        %parallel_loop3A_665 = arith.index_cast %parallel_loop3A_662 : i32 to index
        %parallel_loop3A_666 = arith.constant 16 : index
        %parallel_loop3A_667 = tpu.vector_load %arg10[%parallel_loop3A_664, %parallel_loop3A_665, %parallel_loop3A_666] {strides = array<i32>} : memref<2x640x64xf32, #tpu.memory_space<vmem>>, vector<1x1x16xf32>,
        %parallel_loop3A_668 = vector.shape_cast %parallel_loop3A_667 : vector<1x1x16xf32> to vector<16xf32>
        %parallel_loop3A_669 = arith.constant 160 : i32
        %parallel_loop3A_670 = arith.addi %parallel_loop3A_669, %parallel_loop3A_427 : i32
        %parallel_loop3A_671 = arith.constant 0 : i32
        %parallel_loop3A_672 = arith.index_cast %parallel_loop3A_671 : i32 to index
        %parallel_loop3A_673 = arith.index_cast %parallel_loop3A_670 : i32 to index
        %parallel_loop3A_674 = arith.constant 16 : index
        %parallel_loop3A_675 = tpu.vector_load %arg10[%parallel_loop3A_672, %parallel_loop3A_673, %parallel_loop3A_674] {strides = array<i32>} : memref<2x640x64xf32, #tpu.memory_space<vmem>>, vector<1x1x16xf32>,
        %parallel_loop3A_676 = vector.shape_cast %parallel_loop3A_675 : vector<1x1x16xf32> to vector<16xf32>
        %parallel_loop3A_677 = arith.constant 192 : i32
        %parallel_loop3A_678 = arith.addi %parallel_loop3A_677, %parallel_loop3A_427 : i32
        %parallel_loop3A_679 = arith.constant 0 : i32
        %parallel_loop3A_680 = arith.index_cast %parallel_loop3A_679 : i32 to index
        %parallel_loop3A_681 = arith.index_cast %parallel_loop3A_678 : i32 to index
        %parallel_loop3A_682 = arith.constant 16 : index
        %parallel_loop3A_683 = tpu.vector_load %arg10[%parallel_loop3A_680, %parallel_loop3A_681, %parallel_loop3A_682] {strides = array<i32>} : memref<2x640x64xf32, #tpu.memory_space<vmem>>, vector<1x1x16xf32>,
        %parallel_loop3A_684 = vector.shape_cast %parallel_loop3A_683 : vector<1x1x16xf32> to vector<16xf32>
        %parallel_loop3A_685 = arith.constant 224 : i32
        %parallel_loop3A_686 = arith.addi %parallel_loop3A_685, %parallel_loop3A_427 : i32
        %parallel_loop3A_687 = arith.constant 0 : i32
        %parallel_loop3A_688 = arith.index_cast %parallel_loop3A_687 : i32 to index
        %parallel_loop3A_689 = arith.index_cast %parallel_loop3A_686 : i32 to index
        %parallel_loop3A_690 = arith.constant 16 : index
        %parallel_loop3A_691 = tpu.vector_load %arg10[%parallel_loop3A_688, %parallel_loop3A_689, %parallel_loop3A_690] {strides = array<i32>} : memref<2x640x64xf32, #tpu.memory_space<vmem>>, vector<1x1x16xf32>,
        %parallel_loop3A_692 = vector.shape_cast %parallel_loop3A_691 : vector<1x1x16xf32> to vector<16xf32>
        %parallel_loop3A_693 = arith.constant 256 : i32
        %parallel_loop3A_694 = arith.addi %parallel_loop3A_693, %parallel_loop3A_427 : i32
        %parallel_loop3A_695 = arith.constant 0 : i32
        %parallel_loop3A_696 = arith.index_cast %parallel_loop3A_695 : i32 to index
        %parallel_loop3A_697 = arith.index_cast %parallel_loop3A_694 : i32 to index
        %parallel_loop3A_698 = arith.constant 16 : index
        %parallel_loop3A_699 = tpu.vector_load %arg10[%parallel_loop3A_696, %parallel_loop3A_697, %parallel_loop3A_698] {strides = array<i32>} : memref<2x640x64xf32, #tpu.memory_space<vmem>>, vector<1x1x16xf32>,
        %parallel_loop3A_700 = vector.shape_cast %parallel_loop3A_699 : vector<1x1x16xf32> to vector<16xf32>
        %parallel_loop3A_701 = arith.constant 288 : i32
        %parallel_loop3A_702 = arith.addi %parallel_loop3A_701, %parallel_loop3A_427 : i32
        %parallel_loop3A_703 = arith.constant 0 : i32
        %parallel_loop3A_704 = arith.index_cast %parallel_loop3A_703 : i32 to index
        %parallel_loop3A_705 = arith.index_cast %parallel_loop3A_702 : i32 to index
        %parallel_loop3A_706 = arith.constant 16 : index
        %parallel_loop3A_707 = tpu.vector_load %arg10[%parallel_loop3A_704, %parallel_loop3A_705, %parallel_loop3A_706] {strides = array<i32>} : memref<2x640x64xf32, #tpu.memory_space<vmem>>, vector<1x1x16xf32>,
        %parallel_loop3A_708 = vector.shape_cast %parallel_loop3A_707 : vector<1x1x16xf32> to vector<16xf32>
        %parallel_loop3A_709 = arith.constant 320 : i32
        %parallel_loop3A_710 = arith.addi %parallel_loop3A_709, %parallel_loop3A_427 : i32
        %parallel_loop3A_711 = arith.constant 0 : i32
        %parallel_loop3A_712 = arith.index_cast %parallel_loop3A_711 : i32 to index
        %parallel_loop3A_713 = arith.index_cast %parallel_loop3A_710 : i32 to index
        %parallel_loop3A_714 = arith.constant 16 : index
        %parallel_loop3A_715 = tpu.vector_load %arg10[%parallel_loop3A_712, %parallel_loop3A_713, %parallel_loop3A_714] {strides = array<i32>} : memref<2x640x64xf32, #tpu.memory_space<vmem>>, vector<1x1x16xf32>,
        %parallel_loop3A_716 = vector.shape_cast %parallel_loop3A_715 : vector<1x1x16xf32> to vector<16xf32>
        %parallel_loop3A_717 = arith.constant 352 : i32
        %parallel_loop3A_718 = arith.addi %parallel_loop3A_717, %parallel_loop3A_427 : i32
        %parallel_loop3A_719 = arith.constant 0 : i32
        %parallel_loop3A_720 = arith.index_cast %parallel_loop3A_719 : i32 to index
        %parallel_loop3A_721 = arith.index_cast %parallel_loop3A_718 : i32 to index
        %parallel_loop3A_722 = arith.constant 16 : index
        %parallel_loop3A_723 = tpu.vector_load %arg10[%parallel_loop3A_720, %parallel_loop3A_721, %parallel_loop3A_722] {strides = array<i32>} : memref<2x640x64xf32, #tpu.memory_space<vmem>>, vector<1x1x16xf32>,
        %parallel_loop3A_724 = vector.shape_cast %parallel_loop3A_723 : vector<1x1x16xf32> to vector<16xf32>
        %parallel_loop3A_725 = arith.constant 384 : i32
        %parallel_loop3A_726 = arith.addi %parallel_loop3A_725, %parallel_loop3A_427 : i32
        %parallel_loop3A_727 = arith.constant 0 : i32
        %parallel_loop3A_728 = arith.index_cast %parallel_loop3A_727 : i32 to index
        %parallel_loop3A_729 = arith.index_cast %parallel_loop3A_726 : i32 to index
        %parallel_loop3A_730 = arith.constant 16 : index
        %parallel_loop3A_731 = tpu.vector_load %arg10[%parallel_loop3A_728, %parallel_loop3A_729, %parallel_loop3A_730] {strides = array<i32>} : memref<2x640x64xf32, #tpu.memory_space<vmem>>, vector<1x1x16xf32>,
        %parallel_loop3A_732 = vector.shape_cast %parallel_loop3A_731 : vector<1x1x16xf32> to vector<16xf32>
        %parallel_loop3A_733 = arith.constant 416 : i32
        %parallel_loop3A_734 = arith.addi %parallel_loop3A_733, %parallel_loop3A_427 : i32
        %parallel_loop3A_735 = arith.constant 0 : i32
        %parallel_loop3A_736 = arith.index_cast %parallel_loop3A_735 : i32 to index
        %parallel_loop3A_737 = arith.index_cast %parallel_loop3A_734 : i32 to index
        %parallel_loop3A_738 = arith.constant 16 : index
        %parallel_loop3A_739 = tpu.vector_load %arg10[%parallel_loop3A_736, %parallel_loop3A_737, %parallel_loop3A_738] {strides = array<i32>} : memref<2x640x64xf32, #tpu.memory_space<vmem>>, vector<1x1x16xf32>,
        %parallel_loop3A_740 = vector.shape_cast %parallel_loop3A_739 : vector<1x1x16xf32> to vector<16xf32>
        %parallel_loop3A_741 = arith.constant 448 : i32
        %parallel_loop3A_742 = arith.addi %parallel_loop3A_741, %parallel_loop3A_427 : i32
        %parallel_loop3A_743 = arith.constant 0 : i32
        %parallel_loop3A_744 = arith.index_cast %parallel_loop3A_743 : i32 to index
        %parallel_loop3A_745 = arith.index_cast %parallel_loop3A_742 : i32 to index
        %parallel_loop3A_746 = arith.constant 16 : index
        %parallel_loop3A_747 = tpu.vector_load %arg10[%parallel_loop3A_744, %parallel_loop3A_745, %parallel_loop3A_746] {strides = array<i32>} : memref<2x640x64xf32, #tpu.memory_space<vmem>>, vector<1x1x16xf32>,
        %parallel_loop3A_748 = vector.shape_cast %parallel_loop3A_747 : vector<1x1x16xf32> to vector<16xf32>
        %parallel_loop3A_749 = arith.constant 480 : i32
        %parallel_loop3A_750 = arith.addi %parallel_loop3A_749, %parallel_loop3A_427 : i32
        %parallel_loop3A_751 = arith.constant 0 : i32
        %parallel_loop3A_752 = arith.index_cast %parallel_loop3A_751 : i32 to index
        %parallel_loop3A_753 = arith.index_cast %parallel_loop3A_750 : i32 to index
        %parallel_loop3A_754 = arith.constant 16 : index
        %parallel_loop3A_755 = tpu.vector_load %arg10[%parallel_loop3A_752, %parallel_loop3A_753, %parallel_loop3A_754] {strides = array<i32>} : memref<2x640x64xf32, #tpu.memory_space<vmem>>, vector<1x1x16xf32>,
        %parallel_loop3A_756 = vector.shape_cast %parallel_loop3A_755 : vector<1x1x16xf32> to vector<16xf32>
        %parallel_loop3A_757 = arith.constant 512 : i32
        %parallel_loop3A_758 = arith.addi %parallel_loop3A_757, %parallel_loop3A_427 : i32
        %parallel_loop3A_759 = arith.constant 0 : i32
        %parallel_loop3A_760 = arith.index_cast %parallel_loop3A_759 : i32 to index
        %parallel_loop3A_761 = arith.index_cast %parallel_loop3A_758 : i32 to index
        %parallel_loop3A_762 = arith.constant 16 : index
        %parallel_loop3A_763 = tpu.vector_load %arg10[%parallel_loop3A_760, %parallel_loop3A_761, %parallel_loop3A_762] {strides = array<i32>} : memref<2x640x64xf32, #tpu.memory_space<vmem>>, vector<1x1x16xf32>,
        %parallel_loop3A_764 = vector.shape_cast %parallel_loop3A_763 : vector<1x1x16xf32> to vector<16xf32>
        %parallel_loop3A_765 = arith.constant 544 : i32
        %parallel_loop3A_766 = arith.addi %parallel_loop3A_765, %parallel_loop3A_427 : i32
        %parallel_loop3A_767 = arith.constant 0 : i32
        %parallel_loop3A_768 = arith.index_cast %parallel_loop3A_767 : i32 to index
        %parallel_loop3A_769 = arith.index_cast %parallel_loop3A_766 : i32 to index
        %parallel_loop3A_770 = arith.constant 16 : index
        %parallel_loop3A_771 = tpu.vector_load %arg10[%parallel_loop3A_768, %parallel_loop3A_769, %parallel_loop3A_770] {strides = array<i32>} : memref<2x640x64xf32, #tpu.memory_space<vmem>>, vector<1x1x16xf32>,
        %parallel_loop3A_772 = vector.shape_cast %parallel_loop3A_771 : vector<1x1x16xf32> to vector<16xf32>
        %parallel_loop3A_773 = arith.constant 576 : i32
        %parallel_loop3A_774 = arith.addi %parallel_loop3A_773, %parallel_loop3A_427 : i32
        %parallel_loop3A_775 = arith.constant 0 : i32
        %parallel_loop3A_776 = arith.index_cast %parallel_loop3A_775 : i32 to index
        %parallel_loop3A_777 = arith.index_cast %parallel_loop3A_774 : i32 to index
        %parallel_loop3A_778 = arith.constant 16 : index
        %parallel_loop3A_779 = tpu.vector_load %arg10[%parallel_loop3A_776, %parallel_loop3A_777, %parallel_loop3A_778] {strides = array<i32>} : memref<2x640x64xf32, #tpu.memory_space<vmem>>, vector<1x1x16xf32>,
        %parallel_loop3A_780 = vector.shape_cast %parallel_loop3A_779 : vector<1x1x16xf32> to vector<16xf32>
        %parallel_loop3A_781 = arith.constant 608 : i32
        %parallel_loop3A_782 = arith.addi %parallel_loop3A_781, %parallel_loop3A_427 : i32
        %parallel_loop3A_783 = arith.constant 0 : i32
        %parallel_loop3A_784 = arith.index_cast %parallel_loop3A_783 : i32 to index
        %parallel_loop3A_785 = arith.index_cast %parallel_loop3A_782 : i32 to index
        %parallel_loop3A_786 = arith.constant 16 : index
        %parallel_loop3A_787 = tpu.vector_load %arg10[%parallel_loop3A_784, %parallel_loop3A_785, %parallel_loop3A_786] {strides = array<i32>} : memref<2x640x64xf32, #tpu.memory_space<vmem>>, vector<1x1x16xf32>,
        %parallel_loop3A_788 = vector.shape_cast %parallel_loop3A_787 : vector<1x1x16xf32> to vector<16xf32>
        %parallel_loop3A_789 = arith.addf %parallel_loop3A_636, %parallel_loop3A_644 : vector<16xf32>
        %parallel_loop3A_790 = arith.addf %parallel_loop3A_652, %parallel_loop3A_660 : vector<16xf32>
        %parallel_loop3A_791 = arith.addf %parallel_loop3A_668, %parallel_loop3A_676 : vector<16xf32>
        %parallel_loop3A_792 = arith.addf %parallel_loop3A_684, %parallel_loop3A_692 : vector<16xf32>
        %parallel_loop3A_793 = arith.addf %parallel_loop3A_700, %parallel_loop3A_708 : vector<16xf32>
        %parallel_loop3A_794 = arith.addf %parallel_loop3A_716, %parallel_loop3A_724 : vector<16xf32>
        %parallel_loop3A_795 = arith.addf %parallel_loop3A_732, %parallel_loop3A_740 : vector<16xf32>
        %parallel_loop3A_796 = arith.addf %parallel_loop3A_748, %parallel_loop3A_756 : vector<16xf32>
        %parallel_loop3A_797 = arith.addf %parallel_loop3A_764, %parallel_loop3A_772 : vector<16xf32>
        %parallel_loop3A_798 = arith.addf %parallel_loop3A_780, %parallel_loop3A_788 : vector<16xf32>
        %parallel_loop3A_799 = arith.addf %parallel_loop3A_789, %parallel_loop3A_790 : vector<16xf32>
        %parallel_loop3A_800 = arith.addf %parallel_loop3A_791, %parallel_loop3A_792 : vector<16xf32>
        %parallel_loop3A_801 = arith.addf %parallel_loop3A_793, %parallel_loop3A_794 : vector<16xf32>
        %parallel_loop3A_802 = arith.addf %parallel_loop3A_795, %parallel_loop3A_796 : vector<16xf32>
        %parallel_loop3A_803 = arith.addf %parallel_loop3A_797, %parallel_loop3A_798 : vector<16xf32>
        %parallel_loop3A_804 = arith.addf %parallel_loop3A_799, %parallel_loop3A_800 : vector<16xf32>
        %parallel_loop3A_805 = arith.addf %parallel_loop3A_801, %parallel_loop3A_802 : vector<16xf32>
        %parallel_loop3A_806 = arith.addf %parallel_loop3A_804, %parallel_loop3A_805 : vector<16xf32>
        %parallel_loop3A_807 = arith.addf %parallel_loop3A_806, %parallel_loop3A_803 : vector<16xf32>
        %parallel_loop3A_808 = arith.constant 0 : i32
        %parallel_loop3A_809 = arith.index_cast %parallel_loop3A_808 : i32 to index
        %parallel_loop3A_810 = arith.index_cast %parallel_loop3A_427 : i32 to index
        %parallel_loop3A_811 = arith.constant 16 : index
        %parallel_loop3A_812 = tpu.vector_load %arg11[%parallel_loop3A_809, %parallel_loop3A_810, %parallel_loop3A_811] {strides = array<i32>} : memref<2x32x64xf32, #tpu.memory_space<vmem>>, vector<1x1x16xf32>,
        %parallel_loop3A_813 = vector.shape_cast %parallel_loop3A_812 : vector<1x1x16xf32> to vector<16xf32>
        %parallel_loop3A_814 = arith.mulf %parallel_loop3A_813, %get3A_4 : vector<16xf32>
        %parallel_loop3A_815 = arith.constant 0 : i32
        %parallel_loop3A_816 = arith.index_cast %parallel_loop3A_815 : i32 to index
        %parallel_loop3A_817 = arith.index_cast %parallel_loop3A_427 : i32 to index
        %parallel_loop3A_818 = arith.constant 16 : index
        %parallel_loop3A_819 = tpu.vector_load %arg12[%parallel_loop3A_816, %parallel_loop3A_817, %parallel_loop3A_818] {strides = array<i32>} : memref<2x32x128xf32, #tpu.memory_space<vmem>>, vector<1x1x16xf32>,
        %parallel_loop3A_820 = vector.shape_cast %parallel_loop3A_819 : vector<1x1x16xf32> to vector<16xf32>
        %parallel_loop3A_821 = vector.shape_cast %parallel_loop3A_814 : vector<16xf32> to vector<1x1x16xf32>
        tpu.vector_store %arg12[%parallel_loop3A_816, %parallel_loop3A_817, %parallel_loop3A_818], %parallel_loop3A_821 {strides = array<i32>} : memref<2x32x128xf32, #tpu.memory_space<vmem>>, vector<1x1x16xf32>,
        %parallel_loop3A_822 = arith.mulf %parallel_loop3A_807, %get3A_9 : vector<16xf32>
        %parallel_loop3A_823 = arith.constant 0 : i32
        %parallel_loop3A_824 = arith.index_cast %parallel_loop3A_823 : i32 to index
        %parallel_loop3A_825 = arith.index_cast %parallel_loop3A_427 : i32 to index
        %parallel_loop3A_826 = arith.constant 80 : index
        %parallel_loop3A_827 = tpu.vector_load %arg12[%parallel_loop3A_824, %parallel_loop3A_825, %parallel_loop3A_826] {strides = array<i32>} : memref<2x32x128xf32, #tpu.memory_space<vmem>>, vector<1x1x16xf32>,
        %parallel_loop3A_828 = vector.shape_cast %parallel_loop3A_827 : vector<1x1x16xf32> to vector<16xf32>
        %parallel_loop3A_829 = vector.shape_cast %parallel_loop3A_822 : vector<16xf32> to vector<1x1x16xf32>
        tpu.vector_store %arg12[%parallel_loop3A_824, %parallel_loop3A_825, %parallel_loop3A_826], %parallel_loop3A_829 {strides = array<i32>} : memref<2x32x128xf32, #tpu.memory_space<vmem>>, vector<1x1x16xf32>,
        %parallel_loop3A_830 = arith.constant 0 : i32
        %parallel_loop3A_831 = arith.addi %parallel_loop3A_830, %parallel_loop3A_427 : i32
        %parallel_loop3A_832 = arith.constant 0 : i32
        %parallel_loop3A_833 = arith.index_cast %parallel_loop3A_832 : i32 to index
        %parallel_loop3A_834 = arith.index_cast %parallel_loop3A_831 : i32 to index
        %parallel_loop3A_835 = arith.constant 32 : index
        %parallel_loop3A_836 = tpu.vector_load %arg10[%parallel_loop3A_833, %parallel_loop3A_834, %parallel_loop3A_835] {strides = array<i32>} : memref<2x640x64xf32, #tpu.memory_space<vmem>>, vector<1x1x16xf32>,
        %parallel_loop3A_837 = vector.shape_cast %parallel_loop3A_836 : vector<1x1x16xf32> to vector<16xf32>
        %parallel_loop3A_838 = arith.constant 32 : i32
        %parallel_loop3A_839 = arith.addi %parallel_loop3A_838, %parallel_loop3A_427 : i32
        %parallel_loop3A_840 = arith.constant 0 : i32
        %parallel_loop3A_841 = arith.index_cast %parallel_loop3A_840 : i32 to index
        %parallel_loop3A_842 = arith.index_cast %parallel_loop3A_839 : i32 to index
        %parallel_loop3A_843 = arith.constant 32 : index
        %parallel_loop3A_844 = tpu.vector_load %arg10[%parallel_loop3A_841, %parallel_loop3A_842, %parallel_loop3A_843] {strides = array<i32>} : memref<2x640x64xf32, #tpu.memory_space<vmem>>, vector<1x1x16xf32>,
        %parallel_loop3A_845 = vector.shape_cast %parallel_loop3A_844 : vector<1x1x16xf32> to vector<16xf32>
        %parallel_loop3A_846 = arith.constant 64 : i32
        %parallel_loop3A_847 = arith.addi %parallel_loop3A_846, %parallel_loop3A_427 : i32
        %parallel_loop3A_848 = arith.constant 0 : i32
        %parallel_loop3A_849 = arith.index_cast %parallel_loop3A_848 : i32 to index
        %parallel_loop3A_850 = arith.index_cast %parallel_loop3A_847 : i32 to index
        %parallel_loop3A_851 = arith.constant 32 : index
        %parallel_loop3A_852 = tpu.vector_load %arg10[%parallel_loop3A_849, %parallel_loop3A_850, %parallel_loop3A_851] {strides = array<i32>} : memref<2x640x64xf32, #tpu.memory_space<vmem>>, vector<1x1x16xf32>,
        %parallel_loop3A_853 = vector.shape_cast %parallel_loop3A_852 : vector<1x1x16xf32> to vector<16xf32>
        %parallel_loop3A_854 = arith.constant 96 : i32
        %parallel_loop3A_855 = arith.addi %parallel_loop3A_854, %parallel_loop3A_427 : i32
        %parallel_loop3A_856 = arith.constant 0 : i32
        %parallel_loop3A_857 = arith.index_cast %parallel_loop3A_856 : i32 to index
        %parallel_loop3A_858 = arith.index_cast %parallel_loop3A_855 : i32 to index
        %parallel_loop3A_859 = arith.constant 32 : index
        %parallel_loop3A_860 = tpu.vector_load %arg10[%parallel_loop3A_857, %parallel_loop3A_858, %parallel_loop3A_859] {strides = array<i32>} : memref<2x640x64xf32, #tpu.memory_space<vmem>>, vector<1x1x16xf32>,
        %parallel_loop3A_861 = vector.shape_cast %parallel_loop3A_860 : vector<1x1x16xf32> to vector<16xf32>
        %parallel_loop3A_862 = arith.constant 128 : i32
        %parallel_loop3A_863 = arith.addi %parallel_loop3A_862, %parallel_loop3A_427 : i32
        %parallel_loop3A_864 = arith.constant 0 : i32
        %parallel_loop3A_865 = arith.index_cast %parallel_loop3A_864 : i32 to index
        %parallel_loop3A_866 = arith.index_cast %parallel_loop3A_863 : i32 to index
        %parallel_loop3A_867 = arith.constant 32 : index
        %parallel_loop3A_868 = tpu.vector_load %arg10[%parallel_loop3A_865, %parallel_loop3A_866, %parallel_loop3A_867] {strides = array<i32>} : memref<2x640x64xf32, #tpu.memory_space<vmem>>, vector<1x1x16xf32>,
        %parallel_loop3A_869 = vector.shape_cast %parallel_loop3A_868 : vector<1x1x16xf32> to vector<16xf32>
        %parallel_loop3A_870 = arith.constant 160 : i32
        %parallel_loop3A_871 = arith.addi %parallel_loop3A_870, %parallel_loop3A_427 : i32
        %parallel_loop3A_872 = arith.constant 0 : i32
        %parallel_loop3A_873 = arith.index_cast %parallel_loop3A_872 : i32 to index
        %parallel_loop3A_874 = arith.index_cast %parallel_loop3A_871 : i32 to index
        %parallel_loop3A_875 = arith.constant 32 : index
        %parallel_loop3A_876 = tpu.vector_load %arg10[%parallel_loop3A_873, %parallel_loop3A_874, %parallel_loop3A_875] {strides = array<i32>} : memref<2x640x64xf32, #tpu.memory_space<vmem>>, vector<1x1x16xf32>,
        %parallel_loop3A_877 = vector.shape_cast %parallel_loop3A_876 : vector<1x1x16xf32> to vector<16xf32>
        %parallel_loop3A_878 = arith.constant 192 : i32
        %parallel_loop3A_879 = arith.addi %parallel_loop3A_878, %parallel_loop3A_427 : i32
        %parallel_loop3A_880 = arith.constant 0 : i32
        %parallel_loop3A_881 = arith.index_cast %parallel_loop3A_880 : i32 to index
        %parallel_loop3A_882 = arith.index_cast %parallel_loop3A_879 : i32 to index
        %parallel_loop3A_883 = arith.constant 32 : index
        %parallel_loop3A_884 = tpu.vector_load %arg10[%parallel_loop3A_881, %parallel_loop3A_882, %parallel_loop3A_883] {strides = array<i32>} : memref<2x640x64xf32, #tpu.memory_space<vmem>>, vector<1x1x16xf32>,
        %parallel_loop3A_885 = vector.shape_cast %parallel_loop3A_884 : vector<1x1x16xf32> to vector<16xf32>
        %parallel_loop3A_886 = arith.constant 224 : i32
        %parallel_loop3A_887 = arith.addi %parallel_loop3A_886, %parallel_loop3A_427 : i32
        %parallel_loop3A_888 = arith.constant 0 : i32
        %parallel_loop3A_889 = arith.index_cast %parallel_loop3A_888 : i32 to index
        %parallel_loop3A_890 = arith.index_cast %parallel_loop3A_887 : i32 to index
        %parallel_loop3A_891 = arith.constant 32 : index
        %parallel_loop3A_892 = tpu.vector_load %arg10[%parallel_loop3A_889, %parallel_loop3A_890, %parallel_loop3A_891] {strides = array<i32>} : memref<2x640x64xf32, #tpu.memory_space<vmem>>, vector<1x1x16xf32>,
        %parallel_loop3A_893 = vector.shape_cast %parallel_loop3A_892 : vector<1x1x16xf32> to vector<16xf32>
        %parallel_loop3A_894 = arith.constant 256 : i32
        %parallel_loop3A_895 = arith.addi %parallel_loop3A_894, %parallel_loop3A_427 : i32
        %parallel_loop3A_896 = arith.constant 0 : i32
        %parallel_loop3A_897 = arith.index_cast %parallel_loop3A_896 : i32 to index
        %parallel_loop3A_898 = arith.index_cast %parallel_loop3A_895 : i32 to index
        %parallel_loop3A_899 = arith.constant 32 : index
        %parallel_loop3A_900 = tpu.vector_load %arg10[%parallel_loop3A_897, %parallel_loop3A_898, %parallel_loop3A_899] {strides = array<i32>} : memref<2x640x64xf32, #tpu.memory_space<vmem>>, vector<1x1x16xf32>,
        %parallel_loop3A_901 = vector.shape_cast %parallel_loop3A_900 : vector<1x1x16xf32> to vector<16xf32>
        %parallel_loop3A_902 = arith.constant 288 : i32
        %parallel_loop3A_903 = arith.addi %parallel_loop3A_902, %parallel_loop3A_427 : i32
        %parallel_loop3A_904 = arith.constant 0 : i32
        %parallel_loop3A_905 = arith.index_cast %parallel_loop3A_904 : i32 to index
        %parallel_loop3A_906 = arith.index_cast %parallel_loop3A_903 : i32 to index
        %parallel_loop3A_907 = arith.constant 32 : index
        %parallel_loop3A_908 = tpu.vector_load %arg10[%parallel_loop3A_905, %parallel_loop3A_906, %parallel_loop3A_907] {strides = array<i32>} : memref<2x640x64xf32, #tpu.memory_space<vmem>>, vector<1x1x16xf32>,
        %parallel_loop3A_909 = vector.shape_cast %parallel_loop3A_908 : vector<1x1x16xf32> to vector<16xf32>
        %parallel_loop3A_910 = arith.constant 320 : i32
        %parallel_loop3A_911 = arith.addi %parallel_loop3A_910, %parallel_loop3A_427 : i32
        %parallel_loop3A_912 = arith.constant 0 : i32
        %parallel_loop3A_913 = arith.index_cast %parallel_loop3A_912 : i32 to index
        %parallel_loop3A_914 = arith.index_cast %parallel_loop3A_911 : i32 to index
        %parallel_loop3A_915 = arith.constant 32 : index
        %parallel_loop3A_916 = tpu.vector_load %arg10[%parallel_loop3A_913, %parallel_loop3A_914, %parallel_loop3A_915] {strides = array<i32>} : memref<2x640x64xf32, #tpu.memory_space<vmem>>, vector<1x1x16xf32>,
        %parallel_loop3A_917 = vector.shape_cast %parallel_loop3A_916 : vector<1x1x16xf32> to vector<16xf32>
        %parallel_loop3A_918 = arith.constant 352 : i32
        %parallel_loop3A_919 = arith.addi %parallel_loop3A_918, %parallel_loop3A_427 : i32
        %parallel_loop3A_920 = arith.constant 0 : i32
        %parallel_loop3A_921 = arith.index_cast %parallel_loop3A_920 : i32 to index
        %parallel_loop3A_922 = arith.index_cast %parallel_loop3A_919 : i32 to index
        %parallel_loop3A_923 = arith.constant 32 : index
        %parallel_loop3A_924 = tpu.vector_load %arg10[%parallel_loop3A_921, %parallel_loop3A_922, %parallel_loop3A_923] {strides = array<i32>} : memref<2x640x64xf32, #tpu.memory_space<vmem>>, vector<1x1x16xf32>,
        %parallel_loop3A_925 = vector.shape_cast %parallel_loop3A_924 : vector<1x1x16xf32> to vector<16xf32>
        %parallel_loop3A_926 = arith.constant 384 : i32
        %parallel_loop3A_927 = arith.addi %parallel_loop3A_926, %parallel_loop3A_427 : i32
        %parallel_loop3A_928 = arith.constant 0 : i32
        %parallel_loop3A_929 = arith.index_cast %parallel_loop3A_928 : i32 to index
        %parallel_loop3A_930 = arith.index_cast %parallel_loop3A_927 : i32 to index
        %parallel_loop3A_931 = arith.constant 32 : index
        %parallel_loop3A_932 = tpu.vector_load %arg10[%parallel_loop3A_929, %parallel_loop3A_930, %parallel_loop3A_931] {strides = array<i32>} : memref<2x640x64xf32, #tpu.memory_space<vmem>>, vector<1x1x16xf32>,
        %parallel_loop3A_933 = vector.shape_cast %parallel_loop3A_932 : vector<1x1x16xf32> to vector<16xf32>
        %parallel_loop3A_934 = arith.constant 416 : i32
        %parallel_loop3A_935 = arith.addi %parallel_loop3A_934, %parallel_loop3A_427 : i32
        %parallel_loop3A_936 = arith.constant 0 : i32
        %parallel_loop3A_937 = arith.index_cast %parallel_loop3A_936 : i32 to index
        %parallel_loop3A_938 = arith.index_cast %parallel_loop3A_935 : i32 to index
        %parallel_loop3A_939 = arith.constant 32 : index
        %parallel_loop3A_940 = tpu.vector_load %arg10[%parallel_loop3A_937, %parallel_loop3A_938, %parallel_loop3A_939] {strides = array<i32>} : memref<2x640x64xf32, #tpu.memory_space<vmem>>, vector<1x1x16xf32>,
        %parallel_loop3A_941 = vector.shape_cast %parallel_loop3A_940 : vector<1x1x16xf32> to vector<16xf32>
        %parallel_loop3A_942 = arith.constant 448 : i32
        %parallel_loop3A_943 = arith.addi %parallel_loop3A_942, %parallel_loop3A_427 : i32
        %parallel_loop3A_944 = arith.constant 0 : i32
        %parallel_loop3A_945 = arith.index_cast %parallel_loop3A_944 : i32 to index
        %parallel_loop3A_946 = arith.index_cast %parallel_loop3A_943 : i32 to index
        %parallel_loop3A_947 = arith.constant 32 : index
        %parallel_loop3A_948 = tpu.vector_load %arg10[%parallel_loop3A_945, %parallel_loop3A_946, %parallel_loop3A_947] {strides = array<i32>} : memref<2x640x64xf32, #tpu.memory_space<vmem>>, vector<1x1x16xf32>,
        %parallel_loop3A_949 = vector.shape_cast %parallel_loop3A_948 : vector<1x1x16xf32> to vector<16xf32>
        %parallel_loop3A_950 = arith.constant 480 : i32
        %parallel_loop3A_951 = arith.addi %parallel_loop3A_950, %parallel_loop3A_427 : i32
        %parallel_loop3A_952 = arith.constant 0 : i32
        %parallel_loop3A_953 = arith.index_cast %parallel_loop3A_952 : i32 to index
        %parallel_loop3A_954 = arith.index_cast %parallel_loop3A_951 : i32 to index
        %parallel_loop3A_955 = arith.constant 32 : index
        %parallel_loop3A_956 = tpu.vector_load %arg10[%parallel_loop3A_953, %parallel_loop3A_954, %parallel_loop3A_955] {strides = array<i32>} : memref<2x640x64xf32, #tpu.memory_space<vmem>>, vector<1x1x16xf32>,
        %parallel_loop3A_957 = vector.shape_cast %parallel_loop3A_956 : vector<1x1x16xf32> to vector<16xf32>
        %parallel_loop3A_958 = arith.constant 512 : i32
        %parallel_loop3A_959 = arith.addi %parallel_loop3A_958, %parallel_loop3A_427 : i32
        %parallel_loop3A_960 = arith.constant 0 : i32
        %parallel_loop3A_961 = arith.index_cast %parallel_loop3A_960 : i32 to index
        %parallel_loop3A_962 = arith.index_cast %parallel_loop3A_959 : i32 to index
        %parallel_loop3A_963 = arith.constant 32 : index
        %parallel_loop3A_964 = tpu.vector_load %arg10[%parallel_loop3A_961, %parallel_loop3A_962, %parallel_loop3A_963] {strides = array<i32>} : memref<2x640x64xf32, #tpu.memory_space<vmem>>, vector<1x1x16xf32>,
        %parallel_loop3A_965 = vector.shape_cast %parallel_loop3A_964 : vector<1x1x16xf32> to vector<16xf32>
        %parallel_loop3A_966 = arith.constant 544 : i32
        %parallel_loop3A_967 = arith.addi %parallel_loop3A_966, %parallel_loop3A_427 : i32
        %parallel_loop3A_968 = arith.constant 0 : i32
        %parallel_loop3A_969 = arith.index_cast %parallel_loop3A_968 : i32 to index
        %parallel_loop3A_970 = arith.index_cast %parallel_loop3A_967 : i32 to index
        %parallel_loop3A_971 = arith.constant 32 : index
        %parallel_loop3A_972 = tpu.vector_load %arg10[%parallel_loop3A_969, %parallel_loop3A_970, %parallel_loop3A_971] {strides = array<i32>} : memref<2x640x64xf32, #tpu.memory_space<vmem>>, vector<1x1x16xf32>,
        %parallel_loop3A_973 = vector.shape_cast %parallel_loop3A_972 : vector<1x1x16xf32> to vector<16xf32>
        %parallel_loop3A_974 = arith.constant 576 : i32
        %parallel_loop3A_975 = arith.addi %parallel_loop3A_974, %parallel_loop3A_427 : i32
        %parallel_loop3A_976 = arith.constant 0 : i32
        %parallel_loop3A_977 = arith.index_cast %parallel_loop3A_976 : i32 to index
        %parallel_loop3A_978 = arith.index_cast %parallel_loop3A_975 : i32 to index
        %parallel_loop3A_979 = arith.constant 32 : index
        %parallel_loop3A_980 = tpu.vector_load %arg10[%parallel_loop3A_977, %parallel_loop3A_978, %parallel_loop3A_979] {strides = array<i32>} : memref<2x640x64xf32, #tpu.memory_space<vmem>>, vector<1x1x16xf32>,
        %parallel_loop3A_981 = vector.shape_cast %parallel_loop3A_980 : vector<1x1x16xf32> to vector<16xf32>
        %parallel_loop3A_982 = arith.constant 608 : i32
        %parallel_loop3A_983 = arith.addi %parallel_loop3A_982, %parallel_loop3A_427 : i32
        %parallel_loop3A_984 = arith.constant 0 : i32
        %parallel_loop3A_985 = arith.index_cast %parallel_loop3A_984 : i32 to index
        %parallel_loop3A_986 = arith.index_cast %parallel_loop3A_983 : i32 to index
        %parallel_loop3A_987 = arith.constant 32 : index
        %parallel_loop3A_988 = tpu.vector_load %arg10[%parallel_loop3A_985, %parallel_loop3A_986, %parallel_loop3A_987] {strides = array<i32>} : memref<2x640x64xf32, #tpu.memory_space<vmem>>, vector<1x1x16xf32>,
        %parallel_loop3A_989 = vector.shape_cast %parallel_loop3A_988 : vector<1x1x16xf32> to vector<16xf32>
        %parallel_loop3A_990 = arith.addf %parallel_loop3A_837, %parallel_loop3A_845 : vector<16xf32>
        %parallel_loop3A_991 = arith.addf %parallel_loop3A_853, %parallel_loop3A_861 : vector<16xf32>
        %parallel_loop3A_992 = arith.addf %parallel_loop3A_869, %parallel_loop3A_877 : vector<16xf32>
        %parallel_loop3A_993 = arith.addf %parallel_loop3A_885, %parallel_loop3A_893 : vector<16xf32>
        %parallel_loop3A_994 = arith.addf %parallel_loop3A_901, %parallel_loop3A_909 : vector<16xf32>
        %parallel_loop3A_995 = arith.addf %parallel_loop3A_917, %parallel_loop3A_925 : vector<16xf32>
        %parallel_loop3A_996 = arith.addf %parallel_loop3A_933, %parallel_loop3A_941 : vector<16xf32>
        %parallel_loop3A_997 = arith.addf %parallel_loop3A_949, %parallel_loop3A_957 : vector<16xf32>
        %parallel_loop3A_998 = arith.addf %parallel_loop3A_965, %parallel_loop3A_973 : vector<16xf32>
        %parallel_loop3A_999 = arith.addf %parallel_loop3A_981, %parallel_loop3A_989 : vector<16xf32>
        %parallel_loop3A_1000 = arith.addf %parallel_loop3A_990, %parallel_loop3A_991 : vector<16xf32>
        %parallel_loop3A_1001 = arith.addf %parallel_loop3A_992, %parallel_loop3A_993 : vector<16xf32>
        %parallel_loop3A_1002 = arith.addf %parallel_loop3A_994, %parallel_loop3A_995 : vector<16xf32>
        %parallel_loop3A_1003 = arith.addf %parallel_loop3A_996, %parallel_loop3A_997 : vector<16xf32>
        %parallel_loop3A_1004 = arith.addf %parallel_loop3A_998, %parallel_loop3A_999 : vector<16xf32>
        %parallel_loop3A_1005 = arith.addf %parallel_loop3A_1000, %parallel_loop3A_1001 : vector<16xf32>
        %parallel_loop3A_1006 = arith.addf %parallel_loop3A_1002, %parallel_loop3A_1003 : vector<16xf32>
        %parallel_loop3A_1007 = arith.addf %parallel_loop3A_1005, %parallel_loop3A_1006 : vector<16xf32>
        %parallel_loop3A_1008 = arith.addf %parallel_loop3A_1007, %parallel_loop3A_1004 : vector<16xf32>
        %parallel_loop3A_1009 = arith.constant 0 : i32
        %parallel_loop3A_1010 = arith.index_cast %parallel_loop3A_1009 : i32 to index
        %parallel_loop3A_1011 = arith.index_cast %parallel_loop3A_427 : i32 to index
        %parallel_loop3A_1012 = arith.constant 32 : index
        %parallel_loop3A_1013 = tpu.vector_load %arg11[%parallel_loop3A_1010, %parallel_loop3A_1011, %parallel_loop3A_1012] {strides = array<i32>} : memref<2x32x64xf32, #tpu.memory_space<vmem>>, vector<1x1x16xf32>,
        %parallel_loop3A_1014 = vector.shape_cast %parallel_loop3A_1013 : vector<1x1x16xf32> to vector<16xf32>
        %parallel_loop3A_1015 = arith.mulf %parallel_loop3A_1014, %get3A_4 : vector<16xf32>
        %parallel_loop3A_1016 = arith.constant 0 : i32
        %parallel_loop3A_1017 = arith.index_cast %parallel_loop3A_1016 : i32 to index
        %parallel_loop3A_1018 = arith.index_cast %parallel_loop3A_427 : i32 to index
        %parallel_loop3A_1019 = arith.constant 32 : index
        %parallel_loop3A_1020 = tpu.vector_load %arg12[%parallel_loop3A_1017, %parallel_loop3A_1018, %parallel_loop3A_1019] {strides = array<i32>} : memref<2x32x128xf32, #tpu.memory_space<vmem>>, vector<1x1x16xf32>,
        %parallel_loop3A_1021 = vector.shape_cast %parallel_loop3A_1020 : vector<1x1x16xf32> to vector<16xf32>
        %parallel_loop3A_1022 = vector.shape_cast %parallel_loop3A_1015 : vector<16xf32> to vector<1x1x16xf32>
        tpu.vector_store %arg12[%parallel_loop3A_1017, %parallel_loop3A_1018, %parallel_loop3A_1019], %parallel_loop3A_1022 {strides = array<i32>} : memref<2x32x128xf32, #tpu.memory_space<vmem>>, vector<1x1x16xf32>,
        %parallel_loop3A_1023 = arith.mulf %parallel_loop3A_1008, %get3A_9 : vector<16xf32>
        %parallel_loop3A_1024 = arith.constant 0 : i32
        %parallel_loop3A_1025 = arith.index_cast %parallel_loop3A_1024 : i32 to index
        %parallel_loop3A_1026 = arith.index_cast %parallel_loop3A_427 : i32 to index
        %parallel_loop3A_1027 = arith.constant 96 : index
        %parallel_loop3A_1028 = tpu.vector_load %arg12[%parallel_loop3A_1025, %parallel_loop3A_1026, %parallel_loop3A_1027] {strides = array<i32>} : memref<2x32x128xf32, #tpu.memory_space<vmem>>, vector<1x1x16xf32>,
        %parallel_loop3A_1029 = vector.shape_cast %parallel_loop3A_1028 : vector<1x1x16xf32> to vector<16xf32>
        %parallel_loop3A_1030 = vector.shape_cast %parallel_loop3A_1023 : vector<16xf32> to vector<1x1x16xf32>
        tpu.vector_store %arg12[%parallel_loop3A_1025, %parallel_loop3A_1026, %parallel_loop3A_1027], %parallel_loop3A_1030 {strides = array<i32>} : memref<2x32x128xf32, #tpu.memory_space<vmem>>, vector<1x1x16xf32>,
        %parallel_loop3A_1031 = arith.constant 0 : i32
        %parallel_loop3A_1032 = arith.addi %parallel_loop3A_1031, %parallel_loop3A_427 : i32
        %parallel_loop3A_1033 = arith.constant 0 : i32
        %parallel_loop3A_1034 = arith.index_cast %parallel_loop3A_1033 : i32 to index
        %parallel_loop3A_1035 = arith.index_cast %parallel_loop3A_1032 : i32 to index
        %parallel_loop3A_1036 = arith.constant 48 : index
        %parallel_loop3A_1037 = tpu.vector_load %arg10[%parallel_loop3A_1034, %parallel_loop3A_1035, %parallel_loop3A_1036] {strides = array<i32>} : memref<2x640x64xf32, #tpu.memory_space<vmem>>, vector<1x1x16xf32>,
        %parallel_loop3A_1038 = vector.shape_cast %parallel_loop3A_1037 : vector<1x1x16xf32> to vector<16xf32>
        %parallel_loop3A_1039 = arith.constant 32 : i32
        %parallel_loop3A_1040 = arith.addi %parallel_loop3A_1039, %parallel_loop3A_427 : i32
        %parallel_loop3A_1041 = arith.constant 0 : i32
        %parallel_loop3A_1042 = arith.index_cast %parallel_loop3A_1041 : i32 to index
        %parallel_loop3A_1043 = arith.index_cast %parallel_loop3A_1040 : i32 to index
        %parallel_loop3A_1044 = arith.constant 48 : index
        %parallel_loop3A_1045 = tpu.vector_load %arg10[%parallel_loop3A_1042, %parallel_loop3A_1043, %parallel_loop3A_1044] {strides = array<i32>} : memref<2x640x64xf32, #tpu.memory_space<vmem>>, vector<1x1x16xf32>,
        %parallel_loop3A_1046 = vector.shape_cast %parallel_loop3A_1045 : vector<1x1x16xf32> to vector<16xf32>
        %parallel_loop3A_1047 = arith.constant 64 : i32
        %parallel_loop3A_1048 = arith.addi %parallel_loop3A_1047, %parallel_loop3A_427 : i32
        %parallel_loop3A_1049 = arith.constant 0 : i32
        %parallel_loop3A_1050 = arith.index_cast %parallel_loop3A_1049 : i32 to index
        %parallel_loop3A_1051 = arith.index_cast %parallel_loop3A_1048 : i32 to index
        %parallel_loop3A_1052 = arith.constant 48 : index
        %parallel_loop3A_1053 = tpu.vector_load %arg10[%parallel_loop3A_1050, %parallel_loop3A_1051, %parallel_loop3A_1052] {strides = array<i32>} : memref<2x640x64xf32, #tpu.memory_space<vmem>>, vector<1x1x16xf32>,
        %parallel_loop3A_1054 = vector.shape_cast %parallel_loop3A_1053 : vector<1x1x16xf32> to vector<16xf32>
        %parallel_loop3A_1055 = arith.constant 96 : i32
        %parallel_loop3A_1056 = arith.addi %parallel_loop3A_1055, %parallel_loop3A_427 : i32
        %parallel_loop3A_1057 = arith.constant 0 : i32
        %parallel_loop3A_1058 = arith.index_cast %parallel_loop3A_1057 : i32 to index
        %parallel_loop3A_1059 = arith.index_cast %parallel_loop3A_1056 : i32 to index
        %parallel_loop3A_1060 = arith.constant 48 : index
        %parallel_loop3A_1061 = tpu.vector_load %arg10[%parallel_loop3A_1058, %parallel_loop3A_1059, %parallel_loop3A_1060] {strides = array<i32>} : memref<2x640x64xf32, #tpu.memory_space<vmem>>, vector<1x1x16xf32>,
        %parallel_loop3A_1062 = vector.shape_cast %parallel_loop3A_1061 : vector<1x1x16xf32> to vector<16xf32>
        %parallel_loop3A_1063 = arith.constant 128 : i32
        %parallel_loop3A_1064 = arith.addi %parallel_loop3A_1063, %parallel_loop3A_427 : i32
        %parallel_loop3A_1065 = arith.constant 0 : i32
        %parallel_loop3A_1066 = arith.index_cast %parallel_loop3A_1065 : i32 to index
        %parallel_loop3A_1067 = arith.index_cast %parallel_loop3A_1064 : i32 to index
        %parallel_loop3A_1068 = arith.constant 48 : index
        %parallel_loop3A_1069 = tpu.vector_load %arg10[%parallel_loop3A_1066, %parallel_loop3A_1067, %parallel_loop3A_1068] {strides = array<i32>} : memref<2x640x64xf32, #tpu.memory_space<vmem>>, vector<1x1x16xf32>,
        %parallel_loop3A_1070 = vector.shape_cast %parallel_loop3A_1069 : vector<1x1x16xf32> to vector<16xf32>
        %parallel_loop3A_1071 = arith.constant 160 : i32
        %parallel_loop3A_1072 = arith.addi %parallel_loop3A_1071, %parallel_loop3A_427 : i32
        %parallel_loop3A_1073 = arith.constant 0 : i32
        %parallel_loop3A_1074 = arith.index_cast %parallel_loop3A_1073 : i32 to index
        %parallel_loop3A_1075 = arith.index_cast %parallel_loop3A_1072 : i32 to index
        %parallel_loop3A_1076 = arith.constant 48 : index
        %parallel_loop3A_1077 = tpu.vector_load %arg10[%parallel_loop3A_1074, %parallel_loop3A_1075, %parallel_loop3A_1076] {strides = array<i32>} : memref<2x640x64xf32, #tpu.memory_space<vmem>>, vector<1x1x16xf32>,
        %parallel_loop3A_1078 = vector.shape_cast %parallel_loop3A_1077 : vector<1x1x16xf32> to vector<16xf32>
        %parallel_loop3A_1079 = arith.constant 192 : i32
        %parallel_loop3A_1080 = arith.addi %parallel_loop3A_1079, %parallel_loop3A_427 : i32
        %parallel_loop3A_1081 = arith.constant 0 : i32
        %parallel_loop3A_1082 = arith.index_cast %parallel_loop3A_1081 : i32 to index
        %parallel_loop3A_1083 = arith.index_cast %parallel_loop3A_1080 : i32 to index
        %parallel_loop3A_1084 = arith.constant 48 : index
        %parallel_loop3A_1085 = tpu.vector_load %arg10[%parallel_loop3A_1082, %parallel_loop3A_1083, %parallel_loop3A_1084] {strides = array<i32>} : memref<2x640x64xf32, #tpu.memory_space<vmem>>, vector<1x1x16xf32>,
        %parallel_loop3A_1086 = vector.shape_cast %parallel_loop3A_1085 : vector<1x1x16xf32> to vector<16xf32>
        %parallel_loop3A_1087 = arith.constant 224 : i32
        %parallel_loop3A_1088 = arith.addi %parallel_loop3A_1087, %parallel_loop3A_427 : i32
        %parallel_loop3A_1089 = arith.constant 0 : i32
        %parallel_loop3A_1090 = arith.index_cast %parallel_loop3A_1089 : i32 to index
        %parallel_loop3A_1091 = arith.index_cast %parallel_loop3A_1088 : i32 to index
        %parallel_loop3A_1092 = arith.constant 48 : index
        %parallel_loop3A_1093 = tpu.vector_load %arg10[%parallel_loop3A_1090, %parallel_loop3A_1091, %parallel_loop3A_1092] {strides = array<i32>} : memref<2x640x64xf32, #tpu.memory_space<vmem>>, vector<1x1x16xf32>,
        %parallel_loop3A_1094 = vector.shape_cast %parallel_loop3A_1093 : vector<1x1x16xf32> to vector<16xf32>
        %parallel_loop3A_1095 = arith.constant 256 : i32
        %parallel_loop3A_1096 = arith.addi %parallel_loop3A_1095, %parallel_loop3A_427 : i32
        %parallel_loop3A_1097 = arith.constant 0 : i32
        %parallel_loop3A_1098 = arith.index_cast %parallel_loop3A_1097 : i32 to index
        %parallel_loop3A_1099 = arith.index_cast %parallel_loop3A_1096 : i32 to index
        %parallel_loop3A_1100 = arith.constant 48 : index
        %parallel_loop3A_1101 = tpu.vector_load %arg10[%parallel_loop3A_1098, %parallel_loop3A_1099, %parallel_loop3A_1100] {strides = array<i32>} : memref<2x640x64xf32, #tpu.memory_space<vmem>>, vector<1x1x16xf32>,
        %parallel_loop3A_1102 = vector.shape_cast %parallel_loop3A_1101 : vector<1x1x16xf32> to vector<16xf32>
        %parallel_loop3A_1103 = arith.constant 288 : i32
        %parallel_loop3A_1104 = arith.addi %parallel_loop3A_1103, %parallel_loop3A_427 : i32
        %parallel_loop3A_1105 = arith.constant 0 : i32
        %parallel_loop3A_1106 = arith.index_cast %parallel_loop3A_1105 : i32 to index
        %parallel_loop3A_1107 = arith.index_cast %parallel_loop3A_1104 : i32 to index
        %parallel_loop3A_1108 = arith.constant 48 : index
        %parallel_loop3A_1109 = tpu.vector_load %arg10[%parallel_loop3A_1106, %parallel_loop3A_1107, %parallel_loop3A_1108] {strides = array<i32>} : memref<2x640x64xf32, #tpu.memory_space<vmem>>, vector<1x1x16xf32>,
        %parallel_loop3A_1110 = vector.shape_cast %parallel_loop3A_1109 : vector<1x1x16xf32> to vector<16xf32>
        %parallel_loop3A_1111 = arith.constant 320 : i32
        %parallel_loop3A_1112 = arith.addi %parallel_loop3A_1111, %parallel_loop3A_427 : i32
        %parallel_loop3A_1113 = arith.constant 0 : i32
        %parallel_loop3A_1114 = arith.index_cast %parallel_loop3A_1113 : i32 to index
        %parallel_loop3A_1115 = arith.index_cast %parallel_loop3A_1112 : i32 to index
        %parallel_loop3A_1116 = arith.constant 48 : index
        %parallel_loop3A_1117 = tpu.vector_load %arg10[%parallel_loop3A_1114, %parallel_loop3A_1115, %parallel_loop3A_1116] {strides = array<i32>} : memref<2x640x64xf32, #tpu.memory_space<vmem>>, vector<1x1x16xf32>,
        %parallel_loop3A_1118 = vector.shape_cast %parallel_loop3A_1117 : vector<1x1x16xf32> to vector<16xf32>
        %parallel_loop3A_1119 = arith.constant 352 : i32
        %parallel_loop3A_1120 = arith.addi %parallel_loop3A_1119, %parallel_loop3A_427 : i32
        %parallel_loop3A_1121 = arith.constant 0 : i32
        %parallel_loop3A_1122 = arith.index_cast %parallel_loop3A_1121 : i32 to index
        %parallel_loop3A_1123 = arith.index_cast %parallel_loop3A_1120 : i32 to index
        %parallel_loop3A_1124 = arith.constant 48 : index
        %parallel_loop3A_1125 = tpu.vector_load %arg10[%parallel_loop3A_1122, %parallel_loop3A_1123, %parallel_loop3A_1124] {strides = array<i32>} : memref<2x640x64xf32, #tpu.memory_space<vmem>>, vector<1x1x16xf32>,
        %parallel_loop3A_1126 = vector.shape_cast %parallel_loop3A_1125 : vector<1x1x16xf32> to vector<16xf32>
        %parallel_loop3A_1127 = arith.constant 384 : i32
        %parallel_loop3A_1128 = arith.addi %parallel_loop3A_1127, %parallel_loop3A_427 : i32
        %parallel_loop3A_1129 = arith.constant 0 : i32
        %parallel_loop3A_1130 = arith.index_cast %parallel_loop3A_1129 : i32 to index
        %parallel_loop3A_1131 = arith.index_cast %parallel_loop3A_1128 : i32 to index
        %parallel_loop3A_1132 = arith.constant 48 : index
        %parallel_loop3A_1133 = tpu.vector_load %arg10[%parallel_loop3A_1130, %parallel_loop3A_1131, %parallel_loop3A_1132] {strides = array<i32>} : memref<2x640x64xf32, #tpu.memory_space<vmem>>, vector<1x1x16xf32>,
        %parallel_loop3A_1134 = vector.shape_cast %parallel_loop3A_1133 : vector<1x1x16xf32> to vector<16xf32>
        %parallel_loop3A_1135 = arith.constant 416 : i32
        %parallel_loop3A_1136 = arith.addi %parallel_loop3A_1135, %parallel_loop3A_427 : i32
        %parallel_loop3A_1137 = arith.constant 0 : i32
        %parallel_loop3A_1138 = arith.index_cast %parallel_loop3A_1137 : i32 to index
        %parallel_loop3A_1139 = arith.index_cast %parallel_loop3A_1136 : i32 to index
        %parallel_loop3A_1140 = arith.constant 48 : index
        %parallel_loop3A_1141 = tpu.vector_load %arg10[%parallel_loop3A_1138, %parallel_loop3A_1139, %parallel_loop3A_1140] {strides = array<i32>} : memref<2x640x64xf32, #tpu.memory_space<vmem>>, vector<1x1x16xf32>,
        %parallel_loop3A_1142 = vector.shape_cast %parallel_loop3A_1141 : vector<1x1x16xf32> to vector<16xf32>
        %parallel_loop3A_1143 = arith.constant 448 : i32
        %parallel_loop3A_1144 = arith.addi %parallel_loop3A_1143, %parallel_loop3A_427 : i32
        %parallel_loop3A_1145 = arith.constant 0 : i32
        %parallel_loop3A_1146 = arith.index_cast %parallel_loop3A_1145 : i32 to index
        %parallel_loop3A_1147 = arith.index_cast %parallel_loop3A_1144 : i32 to index
        %parallel_loop3A_1148 = arith.constant 48 : index
        %parallel_loop3A_1149 = tpu.vector_load %arg10[%parallel_loop3A_1146, %parallel_loop3A_1147, %parallel_loop3A_1148] {strides = array<i32>} : memref<2x640x64xf32, #tpu.memory_space<vmem>>, vector<1x1x16xf32>,
        %parallel_loop3A_1150 = vector.shape_cast %parallel_loop3A_1149 : vector<1x1x16xf32> to vector<16xf32>
        %parallel_loop3A_1151 = arith.constant 480 : i32
        %parallel_loop3A_1152 = arith.addi %parallel_loop3A_1151, %parallel_loop3A_427 : i32
        %parallel_loop3A_1153 = arith.constant 0 : i32
        %parallel_loop3A_1154 = arith.index_cast %parallel_loop3A_1153 : i32 to index
        %parallel_loop3A_1155 = arith.index_cast %parallel_loop3A_1152 : i32 to index
        %parallel_loop3A_1156 = arith.constant 48 : index
        %parallel_loop3A_1157 = tpu.vector_load %arg10[%parallel_loop3A_1154, %parallel_loop3A_1155, %parallel_loop3A_1156] {strides = array<i32>} : memref<2x640x64xf32, #tpu.memory_space<vmem>>, vector<1x1x16xf32>,
        %parallel_loop3A_1158 = vector.shape_cast %parallel_loop3A_1157 : vector<1x1x16xf32> to vector<16xf32>
        %parallel_loop3A_1159 = arith.constant 512 : i32
        %parallel_loop3A_1160 = arith.addi %parallel_loop3A_1159, %parallel_loop3A_427 : i32
        %parallel_loop3A_1161 = arith.constant 0 : i32
        %parallel_loop3A_1162 = arith.index_cast %parallel_loop3A_1161 : i32 to index
        %parallel_loop3A_1163 = arith.index_cast %parallel_loop3A_1160 : i32 to index
        %parallel_loop3A_1164 = arith.constant 48 : index
        %parallel_loop3A_1165 = tpu.vector_load %arg10[%parallel_loop3A_1162, %parallel_loop3A_1163, %parallel_loop3A_1164] {strides = array<i32>} : memref<2x640x64xf32, #tpu.memory_space<vmem>>, vector<1x1x16xf32>,
        %parallel_loop3A_1166 = vector.shape_cast %parallel_loop3A_1165 : vector<1x1x16xf32> to vector<16xf32>
        %parallel_loop3A_1167 = arith.constant 544 : i32
        %parallel_loop3A_1168 = arith.addi %parallel_loop3A_1167, %parallel_loop3A_427 : i32
        %parallel_loop3A_1169 = arith.constant 0 : i32
        %parallel_loop3A_1170 = arith.index_cast %parallel_loop3A_1169 : i32 to index
        %parallel_loop3A_1171 = arith.index_cast %parallel_loop3A_1168 : i32 to index
        %parallel_loop3A_1172 = arith.constant 48 : index
        %parallel_loop3A_1173 = tpu.vector_load %arg10[%parallel_loop3A_1170, %parallel_loop3A_1171, %parallel_loop3A_1172] {strides = array<i32>} : memref<2x640x64xf32, #tpu.memory_space<vmem>>, vector<1x1x16xf32>,
        %parallel_loop3A_1174 = vector.shape_cast %parallel_loop3A_1173 : vector<1x1x16xf32> to vector<16xf32>
        %parallel_loop3A_1175 = arith.constant 576 : i32
        %parallel_loop3A_1176 = arith.addi %parallel_loop3A_1175, %parallel_loop3A_427 : i32
        %parallel_loop3A_1177 = arith.constant 0 : i32
        %parallel_loop3A_1178 = arith.index_cast %parallel_loop3A_1177 : i32 to index
        %parallel_loop3A_1179 = arith.index_cast %parallel_loop3A_1176 : i32 to index
        %parallel_loop3A_1180 = arith.constant 48 : index
        %parallel_loop3A_1181 = tpu.vector_load %arg10[%parallel_loop3A_1178, %parallel_loop3A_1179, %parallel_loop3A_1180] {strides = array<i32>} : memref<2x640x64xf32, #tpu.memory_space<vmem>>, vector<1x1x16xf32>,
        %parallel_loop3A_1182 = vector.shape_cast %parallel_loop3A_1181 : vector<1x1x16xf32> to vector<16xf32>
        %parallel_loop3A_1183 = arith.constant 608 : i32
        %parallel_loop3A_1184 = arith.addi %parallel_loop3A_1183, %parallel_loop3A_427 : i32
        %parallel_loop3A_1185 = arith.constant 0 : i32
        %parallel_loop3A_1186 = arith.index_cast %parallel_loop3A_1185 : i32 to index
        %parallel_loop3A_1187 = arith.index_cast %parallel_loop3A_1184 : i32 to index
        %parallel_loop3A_1188 = arith.constant 48 : index
        %parallel_loop3A_1189 = tpu.vector_load %arg10[%parallel_loop3A_1186, %parallel_loop3A_1187, %parallel_loop3A_1188] {strides = array<i32>} : memref<2x640x64xf32, #tpu.memory_space<vmem>>, vector<1x1x16xf32>,
        %parallel_loop3A_1190 = vector.shape_cast %parallel_loop3A_1189 : vector<1x1x16xf32> to vector<16xf32>
        %parallel_loop3A_1191 = arith.addf %parallel_loop3A_1038, %parallel_loop3A_1046 : vector<16xf32>
        %parallel_loop3A_1192 = arith.addf %parallel_loop3A_1054, %parallel_loop3A_1062 : vector<16xf32>
        %parallel_loop3A_1193 = arith.addf %parallel_loop3A_1070, %parallel_loop3A_1078 : vector<16xf32>
        %parallel_loop3A_1194 = arith.addf %parallel_loop3A_1086, %parallel_loop3A_1094 : vector<16xf32>
        %parallel_loop3A_1195 = arith.addf %parallel_loop3A_1102, %parallel_loop3A_1110 : vector<16xf32>
        %parallel_loop3A_1196 = arith.addf %parallel_loop3A_1118, %parallel_loop3A_1126 : vector<16xf32>
        %parallel_loop3A_1197 = arith.addf %parallel_loop3A_1134, %parallel_loop3A_1142 : vector<16xf32>
        %parallel_loop3A_1198 = arith.addf %parallel_loop3A_1150, %parallel_loop3A_1158 : vector<16xf32>
        %parallel_loop3A_1199 = arith.addf %parallel_loop3A_1166, %parallel_loop3A_1174 : vector<16xf32>
        %parallel_loop3A_1200 = arith.addf %parallel_loop3A_1182, %parallel_loop3A_1190 : vector<16xf32>
        %parallel_loop3A_1201 = arith.addf %parallel_loop3A_1191, %parallel_loop3A_1192 : vector<16xf32>
        %parallel_loop3A_1202 = arith.addf %parallel_loop3A_1193, %parallel_loop3A_1194 : vector<16xf32>
        %parallel_loop3A_1203 = arith.addf %parallel_loop3A_1195, %parallel_loop3A_1196 : vector<16xf32>
        %parallel_loop3A_1204 = arith.addf %parallel_loop3A_1197, %parallel_loop3A_1198 : vector<16xf32>
        %parallel_loop3A_1205 = arith.addf %parallel_loop3A_1199, %parallel_loop3A_1200 : vector<16xf32>
        %parallel_loop3A_1206 = arith.addf %parallel_loop3A_1201, %parallel_loop3A_1202 : vector<16xf32>
        %parallel_loop3A_1207 = arith.addf %parallel_loop3A_1203, %parallel_loop3A_1204 : vector<16xf32>
        %parallel_loop3A_1208 = arith.addf %parallel_loop3A_1206, %parallel_loop3A_1207 : vector<16xf32>
        %parallel_loop3A_1209 = arith.addf %parallel_loop3A_1208, %parallel_loop3A_1205 : vector<16xf32>
        %parallel_loop3A_1210 = arith.constant 0 : i32
        %parallel_loop3A_1211 = arith.index_cast %parallel_loop3A_1210 : i32 to index
        %parallel_loop3A_1212 = arith.index_cast %parallel_loop3A_427 : i32 to index
        %parallel_loop3A_1213 = arith.constant 48 : index
        %parallel_loop3A_1214 = tpu.vector_load %arg11[%parallel_loop3A_1211, %parallel_loop3A_1212, %parallel_loop3A_1213] {strides = array<i32>} : memref<2x32x64xf32, #tpu.memory_space<vmem>>, vector<1x1x16xf32>,
        %parallel_loop3A_1215 = vector.shape_cast %parallel_loop3A_1214 : vector<1x1x16xf32> to vector<16xf32>
        %parallel_loop3A_1216 = arith.mulf %parallel_loop3A_1215, %get3A_4 : vector<16xf32>
        %parallel_loop3A_1217 = arith.constant 0 : i32
        %parallel_loop3A_1218 = arith.index_cast %parallel_loop3A_1217 : i32 to index
        %parallel_loop3A_1219 = arith.index_cast %parallel_loop3A_427 : i32 to index
        %parallel_loop3A_1220 = arith.constant 48 : index
        %parallel_loop3A_1221 = tpu.vector_load %arg12[%parallel_loop3A_1218, %parallel_loop3A_1219, %parallel_loop3A_1220] {strides = array<i32>} : memref<2x32x128xf32, #tpu.memory_space<vmem>>, vector<1x1x16xf32>,
        %parallel_loop3A_1222 = vector.shape_cast %parallel_loop3A_1221 : vector<1x1x16xf32> to vector<16xf32>
        %parallel_loop3A_1223 = vector.shape_cast %parallel_loop3A_1216 : vector<16xf32> to vector<1x1x16xf32>
        tpu.vector_store %arg12[%parallel_loop3A_1218, %parallel_loop3A_1219, %parallel_loop3A_1220], %parallel_loop3A_1223 {strides = array<i32>} : memref<2x32x128xf32, #tpu.memory_space<vmem>>, vector<1x1x16xf32>,
        %parallel_loop3A_1224 = arith.mulf %parallel_loop3A_1209, %get3A_9 : vector<16xf32>
        %parallel_loop3A_1225 = arith.constant 0 : i32
        %parallel_loop3A_1226 = arith.index_cast %parallel_loop3A_1225 : i32 to index
        %parallel_loop3A_1227 = arith.index_cast %parallel_loop3A_427 : i32 to index
        %parallel_loop3A_1228 = arith.constant 112 : index
        %parallel_loop3A_1229 = tpu.vector_load %arg12[%parallel_loop3A_1226, %parallel_loop3A_1227, %parallel_loop3A_1228] {strides = array<i32>} : memref<2x32x128xf32, #tpu.memory_space<vmem>>, vector<1x1x16xf32>,
        %parallel_loop3A_1230 = vector.shape_cast %parallel_loop3A_1229 : vector<1x1x16xf32> to vector<16xf32>
        %parallel_loop3A_1231 = vector.shape_cast %parallel_loop3A_1224 : vector<16xf32> to vector<1x1x16xf32>
        tpu.vector_store %arg12[%parallel_loop3A_1226, %parallel_loop3A_1227, %parallel_loop3A_1228], %parallel_loop3A_1231 {strides = array<i32>} : memref<2x32x128xf32, #tpu.memory_space<vmem>>, vector<1x1x16xf32>,
      } {sc.loop_unroll_factor = 4 : i64, sc.parallel_access}
      %mul3A_342 = arith.constant 512 : i32
      %mul3A_343 = arith.muli %add3A, %mul3A_342 : i32
      %mul3A_344 = arith.constant 32 : i32
      %mul3A_345 = arith.muli %add3A_301, %mul3A_344 : i32
      %add3A_346 = arith.addi %mul3A_343, %mul3A_345 : i32
      %dma_start3A_347 = arith.constant 0 : i32
      %dma_start3A_348 = arith.constant 0 : i32
      %dma_start3A_349 = arith.constant 0 : i32
      %dma_start3A_350 = tpu.memref_slice %arg12[%dma_start3A_347, %dma_start3A_348, %dma_start3A_349] : memref<2x32x128xf32, #tpu.memory_space<vmem>> -> memref<1x32x128xf32, #tpu.memory_space<vmem>>
      %dma_start3A_351 = tpu.memref_squeeze %dma_start3A_350 : memref<1x32x128xf32, #tpu.memory_space<vmem>> -> memref<32x128xf32, #tpu.memory_space<vmem>>
      %dma_start3A_352 = arith.constant 0 : i32
      %dma_start3A_353 = tpu.memref_slice %arg7[%add3A_346, %dma_start3A_352] : memref<16384x128xf32, #tpu.memory_space<hbm>> -> memref<32x128xf32, #tpu.memory_space<hbm>>
      %dma_start3A_354 = arith.constant 0 : i32
      %dma_start3A_355 = tpu.memref_slice %arg7[%add3A_346, %dma_start3A_354] : memref<16384x128xf32, #tpu.memory_space<hbm>> -> memref<32x128xf32, #tpu.memory_space<hbm>>
      %dma_start3A_356 = arith.constant 0 : i32
      %dma_start3A_357 = arith.constant 0 : i32
      %dma_start3A_358 = tpu.memref_slice %arg12[%dma_start3A_347, %dma_start3A_356, %dma_start3A_357] : memref<2x32x128xf32, #tpu.memory_space<vmem>> -> memref<1x32x128xf32, #tpu.memory_space<vmem>>
      %dma_start3A_359 = tpu.memref_squeeze %dma_start3A_358 : memref<1x32x128xf32, #tpu.memory_space<vmem>> -> memref<32x128xf32, #tpu.memory_space<vmem>>
      tpu.enqueue_dma source(%dma_start3A_359 : memref<32x128xf32, #tpu.memory_space<vmem>>) target(%dma_start3A_355 : memref<32x128xf32, #tpu.memory_space<hbm>>) target_semaphore(%arg18 : memref<!tpu.dma_semaphore, #tpu.memory_space<semaphore_mem>>)
      %mul3A_360 = arith.constant 2 : i32
      %mul3A_361 = arith.muli %scan3A_297, %mul3A_360 : i32
      %add3A_362 = arith.constant 1 : i32
      %add3A_363 = arith.addi %mul3A_361, %add3A_362 : i32
      %add3A_364 = arith.constant 1 : i32
      %add3A_365 = arith.addi %add3A_363, %add3A_364 : i32
      %lt3A_366 = arith.constant 16 : i32
      %lt3A_367 = arith.cmpi slt, %add3A_365, %lt3A_366 : i32
      %convert_element_type3A_368 = arith.extui %lt3A_367 : i1 to i32
      %cond3A_369 = arith.constant 0 : i32
      %cond3A_370 = arith.cmpi ne, %convert_element_type3A_368, %cond3A_369 : i32
      scf.if %cond3A_370 {
        %add3A_427 = arith.constant 1 : i32
        %add3A_428 = arith.addi %add3A_363, %add3A_427 : i32
        %mul3A_429 = arith.constant 32 : i32
        %mul3A_430 = arith.muli %add3A_428, %mul3A_429 : i32
        %dma_start3A_431 = arith.constant 0 : i32
        %dma_start3A_432 = arith.constant 0 : i32
        %dma_start3A_433 = arith.constant 0 : i32
        %dma_start3A_434 = arith.constant 0 : i32
        %dma_start3A_435 = tpu.memref_slice %arg10[%dma_start3A_432, %dma_start3A_433, %dma_start3A_434] : memref<2x640x64xf32, #tpu.memory_space<vmem>> -> memref<1x32x64xf32, #tpu.memory_space<vmem>>
        %dma_start3A_436 = tpu.memref_squeeze %dma_start3A_435 : memref<1x32x64xf32, #tpu.memory_space<vmem>> -> memref<32x64xf32, #tpu.memory_space<vmem>>
        %dma_start3A_437 = tpu.memref_slice %arg8[%dma_start3A_431, %mul3A_430] : memref<20x512xi32, #tpu.memory_space<vmem>> -> memref<1x32xi32, #tpu.memory_space<vmem>>
        %dma_start3A_438 = tpu.memref_squeeze %dma_start3A_437 : memref<1x32xi32, #tpu.memory_space<vmem>> -> memref<32xi32, #tpu.memory_space<vmem>>
        %dma_start3A_439 = arith.constant 0 : i32
        %dma_start3A_440 = arith.constant 0 : i32
        %dma_start3A_441 = tpu.memref_slice %arg2[%dma_start3A_439, %dma_start3A_440] : memref<100001x64xf32, #tpu.memory_space<hbm>> -> memref<100001x64xf32, #tpu.memory_space<hbm>>
        tpu.enqueue_indirect_dma source(%dma_start3A_441 : memref<100001x64xf32, #tpu.memory_space<hbm>>) target(%dma_start3A_436 : memref<32x64xf32, #tpu.memory_space<vmem>>) offsets(%dma_start3A_438 : memref<32xi32, #tpu.memory_space<vmem>>) semaphore(%arg14 : memref<!tpu.dma_semaphore, #tpu.memory_space<semaphore_mem>>)
        %mul3A_442 = arith.constant 32 : i32
        %mul3A_443 = arith.muli %add3A_428, %mul3A_442 : i32
        %dma_start3A_444 = arith.constant 1 : i32
        %dma_start3A_445 = arith.constant 0 : i32
        %dma_start3A_446 = arith.constant 32 : i32
        %dma_start3A_447 = arith.constant 0 : i32
        %dma_start3A_448 = tpu.memref_slice %arg10[%dma_start3A_445, %dma_start3A_446, %dma_start3A_447] : memref<2x640x64xf32, #tpu.memory_space<vmem>> -> memref<1x32x64xf32, #tpu.memory_space<vmem>>
        %dma_start3A_449 = tpu.memref_squeeze %dma_start3A_448 : memref<1x32x64xf32, #tpu.memory_space<vmem>> -> memref<32x64xf32, #tpu.memory_space<vmem>>
        %dma_start3A_450 = tpu.memref_slice %arg8[%dma_start3A_444, %mul3A_443] : memref<20x512xi32, #tpu.memory_space<vmem>> -> memref<1x32xi32, #tpu.memory_space<vmem>>
        %dma_start3A_451 = tpu.memref_squeeze %dma_start3A_450 : memref<1x32xi32, #tpu.memory_space<vmem>> -> memref<32xi32, #tpu.memory_space<vmem>>
        %dma_start3A_452 = arith.constant 0 : i32
        %dma_start3A_453 = arith.constant 0 : i32
        %dma_start3A_454 = tpu.memref_slice %arg2[%dma_start3A_452, %dma_start3A_453] : memref<100001x64xf32, #tpu.memory_space<hbm>> -> memref<100001x64xf32, #tpu.memory_space<hbm>>
        tpu.enqueue_indirect_dma source(%dma_start3A_454 : memref<100001x64xf32, #tpu.memory_space<hbm>>) target(%dma_start3A_449 : memref<32x64xf32, #tpu.memory_space<vmem>>) offsets(%dma_start3A_451 : memref<32xi32, #tpu.memory_space<vmem>>) semaphore(%arg14 : memref<!tpu.dma_semaphore, #tpu.memory_space<semaphore_mem>>)
        %mul3A_455 = arith.constant 32 : i32
        %mul3A_456 = arith.muli %add3A_428, %mul3A_455 : i32
        %dma_start3A_457 = arith.constant 2 : i32
        %dma_start3A_458 = arith.constant 0 : i32
        %dma_start3A_459 = arith.constant 64 : i32
        %dma_start3A_460 = arith.constant 0 : i32
        %dma_start3A_461 = tpu.memref_slice %arg10[%dma_start3A_458, %dma_start3A_459, %dma_start3A_460] : memref<2x640x64xf32, #tpu.memory_space<vmem>> -> memref<1x32x64xf32, #tpu.memory_space<vmem>>
        %dma_start3A_462 = tpu.memref_squeeze %dma_start3A_461 : memref<1x32x64xf32, #tpu.memory_space<vmem>> -> memref<32x64xf32, #tpu.memory_space<vmem>>
        %dma_start3A_463 = tpu.memref_slice %arg8[%dma_start3A_457, %mul3A_456] : memref<20x512xi32, #tpu.memory_space<vmem>> -> memref<1x32xi32, #tpu.memory_space<vmem>>
        %dma_start3A_464 = tpu.memref_squeeze %dma_start3A_463 : memref<1x32xi32, #tpu.memory_space<vmem>> -> memref<32xi32, #tpu.memory_space<vmem>>
        %dma_start3A_465 = arith.constant 0 : i32
        %dma_start3A_466 = arith.constant 0 : i32
        %dma_start3A_467 = tpu.memref_slice %arg2[%dma_start3A_465, %dma_start3A_466] : memref<100001x64xf32, #tpu.memory_space<hbm>> -> memref<100001x64xf32, #tpu.memory_space<hbm>>
        tpu.enqueue_indirect_dma source(%dma_start3A_467 : memref<100001x64xf32, #tpu.memory_space<hbm>>) target(%dma_start3A_462 : memref<32x64xf32, #tpu.memory_space<vmem>>) offsets(%dma_start3A_464 : memref<32xi32, #tpu.memory_space<vmem>>) semaphore(%arg14 : memref<!tpu.dma_semaphore, #tpu.memory_space<semaphore_mem>>)
        %mul3A_468 = arith.constant 32 : i32
        %mul3A_469 = arith.muli %add3A_428, %mul3A_468 : i32
        %dma_start3A_470 = arith.constant 3 : i32
        %dma_start3A_471 = arith.constant 0 : i32
        %dma_start3A_472 = arith.constant 96 : i32
        %dma_start3A_473 = arith.constant 0 : i32
        %dma_start3A_474 = tpu.memref_slice %arg10[%dma_start3A_471, %dma_start3A_472, %dma_start3A_473] : memref<2x640x64xf32, #tpu.memory_space<vmem>> -> memref<1x32x64xf32, #tpu.memory_space<vmem>>
        %dma_start3A_475 = tpu.memref_squeeze %dma_start3A_474 : memref<1x32x64xf32, #tpu.memory_space<vmem>> -> memref<32x64xf32, #tpu.memory_space<vmem>>
        %dma_start3A_476 = tpu.memref_slice %arg8[%dma_start3A_470, %mul3A_469] : memref<20x512xi32, #tpu.memory_space<vmem>> -> memref<1x32xi32, #tpu.memory_space<vmem>>
        %dma_start3A_477 = tpu.memref_squeeze %dma_start3A_476 : memref<1x32xi32, #tpu.memory_space<vmem>> -> memref<32xi32, #tpu.memory_space<vmem>>
        %dma_start3A_478 = arith.constant 0 : i32
        %dma_start3A_479 = arith.constant 0 : i32
        %dma_start3A_480 = tpu.memref_slice %arg2[%dma_start3A_478, %dma_start3A_479] : memref<100001x64xf32, #tpu.memory_space<hbm>> -> memref<100001x64xf32, #tpu.memory_space<hbm>>
        tpu.enqueue_indirect_dma source(%dma_start3A_480 : memref<100001x64xf32, #tpu.memory_space<hbm>>) target(%dma_start3A_475 : memref<32x64xf32, #tpu.memory_space<vmem>>) offsets(%dma_start3A_477 : memref<32xi32, #tpu.memory_space<vmem>>) semaphore(%arg14 : memref<!tpu.dma_semaphore, #tpu.memory_space<semaphore_mem>>)
        %mul3A_481 = arith.constant 32 : i32
        %mul3A_482 = arith.muli %add3A_428, %mul3A_481 : i32
        %dma_start3A_483 = arith.constant 4 : i32
        %dma_start3A_484 = arith.constant 0 : i32
        %dma_start3A_485 = arith.constant 128 : i32
        %dma_start3A_486 = arith.constant 0 : i32
        %dma_start3A_487 = tpu.memref_slice %arg10[%dma_start3A_484, %dma_start3A_485, %dma_start3A_486] : memref<2x640x64xf32, #tpu.memory_space<vmem>> -> memref<1x32x64xf32, #tpu.memory_space<vmem>>
        %dma_start3A_488 = tpu.memref_squeeze %dma_start3A_487 : memref<1x32x64xf32, #tpu.memory_space<vmem>> -> memref<32x64xf32, #tpu.memory_space<vmem>>
        %dma_start3A_489 = tpu.memref_slice %arg8[%dma_start3A_483, %mul3A_482] : memref<20x512xi32, #tpu.memory_space<vmem>> -> memref<1x32xi32, #tpu.memory_space<vmem>>
        %dma_start3A_490 = tpu.memref_squeeze %dma_start3A_489 : memref<1x32xi32, #tpu.memory_space<vmem>> -> memref<32xi32, #tpu.memory_space<vmem>>
        %dma_start3A_491 = arith.constant 0 : i32
        %dma_start3A_492 = arith.constant 0 : i32
        %dma_start3A_493 = tpu.memref_slice %arg2[%dma_start3A_491, %dma_start3A_492] : memref<100001x64xf32, #tpu.memory_space<hbm>> -> memref<100001x64xf32, #tpu.memory_space<hbm>>
        tpu.enqueue_indirect_dma source(%dma_start3A_493 : memref<100001x64xf32, #tpu.memory_space<hbm>>) target(%dma_start3A_488 : memref<32x64xf32, #tpu.memory_space<vmem>>) offsets(%dma_start3A_490 : memref<32xi32, #tpu.memory_space<vmem>>) semaphore(%arg14 : memref<!tpu.dma_semaphore, #tpu.memory_space<semaphore_mem>>)
        %mul3A_494 = arith.constant 32 : i32
        %mul3A_495 = arith.muli %add3A_428, %mul3A_494 : i32
        %dma_start3A_496 = arith.constant 5 : i32
        %dma_start3A_497 = arith.constant 0 : i32
        %dma_start3A_498 = arith.constant 160 : i32
        %dma_start3A_499 = arith.constant 0 : i32
        %dma_start3A_500 = tpu.memref_slice %arg10[%dma_start3A_497, %dma_start3A_498, %dma_start3A_499] : memref<2x640x64xf32, #tpu.memory_space<vmem>> -> memref<1x32x64xf32, #tpu.memory_space<vmem>>
        %dma_start3A_501 = tpu.memref_squeeze %dma_start3A_500 : memref<1x32x64xf32, #tpu.memory_space<vmem>> -> memref<32x64xf32, #tpu.memory_space<vmem>>
        %dma_start3A_502 = tpu.memref_slice %arg8[%dma_start3A_496, %mul3A_495] : memref<20x512xi32, #tpu.memory_space<vmem>> -> memref<1x32xi32, #tpu.memory_space<vmem>>
        %dma_start3A_503 = tpu.memref_squeeze %dma_start3A_502 : memref<1x32xi32, #tpu.memory_space<vmem>> -> memref<32xi32, #tpu.memory_space<vmem>>
        %dma_start3A_504 = arith.constant 0 : i32
        %dma_start3A_505 = arith.constant 0 : i32
        %dma_start3A_506 = tpu.memref_slice %arg2[%dma_start3A_504, %dma_start3A_505] : memref<100001x64xf32, #tpu.memory_space<hbm>> -> memref<100001x64xf32, #tpu.memory_space<hbm>>
        tpu.enqueue_indirect_dma source(%dma_start3A_506 : memref<100001x64xf32, #tpu.memory_space<hbm>>) target(%dma_start3A_501 : memref<32x64xf32, #tpu.memory_space<vmem>>) offsets(%dma_start3A_503 : memref<32xi32, #tpu.memory_space<vmem>>) semaphore(%arg14 : memref<!tpu.dma_semaphore, #tpu.memory_space<semaphore_mem>>)
        %mul3A_507 = arith.constant 32 : i32
        %mul3A_508 = arith.muli %add3A_428, %mul3A_507 : i32
        %dma_start3A_509 = arith.constant 6 : i32
        %dma_start3A_510 = arith.constant 0 : i32
        %dma_start3A_511 = arith.constant 192 : i32
        %dma_start3A_512 = arith.constant 0 : i32
        %dma_start3A_513 = tpu.memref_slice %arg10[%dma_start3A_510, %dma_start3A_511, %dma_start3A_512] : memref<2x640x64xf32, #tpu.memory_space<vmem>> -> memref<1x32x64xf32, #tpu.memory_space<vmem>>
        %dma_start3A_514 = tpu.memref_squeeze %dma_start3A_513 : memref<1x32x64xf32, #tpu.memory_space<vmem>> -> memref<32x64xf32, #tpu.memory_space<vmem>>
        %dma_start3A_515 = tpu.memref_slice %arg8[%dma_start3A_509, %mul3A_508] : memref<20x512xi32, #tpu.memory_space<vmem>> -> memref<1x32xi32, #tpu.memory_space<vmem>>
        %dma_start3A_516 = tpu.memref_squeeze %dma_start3A_515 : memref<1x32xi32, #tpu.memory_space<vmem>> -> memref<32xi32, #tpu.memory_space<vmem>>
        %dma_start3A_517 = arith.constant 0 : i32
        %dma_start3A_518 = arith.constant 0 : i32
        %dma_start3A_519 = tpu.memref_slice %arg2[%dma_start3A_517, %dma_start3A_518] : memref<100001x64xf32, #tpu.memory_space<hbm>> -> memref<100001x64xf32, #tpu.memory_space<hbm>>
        tpu.enqueue_indirect_dma source(%dma_start3A_519 : memref<100001x64xf32, #tpu.memory_space<hbm>>) target(%dma_start3A_514 : memref<32x64xf32, #tpu.memory_space<vmem>>) offsets(%dma_start3A_516 : memref<32xi32, #tpu.memory_space<vmem>>) semaphore(%arg14 : memref<!tpu.dma_semaphore, #tpu.memory_space<semaphore_mem>>)
        %mul3A_520 = arith.constant 32 : i32
        %mul3A_521 = arith.muli %add3A_428, %mul3A_520 : i32
        %dma_start3A_522 = arith.constant 7 : i32
        %dma_start3A_523 = arith.constant 0 : i32
        %dma_start3A_524 = arith.constant 224 : i32
        %dma_start3A_525 = arith.constant 0 : i32
        %dma_start3A_526 = tpu.memref_slice %arg10[%dma_start3A_523, %dma_start3A_524, %dma_start3A_525] : memref<2x640x64xf32, #tpu.memory_space<vmem>> -> memref<1x32x64xf32, #tpu.memory_space<vmem>>
        %dma_start3A_527 = tpu.memref_squeeze %dma_start3A_526 : memref<1x32x64xf32, #tpu.memory_space<vmem>> -> memref<32x64xf32, #tpu.memory_space<vmem>>
        %dma_start3A_528 = tpu.memref_slice %arg8[%dma_start3A_522, %mul3A_521] : memref<20x512xi32, #tpu.memory_space<vmem>> -> memref<1x32xi32, #tpu.memory_space<vmem>>
        %dma_start3A_529 = tpu.memref_squeeze %dma_start3A_528 : memref<1x32xi32, #tpu.memory_space<vmem>> -> memref<32xi32, #tpu.memory_space<vmem>>
        %dma_start3A_530 = arith.constant 0 : i32
        %dma_start3A_531 = arith.constant 0 : i32
        %dma_start3A_532 = tpu.memref_slice %arg2[%dma_start3A_530, %dma_start3A_531] : memref<100001x64xf32, #tpu.memory_space<hbm>> -> memref<100001x64xf32, #tpu.memory_space<hbm>>
        tpu.enqueue_indirect_dma source(%dma_start3A_532 : memref<100001x64xf32, #tpu.memory_space<hbm>>) target(%dma_start3A_527 : memref<32x64xf32, #tpu.memory_space<vmem>>) offsets(%dma_start3A_529 : memref<32xi32, #tpu.memory_space<vmem>>) semaphore(%arg14 : memref<!tpu.dma_semaphore, #tpu.memory_space<semaphore_mem>>)
        %mul3A_533 = arith.constant 32 : i32
        %mul3A_534 = arith.muli %add3A_428, %mul3A_533 : i32
        %dma_start3A_535 = arith.constant 8 : i32
        %dma_start3A_536 = arith.constant 0 : i32
        %dma_start3A_537 = arith.constant 256 : i32
        %dma_start3A_538 = arith.constant 0 : i32
        %dma_start3A_539 = tpu.memref_slice %arg10[%dma_start3A_536, %dma_start3A_537, %dma_start3A_538] : memref<2x640x64xf32, #tpu.memory_space<vmem>> -> memref<1x32x64xf32, #tpu.memory_space<vmem>>
        %dma_start3A_540 = tpu.memref_squeeze %dma_start3A_539 : memref<1x32x64xf32, #tpu.memory_space<vmem>> -> memref<32x64xf32, #tpu.memory_space<vmem>>
        %dma_start3A_541 = tpu.memref_slice %arg8[%dma_start3A_535, %mul3A_534] : memref<20x512xi32, #tpu.memory_space<vmem>> -> memref<1x32xi32, #tpu.memory_space<vmem>>
        %dma_start3A_542 = tpu.memref_squeeze %dma_start3A_541 : memref<1x32xi32, #tpu.memory_space<vmem>> -> memref<32xi32, #tpu.memory_space<vmem>>
        %dma_start3A_543 = arith.constant 0 : i32
        %dma_start3A_544 = arith.constant 0 : i32
        %dma_start3A_545 = tpu.memref_slice %arg2[%dma_start3A_543, %dma_start3A_544] : memref<100001x64xf32, #tpu.memory_space<hbm>> -> memref<100001x64xf32, #tpu.memory_space<hbm>>
        tpu.enqueue_indirect_dma source(%dma_start3A_545 : memref<100001x64xf32, #tpu.memory_space<hbm>>) target(%dma_start3A_540 : memref<32x64xf32, #tpu.memory_space<vmem>>) offsets(%dma_start3A_542 : memref<32xi32, #tpu.memory_space<vmem>>) semaphore(%arg14 : memref<!tpu.dma_semaphore, #tpu.memory_space<semaphore_mem>>)
        %mul3A_546 = arith.constant 32 : i32
        %mul3A_547 = arith.muli %add3A_428, %mul3A_546 : i32
        %dma_start3A_548 = arith.constant 9 : i32
        %dma_start3A_549 = arith.constant 0 : i32
        %dma_start3A_550 = arith.constant 288 : i32
        %dma_start3A_551 = arith.constant 0 : i32
        %dma_start3A_552 = tpu.memref_slice %arg10[%dma_start3A_549, %dma_start3A_550, %dma_start3A_551] : memref<2x640x64xf32, #tpu.memory_space<vmem>> -> memref<1x32x64xf32, #tpu.memory_space<vmem>>
        %dma_start3A_553 = tpu.memref_squeeze %dma_start3A_552 : memref<1x32x64xf32, #tpu.memory_space<vmem>> -> memref<32x64xf32, #tpu.memory_space<vmem>>
        %dma_start3A_554 = tpu.memref_slice %arg8[%dma_start3A_548, %mul3A_547] : memref<20x512xi32, #tpu.memory_space<vmem>> -> memref<1x32xi32, #tpu.memory_space<vmem>>
        %dma_start3A_555 = tpu.memref_squeeze %dma_start3A_554 : memref<1x32xi32, #tpu.memory_space<vmem>> -> memref<32xi32, #tpu.memory_space<vmem>>
        %dma_start3A_556 = arith.constant 0 : i32
        %dma_start3A_557 = arith.constant 0 : i32
        %dma_start3A_558 = tpu.memref_slice %arg2[%dma_start3A_556, %dma_start3A_557] : memref<100001x64xf32, #tpu.memory_space<hbm>> -> memref<100001x64xf32, #tpu.memory_space<hbm>>
        tpu.enqueue_indirect_dma source(%dma_start3A_558 : memref<100001x64xf32, #tpu.memory_space<hbm>>) target(%dma_start3A_553 : memref<32x64xf32, #tpu.memory_space<vmem>>) offsets(%dma_start3A_555 : memref<32xi32, #tpu.memory_space<vmem>>) semaphore(%arg14 : memref<!tpu.dma_semaphore, #tpu.memory_space<semaphore_mem>>)
        %mul3A_559 = arith.constant 32 : i32
        %mul3A_560 = arith.muli %add3A_428, %mul3A_559 : i32
        %dma_start3A_561 = arith.constant 10 : i32
        %dma_start3A_562 = arith.constant 0 : i32
        %dma_start3A_563 = arith.constant 320 : i32
        %dma_start3A_564 = arith.constant 0 : i32
        %dma_start3A_565 = tpu.memref_slice %arg10[%dma_start3A_562, %dma_start3A_563, %dma_start3A_564] : memref<2x640x64xf32, #tpu.memory_space<vmem>> -> memref<1x32x64xf32, #tpu.memory_space<vmem>>
        %dma_start3A_566 = tpu.memref_squeeze %dma_start3A_565 : memref<1x32x64xf32, #tpu.memory_space<vmem>> -> memref<32x64xf32, #tpu.memory_space<vmem>>
        %dma_start3A_567 = tpu.memref_slice %arg8[%dma_start3A_561, %mul3A_560] : memref<20x512xi32, #tpu.memory_space<vmem>> -> memref<1x32xi32, #tpu.memory_space<vmem>>
        %dma_start3A_568 = tpu.memref_squeeze %dma_start3A_567 : memref<1x32xi32, #tpu.memory_space<vmem>> -> memref<32xi32, #tpu.memory_space<vmem>>
        %dma_start3A_569 = arith.constant 0 : i32
        %dma_start3A_570 = arith.constant 0 : i32
        %dma_start3A_571 = tpu.memref_slice %arg2[%dma_start3A_569, %dma_start3A_570] : memref<100001x64xf32, #tpu.memory_space<hbm>> -> memref<100001x64xf32, #tpu.memory_space<hbm>>
        tpu.enqueue_indirect_dma source(%dma_start3A_571 : memref<100001x64xf32, #tpu.memory_space<hbm>>) target(%dma_start3A_566 : memref<32x64xf32, #tpu.memory_space<vmem>>) offsets(%dma_start3A_568 : memref<32xi32, #tpu.memory_space<vmem>>) semaphore(%arg14 : memref<!tpu.dma_semaphore, #tpu.memory_space<semaphore_mem>>)
        %mul3A_572 = arith.constant 32 : i32
        %mul3A_573 = arith.muli %add3A_428, %mul3A_572 : i32
        %dma_start3A_574 = arith.constant 11 : i32
        %dma_start3A_575 = arith.constant 0 : i32
        %dma_start3A_576 = arith.constant 352 : i32
        %dma_start3A_577 = arith.constant 0 : i32
        %dma_start3A_578 = tpu.memref_slice %arg10[%dma_start3A_575, %dma_start3A_576, %dma_start3A_577] : memref<2x640x64xf32, #tpu.memory_space<vmem>> -> memref<1x32x64xf32, #tpu.memory_space<vmem>>
        %dma_start3A_579 = tpu.memref_squeeze %dma_start3A_578 : memref<1x32x64xf32, #tpu.memory_space<vmem>> -> memref<32x64xf32, #tpu.memory_space<vmem>>
        %dma_start3A_580 = tpu.memref_slice %arg8[%dma_start3A_574, %mul3A_573] : memref<20x512xi32, #tpu.memory_space<vmem>> -> memref<1x32xi32, #tpu.memory_space<vmem>>
        %dma_start3A_581 = tpu.memref_squeeze %dma_start3A_580 : memref<1x32xi32, #tpu.memory_space<vmem>> -> memref<32xi32, #tpu.memory_space<vmem>>
        %dma_start3A_582 = arith.constant 0 : i32
        %dma_start3A_583 = arith.constant 0 : i32
        %dma_start3A_584 = tpu.memref_slice %arg2[%dma_start3A_582, %dma_start3A_583] : memref<100001x64xf32, #tpu.memory_space<hbm>> -> memref<100001x64xf32, #tpu.memory_space<hbm>>
        tpu.enqueue_indirect_dma source(%dma_start3A_584 : memref<100001x64xf32, #tpu.memory_space<hbm>>) target(%dma_start3A_579 : memref<32x64xf32, #tpu.memory_space<vmem>>) offsets(%dma_start3A_581 : memref<32xi32, #tpu.memory_space<vmem>>) semaphore(%arg14 : memref<!tpu.dma_semaphore, #tpu.memory_space<semaphore_mem>>)
        %mul3A_585 = arith.constant 32 : i32
        %mul3A_586 = arith.muli %add3A_428, %mul3A_585 : i32
        %dma_start3A_587 = arith.constant 12 : i32
        %dma_start3A_588 = arith.constant 0 : i32
        %dma_start3A_589 = arith.constant 384 : i32
        %dma_start3A_590 = arith.constant 0 : i32
        %dma_start3A_591 = tpu.memref_slice %arg10[%dma_start3A_588, %dma_start3A_589, %dma_start3A_590] : memref<2x640x64xf32, #tpu.memory_space<vmem>> -> memref<1x32x64xf32, #tpu.memory_space<vmem>>
        %dma_start3A_592 = tpu.memref_squeeze %dma_start3A_591 : memref<1x32x64xf32, #tpu.memory_space<vmem>> -> memref<32x64xf32, #tpu.memory_space<vmem>>
        %dma_start3A_593 = tpu.memref_slice %arg8[%dma_start3A_587, %mul3A_586] : memref<20x512xi32, #tpu.memory_space<vmem>> -> memref<1x32xi32, #tpu.memory_space<vmem>>
        %dma_start3A_594 = tpu.memref_squeeze %dma_start3A_593 : memref<1x32xi32, #tpu.memory_space<vmem>> -> memref<32xi32, #tpu.memory_space<vmem>>
        %dma_start3A_595 = arith.constant 0 : i32
        %dma_start3A_596 = arith.constant 0 : i32
        %dma_start3A_597 = tpu.memref_slice %arg2[%dma_start3A_595, %dma_start3A_596] : memref<100001x64xf32, #tpu.memory_space<hbm>> -> memref<100001x64xf32, #tpu.memory_space<hbm>>
        tpu.enqueue_indirect_dma source(%dma_start3A_597 : memref<100001x64xf32, #tpu.memory_space<hbm>>) target(%dma_start3A_592 : memref<32x64xf32, #tpu.memory_space<vmem>>) offsets(%dma_start3A_594 : memref<32xi32, #tpu.memory_space<vmem>>) semaphore(%arg14 : memref<!tpu.dma_semaphore, #tpu.memory_space<semaphore_mem>>)
        %mul3A_598 = arith.constant 32 : i32
        %mul3A_599 = arith.muli %add3A_428, %mul3A_598 : i32
        %dma_start3A_600 = arith.constant 13 : i32
        %dma_start3A_601 = arith.constant 0 : i32
        %dma_start3A_602 = arith.constant 416 : i32
        %dma_start3A_603 = arith.constant 0 : i32
        %dma_start3A_604 = tpu.memref_slice %arg10[%dma_start3A_601, %dma_start3A_602, %dma_start3A_603] : memref<2x640x64xf32, #tpu.memory_space<vmem>> -> memref<1x32x64xf32, #tpu.memory_space<vmem>>
        %dma_start3A_605 = tpu.memref_squeeze %dma_start3A_604 : memref<1x32x64xf32, #tpu.memory_space<vmem>> -> memref<32x64xf32, #tpu.memory_space<vmem>>
        %dma_start3A_606 = tpu.memref_slice %arg8[%dma_start3A_600, %mul3A_599] : memref<20x512xi32, #tpu.memory_space<vmem>> -> memref<1x32xi32, #tpu.memory_space<vmem>>
        %dma_start3A_607 = tpu.memref_squeeze %dma_start3A_606 : memref<1x32xi32, #tpu.memory_space<vmem>> -> memref<32xi32, #tpu.memory_space<vmem>>
        %dma_start3A_608 = arith.constant 0 : i32
        %dma_start3A_609 = arith.constant 0 : i32
        %dma_start3A_610 = tpu.memref_slice %arg2[%dma_start3A_608, %dma_start3A_609] : memref<100001x64xf32, #tpu.memory_space<hbm>> -> memref<100001x64xf32, #tpu.memory_space<hbm>>
        tpu.enqueue_indirect_dma source(%dma_start3A_610 : memref<100001x64xf32, #tpu.memory_space<hbm>>) target(%dma_start3A_605 : memref<32x64xf32, #tpu.memory_space<vmem>>) offsets(%dma_start3A_607 : memref<32xi32, #tpu.memory_space<vmem>>) semaphore(%arg14 : memref<!tpu.dma_semaphore, #tpu.memory_space<semaphore_mem>>)
        %mul3A_611 = arith.constant 32 : i32
        %mul3A_612 = arith.muli %add3A_428, %mul3A_611 : i32
        %dma_start3A_613 = arith.constant 14 : i32
        %dma_start3A_614 = arith.constant 0 : i32
        %dma_start3A_615 = arith.constant 448 : i32
        %dma_start3A_616 = arith.constant 0 : i32
        %dma_start3A_617 = tpu.memref_slice %arg10[%dma_start3A_614, %dma_start3A_615, %dma_start3A_616] : memref<2x640x64xf32, #tpu.memory_space<vmem>> -> memref<1x32x64xf32, #tpu.memory_space<vmem>>
        %dma_start3A_618 = tpu.memref_squeeze %dma_start3A_617 : memref<1x32x64xf32, #tpu.memory_space<vmem>> -> memref<32x64xf32, #tpu.memory_space<vmem>>
        %dma_start3A_619 = tpu.memref_slice %arg8[%dma_start3A_613, %mul3A_612] : memref<20x512xi32, #tpu.memory_space<vmem>> -> memref<1x32xi32, #tpu.memory_space<vmem>>
        %dma_start3A_620 = tpu.memref_squeeze %dma_start3A_619 : memref<1x32xi32, #tpu.memory_space<vmem>> -> memref<32xi32, #tpu.memory_space<vmem>>
        %dma_start3A_621 = arith.constant 0 : i32
        %dma_start3A_622 = arith.constant 0 : i32
        %dma_start3A_623 = tpu.memref_slice %arg2[%dma_start3A_621, %dma_start3A_622] : memref<100001x64xf32, #tpu.memory_space<hbm>> -> memref<100001x64xf32, #tpu.memory_space<hbm>>
        tpu.enqueue_indirect_dma source(%dma_start3A_623 : memref<100001x64xf32, #tpu.memory_space<hbm>>) target(%dma_start3A_618 : memref<32x64xf32, #tpu.memory_space<vmem>>) offsets(%dma_start3A_620 : memref<32xi32, #tpu.memory_space<vmem>>) semaphore(%arg14 : memref<!tpu.dma_semaphore, #tpu.memory_space<semaphore_mem>>)
        %mul3A_624 = arith.constant 32 : i32
        %mul3A_625 = arith.muli %add3A_428, %mul3A_624 : i32
        %dma_start3A_626 = arith.constant 15 : i32
        %dma_start3A_627 = arith.constant 0 : i32
        %dma_start3A_628 = arith.constant 480 : i32
        %dma_start3A_629 = arith.constant 0 : i32
        %dma_start3A_630 = tpu.memref_slice %arg10[%dma_start3A_627, %dma_start3A_628, %dma_start3A_629] : memref<2x640x64xf32, #tpu.memory_space<vmem>> -> memref<1x32x64xf32, #tpu.memory_space<vmem>>
        %dma_start3A_631 = tpu.memref_squeeze %dma_start3A_630 : memref<1x32x64xf32, #tpu.memory_space<vmem>> -> memref<32x64xf32, #tpu.memory_space<vmem>>
        %dma_start3A_632 = tpu.memref_slice %arg8[%dma_start3A_626, %mul3A_625] : memref<20x512xi32, #tpu.memory_space<vmem>> -> memref<1x32xi32, #tpu.memory_space<vmem>>
        %dma_start3A_633 = tpu.memref_squeeze %dma_start3A_632 : memref<1x32xi32, #tpu.memory_space<vmem>> -> memref<32xi32, #tpu.memory_space<vmem>>
        %dma_start3A_634 = arith.constant 0 : i32
        %dma_start3A_635 = arith.constant 0 : i32
        %dma_start3A_636 = tpu.memref_slice %arg2[%dma_start3A_634, %dma_start3A_635] : memref<100001x64xf32, #tpu.memory_space<hbm>> -> memref<100001x64xf32, #tpu.memory_space<hbm>>
        tpu.enqueue_indirect_dma source(%dma_start3A_636 : memref<100001x64xf32, #tpu.memory_space<hbm>>) target(%dma_start3A_631 : memref<32x64xf32, #tpu.memory_space<vmem>>) offsets(%dma_start3A_633 : memref<32xi32, #tpu.memory_space<vmem>>) semaphore(%arg14 : memref<!tpu.dma_semaphore, #tpu.memory_space<semaphore_mem>>)
        %mul3A_637 = arith.constant 32 : i32
        %mul3A_638 = arith.muli %add3A_428, %mul3A_637 : i32
        %dma_start3A_639 = arith.constant 16 : i32
        %dma_start3A_640 = arith.constant 0 : i32
        %dma_start3A_641 = arith.constant 512 : i32
        %dma_start3A_642 = arith.constant 0 : i32
        %dma_start3A_643 = tpu.memref_slice %arg10[%dma_start3A_640, %dma_start3A_641, %dma_start3A_642] : memref<2x640x64xf32, #tpu.memory_space<vmem>> -> memref<1x32x64xf32, #tpu.memory_space<vmem>>
        %dma_start3A_644 = tpu.memref_squeeze %dma_start3A_643 : memref<1x32x64xf32, #tpu.memory_space<vmem>> -> memref<32x64xf32, #tpu.memory_space<vmem>>
        %dma_start3A_645 = tpu.memref_slice %arg8[%dma_start3A_639, %mul3A_638] : memref<20x512xi32, #tpu.memory_space<vmem>> -> memref<1x32xi32, #tpu.memory_space<vmem>>
        %dma_start3A_646 = tpu.memref_squeeze %dma_start3A_645 : memref<1x32xi32, #tpu.memory_space<vmem>> -> memref<32xi32, #tpu.memory_space<vmem>>
        %dma_start3A_647 = arith.constant 0 : i32
        %dma_start3A_648 = arith.constant 0 : i32
        %dma_start3A_649 = tpu.memref_slice %arg2[%dma_start3A_647, %dma_start3A_648] : memref<100001x64xf32, #tpu.memory_space<hbm>> -> memref<100001x64xf32, #tpu.memory_space<hbm>>
        tpu.enqueue_indirect_dma source(%dma_start3A_649 : memref<100001x64xf32, #tpu.memory_space<hbm>>) target(%dma_start3A_644 : memref<32x64xf32, #tpu.memory_space<vmem>>) offsets(%dma_start3A_646 : memref<32xi32, #tpu.memory_space<vmem>>) semaphore(%arg14 : memref<!tpu.dma_semaphore, #tpu.memory_space<semaphore_mem>>)
        %mul3A_650 = arith.constant 32 : i32
        %mul3A_651 = arith.muli %add3A_428, %mul3A_650 : i32
        %dma_start3A_652 = arith.constant 17 : i32
        %dma_start3A_653 = arith.constant 0 : i32
        %dma_start3A_654 = arith.constant 544 : i32
        %dma_start3A_655 = arith.constant 0 : i32
        %dma_start3A_656 = tpu.memref_slice %arg10[%dma_start3A_653, %dma_start3A_654, %dma_start3A_655] : memref<2x640x64xf32, #tpu.memory_space<vmem>> -> memref<1x32x64xf32, #tpu.memory_space<vmem>>
        %dma_start3A_657 = tpu.memref_squeeze %dma_start3A_656 : memref<1x32x64xf32, #tpu.memory_space<vmem>> -> memref<32x64xf32, #tpu.memory_space<vmem>>
        %dma_start3A_658 = tpu.memref_slice %arg8[%dma_start3A_652, %mul3A_651] : memref<20x512xi32, #tpu.memory_space<vmem>> -> memref<1x32xi32, #tpu.memory_space<vmem>>
        %dma_start3A_659 = tpu.memref_squeeze %dma_start3A_658 : memref<1x32xi32, #tpu.memory_space<vmem>> -> memref<32xi32, #tpu.memory_space<vmem>>
        %dma_start3A_660 = arith.constant 0 : i32
        %dma_start3A_661 = arith.constant 0 : i32
        %dma_start3A_662 = tpu.memref_slice %arg2[%dma_start3A_660, %dma_start3A_661] : memref<100001x64xf32, #tpu.memory_space<hbm>> -> memref<100001x64xf32, #tpu.memory_space<hbm>>
        tpu.enqueue_indirect_dma source(%dma_start3A_662 : memref<100001x64xf32, #tpu.memory_space<hbm>>) target(%dma_start3A_657 : memref<32x64xf32, #tpu.memory_space<vmem>>) offsets(%dma_start3A_659 : memref<32xi32, #tpu.memory_space<vmem>>) semaphore(%arg14 : memref<!tpu.dma_semaphore, #tpu.memory_space<semaphore_mem>>)
        %mul3A_663 = arith.constant 32 : i32
        %mul3A_664 = arith.muli %add3A_428, %mul3A_663 : i32
        %dma_start3A_665 = arith.constant 18 : i32
        %dma_start3A_666 = arith.constant 0 : i32
        %dma_start3A_667 = arith.constant 576 : i32
        %dma_start3A_668 = arith.constant 0 : i32
        %dma_start3A_669 = tpu.memref_slice %arg10[%dma_start3A_666, %dma_start3A_667, %dma_start3A_668] : memref<2x640x64xf32, #tpu.memory_space<vmem>> -> memref<1x32x64xf32, #tpu.memory_space<vmem>>
        %dma_start3A_670 = tpu.memref_squeeze %dma_start3A_669 : memref<1x32x64xf32, #tpu.memory_space<vmem>> -> memref<32x64xf32, #tpu.memory_space<vmem>>
        %dma_start3A_671 = tpu.memref_slice %arg8[%dma_start3A_665, %mul3A_664] : memref<20x512xi32, #tpu.memory_space<vmem>> -> memref<1x32xi32, #tpu.memory_space<vmem>>
        %dma_start3A_672 = tpu.memref_squeeze %dma_start3A_671 : memref<1x32xi32, #tpu.memory_space<vmem>> -> memref<32xi32, #tpu.memory_space<vmem>>
        %dma_start3A_673 = arith.constant 0 : i32
        %dma_start3A_674 = arith.constant 0 : i32
        %dma_start3A_675 = tpu.memref_slice %arg2[%dma_start3A_673, %dma_start3A_674] : memref<100001x64xf32, #tpu.memory_space<hbm>> -> memref<100001x64xf32, #tpu.memory_space<hbm>>
        tpu.enqueue_indirect_dma source(%dma_start3A_675 : memref<100001x64xf32, #tpu.memory_space<hbm>>) target(%dma_start3A_670 : memref<32x64xf32, #tpu.memory_space<vmem>>) offsets(%dma_start3A_672 : memref<32xi32, #tpu.memory_space<vmem>>) semaphore(%arg14 : memref<!tpu.dma_semaphore, #tpu.memory_space<semaphore_mem>>)
        %mul3A_676 = arith.constant 32 : i32
        %mul3A_677 = arith.muli %add3A_428, %mul3A_676 : i32
        %dma_start3A_678 = arith.constant 19 : i32
        %dma_start3A_679 = arith.constant 0 : i32
        %dma_start3A_680 = arith.constant 608 : i32
        %dma_start3A_681 = arith.constant 0 : i32
        %dma_start3A_682 = tpu.memref_slice %arg10[%dma_start3A_679, %dma_start3A_680, %dma_start3A_681] : memref<2x640x64xf32, #tpu.memory_space<vmem>> -> memref<1x32x64xf32, #tpu.memory_space<vmem>>
        %dma_start3A_683 = tpu.memref_squeeze %dma_start3A_682 : memref<1x32x64xf32, #tpu.memory_space<vmem>> -> memref<32x64xf32, #tpu.memory_space<vmem>>
        %dma_start3A_684 = tpu.memref_slice %arg8[%dma_start3A_678, %mul3A_677] : memref<20x512xi32, #tpu.memory_space<vmem>> -> memref<1x32xi32, #tpu.memory_space<vmem>>
        %dma_start3A_685 = tpu.memref_squeeze %dma_start3A_684 : memref<1x32xi32, #tpu.memory_space<vmem>> -> memref<32xi32, #tpu.memory_space<vmem>>
        %dma_start3A_686 = arith.constant 0 : i32
        %dma_start3A_687 = arith.constant 0 : i32
        %dma_start3A_688 = tpu.memref_slice %arg2[%dma_start3A_686, %dma_start3A_687] : memref<100001x64xf32, #tpu.memory_space<hbm>> -> memref<100001x64xf32, #tpu.memory_space<hbm>>
        tpu.enqueue_indirect_dma source(%dma_start3A_688 : memref<100001x64xf32, #tpu.memory_space<hbm>>) target(%dma_start3A_683 : memref<32x64xf32, #tpu.memory_space<vmem>>) offsets(%dma_start3A_685 : memref<32xi32, #tpu.memory_space<vmem>>) semaphore(%arg14 : memref<!tpu.dma_semaphore, #tpu.memory_space<semaphore_mem>>)
        %mul3A_689 = arith.constant 32 : i32
        %mul3A_690 = arith.muli %add3A_428, %mul3A_689 : i32
        %dma_start3A_691 = arith.constant 0 : i32
        %dma_start3A_692 = arith.constant 0 : i32
        %dma_start3A_693 = arith.constant 0 : i32
        %dma_start3A_694 = tpu.memref_slice %arg11[%dma_start3A_691, %dma_start3A_692, %dma_start3A_693] : memref<2x32x64xf32, #tpu.memory_space<vmem>> -> memref<1x32x64xf32, #tpu.memory_space<vmem>>
        %dma_start3A_695 = tpu.memref_squeeze %dma_start3A_694 : memref<1x32x64xf32, #tpu.memory_space<vmem>> -> memref<32x64xf32, #tpu.memory_space<vmem>>
        %dma_start3A_696 = tpu.memref_slice %arg9[%mul3A_690] : memref<512xi32, #tpu.memory_space<vmem>> -> memref<32xi32, #tpu.memory_space<vmem>>
        %dma_start3A_697 = arith.constant 0 : i32
        %dma_start3A_698 = arith.constant 0 : i32
        %dma_start3A_699 = tpu.memref_slice %arg3[%dma_start3A_697, %dma_start3A_698] : memref<1001x64xf32, #tpu.memory_space<hbm>> -> memref<1001x64xf32, #tpu.memory_space<hbm>>
        tpu.enqueue_indirect_dma source(%dma_start3A_699 : memref<1001x64xf32, #tpu.memory_space<hbm>>) target(%dma_start3A_695 : memref<32x64xf32, #tpu.memory_space<vmem>>) offsets(%dma_start3A_696 : memref<32xi32, #tpu.memory_space<vmem>>) semaphore(%arg16 : memref<!tpu.dma_semaphore, #tpu.memory_space<semaphore_mem>>)
      } else {
      }
      %dma_wait3A_371 = arith.constant 1 : i32
      %dma_wait3A_372 = arith.constant 0 : i32
      %dma_wait3A_373 = arith.constant 0 : i32
      %dma_wait3A_374 = tpu.memref_slice %arg10[%dma_wait3A_371, %dma_wait3A_372, %dma_wait3A_373] : memref<2x640x64xf32, #tpu.memory_space<vmem>> -> memref<1x640x64xf32, #tpu.memory_space<vmem>>
      %dma_wait3A_375 = tpu.memref_squeeze %dma_wait3A_374 : memref<1x640x64xf32, #tpu.memory_space<vmem>> -> memref<640x64xf32, #tpu.memory_space<vmem>>
      %dma_wait3A_376 = arith.constant 0 : i32
      %dma_wait3A_377 = arith.constant 0 : i32
      %dma_wait3A_378 = tpu.memref_slice %arg2[%dma_wait3A_376, %dma_wait3A_377] : memref<100001x64xf32, #tpu.memory_space<hbm>> -> memref<640x64xf32, #tpu.memory_space<hbm>>
      %dma_wait3A_379 = arith.constant 0 : i32
      %dma_wait3A_380 = arith.constant 0 : i32
      %dma_wait3A_381 = tpu.memref_slice %arg10[%dma_wait3A_371, %dma_wait3A_379, %dma_wait3A_380] : memref<2x640x64xf32, #tpu.memory_space<vmem>> -> memref<1x640x64xf32, #tpu.memory_space<vmem>>
      %dma_wait3A_382 = tpu.memref_squeeze %dma_wait3A_381 : memref<1x640x64xf32, #tpu.memory_space<vmem>> -> memref<640x64xf32, #tpu.memory_space<vmem>>
      %dma_wait3A_383 = arith.constant 0 : i32
      %dma_wait3A_384 = arith.constant 0 : i32
      %dma_wait3A_385 = tpu.memref_slice %arg2[%dma_wait3A_383, %dma_wait3A_384] : memref<100001x64xf32, #tpu.memory_space<hbm>> -> memref<640x64xf32, #tpu.memory_space<hbm>>
      tpu.wait_dma2 semaphore(%arg15 : memref<!tpu.dma_semaphore, #tpu.memory_space<semaphore_mem>>) src(%dma_wait3A_385 : memref<640x64xf32, #tpu.memory_space<hbm>>) dst(%dma_wait3A_382 : memref<640x64xf32, #tpu.memory_space<vmem>>)
      %dma_wait3A_386 = arith.constant 1 : i32
      %dma_wait3A_387 = arith.constant 0 : i32
      %dma_wait3A_388 = arith.constant 0 : i32
      %dma_wait3A_389 = tpu.memref_slice %arg11[%dma_wait3A_386, %dma_wait3A_387, %dma_wait3A_388] : memref<2x32x64xf32, #tpu.memory_space<vmem>> -> memref<1x32x64xf32, #tpu.memory_space<vmem>>
      %dma_wait3A_390 = tpu.memref_squeeze %dma_wait3A_389 : memref<1x32x64xf32, #tpu.memory_space<vmem>> -> memref<32x64xf32, #tpu.memory_space<vmem>>
      %dma_wait3A_391 = arith.constant 0 : i32
      %dma_wait3A_392 = arith.constant 0 : i32
      %dma_wait3A_393 = tpu.memref_slice %arg3[%dma_wait3A_391, %dma_wait3A_392] : memref<1001x64xf32, #tpu.memory_space<hbm>> -> memref<32x64xf32, #tpu.memory_space<hbm>>
      %dma_wait3A_394 = arith.constant 0 : i32
      %dma_wait3A_395 = arith.constant 0 : i32
      %dma_wait3A_396 = tpu.memref_slice %arg11[%dma_wait3A_386, %dma_wait3A_394, %dma_wait3A_395] : memref<2x32x64xf32, #tpu.memory_space<vmem>> -> memref<1x32x64xf32, #tpu.memory_space<vmem>>
      %dma_wait3A_397 = tpu.memref_squeeze %dma_wait3A_396 : memref<1x32x64xf32, #tpu.memory_space<vmem>> -> memref<32x64xf32, #tpu.memory_space<vmem>>
      %dma_wait3A_398 = arith.constant 0 : i32
      %dma_wait3A_399 = arith.constant 0 : i32
      %dma_wait3A_400 = tpu.memref_slice %arg3[%dma_wait3A_398, %dma_wait3A_399] : memref<1001x64xf32, #tpu.memory_space<hbm>> -> memref<32x64xf32, #tpu.memory_space<hbm>>
      tpu.wait_dma2 semaphore(%arg17 : memref<!tpu.dma_semaphore, #tpu.memory_space<semaphore_mem>>) src(%dma_wait3A_400 : memref<32x64xf32, #tpu.memory_space<hbm>>) dst(%dma_wait3A_397 : memref<32x64xf32, #tpu.memory_space<vmem>>)
      %ge3A_401 = arith.constant 2 : i32
      %ge3A_402 = arith.cmpi sge, %add3A_363, %ge3A_401 : i32
      %convert_element_type3A_403 = arith.extui %ge3A_402 : i1 to i32
      %cond3A_404 = arith.constant 0 : i32
      %cond3A_405 = arith.cmpi ne, %convert_element_type3A_403, %cond3A_404 : i32
      scf.if %cond3A_405 {
        %dma_wait3A_427 = arith.constant 1 : i32
        %dma_wait3A_428 = arith.constant 0 : i32
        %dma_wait3A_429 = arith.constant 0 : i32
        %dma_wait3A_430 = tpu.memref_slice %arg12[%dma_wait3A_427, %dma_wait3A_428, %dma_wait3A_429] : memref<2x32x128xf32, #tpu.memory_space<vmem>> -> memref<1x32x128xf32, #tpu.memory_space<vmem>>
        %dma_wait3A_431 = tpu.memref_squeeze %dma_wait3A_430 : memref<1x32x128xf32, #tpu.memory_space<vmem>> -> memref<32x128xf32, #tpu.memory_space<vmem>>
        %dma_wait3A_432 = arith.constant 0 : i32
        %dma_wait3A_433 = arith.constant 0 : i32
        %dma_wait3A_434 = tpu.memref_slice %arg7[%dma_wait3A_432, %dma_wait3A_433] : memref<16384x128xf32, #tpu.memory_space<hbm>> -> memref<32x128xf32, #tpu.memory_space<hbm>>
        %dma_wait3A_435 = arith.constant 0 : i32
        %dma_wait3A_436 = arith.constant 0 : i32
        %dma_wait3A_437 = tpu.memref_slice %arg7[%dma_wait3A_435, %dma_wait3A_436] : memref<16384x128xf32, #tpu.memory_space<hbm>> -> memref<32x128xf32, #tpu.memory_space<hbm>>
        %dma_wait3A_438 = arith.constant 0 : i32
        %dma_wait3A_439 = arith.constant 0 : i32
        %dma_wait3A_440 = tpu.memref_slice %arg12[%dma_wait3A_427, %dma_wait3A_438, %dma_wait3A_439] : memref<2x32x128xf32, #tpu.memory_space<vmem>> -> memref<1x32x128xf32, #tpu.memory_space<vmem>>
        %dma_wait3A_441 = tpu.memref_squeeze %dma_wait3A_440 : memref<1x32x128xf32, #tpu.memory_space<vmem>> -> memref<32x128xf32, #tpu.memory_space<vmem>>
        tpu.wait_dma2 semaphore(%arg19 : memref<!tpu.dma_semaphore, #tpu.memory_space<semaphore_mem>>) src(%dma_wait3A_441 : memref<32x128xf32, #tpu.memory_space<vmem>>) dst(%dma_wait3A_437 : memref<32x128xf32, #tpu.memory_space<hbm>>)
      } else {
      }
      %parallel_loop3A_406 = arith.constant 0 : i32
      %parallel_loop3A_407 = arith.constant 32 : i32
      %parallel_loop3A_408 = arith.constant 1 : i32
      scf.for %parallel_loop3A_427 = %parallel_loop3A_406 to %parallel_loop3A_407 step %parallel_loop3A_408  : i32 {
        %parallel_loop3A_428 = arith.constant 0 : i32
        %parallel_loop3A_429 = arith.addi %parallel_loop3A_428, %parallel_loop3A_427 : i32
        %parallel_loop3A_430 = arith.constant 1 : i32
        %parallel_loop3A_431 = arith.index_cast %parallel_loop3A_430 : i32 to index
        %parallel_loop3A_432 = arith.index_cast %parallel_loop3A_429 : i32 to index
        %parallel_loop3A_433 = arith.constant 0 : index
        %parallel_loop3A_434 = tpu.vector_load %arg10[%parallel_loop3A_431, %parallel_loop3A_432, %parallel_loop3A_433] {strides = array<i32>} : memref<2x640x64xf32, #tpu.memory_space<vmem>>, vector<1x1x16xf32>,
        %parallel_loop3A_435 = vector.shape_cast %parallel_loop3A_434 : vector<1x1x16xf32> to vector<16xf32>
        %parallel_loop3A_436 = arith.constant 32 : i32
        %parallel_loop3A_437 = arith.addi %parallel_loop3A_436, %parallel_loop3A_427 : i32
        %parallel_loop3A_438 = arith.constant 1 : i32
        %parallel_loop3A_439 = arith.index_cast %parallel_loop3A_438 : i32 to index
        %parallel_loop3A_440 = arith.index_cast %parallel_loop3A_437 : i32 to index
        %parallel_loop3A_441 = arith.constant 0 : index
        %parallel_loop3A_442 = tpu.vector_load %arg10[%parallel_loop3A_439, %parallel_loop3A_440, %parallel_loop3A_441] {strides = array<i32>} : memref<2x640x64xf32, #tpu.memory_space<vmem>>, vector<1x1x16xf32>,
        %parallel_loop3A_443 = vector.shape_cast %parallel_loop3A_442 : vector<1x1x16xf32> to vector<16xf32>
        %parallel_loop3A_444 = arith.constant 64 : i32
        %parallel_loop3A_445 = arith.addi %parallel_loop3A_444, %parallel_loop3A_427 : i32
        %parallel_loop3A_446 = arith.constant 1 : i32
        %parallel_loop3A_447 = arith.index_cast %parallel_loop3A_446 : i32 to index
        %parallel_loop3A_448 = arith.index_cast %parallel_loop3A_445 : i32 to index
        %parallel_loop3A_449 = arith.constant 0 : index
        %parallel_loop3A_450 = tpu.vector_load %arg10[%parallel_loop3A_447, %parallel_loop3A_448, %parallel_loop3A_449] {strides = array<i32>} : memref<2x640x64xf32, #tpu.memory_space<vmem>>, vector<1x1x16xf32>,
        %parallel_loop3A_451 = vector.shape_cast %parallel_loop3A_450 : vector<1x1x16xf32> to vector<16xf32>
        %parallel_loop3A_452 = arith.constant 96 : i32
        %parallel_loop3A_453 = arith.addi %parallel_loop3A_452, %parallel_loop3A_427 : i32
        %parallel_loop3A_454 = arith.constant 1 : i32
        %parallel_loop3A_455 = arith.index_cast %parallel_loop3A_454 : i32 to index
        %parallel_loop3A_456 = arith.index_cast %parallel_loop3A_453 : i32 to index
        %parallel_loop3A_457 = arith.constant 0 : index
        %parallel_loop3A_458 = tpu.vector_load %arg10[%parallel_loop3A_455, %parallel_loop3A_456, %parallel_loop3A_457] {strides = array<i32>} : memref<2x640x64xf32, #tpu.memory_space<vmem>>, vector<1x1x16xf32>,
        %parallel_loop3A_459 = vector.shape_cast %parallel_loop3A_458 : vector<1x1x16xf32> to vector<16xf32>
        %parallel_loop3A_460 = arith.constant 128 : i32
        %parallel_loop3A_461 = arith.addi %parallel_loop3A_460, %parallel_loop3A_427 : i32
        %parallel_loop3A_462 = arith.constant 1 : i32
        %parallel_loop3A_463 = arith.index_cast %parallel_loop3A_462 : i32 to index
        %parallel_loop3A_464 = arith.index_cast %parallel_loop3A_461 : i32 to index
        %parallel_loop3A_465 = arith.constant 0 : index
        %parallel_loop3A_466 = tpu.vector_load %arg10[%parallel_loop3A_463, %parallel_loop3A_464, %parallel_loop3A_465] {strides = array<i32>} : memref<2x640x64xf32, #tpu.memory_space<vmem>>, vector<1x1x16xf32>,
        %parallel_loop3A_467 = vector.shape_cast %parallel_loop3A_466 : vector<1x1x16xf32> to vector<16xf32>
        %parallel_loop3A_468 = arith.constant 160 : i32
        %parallel_loop3A_469 = arith.addi %parallel_loop3A_468, %parallel_loop3A_427 : i32
        %parallel_loop3A_470 = arith.constant 1 : i32
        %parallel_loop3A_471 = arith.index_cast %parallel_loop3A_470 : i32 to index
        %parallel_loop3A_472 = arith.index_cast %parallel_loop3A_469 : i32 to index
        %parallel_loop3A_473 = arith.constant 0 : index
        %parallel_loop3A_474 = tpu.vector_load %arg10[%parallel_loop3A_471, %parallel_loop3A_472, %parallel_loop3A_473] {strides = array<i32>} : memref<2x640x64xf32, #tpu.memory_space<vmem>>, vector<1x1x16xf32>,
        %parallel_loop3A_475 = vector.shape_cast %parallel_loop3A_474 : vector<1x1x16xf32> to vector<16xf32>
        %parallel_loop3A_476 = arith.constant 192 : i32
        %parallel_loop3A_477 = arith.addi %parallel_loop3A_476, %parallel_loop3A_427 : i32
        %parallel_loop3A_478 = arith.constant 1 : i32
        %parallel_loop3A_479 = arith.index_cast %parallel_loop3A_478 : i32 to index
        %parallel_loop3A_480 = arith.index_cast %parallel_loop3A_477 : i32 to index
        %parallel_loop3A_481 = arith.constant 0 : index
        %parallel_loop3A_482 = tpu.vector_load %arg10[%parallel_loop3A_479, %parallel_loop3A_480, %parallel_loop3A_481] {strides = array<i32>} : memref<2x640x64xf32, #tpu.memory_space<vmem>>, vector<1x1x16xf32>,
        %parallel_loop3A_483 = vector.shape_cast %parallel_loop3A_482 : vector<1x1x16xf32> to vector<16xf32>
        %parallel_loop3A_484 = arith.constant 224 : i32
        %parallel_loop3A_485 = arith.addi %parallel_loop3A_484, %parallel_loop3A_427 : i32
        %parallel_loop3A_486 = arith.constant 1 : i32
        %parallel_loop3A_487 = arith.index_cast %parallel_loop3A_486 : i32 to index
        %parallel_loop3A_488 = arith.index_cast %parallel_loop3A_485 : i32 to index
        %parallel_loop3A_489 = arith.constant 0 : index
        %parallel_loop3A_490 = tpu.vector_load %arg10[%parallel_loop3A_487, %parallel_loop3A_488, %parallel_loop3A_489] {strides = array<i32>} : memref<2x640x64xf32, #tpu.memory_space<vmem>>, vector<1x1x16xf32>,
        %parallel_loop3A_491 = vector.shape_cast %parallel_loop3A_490 : vector<1x1x16xf32> to vector<16xf32>
        %parallel_loop3A_492 = arith.constant 256 : i32
        %parallel_loop3A_493 = arith.addi %parallel_loop3A_492, %parallel_loop3A_427 : i32
        %parallel_loop3A_494 = arith.constant 1 : i32
        %parallel_loop3A_495 = arith.index_cast %parallel_loop3A_494 : i32 to index
        %parallel_loop3A_496 = arith.index_cast %parallel_loop3A_493 : i32 to index
        %parallel_loop3A_497 = arith.constant 0 : index
        %parallel_loop3A_498 = tpu.vector_load %arg10[%parallel_loop3A_495, %parallel_loop3A_496, %parallel_loop3A_497] {strides = array<i32>} : memref<2x640x64xf32, #tpu.memory_space<vmem>>, vector<1x1x16xf32>,
        %parallel_loop3A_499 = vector.shape_cast %parallel_loop3A_498 : vector<1x1x16xf32> to vector<16xf32>
        %parallel_loop3A_500 = arith.constant 288 : i32
        %parallel_loop3A_501 = arith.addi %parallel_loop3A_500, %parallel_loop3A_427 : i32
        %parallel_loop3A_502 = arith.constant 1 : i32
        %parallel_loop3A_503 = arith.index_cast %parallel_loop3A_502 : i32 to index
        %parallel_loop3A_504 = arith.index_cast %parallel_loop3A_501 : i32 to index
        %parallel_loop3A_505 = arith.constant 0 : index
        %parallel_loop3A_506 = tpu.vector_load %arg10[%parallel_loop3A_503, %parallel_loop3A_504, %parallel_loop3A_505] {strides = array<i32>} : memref<2x640x64xf32, #tpu.memory_space<vmem>>, vector<1x1x16xf32>,
        %parallel_loop3A_507 = vector.shape_cast %parallel_loop3A_506 : vector<1x1x16xf32> to vector<16xf32>
        %parallel_loop3A_508 = arith.constant 320 : i32
        %parallel_loop3A_509 = arith.addi %parallel_loop3A_508, %parallel_loop3A_427 : i32
        %parallel_loop3A_510 = arith.constant 1 : i32
        %parallel_loop3A_511 = arith.index_cast %parallel_loop3A_510 : i32 to index
        %parallel_loop3A_512 = arith.index_cast %parallel_loop3A_509 : i32 to index
        %parallel_loop3A_513 = arith.constant 0 : index
        %parallel_loop3A_514 = tpu.vector_load %arg10[%parallel_loop3A_511, %parallel_loop3A_512, %parallel_loop3A_513] {strides = array<i32>} : memref<2x640x64xf32, #tpu.memory_space<vmem>>, vector<1x1x16xf32>,
        %parallel_loop3A_515 = vector.shape_cast %parallel_loop3A_514 : vector<1x1x16xf32> to vector<16xf32>
        %parallel_loop3A_516 = arith.constant 352 : i32
        %parallel_loop3A_517 = arith.addi %parallel_loop3A_516, %parallel_loop3A_427 : i32
        %parallel_loop3A_518 = arith.constant 1 : i32
        %parallel_loop3A_519 = arith.index_cast %parallel_loop3A_518 : i32 to index
        %parallel_loop3A_520 = arith.index_cast %parallel_loop3A_517 : i32 to index
        %parallel_loop3A_521 = arith.constant 0 : index
        %parallel_loop3A_522 = tpu.vector_load %arg10[%parallel_loop3A_519, %parallel_loop3A_520, %parallel_loop3A_521] {strides = array<i32>} : memref<2x640x64xf32, #tpu.memory_space<vmem>>, vector<1x1x16xf32>,
        %parallel_loop3A_523 = vector.shape_cast %parallel_loop3A_522 : vector<1x1x16xf32> to vector<16xf32>
        %parallel_loop3A_524 = arith.constant 384 : i32
        %parallel_loop3A_525 = arith.addi %parallel_loop3A_524, %parallel_loop3A_427 : i32
        %parallel_loop3A_526 = arith.constant 1 : i32
        %parallel_loop3A_527 = arith.index_cast %parallel_loop3A_526 : i32 to index
        %parallel_loop3A_528 = arith.index_cast %parallel_loop3A_525 : i32 to index
        %parallel_loop3A_529 = arith.constant 0 : index
        %parallel_loop3A_530 = tpu.vector_load %arg10[%parallel_loop3A_527, %parallel_loop3A_528, %parallel_loop3A_529] {strides = array<i32>} : memref<2x640x64xf32, #tpu.memory_space<vmem>>, vector<1x1x16xf32>,
        %parallel_loop3A_531 = vector.shape_cast %parallel_loop3A_530 : vector<1x1x16xf32> to vector<16xf32>
        %parallel_loop3A_532 = arith.constant 416 : i32
        %parallel_loop3A_533 = arith.addi %parallel_loop3A_532, %parallel_loop3A_427 : i32
        %parallel_loop3A_534 = arith.constant 1 : i32
        %parallel_loop3A_535 = arith.index_cast %parallel_loop3A_534 : i32 to index
        %parallel_loop3A_536 = arith.index_cast %parallel_loop3A_533 : i32 to index
        %parallel_loop3A_537 = arith.constant 0 : index
        %parallel_loop3A_538 = tpu.vector_load %arg10[%parallel_loop3A_535, %parallel_loop3A_536, %parallel_loop3A_537] {strides = array<i32>} : memref<2x640x64xf32, #tpu.memory_space<vmem>>, vector<1x1x16xf32>,
        %parallel_loop3A_539 = vector.shape_cast %parallel_loop3A_538 : vector<1x1x16xf32> to vector<16xf32>
        %parallel_loop3A_540 = arith.constant 448 : i32
        %parallel_loop3A_541 = arith.addi %parallel_loop3A_540, %parallel_loop3A_427 : i32
        %parallel_loop3A_542 = arith.constant 1 : i32
        %parallel_loop3A_543 = arith.index_cast %parallel_loop3A_542 : i32 to index
        %parallel_loop3A_544 = arith.index_cast %parallel_loop3A_541 : i32 to index
        %parallel_loop3A_545 = arith.constant 0 : index
        %parallel_loop3A_546 = tpu.vector_load %arg10[%parallel_loop3A_543, %parallel_loop3A_544, %parallel_loop3A_545] {strides = array<i32>} : memref<2x640x64xf32, #tpu.memory_space<vmem>>, vector<1x1x16xf32>,
        %parallel_loop3A_547 = vector.shape_cast %parallel_loop3A_546 : vector<1x1x16xf32> to vector<16xf32>
        %parallel_loop3A_548 = arith.constant 480 : i32
        %parallel_loop3A_549 = arith.addi %parallel_loop3A_548, %parallel_loop3A_427 : i32
        %parallel_loop3A_550 = arith.constant 1 : i32
        %parallel_loop3A_551 = arith.index_cast %parallel_loop3A_550 : i32 to index
        %parallel_loop3A_552 = arith.index_cast %parallel_loop3A_549 : i32 to index
        %parallel_loop3A_553 = arith.constant 0 : index
        %parallel_loop3A_554 = tpu.vector_load %arg10[%parallel_loop3A_551, %parallel_loop3A_552, %parallel_loop3A_553] {strides = array<i32>} : memref<2x640x64xf32, #tpu.memory_space<vmem>>, vector<1x1x16xf32>,
        %parallel_loop3A_555 = vector.shape_cast %parallel_loop3A_554 : vector<1x1x16xf32> to vector<16xf32>
        %parallel_loop3A_556 = arith.constant 512 : i32
        %parallel_loop3A_557 = arith.addi %parallel_loop3A_556, %parallel_loop3A_427 : i32
        %parallel_loop3A_558 = arith.constant 1 : i32
        %parallel_loop3A_559 = arith.index_cast %parallel_loop3A_558 : i32 to index
        %parallel_loop3A_560 = arith.index_cast %parallel_loop3A_557 : i32 to index
        %parallel_loop3A_561 = arith.constant 0 : index
        %parallel_loop3A_562 = tpu.vector_load %arg10[%parallel_loop3A_559, %parallel_loop3A_560, %parallel_loop3A_561] {strides = array<i32>} : memref<2x640x64xf32, #tpu.memory_space<vmem>>, vector<1x1x16xf32>,
        %parallel_loop3A_563 = vector.shape_cast %parallel_loop3A_562 : vector<1x1x16xf32> to vector<16xf32>
        %parallel_loop3A_564 = arith.constant 544 : i32
        %parallel_loop3A_565 = arith.addi %parallel_loop3A_564, %parallel_loop3A_427 : i32
        %parallel_loop3A_566 = arith.constant 1 : i32
        %parallel_loop3A_567 = arith.index_cast %parallel_loop3A_566 : i32 to index
        %parallel_loop3A_568 = arith.index_cast %parallel_loop3A_565 : i32 to index
        %parallel_loop3A_569 = arith.constant 0 : index
        %parallel_loop3A_570 = tpu.vector_load %arg10[%parallel_loop3A_567, %parallel_loop3A_568, %parallel_loop3A_569] {strides = array<i32>} : memref<2x640x64xf32, #tpu.memory_space<vmem>>, vector<1x1x16xf32>,
        %parallel_loop3A_571 = vector.shape_cast %parallel_loop3A_570 : vector<1x1x16xf32> to vector<16xf32>
        %parallel_loop3A_572 = arith.constant 576 : i32
        %parallel_loop3A_573 = arith.addi %parallel_loop3A_572, %parallel_loop3A_427 : i32
        %parallel_loop3A_574 = arith.constant 1 : i32
        %parallel_loop3A_575 = arith.index_cast %parallel_loop3A_574 : i32 to index
        %parallel_loop3A_576 = arith.index_cast %parallel_loop3A_573 : i32 to index
        %parallel_loop3A_577 = arith.constant 0 : index
        %parallel_loop3A_578 = tpu.vector_load %arg10[%parallel_loop3A_575, %parallel_loop3A_576, %parallel_loop3A_577] {strides = array<i32>} : memref<2x640x64xf32, #tpu.memory_space<vmem>>, vector<1x1x16xf32>,
        %parallel_loop3A_579 = vector.shape_cast %parallel_loop3A_578 : vector<1x1x16xf32> to vector<16xf32>
        %parallel_loop3A_580 = arith.constant 608 : i32
        %parallel_loop3A_581 = arith.addi %parallel_loop3A_580, %parallel_loop3A_427 : i32
        %parallel_loop3A_582 = arith.constant 1 : i32
        %parallel_loop3A_583 = arith.index_cast %parallel_loop3A_582 : i32 to index
        %parallel_loop3A_584 = arith.index_cast %parallel_loop3A_581 : i32 to index
        %parallel_loop3A_585 = arith.constant 0 : index
        %parallel_loop3A_586 = tpu.vector_load %arg10[%parallel_loop3A_583, %parallel_loop3A_584, %parallel_loop3A_585] {strides = array<i32>} : memref<2x640x64xf32, #tpu.memory_space<vmem>>, vector<1x1x16xf32>,
        %parallel_loop3A_587 = vector.shape_cast %parallel_loop3A_586 : vector<1x1x16xf32> to vector<16xf32>
        %parallel_loop3A_588 = arith.addf %parallel_loop3A_435, %parallel_loop3A_443 : vector<16xf32>
        %parallel_loop3A_589 = arith.addf %parallel_loop3A_451, %parallel_loop3A_459 : vector<16xf32>
        %parallel_loop3A_590 = arith.addf %parallel_loop3A_467, %parallel_loop3A_475 : vector<16xf32>
        %parallel_loop3A_591 = arith.addf %parallel_loop3A_483, %parallel_loop3A_491 : vector<16xf32>
        %parallel_loop3A_592 = arith.addf %parallel_loop3A_499, %parallel_loop3A_507 : vector<16xf32>
        %parallel_loop3A_593 = arith.addf %parallel_loop3A_515, %parallel_loop3A_523 : vector<16xf32>
        %parallel_loop3A_594 = arith.addf %parallel_loop3A_531, %parallel_loop3A_539 : vector<16xf32>
        %parallel_loop3A_595 = arith.addf %parallel_loop3A_547, %parallel_loop3A_555 : vector<16xf32>
        %parallel_loop3A_596 = arith.addf %parallel_loop3A_563, %parallel_loop3A_571 : vector<16xf32>
        %parallel_loop3A_597 = arith.addf %parallel_loop3A_579, %parallel_loop3A_587 : vector<16xf32>
        %parallel_loop3A_598 = arith.addf %parallel_loop3A_588, %parallel_loop3A_589 : vector<16xf32>
        %parallel_loop3A_599 = arith.addf %parallel_loop3A_590, %parallel_loop3A_591 : vector<16xf32>
        %parallel_loop3A_600 = arith.addf %parallel_loop3A_592, %parallel_loop3A_593 : vector<16xf32>
        %parallel_loop3A_601 = arith.addf %parallel_loop3A_594, %parallel_loop3A_595 : vector<16xf32>
        %parallel_loop3A_602 = arith.addf %parallel_loop3A_596, %parallel_loop3A_597 : vector<16xf32>
        %parallel_loop3A_603 = arith.addf %parallel_loop3A_598, %parallel_loop3A_599 : vector<16xf32>
        %parallel_loop3A_604 = arith.addf %parallel_loop3A_600, %parallel_loop3A_601 : vector<16xf32>
        %parallel_loop3A_605 = arith.addf %parallel_loop3A_603, %parallel_loop3A_604 : vector<16xf32>
        %parallel_loop3A_606 = arith.addf %parallel_loop3A_605, %parallel_loop3A_602 : vector<16xf32>
        %parallel_loop3A_607 = arith.constant 1 : i32
        %parallel_loop3A_608 = arith.index_cast %parallel_loop3A_607 : i32 to index
        %parallel_loop3A_609 = arith.index_cast %parallel_loop3A_427 : i32 to index
        %parallel_loop3A_610 = arith.constant 0 : index
        %parallel_loop3A_611 = tpu.vector_load %arg11[%parallel_loop3A_608, %parallel_loop3A_609, %parallel_loop3A_610] {strides = array<i32>} : memref<2x32x64xf32, #tpu.memory_space<vmem>>, vector<1x1x16xf32>,
        %parallel_loop3A_612 = vector.shape_cast %parallel_loop3A_611 : vector<1x1x16xf32> to vector<16xf32>
        %parallel_loop3A_613 = arith.mulf %parallel_loop3A_612, %get3A_4 : vector<16xf32>
        %parallel_loop3A_614 = arith.constant 1 : i32
        %parallel_loop3A_615 = arith.index_cast %parallel_loop3A_614 : i32 to index
        %parallel_loop3A_616 = arith.index_cast %parallel_loop3A_427 : i32 to index
        %parallel_loop3A_617 = arith.constant 0 : index
        %parallel_loop3A_618 = tpu.vector_load %arg12[%parallel_loop3A_615, %parallel_loop3A_616, %parallel_loop3A_617] {strides = array<i32>} : memref<2x32x128xf32, #tpu.memory_space<vmem>>, vector<1x1x16xf32>,
        %parallel_loop3A_619 = vector.shape_cast %parallel_loop3A_618 : vector<1x1x16xf32> to vector<16xf32>
        %parallel_loop3A_620 = vector.shape_cast %parallel_loop3A_613 : vector<16xf32> to vector<1x1x16xf32>
        tpu.vector_store %arg12[%parallel_loop3A_615, %parallel_loop3A_616, %parallel_loop3A_617], %parallel_loop3A_620 {strides = array<i32>} : memref<2x32x128xf32, #tpu.memory_space<vmem>>, vector<1x1x16xf32>,
        %parallel_loop3A_621 = arith.mulf %parallel_loop3A_606, %get3A_9 : vector<16xf32>
        %parallel_loop3A_622 = arith.constant 1 : i32
        %parallel_loop3A_623 = arith.index_cast %parallel_loop3A_622 : i32 to index
        %parallel_loop3A_624 = arith.index_cast %parallel_loop3A_427 : i32 to index
        %parallel_loop3A_625 = arith.constant 64 : index
        %parallel_loop3A_626 = tpu.vector_load %arg12[%parallel_loop3A_623, %parallel_loop3A_624, %parallel_loop3A_625] {strides = array<i32>} : memref<2x32x128xf32, #tpu.memory_space<vmem>>, vector<1x1x16xf32>,
        %parallel_loop3A_627 = vector.shape_cast %parallel_loop3A_626 : vector<1x1x16xf32> to vector<16xf32>
        %parallel_loop3A_628 = vector.shape_cast %parallel_loop3A_621 : vector<16xf32> to vector<1x1x16xf32>
        tpu.vector_store %arg12[%parallel_loop3A_623, %parallel_loop3A_624, %parallel_loop3A_625], %parallel_loop3A_628 {strides = array<i32>} : memref<2x32x128xf32, #tpu.memory_space<vmem>>, vector<1x1x16xf32>,
        %parallel_loop3A_629 = arith.constant 0 : i32
        %parallel_loop3A_630 = arith.addi %parallel_loop3A_629, %parallel_loop3A_427 : i32
        %parallel_loop3A_631 = arith.constant 1 : i32
        %parallel_loop3A_632 = arith.index_cast %parallel_loop3A_631 : i32 to index
        %parallel_loop3A_633 = arith.index_cast %parallel_loop3A_630 : i32 to index
        %parallel_loop3A_634 = arith.constant 16 : index
        %parallel_loop3A_635 = tpu.vector_load %arg10[%parallel_loop3A_632, %parallel_loop3A_633, %parallel_loop3A_634] {strides = array<i32>} : memref<2x640x64xf32, #tpu.memory_space<vmem>>, vector<1x1x16xf32>,
        %parallel_loop3A_636 = vector.shape_cast %parallel_loop3A_635 : vector<1x1x16xf32> to vector<16xf32>
        %parallel_loop3A_637 = arith.constant 32 : i32
        %parallel_loop3A_638 = arith.addi %parallel_loop3A_637, %parallel_loop3A_427 : i32
        %parallel_loop3A_639 = arith.constant 1 : i32
        %parallel_loop3A_640 = arith.index_cast %parallel_loop3A_639 : i32 to index
        %parallel_loop3A_641 = arith.index_cast %parallel_loop3A_638 : i32 to index
        %parallel_loop3A_642 = arith.constant 16 : index
        %parallel_loop3A_643 = tpu.vector_load %arg10[%parallel_loop3A_640, %parallel_loop3A_641, %parallel_loop3A_642] {strides = array<i32>} : memref<2x640x64xf32, #tpu.memory_space<vmem>>, vector<1x1x16xf32>,
        %parallel_loop3A_644 = vector.shape_cast %parallel_loop3A_643 : vector<1x1x16xf32> to vector<16xf32>
        %parallel_loop3A_645 = arith.constant 64 : i32
        %parallel_loop3A_646 = arith.addi %parallel_loop3A_645, %parallel_loop3A_427 : i32
        %parallel_loop3A_647 = arith.constant 1 : i32
        %parallel_loop3A_648 = arith.index_cast %parallel_loop3A_647 : i32 to index
        %parallel_loop3A_649 = arith.index_cast %parallel_loop3A_646 : i32 to index
        %parallel_loop3A_650 = arith.constant 16 : index
        %parallel_loop3A_651 = tpu.vector_load %arg10[%parallel_loop3A_648, %parallel_loop3A_649, %parallel_loop3A_650] {strides = array<i32>} : memref<2x640x64xf32, #tpu.memory_space<vmem>>, vector<1x1x16xf32>,
        %parallel_loop3A_652 = vector.shape_cast %parallel_loop3A_651 : vector<1x1x16xf32> to vector<16xf32>
        %parallel_loop3A_653 = arith.constant 96 : i32
        %parallel_loop3A_654 = arith.addi %parallel_loop3A_653, %parallel_loop3A_427 : i32
        %parallel_loop3A_655 = arith.constant 1 : i32
        %parallel_loop3A_656 = arith.index_cast %parallel_loop3A_655 : i32 to index
        %parallel_loop3A_657 = arith.index_cast %parallel_loop3A_654 : i32 to index
        %parallel_loop3A_658 = arith.constant 16 : index
        %parallel_loop3A_659 = tpu.vector_load %arg10[%parallel_loop3A_656, %parallel_loop3A_657, %parallel_loop3A_658] {strides = array<i32>} : memref<2x640x64xf32, #tpu.memory_space<vmem>>, vector<1x1x16xf32>,
        %parallel_loop3A_660 = vector.shape_cast %parallel_loop3A_659 : vector<1x1x16xf32> to vector<16xf32>
        %parallel_loop3A_661 = arith.constant 128 : i32
        %parallel_loop3A_662 = arith.addi %parallel_loop3A_661, %parallel_loop3A_427 : i32
        %parallel_loop3A_663 = arith.constant 1 : i32
        %parallel_loop3A_664 = arith.index_cast %parallel_loop3A_663 : i32 to index
        %parallel_loop3A_665 = arith.index_cast %parallel_loop3A_662 : i32 to index
        %parallel_loop3A_666 = arith.constant 16 : index
        %parallel_loop3A_667 = tpu.vector_load %arg10[%parallel_loop3A_664, %parallel_loop3A_665, %parallel_loop3A_666] {strides = array<i32>} : memref<2x640x64xf32, #tpu.memory_space<vmem>>, vector<1x1x16xf32>,
        %parallel_loop3A_668 = vector.shape_cast %parallel_loop3A_667 : vector<1x1x16xf32> to vector<16xf32>
        %parallel_loop3A_669 = arith.constant 160 : i32
        %parallel_loop3A_670 = arith.addi %parallel_loop3A_669, %parallel_loop3A_427 : i32
        %parallel_loop3A_671 = arith.constant 1 : i32
        %parallel_loop3A_672 = arith.index_cast %parallel_loop3A_671 : i32 to index
        %parallel_loop3A_673 = arith.index_cast %parallel_loop3A_670 : i32 to index
        %parallel_loop3A_674 = arith.constant 16 : index
        %parallel_loop3A_675 = tpu.vector_load %arg10[%parallel_loop3A_672, %parallel_loop3A_673, %parallel_loop3A_674] {strides = array<i32>} : memref<2x640x64xf32, #tpu.memory_space<vmem>>, vector<1x1x16xf32>,
        %parallel_loop3A_676 = vector.shape_cast %parallel_loop3A_675 : vector<1x1x16xf32> to vector<16xf32>
        %parallel_loop3A_677 = arith.constant 192 : i32
        %parallel_loop3A_678 = arith.addi %parallel_loop3A_677, %parallel_loop3A_427 : i32
        %parallel_loop3A_679 = arith.constant 1 : i32
        %parallel_loop3A_680 = arith.index_cast %parallel_loop3A_679 : i32 to index
        %parallel_loop3A_681 = arith.index_cast %parallel_loop3A_678 : i32 to index
        %parallel_loop3A_682 = arith.constant 16 : index
        %parallel_loop3A_683 = tpu.vector_load %arg10[%parallel_loop3A_680, %parallel_loop3A_681, %parallel_loop3A_682] {strides = array<i32>} : memref<2x640x64xf32, #tpu.memory_space<vmem>>, vector<1x1x16xf32>,
        %parallel_loop3A_684 = vector.shape_cast %parallel_loop3A_683 : vector<1x1x16xf32> to vector<16xf32>
        %parallel_loop3A_685 = arith.constant 224 : i32
        %parallel_loop3A_686 = arith.addi %parallel_loop3A_685, %parallel_loop3A_427 : i32
        %parallel_loop3A_687 = arith.constant 1 : i32
        %parallel_loop3A_688 = arith.index_cast %parallel_loop3A_687 : i32 to index
        %parallel_loop3A_689 = arith.index_cast %parallel_loop3A_686 : i32 to index
        %parallel_loop3A_690 = arith.constant 16 : index
        %parallel_loop3A_691 = tpu.vector_load %arg10[%parallel_loop3A_688, %parallel_loop3A_689, %parallel_loop3A_690] {strides = array<i32>} : memref<2x640x64xf32, #tpu.memory_space<vmem>>, vector<1x1x16xf32>,
        %parallel_loop3A_692 = vector.shape_cast %parallel_loop3A_691 : vector<1x1x16xf32> to vector<16xf32>
        %parallel_loop3A_693 = arith.constant 256 : i32
        %parallel_loop3A_694 = arith.addi %parallel_loop3A_693, %parallel_loop3A_427 : i32
        %parallel_loop3A_695 = arith.constant 1 : i32
        %parallel_loop3A_696 = arith.index_cast %parallel_loop3A_695 : i32 to index
        %parallel_loop3A_697 = arith.index_cast %parallel_loop3A_694 : i32 to index
        %parallel_loop3A_698 = arith.constant 16 : index
        %parallel_loop3A_699 = tpu.vector_load %arg10[%parallel_loop3A_696, %parallel_loop3A_697, %parallel_loop3A_698] {strides = array<i32>} : memref<2x640x64xf32, #tpu.memory_space<vmem>>, vector<1x1x16xf32>,
        %parallel_loop3A_700 = vector.shape_cast %parallel_loop3A_699 : vector<1x1x16xf32> to vector<16xf32>
        %parallel_loop3A_701 = arith.constant 288 : i32
        %parallel_loop3A_702 = arith.addi %parallel_loop3A_701, %parallel_loop3A_427 : i32
        %parallel_loop3A_703 = arith.constant 1 : i32
        %parallel_loop3A_704 = arith.index_cast %parallel_loop3A_703 : i32 to index
        %parallel_loop3A_705 = arith.index_cast %parallel_loop3A_702 : i32 to index
        %parallel_loop3A_706 = arith.constant 16 : index
        %parallel_loop3A_707 = tpu.vector_load %arg10[%parallel_loop3A_704, %parallel_loop3A_705, %parallel_loop3A_706] {strides = array<i32>} : memref<2x640x64xf32, #tpu.memory_space<vmem>>, vector<1x1x16xf32>,
        %parallel_loop3A_708 = vector.shape_cast %parallel_loop3A_707 : vector<1x1x16xf32> to vector<16xf32>
        %parallel_loop3A_709 = arith.constant 320 : i32
        %parallel_loop3A_710 = arith.addi %parallel_loop3A_709, %parallel_loop3A_427 : i32
        %parallel_loop3A_711 = arith.constant 1 : i32
        %parallel_loop3A_712 = arith.index_cast %parallel_loop3A_711 : i32 to index
        %parallel_loop3A_713 = arith.index_cast %parallel_loop3A_710 : i32 to index
        %parallel_loop3A_714 = arith.constant 16 : index
        %parallel_loop3A_715 = tpu.vector_load %arg10[%parallel_loop3A_712, %parallel_loop3A_713, %parallel_loop3A_714] {strides = array<i32>} : memref<2x640x64xf32, #tpu.memory_space<vmem>>, vector<1x1x16xf32>,
        %parallel_loop3A_716 = vector.shape_cast %parallel_loop3A_715 : vector<1x1x16xf32> to vector<16xf32>
        %parallel_loop3A_717 = arith.constant 352 : i32
        %parallel_loop3A_718 = arith.addi %parallel_loop3A_717, %parallel_loop3A_427 : i32
        %parallel_loop3A_719 = arith.constant 1 : i32
        %parallel_loop3A_720 = arith.index_cast %parallel_loop3A_719 : i32 to index
        %parallel_loop3A_721 = arith.index_cast %parallel_loop3A_718 : i32 to index
        %parallel_loop3A_722 = arith.constant 16 : index
        %parallel_loop3A_723 = tpu.vector_load %arg10[%parallel_loop3A_720, %parallel_loop3A_721, %parallel_loop3A_722] {strides = array<i32>} : memref<2x640x64xf32, #tpu.memory_space<vmem>>, vector<1x1x16xf32>,
        %parallel_loop3A_724 = vector.shape_cast %parallel_loop3A_723 : vector<1x1x16xf32> to vector<16xf32>
        %parallel_loop3A_725 = arith.constant 384 : i32
        %parallel_loop3A_726 = arith.addi %parallel_loop3A_725, %parallel_loop3A_427 : i32
        %parallel_loop3A_727 = arith.constant 1 : i32
        %parallel_loop3A_728 = arith.index_cast %parallel_loop3A_727 : i32 to index
        %parallel_loop3A_729 = arith.index_cast %parallel_loop3A_726 : i32 to index
        %parallel_loop3A_730 = arith.constant 16 : index
        %parallel_loop3A_731 = tpu.vector_load %arg10[%parallel_loop3A_728, %parallel_loop3A_729, %parallel_loop3A_730] {strides = array<i32>} : memref<2x640x64xf32, #tpu.memory_space<vmem>>, vector<1x1x16xf32>,
        %parallel_loop3A_732 = vector.shape_cast %parallel_loop3A_731 : vector<1x1x16xf32> to vector<16xf32>
        %parallel_loop3A_733 = arith.constant 416 : i32
        %parallel_loop3A_734 = arith.addi %parallel_loop3A_733, %parallel_loop3A_427 : i32
        %parallel_loop3A_735 = arith.constant 1 : i32
        %parallel_loop3A_736 = arith.index_cast %parallel_loop3A_735 : i32 to index
        %parallel_loop3A_737 = arith.index_cast %parallel_loop3A_734 : i32 to index
        %parallel_loop3A_738 = arith.constant 16 : index
        %parallel_loop3A_739 = tpu.vector_load %arg10[%parallel_loop3A_736, %parallel_loop3A_737, %parallel_loop3A_738] {strides = array<i32>} : memref<2x640x64xf32, #tpu.memory_space<vmem>>, vector<1x1x16xf32>,
        %parallel_loop3A_740 = vector.shape_cast %parallel_loop3A_739 : vector<1x1x16xf32> to vector<16xf32>
        %parallel_loop3A_741 = arith.constant 448 : i32
        %parallel_loop3A_742 = arith.addi %parallel_loop3A_741, %parallel_loop3A_427 : i32
        %parallel_loop3A_743 = arith.constant 1 : i32
        %parallel_loop3A_744 = arith.index_cast %parallel_loop3A_743 : i32 to index
        %parallel_loop3A_745 = arith.index_cast %parallel_loop3A_742 : i32 to index
        %parallel_loop3A_746 = arith.constant 16 : index
        %parallel_loop3A_747 = tpu.vector_load %arg10[%parallel_loop3A_744, %parallel_loop3A_745, %parallel_loop3A_746] {strides = array<i32>} : memref<2x640x64xf32, #tpu.memory_space<vmem>>, vector<1x1x16xf32>,
        %parallel_loop3A_748 = vector.shape_cast %parallel_loop3A_747 : vector<1x1x16xf32> to vector<16xf32>
        %parallel_loop3A_749 = arith.constant 480 : i32
        %parallel_loop3A_750 = arith.addi %parallel_loop3A_749, %parallel_loop3A_427 : i32
        %parallel_loop3A_751 = arith.constant 1 : i32
        %parallel_loop3A_752 = arith.index_cast %parallel_loop3A_751 : i32 to index
        %parallel_loop3A_753 = arith.index_cast %parallel_loop3A_750 : i32 to index
        %parallel_loop3A_754 = arith.constant 16 : index
        %parallel_loop3A_755 = tpu.vector_load %arg10[%parallel_loop3A_752, %parallel_loop3A_753, %parallel_loop3A_754] {strides = array<i32>} : memref<2x640x64xf32, #tpu.memory_space<vmem>>, vector<1x1x16xf32>,
        %parallel_loop3A_756 = vector.shape_cast %parallel_loop3A_755 : vector<1x1x16xf32> to vector<16xf32>
        %parallel_loop3A_757 = arith.constant 512 : i32
        %parallel_loop3A_758 = arith.addi %parallel_loop3A_757, %parallel_loop3A_427 : i32
        %parallel_loop3A_759 = arith.constant 1 : i32
        %parallel_loop3A_760 = arith.index_cast %parallel_loop3A_759 : i32 to index
        %parallel_loop3A_761 = arith.index_cast %parallel_loop3A_758 : i32 to index
        %parallel_loop3A_762 = arith.constant 16 : index
        %parallel_loop3A_763 = tpu.vector_load %arg10[%parallel_loop3A_760, %parallel_loop3A_761, %parallel_loop3A_762] {strides = array<i32>} : memref<2x640x64xf32, #tpu.memory_space<vmem>>, vector<1x1x16xf32>,
        %parallel_loop3A_764 = vector.shape_cast %parallel_loop3A_763 : vector<1x1x16xf32> to vector<16xf32>
        %parallel_loop3A_765 = arith.constant 544 : i32
        %parallel_loop3A_766 = arith.addi %parallel_loop3A_765, %parallel_loop3A_427 : i32
        %parallel_loop3A_767 = arith.constant 1 : i32
        %parallel_loop3A_768 = arith.index_cast %parallel_loop3A_767 : i32 to index
        %parallel_loop3A_769 = arith.index_cast %parallel_loop3A_766 : i32 to index
        %parallel_loop3A_770 = arith.constant 16 : index
        %parallel_loop3A_771 = tpu.vector_load %arg10[%parallel_loop3A_768, %parallel_loop3A_769, %parallel_loop3A_770] {strides = array<i32>} : memref<2x640x64xf32, #tpu.memory_space<vmem>>, vector<1x1x16xf32>,
        %parallel_loop3A_772 = vector.shape_cast %parallel_loop3A_771 : vector<1x1x16xf32> to vector<16xf32>
        %parallel_loop3A_773 = arith.constant 576 : i32
        %parallel_loop3A_774 = arith.addi %parallel_loop3A_773, %parallel_loop3A_427 : i32
        %parallel_loop3A_775 = arith.constant 1 : i32
        %parallel_loop3A_776 = arith.index_cast %parallel_loop3A_775 : i32 to index
        %parallel_loop3A_777 = arith.index_cast %parallel_loop3A_774 : i32 to index
        %parallel_loop3A_778 = arith.constant 16 : index
        %parallel_loop3A_779 = tpu.vector_load %arg10[%parallel_loop3A_776, %parallel_loop3A_777, %parallel_loop3A_778] {strides = array<i32>} : memref<2x640x64xf32, #tpu.memory_space<vmem>>, vector<1x1x16xf32>,
        %parallel_loop3A_780 = vector.shape_cast %parallel_loop3A_779 : vector<1x1x16xf32> to vector<16xf32>
        %parallel_loop3A_781 = arith.constant 608 : i32
        %parallel_loop3A_782 = arith.addi %parallel_loop3A_781, %parallel_loop3A_427 : i32
        %parallel_loop3A_783 = arith.constant 1 : i32
        %parallel_loop3A_784 = arith.index_cast %parallel_loop3A_783 : i32 to index
        %parallel_loop3A_785 = arith.index_cast %parallel_loop3A_782 : i32 to index
        %parallel_loop3A_786 = arith.constant 16 : index
        %parallel_loop3A_787 = tpu.vector_load %arg10[%parallel_loop3A_784, %parallel_loop3A_785, %parallel_loop3A_786] {strides = array<i32>} : memref<2x640x64xf32, #tpu.memory_space<vmem>>, vector<1x1x16xf32>,
        %parallel_loop3A_788 = vector.shape_cast %parallel_loop3A_787 : vector<1x1x16xf32> to vector<16xf32>
        %parallel_loop3A_789 = arith.addf %parallel_loop3A_636, %parallel_loop3A_644 : vector<16xf32>
        %parallel_loop3A_790 = arith.addf %parallel_loop3A_652, %parallel_loop3A_660 : vector<16xf32>
        %parallel_loop3A_791 = arith.addf %parallel_loop3A_668, %parallel_loop3A_676 : vector<16xf32>
        %parallel_loop3A_792 = arith.addf %parallel_loop3A_684, %parallel_loop3A_692 : vector<16xf32>
        %parallel_loop3A_793 = arith.addf %parallel_loop3A_700, %parallel_loop3A_708 : vector<16xf32>
        %parallel_loop3A_794 = arith.addf %parallel_loop3A_716, %parallel_loop3A_724 : vector<16xf32>
        %parallel_loop3A_795 = arith.addf %parallel_loop3A_732, %parallel_loop3A_740 : vector<16xf32>
        %parallel_loop3A_796 = arith.addf %parallel_loop3A_748, %parallel_loop3A_756 : vector<16xf32>
        %parallel_loop3A_797 = arith.addf %parallel_loop3A_764, %parallel_loop3A_772 : vector<16xf32>
        %parallel_loop3A_798 = arith.addf %parallel_loop3A_780, %parallel_loop3A_788 : vector<16xf32>
        %parallel_loop3A_799 = arith.addf %parallel_loop3A_789, %parallel_loop3A_790 : vector<16xf32>
        %parallel_loop3A_800 = arith.addf %parallel_loop3A_791, %parallel_loop3A_792 : vector<16xf32>
        %parallel_loop3A_801 = arith.addf %parallel_loop3A_793, %parallel_loop3A_794 : vector<16xf32>
        %parallel_loop3A_802 = arith.addf %parallel_loop3A_795, %parallel_loop3A_796 : vector<16xf32>
        %parallel_loop3A_803 = arith.addf %parallel_loop3A_797, %parallel_loop3A_798 : vector<16xf32>
        %parallel_loop3A_804 = arith.addf %parallel_loop3A_799, %parallel_loop3A_800 : vector<16xf32>
        %parallel_loop3A_805 = arith.addf %parallel_loop3A_801, %parallel_loop3A_802 : vector<16xf32>
        %parallel_loop3A_806 = arith.addf %parallel_loop3A_804, %parallel_loop3A_805 : vector<16xf32>
        %parallel_loop3A_807 = arith.addf %parallel_loop3A_806, %parallel_loop3A_803 : vector<16xf32>
        %parallel_loop3A_808 = arith.constant 1 : i32
        %parallel_loop3A_809 = arith.index_cast %parallel_loop3A_808 : i32 to index
        %parallel_loop3A_810 = arith.index_cast %parallel_loop3A_427 : i32 to index
        %parallel_loop3A_811 = arith.constant 16 : index
        %parallel_loop3A_812 = tpu.vector_load %arg11[%parallel_loop3A_809, %parallel_loop3A_810, %parallel_loop3A_811] {strides = array<i32>} : memref<2x32x64xf32, #tpu.memory_space<vmem>>, vector<1x1x16xf32>,
        %parallel_loop3A_813 = vector.shape_cast %parallel_loop3A_812 : vector<1x1x16xf32> to vector<16xf32>
        %parallel_loop3A_814 = arith.mulf %parallel_loop3A_813, %get3A_4 : vector<16xf32>
        %parallel_loop3A_815 = arith.constant 1 : i32
        %parallel_loop3A_816 = arith.index_cast %parallel_loop3A_815 : i32 to index
        %parallel_loop3A_817 = arith.index_cast %parallel_loop3A_427 : i32 to index
        %parallel_loop3A_818 = arith.constant 16 : index
        %parallel_loop3A_819 = tpu.vector_load %arg12[%parallel_loop3A_816, %parallel_loop3A_817, %parallel_loop3A_818] {strides = array<i32>} : memref<2x32x128xf32, #tpu.memory_space<vmem>>, vector<1x1x16xf32>,
        %parallel_loop3A_820 = vector.shape_cast %parallel_loop3A_819 : vector<1x1x16xf32> to vector<16xf32>
        %parallel_loop3A_821 = vector.shape_cast %parallel_loop3A_814 : vector<16xf32> to vector<1x1x16xf32>
        tpu.vector_store %arg12[%parallel_loop3A_816, %parallel_loop3A_817, %parallel_loop3A_818], %parallel_loop3A_821 {strides = array<i32>} : memref<2x32x128xf32, #tpu.memory_space<vmem>>, vector<1x1x16xf32>,
        %parallel_loop3A_822 = arith.mulf %parallel_loop3A_807, %get3A_9 : vector<16xf32>
        %parallel_loop3A_823 = arith.constant 1 : i32
        %parallel_loop3A_824 = arith.index_cast %parallel_loop3A_823 : i32 to index
        %parallel_loop3A_825 = arith.index_cast %parallel_loop3A_427 : i32 to index
        %parallel_loop3A_826 = arith.constant 80 : index
        %parallel_loop3A_827 = tpu.vector_load %arg12[%parallel_loop3A_824, %parallel_loop3A_825, %parallel_loop3A_826] {strides = array<i32>} : memref<2x32x128xf32, #tpu.memory_space<vmem>>, vector<1x1x16xf32>,
        %parallel_loop3A_828 = vector.shape_cast %parallel_loop3A_827 : vector<1x1x16xf32> to vector<16xf32>
        %parallel_loop3A_829 = vector.shape_cast %parallel_loop3A_822 : vector<16xf32> to vector<1x1x16xf32>
        tpu.vector_store %arg12[%parallel_loop3A_824, %parallel_loop3A_825, %parallel_loop3A_826], %parallel_loop3A_829 {strides = array<i32>} : memref<2x32x128xf32, #tpu.memory_space<vmem>>, vector<1x1x16xf32>,
        %parallel_loop3A_830 = arith.constant 0 : i32
        %parallel_loop3A_831 = arith.addi %parallel_loop3A_830, %parallel_loop3A_427 : i32
        %parallel_loop3A_832 = arith.constant 1 : i32
        %parallel_loop3A_833 = arith.index_cast %parallel_loop3A_832 : i32 to index
        %parallel_loop3A_834 = arith.index_cast %parallel_loop3A_831 : i32 to index
        %parallel_loop3A_835 = arith.constant 32 : index
        %parallel_loop3A_836 = tpu.vector_load %arg10[%parallel_loop3A_833, %parallel_loop3A_834, %parallel_loop3A_835] {strides = array<i32>} : memref<2x640x64xf32, #tpu.memory_space<vmem>>, vector<1x1x16xf32>,
        %parallel_loop3A_837 = vector.shape_cast %parallel_loop3A_836 : vector<1x1x16xf32> to vector<16xf32>
        %parallel_loop3A_838 = arith.constant 32 : i32
        %parallel_loop3A_839 = arith.addi %parallel_loop3A_838, %parallel_loop3A_427 : i32
        %parallel_loop3A_840 = arith.constant 1 : i32
        %parallel_loop3A_841 = arith.index_cast %parallel_loop3A_840 : i32 to index
        %parallel_loop3A_842 = arith.index_cast %parallel_loop3A_839 : i32 to index
        %parallel_loop3A_843 = arith.constant 32 : index
        %parallel_loop3A_844 = tpu.vector_load %arg10[%parallel_loop3A_841, %parallel_loop3A_842, %parallel_loop3A_843] {strides = array<i32>} : memref<2x640x64xf32, #tpu.memory_space<vmem>>, vector<1x1x16xf32>,
        %parallel_loop3A_845 = vector.shape_cast %parallel_loop3A_844 : vector<1x1x16xf32> to vector<16xf32>
        %parallel_loop3A_846 = arith.constant 64 : i32
        %parallel_loop3A_847 = arith.addi %parallel_loop3A_846, %parallel_loop3A_427 : i32
        %parallel_loop3A_848 = arith.constant 1 : i32
        %parallel_loop3A_849 = arith.index_cast %parallel_loop3A_848 : i32 to index
        %parallel_loop3A_850 = arith.index_cast %parallel_loop3A_847 : i32 to index
        %parallel_loop3A_851 = arith.constant 32 : index
        %parallel_loop3A_852 = tpu.vector_load %arg10[%parallel_loop3A_849, %parallel_loop3A_850, %parallel_loop3A_851] {strides = array<i32>} : memref<2x640x64xf32, #tpu.memory_space<vmem>>, vector<1x1x16xf32>,
        %parallel_loop3A_853 = vector.shape_cast %parallel_loop3A_852 : vector<1x1x16xf32> to vector<16xf32>
        %parallel_loop3A_854 = arith.constant 96 : i32
        %parallel_loop3A_855 = arith.addi %parallel_loop3A_854, %parallel_loop3A_427 : i32
        %parallel_loop3A_856 = arith.constant 1 : i32
        %parallel_loop3A_857 = arith.index_cast %parallel_loop3A_856 : i32 to index
        %parallel_loop3A_858 = arith.index_cast %parallel_loop3A_855 : i32 to index
        %parallel_loop3A_859 = arith.constant 32 : index
        %parallel_loop3A_860 = tpu.vector_load %arg10[%parallel_loop3A_857, %parallel_loop3A_858, %parallel_loop3A_859] {strides = array<i32>} : memref<2x640x64xf32, #tpu.memory_space<vmem>>, vector<1x1x16xf32>,
        %parallel_loop3A_861 = vector.shape_cast %parallel_loop3A_860 : vector<1x1x16xf32> to vector<16xf32>
        %parallel_loop3A_862 = arith.constant 128 : i32
        %parallel_loop3A_863 = arith.addi %parallel_loop3A_862, %parallel_loop3A_427 : i32
        %parallel_loop3A_864 = arith.constant 1 : i32
        %parallel_loop3A_865 = arith.index_cast %parallel_loop3A_864 : i32 to index
        %parallel_loop3A_866 = arith.index_cast %parallel_loop3A_863 : i32 to index
        %parallel_loop3A_867 = arith.constant 32 : index
        %parallel_loop3A_868 = tpu.vector_load %arg10[%parallel_loop3A_865, %parallel_loop3A_866, %parallel_loop3A_867] {strides = array<i32>} : memref<2x640x64xf32, #tpu.memory_space<vmem>>, vector<1x1x16xf32>,
        %parallel_loop3A_869 = vector.shape_cast %parallel_loop3A_868 : vector<1x1x16xf32> to vector<16xf32>
        %parallel_loop3A_870 = arith.constant 160 : i32
        %parallel_loop3A_871 = arith.addi %parallel_loop3A_870, %parallel_loop3A_427 : i32
        %parallel_loop3A_872 = arith.constant 1 : i32
        %parallel_loop3A_873 = arith.index_cast %parallel_loop3A_872 : i32 to index
        %parallel_loop3A_874 = arith.index_cast %parallel_loop3A_871 : i32 to index
        %parallel_loop3A_875 = arith.constant 32 : index
        %parallel_loop3A_876 = tpu.vector_load %arg10[%parallel_loop3A_873, %parallel_loop3A_874, %parallel_loop3A_875] {strides = array<i32>} : memref<2x640x64xf32, #tpu.memory_space<vmem>>, vector<1x1x16xf32>,
        %parallel_loop3A_877 = vector.shape_cast %parallel_loop3A_876 : vector<1x1x16xf32> to vector<16xf32>
        %parallel_loop3A_878 = arith.constant 192 : i32
        %parallel_loop3A_879 = arith.addi %parallel_loop3A_878, %parallel_loop3A_427 : i32
        %parallel_loop3A_880 = arith.constant 1 : i32
        %parallel_loop3A_881 = arith.index_cast %parallel_loop3A_880 : i32 to index
        %parallel_loop3A_882 = arith.index_cast %parallel_loop3A_879 : i32 to index
        %parallel_loop3A_883 = arith.constant 32 : index
        %parallel_loop3A_884 = tpu.vector_load %arg10[%parallel_loop3A_881, %parallel_loop3A_882, %parallel_loop3A_883] {strides = array<i32>} : memref<2x640x64xf32, #tpu.memory_space<vmem>>, vector<1x1x16xf32>,
        %parallel_loop3A_885 = vector.shape_cast %parallel_loop3A_884 : vector<1x1x16xf32> to vector<16xf32>
        %parallel_loop3A_886 = arith.constant 224 : i32
        %parallel_loop3A_887 = arith.addi %parallel_loop3A_886, %parallel_loop3A_427 : i32
        %parallel_loop3A_888 = arith.constant 1 : i32
        %parallel_loop3A_889 = arith.index_cast %parallel_loop3A_888 : i32 to index
        %parallel_loop3A_890 = arith.index_cast %parallel_loop3A_887 : i32 to index
        %parallel_loop3A_891 = arith.constant 32 : index
        %parallel_loop3A_892 = tpu.vector_load %arg10[%parallel_loop3A_889, %parallel_loop3A_890, %parallel_loop3A_891] {strides = array<i32>} : memref<2x640x64xf32, #tpu.memory_space<vmem>>, vector<1x1x16xf32>,
        %parallel_loop3A_893 = vector.shape_cast %parallel_loop3A_892 : vector<1x1x16xf32> to vector<16xf32>
        %parallel_loop3A_894 = arith.constant 256 : i32
        %parallel_loop3A_895 = arith.addi %parallel_loop3A_894, %parallel_loop3A_427 : i32
        %parallel_loop3A_896 = arith.constant 1 : i32
        %parallel_loop3A_897 = arith.index_cast %parallel_loop3A_896 : i32 to index
        %parallel_loop3A_898 = arith.index_cast %parallel_loop3A_895 : i32 to index
        %parallel_loop3A_899 = arith.constant 32 : index
        %parallel_loop3A_900 = tpu.vector_load %arg10[%parallel_loop3A_897, %parallel_loop3A_898, %parallel_loop3A_899] {strides = array<i32>} : memref<2x640x64xf32, #tpu.memory_space<vmem>>, vector<1x1x16xf32>,
        %parallel_loop3A_901 = vector.shape_cast %parallel_loop3A_900 : vector<1x1x16xf32> to vector<16xf32>
        %parallel_loop3A_902 = arith.constant 288 : i32
        %parallel_loop3A_903 = arith.addi %parallel_loop3A_902, %parallel_loop3A_427 : i32
        %parallel_loop3A_904 = arith.constant 1 : i32
        %parallel_loop3A_905 = arith.index_cast %parallel_loop3A_904 : i32 to index
        %parallel_loop3A_906 = arith.index_cast %parallel_loop3A_903 : i32 to index
        %parallel_loop3A_907 = arith.constant 32 : index
        %parallel_loop3A_908 = tpu.vector_load %arg10[%parallel_loop3A_905, %parallel_loop3A_906, %parallel_loop3A_907] {strides = array<i32>} : memref<2x640x64xf32, #tpu.memory_space<vmem>>, vector<1x1x16xf32>,
        %parallel_loop3A_909 = vector.shape_cast %parallel_loop3A_908 : vector<1x1x16xf32> to vector<16xf32>
        %parallel_loop3A_910 = arith.constant 320 : i32
        %parallel_loop3A_911 = arith.addi %parallel_loop3A_910, %parallel_loop3A_427 : i32
        %parallel_loop3A_912 = arith.constant 1 : i32
        %parallel_loop3A_913 = arith.index_cast %parallel_loop3A_912 : i32 to index
        %parallel_loop3A_914 = arith.index_cast %parallel_loop3A_911 : i32 to index
        %parallel_loop3A_915 = arith.constant 32 : index
        %parallel_loop3A_916 = tpu.vector_load %arg10[%parallel_loop3A_913, %parallel_loop3A_914, %parallel_loop3A_915] {strides = array<i32>} : memref<2x640x64xf32, #tpu.memory_space<vmem>>, vector<1x1x16xf32>,
        %parallel_loop3A_917 = vector.shape_cast %parallel_loop3A_916 : vector<1x1x16xf32> to vector<16xf32>
        %parallel_loop3A_918 = arith.constant 352 : i32
        %parallel_loop3A_919 = arith.addi %parallel_loop3A_918, %parallel_loop3A_427 : i32
        %parallel_loop3A_920 = arith.constant 1 : i32
        %parallel_loop3A_921 = arith.index_cast %parallel_loop3A_920 : i32 to index
        %parallel_loop3A_922 = arith.index_cast %parallel_loop3A_919 : i32 to index
        %parallel_loop3A_923 = arith.constant 32 : index
        %parallel_loop3A_924 = tpu.vector_load %arg10[%parallel_loop3A_921, %parallel_loop3A_922, %parallel_loop3A_923] {strides = array<i32>} : memref<2x640x64xf32, #tpu.memory_space<vmem>>, vector<1x1x16xf32>,
        %parallel_loop3A_925 = vector.shape_cast %parallel_loop3A_924 : vector<1x1x16xf32> to vector<16xf32>
        %parallel_loop3A_926 = arith.constant 384 : i32
        %parallel_loop3A_927 = arith.addi %parallel_loop3A_926, %parallel_loop3A_427 : i32
        %parallel_loop3A_928 = arith.constant 1 : i32
        %parallel_loop3A_929 = arith.index_cast %parallel_loop3A_928 : i32 to index
        %parallel_loop3A_930 = arith.index_cast %parallel_loop3A_927 : i32 to index
        %parallel_loop3A_931 = arith.constant 32 : index
        %parallel_loop3A_932 = tpu.vector_load %arg10[%parallel_loop3A_929, %parallel_loop3A_930, %parallel_loop3A_931] {strides = array<i32>} : memref<2x640x64xf32, #tpu.memory_space<vmem>>, vector<1x1x16xf32>,
        %parallel_loop3A_933 = vector.shape_cast %parallel_loop3A_932 : vector<1x1x16xf32> to vector<16xf32>
        %parallel_loop3A_934 = arith.constant 416 : i32
        %parallel_loop3A_935 = arith.addi %parallel_loop3A_934, %parallel_loop3A_427 : i32
        %parallel_loop3A_936 = arith.constant 1 : i32
        %parallel_loop3A_937 = arith.index_cast %parallel_loop3A_936 : i32 to index
        %parallel_loop3A_938 = arith.index_cast %parallel_loop3A_935 : i32 to index
        %parallel_loop3A_939 = arith.constant 32 : index
        %parallel_loop3A_940 = tpu.vector_load %arg10[%parallel_loop3A_937, %parallel_loop3A_938, %parallel_loop3A_939] {strides = array<i32>} : memref<2x640x64xf32, #tpu.memory_space<vmem>>, vector<1x1x16xf32>,
        %parallel_loop3A_941 = vector.shape_cast %parallel_loop3A_940 : vector<1x1x16xf32> to vector<16xf32>
        %parallel_loop3A_942 = arith.constant 448 : i32
        %parallel_loop3A_943 = arith.addi %parallel_loop3A_942, %parallel_loop3A_427 : i32
        %parallel_loop3A_944 = arith.constant 1 : i32
        %parallel_loop3A_945 = arith.index_cast %parallel_loop3A_944 : i32 to index
        %parallel_loop3A_946 = arith.index_cast %parallel_loop3A_943 : i32 to index
        %parallel_loop3A_947 = arith.constant 32 : index
        %parallel_loop3A_948 = tpu.vector_load %arg10[%parallel_loop3A_945, %parallel_loop3A_946, %parallel_loop3A_947] {strides = array<i32>} : memref<2x640x64xf32, #tpu.memory_space<vmem>>, vector<1x1x16xf32>,
        %parallel_loop3A_949 = vector.shape_cast %parallel_loop3A_948 : vector<1x1x16xf32> to vector<16xf32>
        %parallel_loop3A_950 = arith.constant 480 : i32
        %parallel_loop3A_951 = arith.addi %parallel_loop3A_950, %parallel_loop3A_427 : i32
        %parallel_loop3A_952 = arith.constant 1 : i32
        %parallel_loop3A_953 = arith.index_cast %parallel_loop3A_952 : i32 to index
        %parallel_loop3A_954 = arith.index_cast %parallel_loop3A_951 : i32 to index
        %parallel_loop3A_955 = arith.constant 32 : index
        %parallel_loop3A_956 = tpu.vector_load %arg10[%parallel_loop3A_953, %parallel_loop3A_954, %parallel_loop3A_955] {strides = array<i32>} : memref<2x640x64xf32, #tpu.memory_space<vmem>>, vector<1x1x16xf32>,
        %parallel_loop3A_957 = vector.shape_cast %parallel_loop3A_956 : vector<1x1x16xf32> to vector<16xf32>
        %parallel_loop3A_958 = arith.constant 512 : i32
        %parallel_loop3A_959 = arith.addi %parallel_loop3A_958, %parallel_loop3A_427 : i32
        %parallel_loop3A_960 = arith.constant 1 : i32
        %parallel_loop3A_961 = arith.index_cast %parallel_loop3A_960 : i32 to index
        %parallel_loop3A_962 = arith.index_cast %parallel_loop3A_959 : i32 to index
        %parallel_loop3A_963 = arith.constant 32 : index
        %parallel_loop3A_964 = tpu.vector_load %arg10[%parallel_loop3A_961, %parallel_loop3A_962, %parallel_loop3A_963] {strides = array<i32>} : memref<2x640x64xf32, #tpu.memory_space<vmem>>, vector<1x1x16xf32>,
        %parallel_loop3A_965 = vector.shape_cast %parallel_loop3A_964 : vector<1x1x16xf32> to vector<16xf32>
        %parallel_loop3A_966 = arith.constant 544 : i32
        %parallel_loop3A_967 = arith.addi %parallel_loop3A_966, %parallel_loop3A_427 : i32
        %parallel_loop3A_968 = arith.constant 1 : i32
        %parallel_loop3A_969 = arith.index_cast %parallel_loop3A_968 : i32 to index
        %parallel_loop3A_970 = arith.index_cast %parallel_loop3A_967 : i32 to index
        %parallel_loop3A_971 = arith.constant 32 : index
        %parallel_loop3A_972 = tpu.vector_load %arg10[%parallel_loop3A_969, %parallel_loop3A_970, %parallel_loop3A_971] {strides = array<i32>} : memref<2x640x64xf32, #tpu.memory_space<vmem>>, vector<1x1x16xf32>,
        %parallel_loop3A_973 = vector.shape_cast %parallel_loop3A_972 : vector<1x1x16xf32> to vector<16xf32>
        %parallel_loop3A_974 = arith.constant 576 : i32
        %parallel_loop3A_975 = arith.addi %parallel_loop3A_974, %parallel_loop3A_427 : i32
        %parallel_loop3A_976 = arith.constant 1 : i32
        %parallel_loop3A_977 = arith.index_cast %parallel_loop3A_976 : i32 to index
        %parallel_loop3A_978 = arith.index_cast %parallel_loop3A_975 : i32 to index
        %parallel_loop3A_979 = arith.constant 32 : index
        %parallel_loop3A_980 = tpu.vector_load %arg10[%parallel_loop3A_977, %parallel_loop3A_978, %parallel_loop3A_979] {strides = array<i32>} : memref<2x640x64xf32, #tpu.memory_space<vmem>>, vector<1x1x16xf32>,
        %parallel_loop3A_981 = vector.shape_cast %parallel_loop3A_980 : vector<1x1x16xf32> to vector<16xf32>
        %parallel_loop3A_982 = arith.constant 608 : i32
        %parallel_loop3A_983 = arith.addi %parallel_loop3A_982, %parallel_loop3A_427 : i32
        %parallel_loop3A_984 = arith.constant 1 : i32
        %parallel_loop3A_985 = arith.index_cast %parallel_loop3A_984 : i32 to index
        %parallel_loop3A_986 = arith.index_cast %parallel_loop3A_983 : i32 to index
        %parallel_loop3A_987 = arith.constant 32 : index
        %parallel_loop3A_988 = tpu.vector_load %arg10[%parallel_loop3A_985, %parallel_loop3A_986, %parallel_loop3A_987] {strides = array<i32>} : memref<2x640x64xf32, #tpu.memory_space<vmem>>, vector<1x1x16xf32>,
        %parallel_loop3A_989 = vector.shape_cast %parallel_loop3A_988 : vector<1x1x16xf32> to vector<16xf32>
        %parallel_loop3A_990 = arith.addf %parallel_loop3A_837, %parallel_loop3A_845 : vector<16xf32>
        %parallel_loop3A_991 = arith.addf %parallel_loop3A_853, %parallel_loop3A_861 : vector<16xf32>
        %parallel_loop3A_992 = arith.addf %parallel_loop3A_869, %parallel_loop3A_877 : vector<16xf32>
        %parallel_loop3A_993 = arith.addf %parallel_loop3A_885, %parallel_loop3A_893 : vector<16xf32>
        %parallel_loop3A_994 = arith.addf %parallel_loop3A_901, %parallel_loop3A_909 : vector<16xf32>
        %parallel_loop3A_995 = arith.addf %parallel_loop3A_917, %parallel_loop3A_925 : vector<16xf32>
        %parallel_loop3A_996 = arith.addf %parallel_loop3A_933, %parallel_loop3A_941 : vector<16xf32>
        %parallel_loop3A_997 = arith.addf %parallel_loop3A_949, %parallel_loop3A_957 : vector<16xf32>
        %parallel_loop3A_998 = arith.addf %parallel_loop3A_965, %parallel_loop3A_973 : vector<16xf32>
        %parallel_loop3A_999 = arith.addf %parallel_loop3A_981, %parallel_loop3A_989 : vector<16xf32>
        %parallel_loop3A_1000 = arith.addf %parallel_loop3A_990, %parallel_loop3A_991 : vector<16xf32>
        %parallel_loop3A_1001 = arith.addf %parallel_loop3A_992, %parallel_loop3A_993 : vector<16xf32>
        %parallel_loop3A_1002 = arith.addf %parallel_loop3A_994, %parallel_loop3A_995 : vector<16xf32>
        %parallel_loop3A_1003 = arith.addf %parallel_loop3A_996, %parallel_loop3A_997 : vector<16xf32>
        %parallel_loop3A_1004 = arith.addf %parallel_loop3A_998, %parallel_loop3A_999 : vector<16xf32>
        %parallel_loop3A_1005 = arith.addf %parallel_loop3A_1000, %parallel_loop3A_1001 : vector<16xf32>
        %parallel_loop3A_1006 = arith.addf %parallel_loop3A_1002, %parallel_loop3A_1003 : vector<16xf32>
        %parallel_loop3A_1007 = arith.addf %parallel_loop3A_1005, %parallel_loop3A_1006 : vector<16xf32>
        %parallel_loop3A_1008 = arith.addf %parallel_loop3A_1007, %parallel_loop3A_1004 : vector<16xf32>
        %parallel_loop3A_1009 = arith.constant 1 : i32
        %parallel_loop3A_1010 = arith.index_cast %parallel_loop3A_1009 : i32 to index
        %parallel_loop3A_1011 = arith.index_cast %parallel_loop3A_427 : i32 to index
        %parallel_loop3A_1012 = arith.constant 32 : index
        %parallel_loop3A_1013 = tpu.vector_load %arg11[%parallel_loop3A_1010, %parallel_loop3A_1011, %parallel_loop3A_1012] {strides = array<i32>} : memref<2x32x64xf32, #tpu.memory_space<vmem>>, vector<1x1x16xf32>,
        %parallel_loop3A_1014 = vector.shape_cast %parallel_loop3A_1013 : vector<1x1x16xf32> to vector<16xf32>
        %parallel_loop3A_1015 = arith.mulf %parallel_loop3A_1014, %get3A_4 : vector<16xf32>
        %parallel_loop3A_1016 = arith.constant 1 : i32
        %parallel_loop3A_1017 = arith.index_cast %parallel_loop3A_1016 : i32 to index
        %parallel_loop3A_1018 = arith.index_cast %parallel_loop3A_427 : i32 to index
        %parallel_loop3A_1019 = arith.constant 32 : index
        %parallel_loop3A_1020 = tpu.vector_load %arg12[%parallel_loop3A_1017, %parallel_loop3A_1018, %parallel_loop3A_1019] {strides = array<i32>} : memref<2x32x128xf32, #tpu.memory_space<vmem>>, vector<1x1x16xf32>,
        %parallel_loop3A_1021 = vector.shape_cast %parallel_loop3A_1020 : vector<1x1x16xf32> to vector<16xf32>
        %parallel_loop3A_1022 = vector.shape_cast %parallel_loop3A_1015 : vector<16xf32> to vector<1x1x16xf32>
        tpu.vector_store %arg12[%parallel_loop3A_1017, %parallel_loop3A_1018, %parallel_loop3A_1019], %parallel_loop3A_1022 {strides = array<i32>} : memref<2x32x128xf32, #tpu.memory_space<vmem>>, vector<1x1x16xf32>,
        %parallel_loop3A_1023 = arith.mulf %parallel_loop3A_1008, %get3A_9 : vector<16xf32>
        %parallel_loop3A_1024 = arith.constant 1 : i32
        %parallel_loop3A_1025 = arith.index_cast %parallel_loop3A_1024 : i32 to index
        %parallel_loop3A_1026 = arith.index_cast %parallel_loop3A_427 : i32 to index
        %parallel_loop3A_1027 = arith.constant 96 : index
        %parallel_loop3A_1028 = tpu.vector_load %arg12[%parallel_loop3A_1025, %parallel_loop3A_1026, %parallel_loop3A_1027] {strides = array<i32>} : memref<2x32x128xf32, #tpu.memory_space<vmem>>, vector<1x1x16xf32>,
        %parallel_loop3A_1029 = vector.shape_cast %parallel_loop3A_1028 : vector<1x1x16xf32> to vector<16xf32>
        %parallel_loop3A_1030 = vector.shape_cast %parallel_loop3A_1023 : vector<16xf32> to vector<1x1x16xf32>
        tpu.vector_store %arg12[%parallel_loop3A_1025, %parallel_loop3A_1026, %parallel_loop3A_1027], %parallel_loop3A_1030 {strides = array<i32>} : memref<2x32x128xf32, #tpu.memory_space<vmem>>, vector<1x1x16xf32>,
        %parallel_loop3A_1031 = arith.constant 0 : i32
        %parallel_loop3A_1032 = arith.addi %parallel_loop3A_1031, %parallel_loop3A_427 : i32
        %parallel_loop3A_1033 = arith.constant 1 : i32
        %parallel_loop3A_1034 = arith.index_cast %parallel_loop3A_1033 : i32 to index
        %parallel_loop3A_1035 = arith.index_cast %parallel_loop3A_1032 : i32 to index
        %parallel_loop3A_1036 = arith.constant 48 : index
        %parallel_loop3A_1037 = tpu.vector_load %arg10[%parallel_loop3A_1034, %parallel_loop3A_1035, %parallel_loop3A_1036] {strides = array<i32>} : memref<2x640x64xf32, #tpu.memory_space<vmem>>, vector<1x1x16xf32>,
        %parallel_loop3A_1038 = vector.shape_cast %parallel_loop3A_1037 : vector<1x1x16xf32> to vector<16xf32>
        %parallel_loop3A_1039 = arith.constant 32 : i32
        %parallel_loop3A_1040 = arith.addi %parallel_loop3A_1039, %parallel_loop3A_427 : i32
        %parallel_loop3A_1041 = arith.constant 1 : i32
        %parallel_loop3A_1042 = arith.index_cast %parallel_loop3A_1041 : i32 to index
        %parallel_loop3A_1043 = arith.index_cast %parallel_loop3A_1040 : i32 to index
        %parallel_loop3A_1044 = arith.constant 48 : index
        %parallel_loop3A_1045 = tpu.vector_load %arg10[%parallel_loop3A_1042, %parallel_loop3A_1043, %parallel_loop3A_1044] {strides = array<i32>} : memref<2x640x64xf32, #tpu.memory_space<vmem>>, vector<1x1x16xf32>,
        %parallel_loop3A_1046 = vector.shape_cast %parallel_loop3A_1045 : vector<1x1x16xf32> to vector<16xf32>
        %parallel_loop3A_1047 = arith.constant 64 : i32
        %parallel_loop3A_1048 = arith.addi %parallel_loop3A_1047, %parallel_loop3A_427 : i32
        %parallel_loop3A_1049 = arith.constant 1 : i32
        %parallel_loop3A_1050 = arith.index_cast %parallel_loop3A_1049 : i32 to index
        %parallel_loop3A_1051 = arith.index_cast %parallel_loop3A_1048 : i32 to index
        %parallel_loop3A_1052 = arith.constant 48 : index
        %parallel_loop3A_1053 = tpu.vector_load %arg10[%parallel_loop3A_1050, %parallel_loop3A_1051, %parallel_loop3A_1052] {strides = array<i32>} : memref<2x640x64xf32, #tpu.memory_space<vmem>>, vector<1x1x16xf32>,
        %parallel_loop3A_1054 = vector.shape_cast %parallel_loop3A_1053 : vector<1x1x16xf32> to vector<16xf32>
        %parallel_loop3A_1055 = arith.constant 96 : i32
        %parallel_loop3A_1056 = arith.addi %parallel_loop3A_1055, %parallel_loop3A_427 : i32
        %parallel_loop3A_1057 = arith.constant 1 : i32
        %parallel_loop3A_1058 = arith.index_cast %parallel_loop3A_1057 : i32 to index
        %parallel_loop3A_1059 = arith.index_cast %parallel_loop3A_1056 : i32 to index
        %parallel_loop3A_1060 = arith.constant 48 : index
        %parallel_loop3A_1061 = tpu.vector_load %arg10[%parallel_loop3A_1058, %parallel_loop3A_1059, %parallel_loop3A_1060] {strides = array<i32>} : memref<2x640x64xf32, #tpu.memory_space<vmem>>, vector<1x1x16xf32>,
        %parallel_loop3A_1062 = vector.shape_cast %parallel_loop3A_1061 : vector<1x1x16xf32> to vector<16xf32>
        %parallel_loop3A_1063 = arith.constant 128 : i32
        %parallel_loop3A_1064 = arith.addi %parallel_loop3A_1063, %parallel_loop3A_427 : i32
        %parallel_loop3A_1065 = arith.constant 1 : i32
        %parallel_loop3A_1066 = arith.index_cast %parallel_loop3A_1065 : i32 to index
        %parallel_loop3A_1067 = arith.index_cast %parallel_loop3A_1064 : i32 to index
        %parallel_loop3A_1068 = arith.constant 48 : index
        %parallel_loop3A_1069 = tpu.vector_load %arg10[%parallel_loop3A_1066, %parallel_loop3A_1067, %parallel_loop3A_1068] {strides = array<i32>} : memref<2x640x64xf32, #tpu.memory_space<vmem>>, vector<1x1x16xf32>,
        %parallel_loop3A_1070 = vector.shape_cast %parallel_loop3A_1069 : vector<1x1x16xf32> to vector<16xf32>
        %parallel_loop3A_1071 = arith.constant 160 : i32
        %parallel_loop3A_1072 = arith.addi %parallel_loop3A_1071, %parallel_loop3A_427 : i32
        %parallel_loop3A_1073 = arith.constant 1 : i32
        %parallel_loop3A_1074 = arith.index_cast %parallel_loop3A_1073 : i32 to index
        %parallel_loop3A_1075 = arith.index_cast %parallel_loop3A_1072 : i32 to index
        %parallel_loop3A_1076 = arith.constant 48 : index
        %parallel_loop3A_1077 = tpu.vector_load %arg10[%parallel_loop3A_1074, %parallel_loop3A_1075, %parallel_loop3A_1076] {strides = array<i32>} : memref<2x640x64xf32, #tpu.memory_space<vmem>>, vector<1x1x16xf32>,
        %parallel_loop3A_1078 = vector.shape_cast %parallel_loop3A_1077 : vector<1x1x16xf32> to vector<16xf32>
        %parallel_loop3A_1079 = arith.constant 192 : i32
        %parallel_loop3A_1080 = arith.addi %parallel_loop3A_1079, %parallel_loop3A_427 : i32
        %parallel_loop3A_1081 = arith.constant 1 : i32
        %parallel_loop3A_1082 = arith.index_cast %parallel_loop3A_1081 : i32 to index
        %parallel_loop3A_1083 = arith.index_cast %parallel_loop3A_1080 : i32 to index
        %parallel_loop3A_1084 = arith.constant 48 : index
        %parallel_loop3A_1085 = tpu.vector_load %arg10[%parallel_loop3A_1082, %parallel_loop3A_1083, %parallel_loop3A_1084] {strides = array<i32>} : memref<2x640x64xf32, #tpu.memory_space<vmem>>, vector<1x1x16xf32>,
        %parallel_loop3A_1086 = vector.shape_cast %parallel_loop3A_1085 : vector<1x1x16xf32> to vector<16xf32>
        %parallel_loop3A_1087 = arith.constant 224 : i32
        %parallel_loop3A_1088 = arith.addi %parallel_loop3A_1087, %parallel_loop3A_427 : i32
        %parallel_loop3A_1089 = arith.constant 1 : i32
        %parallel_loop3A_1090 = arith.index_cast %parallel_loop3A_1089 : i32 to index
        %parallel_loop3A_1091 = arith.index_cast %parallel_loop3A_1088 : i32 to index
        %parallel_loop3A_1092 = arith.constant 48 : index
        %parallel_loop3A_1093 = tpu.vector_load %arg10[%parallel_loop3A_1090, %parallel_loop3A_1091, %parallel_loop3A_1092] {strides = array<i32>} : memref<2x640x64xf32, #tpu.memory_space<vmem>>, vector<1x1x16xf32>,
        %parallel_loop3A_1094 = vector.shape_cast %parallel_loop3A_1093 : vector<1x1x16xf32> to vector<16xf32>
        %parallel_loop3A_1095 = arith.constant 256 : i32
        %parallel_loop3A_1096 = arith.addi %parallel_loop3A_1095, %parallel_loop3A_427 : i32
        %parallel_loop3A_1097 = arith.constant 1 : i32
        %parallel_loop3A_1098 = arith.index_cast %parallel_loop3A_1097 : i32 to index
        %parallel_loop3A_1099 = arith.index_cast %parallel_loop3A_1096 : i32 to index
        %parallel_loop3A_1100 = arith.constant 48 : index
        %parallel_loop3A_1101 = tpu.vector_load %arg10[%parallel_loop3A_1098, %parallel_loop3A_1099, %parallel_loop3A_1100] {strides = array<i32>} : memref<2x640x64xf32, #tpu.memory_space<vmem>>, vector<1x1x16xf32>,
        %parallel_loop3A_1102 = vector.shape_cast %parallel_loop3A_1101 : vector<1x1x16xf32> to vector<16xf32>
        %parallel_loop3A_1103 = arith.constant 288 : i32
        %parallel_loop3A_1104 = arith.addi %parallel_loop3A_1103, %parallel_loop3A_427 : i32
        %parallel_loop3A_1105 = arith.constant 1 : i32
        %parallel_loop3A_1106 = arith.index_cast %parallel_loop3A_1105 : i32 to index
        %parallel_loop3A_1107 = arith.index_cast %parallel_loop3A_1104 : i32 to index
        %parallel_loop3A_1108 = arith.constant 48 : index
        %parallel_loop3A_1109 = tpu.vector_load %arg10[%parallel_loop3A_1106, %parallel_loop3A_1107, %parallel_loop3A_1108] {strides = array<i32>} : memref<2x640x64xf32, #tpu.memory_space<vmem>>, vector<1x1x16xf32>,
        %parallel_loop3A_1110 = vector.shape_cast %parallel_loop3A_1109 : vector<1x1x16xf32> to vector<16xf32>
        %parallel_loop3A_1111 = arith.constant 320 : i32
        %parallel_loop3A_1112 = arith.addi %parallel_loop3A_1111, %parallel_loop3A_427 : i32
        %parallel_loop3A_1113 = arith.constant 1 : i32
        %parallel_loop3A_1114 = arith.index_cast %parallel_loop3A_1113 : i32 to index
        %parallel_loop3A_1115 = arith.index_cast %parallel_loop3A_1112 : i32 to index
        %parallel_loop3A_1116 = arith.constant 48 : index
        %parallel_loop3A_1117 = tpu.vector_load %arg10[%parallel_loop3A_1114, %parallel_loop3A_1115, %parallel_loop3A_1116] {strides = array<i32>} : memref<2x640x64xf32, #tpu.memory_space<vmem>>, vector<1x1x16xf32>,
        %parallel_loop3A_1118 = vector.shape_cast %parallel_loop3A_1117 : vector<1x1x16xf32> to vector<16xf32>
        %parallel_loop3A_1119 = arith.constant 352 : i32
        %parallel_loop3A_1120 = arith.addi %parallel_loop3A_1119, %parallel_loop3A_427 : i32
        %parallel_loop3A_1121 = arith.constant 1 : i32
        %parallel_loop3A_1122 = arith.index_cast %parallel_loop3A_1121 : i32 to index
        %parallel_loop3A_1123 = arith.index_cast %parallel_loop3A_1120 : i32 to index
        %parallel_loop3A_1124 = arith.constant 48 : index
        %parallel_loop3A_1125 = tpu.vector_load %arg10[%parallel_loop3A_1122, %parallel_loop3A_1123, %parallel_loop3A_1124] {strides = array<i32>} : memref<2x640x64xf32, #tpu.memory_space<vmem>>, vector<1x1x16xf32>,
        %parallel_loop3A_1126 = vector.shape_cast %parallel_loop3A_1125 : vector<1x1x16xf32> to vector<16xf32>
        %parallel_loop3A_1127 = arith.constant 384 : i32
        %parallel_loop3A_1128 = arith.addi %parallel_loop3A_1127, %parallel_loop3A_427 : i32
        %parallel_loop3A_1129 = arith.constant 1 : i32
        %parallel_loop3A_1130 = arith.index_cast %parallel_loop3A_1129 : i32 to index
        %parallel_loop3A_1131 = arith.index_cast %parallel_loop3A_1128 : i32 to index
        %parallel_loop3A_1132 = arith.constant 48 : index
        %parallel_loop3A_1133 = tpu.vector_load %arg10[%parallel_loop3A_1130, %parallel_loop3A_1131, %parallel_loop3A_1132] {strides = array<i32>} : memref<2x640x64xf32, #tpu.memory_space<vmem>>, vector<1x1x16xf32>,
        %parallel_loop3A_1134 = vector.shape_cast %parallel_loop3A_1133 : vector<1x1x16xf32> to vector<16xf32>
        %parallel_loop3A_1135 = arith.constant 416 : i32
        %parallel_loop3A_1136 = arith.addi %parallel_loop3A_1135, %parallel_loop3A_427 : i32
        %parallel_loop3A_1137 = arith.constant 1 : i32
        %parallel_loop3A_1138 = arith.index_cast %parallel_loop3A_1137 : i32 to index
        %parallel_loop3A_1139 = arith.index_cast %parallel_loop3A_1136 : i32 to index
        %parallel_loop3A_1140 = arith.constant 48 : index
        %parallel_loop3A_1141 = tpu.vector_load %arg10[%parallel_loop3A_1138, %parallel_loop3A_1139, %parallel_loop3A_1140] {strides = array<i32>} : memref<2x640x64xf32, #tpu.memory_space<vmem>>, vector<1x1x16xf32>,
        %parallel_loop3A_1142 = vector.shape_cast %parallel_loop3A_1141 : vector<1x1x16xf32> to vector<16xf32>
        %parallel_loop3A_1143 = arith.constant 448 : i32
        %parallel_loop3A_1144 = arith.addi %parallel_loop3A_1143, %parallel_loop3A_427 : i32
        %parallel_loop3A_1145 = arith.constant 1 : i32
        %parallel_loop3A_1146 = arith.index_cast %parallel_loop3A_1145 : i32 to index
        %parallel_loop3A_1147 = arith.index_cast %parallel_loop3A_1144 : i32 to index
        %parallel_loop3A_1148 = arith.constant 48 : index
        %parallel_loop3A_1149 = tpu.vector_load %arg10[%parallel_loop3A_1146, %parallel_loop3A_1147, %parallel_loop3A_1148] {strides = array<i32>} : memref<2x640x64xf32, #tpu.memory_space<vmem>>, vector<1x1x16xf32>,
        %parallel_loop3A_1150 = vector.shape_cast %parallel_loop3A_1149 : vector<1x1x16xf32> to vector<16xf32>
        %parallel_loop3A_1151 = arith.constant 480 : i32
        %parallel_loop3A_1152 = arith.addi %parallel_loop3A_1151, %parallel_loop3A_427 : i32
        %parallel_loop3A_1153 = arith.constant 1 : i32
        %parallel_loop3A_1154 = arith.index_cast %parallel_loop3A_1153 : i32 to index
        %parallel_loop3A_1155 = arith.index_cast %parallel_loop3A_1152 : i32 to index
        %parallel_loop3A_1156 = arith.constant 48 : index
        %parallel_loop3A_1157 = tpu.vector_load %arg10[%parallel_loop3A_1154, %parallel_loop3A_1155, %parallel_loop3A_1156] {strides = array<i32>} : memref<2x640x64xf32, #tpu.memory_space<vmem>>, vector<1x1x16xf32>,
        %parallel_loop3A_1158 = vector.shape_cast %parallel_loop3A_1157 : vector<1x1x16xf32> to vector<16xf32>
        %parallel_loop3A_1159 = arith.constant 512 : i32
        %parallel_loop3A_1160 = arith.addi %parallel_loop3A_1159, %parallel_loop3A_427 : i32
        %parallel_loop3A_1161 = arith.constant 1 : i32
        %parallel_loop3A_1162 = arith.index_cast %parallel_loop3A_1161 : i32 to index
        %parallel_loop3A_1163 = arith.index_cast %parallel_loop3A_1160 : i32 to index
        %parallel_loop3A_1164 = arith.constant 48 : index
        %parallel_loop3A_1165 = tpu.vector_load %arg10[%parallel_loop3A_1162, %parallel_loop3A_1163, %parallel_loop3A_1164] {strides = array<i32>} : memref<2x640x64xf32, #tpu.memory_space<vmem>>, vector<1x1x16xf32>,
        %parallel_loop3A_1166 = vector.shape_cast %parallel_loop3A_1165 : vector<1x1x16xf32> to vector<16xf32>
        %parallel_loop3A_1167 = arith.constant 544 : i32
        %parallel_loop3A_1168 = arith.addi %parallel_loop3A_1167, %parallel_loop3A_427 : i32
        %parallel_loop3A_1169 = arith.constant 1 : i32
        %parallel_loop3A_1170 = arith.index_cast %parallel_loop3A_1169 : i32 to index
        %parallel_loop3A_1171 = arith.index_cast %parallel_loop3A_1168 : i32 to index
        %parallel_loop3A_1172 = arith.constant 48 : index
        %parallel_loop3A_1173 = tpu.vector_load %arg10[%parallel_loop3A_1170, %parallel_loop3A_1171, %parallel_loop3A_1172] {strides = array<i32>} : memref<2x640x64xf32, #tpu.memory_space<vmem>>, vector<1x1x16xf32>,
        %parallel_loop3A_1174 = vector.shape_cast %parallel_loop3A_1173 : vector<1x1x16xf32> to vector<16xf32>
        %parallel_loop3A_1175 = arith.constant 576 : i32
        %parallel_loop3A_1176 = arith.addi %parallel_loop3A_1175, %parallel_loop3A_427 : i32
        %parallel_loop3A_1177 = arith.constant 1 : i32
        %parallel_loop3A_1178 = arith.index_cast %parallel_loop3A_1177 : i32 to index
        %parallel_loop3A_1179 = arith.index_cast %parallel_loop3A_1176 : i32 to index
        %parallel_loop3A_1180 = arith.constant 48 : index
        %parallel_loop3A_1181 = tpu.vector_load %arg10[%parallel_loop3A_1178, %parallel_loop3A_1179, %parallel_loop3A_1180] {strides = array<i32>} : memref<2x640x64xf32, #tpu.memory_space<vmem>>, vector<1x1x16xf32>,
        %parallel_loop3A_1182 = vector.shape_cast %parallel_loop3A_1181 : vector<1x1x16xf32> to vector<16xf32>
        %parallel_loop3A_1183 = arith.constant 608 : i32
        %parallel_loop3A_1184 = arith.addi %parallel_loop3A_1183, %parallel_loop3A_427 : i32
        %parallel_loop3A_1185 = arith.constant 1 : i32
        %parallel_loop3A_1186 = arith.index_cast %parallel_loop3A_1185 : i32 to index
        %parallel_loop3A_1187 = arith.index_cast %parallel_loop3A_1184 : i32 to index
        %parallel_loop3A_1188 = arith.constant 48 : index
        %parallel_loop3A_1189 = tpu.vector_load %arg10[%parallel_loop3A_1186, %parallel_loop3A_1187, %parallel_loop3A_1188] {strides = array<i32>} : memref<2x640x64xf32, #tpu.memory_space<vmem>>, vector<1x1x16xf32>,
        %parallel_loop3A_1190 = vector.shape_cast %parallel_loop3A_1189 : vector<1x1x16xf32> to vector<16xf32>
        %parallel_loop3A_1191 = arith.addf %parallel_loop3A_1038, %parallel_loop3A_1046 : vector<16xf32>
        %parallel_loop3A_1192 = arith.addf %parallel_loop3A_1054, %parallel_loop3A_1062 : vector<16xf32>
        %parallel_loop3A_1193 = arith.addf %parallel_loop3A_1070, %parallel_loop3A_1078 : vector<16xf32>
        %parallel_loop3A_1194 = arith.addf %parallel_loop3A_1086, %parallel_loop3A_1094 : vector<16xf32>
        %parallel_loop3A_1195 = arith.addf %parallel_loop3A_1102, %parallel_loop3A_1110 : vector<16xf32>
        %parallel_loop3A_1196 = arith.addf %parallel_loop3A_1118, %parallel_loop3A_1126 : vector<16xf32>
        %parallel_loop3A_1197 = arith.addf %parallel_loop3A_1134, %parallel_loop3A_1142 : vector<16xf32>
        %parallel_loop3A_1198 = arith.addf %parallel_loop3A_1150, %parallel_loop3A_1158 : vector<16xf32>
        %parallel_loop3A_1199 = arith.addf %parallel_loop3A_1166, %parallel_loop3A_1174 : vector<16xf32>
        %parallel_loop3A_1200 = arith.addf %parallel_loop3A_1182, %parallel_loop3A_1190 : vector<16xf32>
        %parallel_loop3A_1201 = arith.addf %parallel_loop3A_1191, %parallel_loop3A_1192 : vector<16xf32>
        %parallel_loop3A_1202 = arith.addf %parallel_loop3A_1193, %parallel_loop3A_1194 : vector<16xf32>
        %parallel_loop3A_1203 = arith.addf %parallel_loop3A_1195, %parallel_loop3A_1196 : vector<16xf32>
        %parallel_loop3A_1204 = arith.addf %parallel_loop3A_1197, %parallel_loop3A_1198 : vector<16xf32>
        %parallel_loop3A_1205 = arith.addf %parallel_loop3A_1199, %parallel_loop3A_1200 : vector<16xf32>
        %parallel_loop3A_1206 = arith.addf %parallel_loop3A_1201, %parallel_loop3A_1202 : vector<16xf32>
        %parallel_loop3A_1207 = arith.addf %parallel_loop3A_1203, %parallel_loop3A_1204 : vector<16xf32>
        %parallel_loop3A_1208 = arith.addf %parallel_loop3A_1206, %parallel_loop3A_1207 : vector<16xf32>
        %parallel_loop3A_1209 = arith.addf %parallel_loop3A_1208, %parallel_loop3A_1205 : vector<16xf32>
        %parallel_loop3A_1210 = arith.constant 1 : i32
        %parallel_loop3A_1211 = arith.index_cast %parallel_loop3A_1210 : i32 to index
        %parallel_loop3A_1212 = arith.index_cast %parallel_loop3A_427 : i32 to index
        %parallel_loop3A_1213 = arith.constant 48 : index
        %parallel_loop3A_1214 = tpu.vector_load %arg11[%parallel_loop3A_1211, %parallel_loop3A_1212, %parallel_loop3A_1213] {strides = array<i32>} : memref<2x32x64xf32, #tpu.memory_space<vmem>>, vector<1x1x16xf32>,
        %parallel_loop3A_1215 = vector.shape_cast %parallel_loop3A_1214 : vector<1x1x16xf32> to vector<16xf32>
        %parallel_loop3A_1216 = arith.mulf %parallel_loop3A_1215, %get3A_4 : vector<16xf32>
        %parallel_loop3A_1217 = arith.constant 1 : i32
        %parallel_loop3A_1218 = arith.index_cast %parallel_loop3A_1217 : i32 to index
        %parallel_loop3A_1219 = arith.index_cast %parallel_loop3A_427 : i32 to index
        %parallel_loop3A_1220 = arith.constant 48 : index
        %parallel_loop3A_1221 = tpu.vector_load %arg12[%parallel_loop3A_1218, %parallel_loop3A_1219, %parallel_loop3A_1220] {strides = array<i32>} : memref<2x32x128xf32, #tpu.memory_space<vmem>>, vector<1x1x16xf32>,
        %parallel_loop3A_1222 = vector.shape_cast %parallel_loop3A_1221 : vector<1x1x16xf32> to vector<16xf32>
        %parallel_loop3A_1223 = vector.shape_cast %parallel_loop3A_1216 : vector<16xf32> to vector<1x1x16xf32>
        tpu.vector_store %arg12[%parallel_loop3A_1218, %parallel_loop3A_1219, %parallel_loop3A_1220], %parallel_loop3A_1223 {strides = array<i32>} : memref<2x32x128xf32, #tpu.memory_space<vmem>>, vector<1x1x16xf32>,
        %parallel_loop3A_1224 = arith.mulf %parallel_loop3A_1209, %get3A_9 : vector<16xf32>
        %parallel_loop3A_1225 = arith.constant 1 : i32
        %parallel_loop3A_1226 = arith.index_cast %parallel_loop3A_1225 : i32 to index
        %parallel_loop3A_1227 = arith.index_cast %parallel_loop3A_427 : i32 to index
        %parallel_loop3A_1228 = arith.constant 112 : index
        %parallel_loop3A_1229 = tpu.vector_load %arg12[%parallel_loop3A_1226, %parallel_loop3A_1227, %parallel_loop3A_1228] {strides = array<i32>} : memref<2x32x128xf32, #tpu.memory_space<vmem>>, vector<1x1x16xf32>,
        %parallel_loop3A_1230 = vector.shape_cast %parallel_loop3A_1229 : vector<1x1x16xf32> to vector<16xf32>
        %parallel_loop3A_1231 = vector.shape_cast %parallel_loop3A_1224 : vector<16xf32> to vector<1x1x16xf32>
        tpu.vector_store %arg12[%parallel_loop3A_1226, %parallel_loop3A_1227, %parallel_loop3A_1228], %parallel_loop3A_1231 {strides = array<i32>} : memref<2x32x128xf32, #tpu.memory_space<vmem>>, vector<1x1x16xf32>,
      } {sc.loop_unroll_factor = 4 : i64, sc.parallel_access}
      %mul3A_409 = arith.constant 512 : i32
      %mul3A_410 = arith.muli %add3A, %mul3A_409 : i32
      %mul3A_411 = arith.constant 32 : i32
      %mul3A_412 = arith.muli %add3A_363, %mul3A_411 : i32
      %add3A_413 = arith.addi %mul3A_410, %mul3A_412 : i32
      %dma_start3A_414 = arith.constant 1 : i32
      %dma_start3A_415 = arith.constant 0 : i32
      %dma_start3A_416 = arith.constant 0 : i32
      %dma_start3A_417 = tpu.memref_slice %arg12[%dma_start3A_414, %dma_start3A_415, %dma_start3A_416] : memref<2x32x128xf32, #tpu.memory_space<vmem>> -> memref<1x32x128xf32, #tpu.memory_space<vmem>>
      %dma_start3A_418 = tpu.memref_squeeze %dma_start3A_417 : memref<1x32x128xf32, #tpu.memory_space<vmem>> -> memref<32x128xf32, #tpu.memory_space<vmem>>
      %dma_start3A_419 = arith.constant 0 : i32
      %dma_start3A_420 = tpu.memref_slice %arg7[%add3A_413, %dma_start3A_419] : memref<16384x128xf32, #tpu.memory_space<hbm>> -> memref<32x128xf32, #tpu.memory_space<hbm>>
      %dma_start3A_421 = arith.constant 0 : i32
      %dma_start3A_422 = tpu.memref_slice %arg7[%add3A_413, %dma_start3A_421] : memref<16384x128xf32, #tpu.memory_space<hbm>> -> memref<32x128xf32, #tpu.memory_space<hbm>>
      %dma_start3A_423 = arith.constant 0 : i32
      %dma_start3A_424 = arith.constant 0 : i32
      %dma_start3A_425 = tpu.memref_slice %arg12[%dma_start3A_414, %dma_start3A_423, %dma_start3A_424] : memref<2x32x128xf32, #tpu.memory_space<vmem>> -> memref<1x32x128xf32, #tpu.memory_space<vmem>>
      %dma_start3A_426 = tpu.memref_squeeze %dma_start3A_425 : memref<1x32x128xf32, #tpu.memory_space<vmem>> -> memref<32x128xf32, #tpu.memory_space<vmem>>
      tpu.enqueue_dma source(%dma_start3A_426 : memref<32x128xf32, #tpu.memory_space<vmem>>) target(%dma_start3A_422 : memref<32x128xf32, #tpu.memory_space<hbm>>) target_semaphore(%arg19 : memref<!tpu.dma_semaphore, #tpu.memory_space<semaphore_mem>>)
    }
    %scan3A_267 = arith.constant 8 : i32
    %dma_wait3A = arith.constant 0 : i32
    %dma_wait3A_268 = arith.constant 0 : i32
    %dma_wait3A_269 = arith.constant 0 : i32
    %dma_wait3A_270 = tpu.memref_slice %arg12[%dma_wait3A, %dma_wait3A_268, %dma_wait3A_269] : memref<2x32x128xf32, #tpu.memory_space<vmem>> -> memref<1x32x128xf32, #tpu.memory_space<vmem>>
    %dma_wait3A_271 = tpu.memref_squeeze %dma_wait3A_270 : memref<1x32x128xf32, #tpu.memory_space<vmem>> -> memref<32x128xf32, #tpu.memory_space<vmem>>
    %dma_wait3A_272 = arith.constant 0 : i32
    %dma_wait3A_273 = arith.constant 0 : i32
    %dma_wait3A_274 = tpu.memref_slice %arg7[%dma_wait3A_272, %dma_wait3A_273] : memref<16384x128xf32, #tpu.memory_space<hbm>> -> memref<32x128xf32, #tpu.memory_space<hbm>>
    %dma_wait3A_275 = arith.constant 0 : i32
    %dma_wait3A_276 = arith.constant 0 : i32
    %dma_wait3A_277 = tpu.memref_slice %arg7[%dma_wait3A_275, %dma_wait3A_276] : memref<16384x128xf32, #tpu.memory_space<hbm>> -> memref<32x128xf32, #tpu.memory_space<hbm>>
    %dma_wait3A_278 = arith.constant 0 : i32
    %dma_wait3A_279 = arith.constant 0 : i32
    %dma_wait3A_280 = tpu.memref_slice %arg12[%dma_wait3A, %dma_wait3A_278, %dma_wait3A_279] : memref<2x32x128xf32, #tpu.memory_space<vmem>> -> memref<1x32x128xf32, #tpu.memory_space<vmem>>
    %dma_wait3A_281 = tpu.memref_squeeze %dma_wait3A_280 : memref<1x32x128xf32, #tpu.memory_space<vmem>> -> memref<32x128xf32, #tpu.memory_space<vmem>>
    tpu.wait_dma2 semaphore(%arg18 : memref<!tpu.dma_semaphore, #tpu.memory_space<semaphore_mem>>) src(%dma_wait3A_281 : memref<32x128xf32, #tpu.memory_space<vmem>>) dst(%dma_wait3A_277 : memref<32x128xf32, #tpu.memory_space<hbm>>)
    %dma_wait3A_282 = arith.constant 1 : i32
    %dma_wait3A_283 = arith.constant 0 : i32
    %dma_wait3A_284 = arith.constant 0 : i32
    %dma_wait3A_285 = tpu.memref_slice %arg12[%dma_wait3A_282, %dma_wait3A_283, %dma_wait3A_284] : memref<2x32x128xf32, #tpu.memory_space<vmem>> -> memref<1x32x128xf32, #tpu.memory_space<vmem>>
    %dma_wait3A_286 = tpu.memref_squeeze %dma_wait3A_285 : memref<1x32x128xf32, #tpu.memory_space<vmem>> -> memref<32x128xf32, #tpu.memory_space<vmem>>
    %dma_wait3A_287 = arith.constant 0 : i32
    %dma_wait3A_288 = arith.constant 0 : i32
    %dma_wait3A_289 = tpu.memref_slice %arg7[%dma_wait3A_287, %dma_wait3A_288] : memref<16384x128xf32, #tpu.memory_space<hbm>> -> memref<32x128xf32, #tpu.memory_space<hbm>>
    %dma_wait3A_290 = arith.constant 0 : i32
    %dma_wait3A_291 = arith.constant 0 : i32
    %dma_wait3A_292 = tpu.memref_slice %arg7[%dma_wait3A_290, %dma_wait3A_291] : memref<16384x128xf32, #tpu.memory_space<hbm>> -> memref<32x128xf32, #tpu.memory_space<hbm>>
    %dma_wait3A_293 = arith.constant 0 : i32
    %dma_wait3A_294 = arith.constant 0 : i32
    %dma_wait3A_295 = tpu.memref_slice %arg12[%dma_wait3A_282, %dma_wait3A_293, %dma_wait3A_294] : memref<2x32x128xf32, #tpu.memory_space<vmem>> -> memref<1x32x128xf32, #tpu.memory_space<vmem>>
    %dma_wait3A_296 = tpu.memref_squeeze %dma_wait3A_295 : memref<1x32x128xf32, #tpu.memory_space<vmem>> -> memref<32x128xf32, #tpu.memory_space<vmem>>
    tpu.wait_dma2 semaphore(%arg19 : memref<!tpu.dma_semaphore, #tpu.memory_space<semaphore_mem>>) src(%dma_wait3A_296 : memref<32x128xf32, #tpu.memory_space<vmem>>) dst(%dma_wait3A_292 : memref<32x128xf32, #tpu.memory_space<hbm>>)
    return
  }
}

</mosaic_0001>

<sc_bundles>
// kernel: kernel.3.cloned.1.call-start
scs
__scs_entry_jumppad:
0x0: {  	(pc) =	sbr.rel $0x88, $3  }
0x1: {  	(tag) =	ssettag $0x0;
	lr =	simm.s32 $0x1  }
0x2: {  	[smem:$0x3F9B] =	sst lr;
	_ =	strace $0xD0000000  }
0x3: {  	_ = 	snop  }
0x4: {  	_ = 	snop  }
0x5: {  	_ = 	snop  }
0x6: {  	_ = 	snop  }
0x7: {  	_ = 	snop  }
__scs_overlays_trampoline_lowered:
0x8: {  	[smem:$0x3FAA] =	sst s0  }
0x9: {  	[smem:$0x3FAB] =	sst s1  }
0xa: {  	[smem:$0x3FAC] =	sst s2  }
0xb: {  	[smem:$0x3FAD] =	sst s3  }
0xc: {  	[smem:$0x3FAE] =	sst s4  }
0xd: {  	[smem:$0x3FAF] =	sst s5  }
0xe: {  	[smem:$0x3FB0] =	sst s6  }
0xf: {  	[smem:$0x3FB1] =	sst s7  }
0x10: {  	[smem:$0x3FB2] =	sst s8  }
0x11: {  	[smem:$0x3FB3] =	sst s9;
	s0 =	simm.s32 @!p0 $0x0  }
0x12: {  	s1 =	sld [smem:$0x3F99];
	s0 =	simm.s32 @p0 $0x1  }
0x13: {  	[smem:$0x3FB4] =	sst s0;
	s0 =	simm.s32 @!p1 $0x0  }
0x14: {  	s2 =	sld [smem:$0x3F98];
	s0 =	simm.s32 @p1 $0x1  }
0x15: {  	[smem:$0x3FB5] =	sst s0;
	s0 =	simm.s32 @!p2 $0x0  }
0x16: {  	s3 =	sld [smem:$0x3FDB];
	s0 =	simm.s32 @p2 $0x1  }
0x17: {  	s4 =	simm.s32 $0x1BF5;
	[smem:$0x3FB7] =	sst s0  }
0x18: {  	s0 =	sld [smem:$0x3F9A];
	_ =	swait.ge [sflag:s4], $0x0  }
0x19: {  	s7 =	sld [smem:$0x3F9B]  }
0x1a: {  	s8 =	sadd.s32 $0xFFFFE003, lr  }
0x1b: {  	s9 =	sadd.s32 $0xFFFFFEF7, lr;
	s5 =	simm.s32 $0xFFFFFFFF;
	p2 =	slt.u32 s8, $0xFFFFF086  }
0x1c: {  	p1 =	slt.u32 s9, $0xF7A;
	s5 =	simm.s32 @!p2 $0x0  }
0x1d: {  	s5 =	simm.s32 @p1 $0x1;
	p0 =	seq.s32 s7, s2  }
0x1e: {  	s7 =	smul.u32 @!p0 $0xF7A, s2;
	p2 =	seq.s32 @!p0 s5, $0x0  }
0x1f: {  	s9 =	smul.u32 $0xF7A, s1;
	s8 =	simm.s32 @!p0 $0x1BF5;
	p2 =	por !p2, p0  }
0x20: {  	[sflag:s8] =	ssyncset.s32 @!p0 $0xFFFFF086;
	s6 =	sadd.s32 @!p0 s3, s7;
	s7 =	simm.s32 @!p0 $0x108  }
0x21: {  	s3 =	sadd.s32 s3, s9;
	s6 =	sadd.s32 @!p0 $0x88, s6;
	s7 =	simm.s32 @p2 $0x1082  }
0x22: {  	[simem:s7], [sflag:s8] =	dma.local @!p0 [hbm:s6], $0xF7A  }
0x23: {  	s9 =	sor.u32 $0xD0000000, s2;
	s6 =	simm.s32 $0x108;
	_ =	swait.ge @!p0 [sflag:s8], $0x0  }
0x24: {  	s3 =	sadd.s32 $0x88, s3;
	s6 =	simm.s32 @!p1 $0x1082;
	[sflag:s4] =	ssyncset.s32 $0xFFFFF086  }
0x25: {  	[simem:s6], [sflag:s4] =	dma.local [hbm:s3], $0xF7A  }
0x26: {  	[smem:$0x3F9B] =	sst s1;
	(tag) =	ssettag s2;
	_ =	strace s9  }
0x27: {  	s1 =	sld [smem:$0x3FAB]  }
0x28: {  	s2 =	sld [smem:$0x3FAC]  }
0x29: {  	s4 =	sld [smem:$0x3FAE]  }
0x2a: {  	p0 =	seq.s32 s5, $0x0;
	s5 =	sld [smem:$0x3FAF]  }
0x2b: {  	s6 =	sld [smem:$0x3FB0]  }
0x2c: {  	s7 =	sld [smem:$0x3FB1]  }
0x2d: {  	s3 =	simm.s32 $0x108;
	s8 =	sld [smem:$0x3FB2]  }
0x2e: {  	s3 =	simm.s32 @!p0 $0x1082;
	s9 =	sld [smem:$0x3FB3]  }
0x2f: {  	lr =	sadd.s32 s0, s3;
	s0 =	sld [smem:$0x3FAA]  }
0x30: {  	s3 =	sld [smem:$0x3FAD]  }
0x31: {  	[smem:$0x3FB6] =	sst s10  }
0x32: {  	s10 =	sld [smem:$0x3FB4];
	_ =	sdelay $0x3  }
0x33: {  	p0 =	seq.s32 s10, $0x1;
	s10 =	sld [smem:$0x3FB6];
	_ =	sdelay $0x3  }
0x34: {  	[smem:$0x3FB6] =	sst s10  }
0x35: {  	s10 =	sld [smem:$0x3FB5];
	_ =	sdelay $0x3  }
0x36: {  	p1 =	seq.s32 s10, $0x1;
	s10 =	sld [smem:$0x3FB6];
	_ =	sdelay $0x3  }
0x37: {  	[smem:$0x3FB6] =	sst s10  }
0x38: {  	s10 =	sld [smem:$0x3FB7]  }
0x39: {  	_ = 	snop;
	(pc) =	sbr.ind lr, $3  }
0x3a: {  	_ = 	snop  }
0x3b: {  	_ = 	snop  }
0x3c: {  	p2 =	seq.s32 s10, $0x1;
	s10 =	sld [smem:$0x3FB6]  }
0x3d: {  	_ =	shalt  }
0x3e: {  	_ =	shalt  }
0x3f: {  	_ =	shalt  }
0x40: {  	_ =	shalt  }
0x41: {  	_ =	shalt  }
0x42: {  	_ =	shalt  }
0x43: {  	_ =	shalt  }
0x44: {  	_ =	shalt  }
0x45: {  	_ =	shalt  }
0x46: {  	_ =	shalt  }
0x47: {  	_ =	shalt  }
0x48: {  	_ =	shalt  }
0x49: {  	_ =	shalt  }
0x4a: {  	_ =	shalt  }
0x4b: {  	_ =	shalt  }
0x4c: {  	_ =	shalt  }
0x4d: {  	_ =	shalt  }
0x4e: {  	_ =	shalt  }
0x4f: {  	_ =	shalt  }
0x50: {  	_ =	shalt  }
0x51: {  	_ =	shalt  }
0x52: {  	_ =	shalt  }
0x53: {  	_ =	shalt  }
0x54: {  	_ =	shalt  }
0x55: {  	_ =	shalt  }
0x56: {  	_ =	shalt  }
0x57: {  	_ =	shalt  }
0x58: {  	_ =	shalt  }
0x59: {  	_ =	shalt  }
0x5a: {  	_ =	shalt  }
0x5b: {  	_ =	shalt  }
0x5c: {  	_ =	shalt  }
0x5d: {  	_ =	shalt  }
0x5e: {  	_ =	shalt  }
0x5f: {  	_ =	shalt  }
0x60: {  	_ =	shalt  }
0x61: {  	_ =	shalt  }
0x62: {  	_ =	shalt  }
0x63: {  	_ =	shalt  }
0x64: {  	_ =	shalt  }
0x65: {  	_ =	shalt  }
0x66: {  	_ =	shalt  }
0x67: {  	_ =	shalt  }
0x68: {  	_ =	shalt  }
0x69: {  	_ =	shalt  }
0x6a: {  	_ =	shalt  }
0x6b: {  	_ =	shalt  }
0x6c: {  	_ =	shalt  }
0x6d: {  	_ =	shalt  }
0x6e: {  	_ =	shalt  }
0x6f: {  	_ =	shalt  }
0x70: {  	_ =	shalt  }
0x71: {  	_ =	shalt  }
0x72: {  	_ =	shalt  }
0x73: {  	_ =	shalt  }
0x74: {  	_ =	shalt  }
0x75: {  	_ =	shalt  }
0x76: {  	_ =	shalt  }
0x77: {  	_ =	shalt  }
0x78: {  	_ =	shalt  }
0x79: {  	_ =	shalt  }
0x7a: {  	_ =	shalt  }
0x7b: {  	_ =	shalt  }
0x7c: {  	_ =	shalt  }
0x7d: {  	_ =	shalt  }
0x7e: {  	_ =	shalt  }
0x7f: {  	_ =	shalt  }
0x80: {  	_ =	shalt  }
0x81: {  	_ =	shalt  }
0x82: {  	_ =	shalt  }
0x83: {  	_ =	shalt  }
0x84: {  	_ =	shalt  }
0x85: {  	_ =	shalt  }
0x86: {  	_ =	shalt  }
0x87: {  	_ =	shalt  }
.Lfunc_end0:
.L_simem_size_0:
called_computation_lowered:
.L_overlay_start_0:
0x88: {  	s2 =	sld [smem:$0x3FD9]  }
0x89: {  	s3 =	sld [smem:$0x3FFE];
	_ =	sdelay $0x1  }
0x8a: {  	s1 =	srdreg.scid  }
0x8b: {  	s0 =	sand.u32 $0x1, s1  }
0x8c: {  	s17 =	sshll.u32 s0, $0xA;
	s2 =	sadd.s32 s3, s2  }
0x8d: {  	s2 =	sadd.s32 s2, s17  }
0x8e: {  	[smem:$0x3FC2] =	sst s2  }
0x8f: {  	_ = 	snop  }
0x90: {  	s2 =	sld [smem:$0x3FC9]  }
0x91: {  	s18 =	sld [smem:$0x3FD0];
	(tm) =	ssettm $0x1  }
0x92: {  	s4 =	sld [smem:$0x3FFB];
	_ =	sdelay $0x3  }
0x93: {  	_ =	strace s4  }
0x94: {  	s4 =	sld [smem:$0x3FFC];
	_ =	sdelay $0x3  }
0x95: {  	_ =	strace s4  }
0x96: {  	s4 =	sld [smem:$0x3FFD];
	_ =	sdelay $0x3  }
0x97: {  	_ =	strace s4  }
0x98: {  	_ =	strace $0x8FFFFFFF  }
0x99: {  	s19 =	sld [smem:$0x3FDB];
	_ =	sdelay $0x1  }
0x9a: {  	s5 =	simm.s32 $_scs_section_size  }
0x9b: {  	s6 =	simm.s32 $_size__tile_overlayer_lowered;
	s7 =	simm.s32 $_tile_overlayer_lowered  }
0x9c: {  	s22 =	simm.s32 $0x1BFF;
	s21 =	sshll.u32 s7, $0x1;
	s4 =	sadd.s32 s5, s19  }
0x9d: {  	s8 =	simm.s32 $0x0;
	s20 =	sshll.u32 s6, $0x1;
	s6 =	sadd.s32 s21, s4  }
0x9e: {  	[timem:s8], [sflag:s22] =	dma.local [hbm:s6], s20  }
0x9f: {  	_ =	swait.ge [sflag:s22], s20  }
0xa0: {  	s5 =	ssub.s32 $0x0, s20;
	[sflag:s22] =	ssyncset.done $0x0  }
0xa1: {  	[sflag:s22] =	ssyncadd.s32 s5;
	_ =	sdelay $0x1  }
0xa2: {  	s23 =	simm.s32 $0x1B8B  }
0xa3: {  	_ =	swait.ge [sflag:s23], $0x1  }
0xa4: {  	[sflag:s23] =	ssyncset.done $0x0  }
0xa5: {  	s25 =	simm.s32 $0x1B8E;
	s24 =	sld [smem:$0x3FFE];
	[sflag:s23] =	ssyncadd.s32 $0xFFFFFFFF  }
0xa6: {  	s26 =	simm.s32 $execute0_lowered;
	[smem:$0x3FD2] =	sst s25  }
0xa7: {  	s6 =	sshll.u32 s26, $0x1;
	_ =	strace $0x80000046;
	[dreg:$0x1] =	wrdreg $0xFFFFFFFF  }
0xa8: {  	s28 =	simm.s32 $_size_execute0_lowered;
	s4 =	sadd.s32 s4, s6;
	[dreg:$0x0] =	wrdreg $0x0  }
0xa9: {  	s6 =	sshll.u32 s28, $0x1;
	[dreg:$0x2] =	wrdreg s4  }
0xaa: {  	[dreg:$0x3] =	wrdreg s6  }
0xab: {  	[dreg:$0x4] =	wrdreg $0xC0  }
0xac: {  	_ =	task [dreg:s8], $0x5FFFF  }
0xad: {  	[dreg:$0x1] =	wrdreg $0xFFFFFFFF  }
0xae: {  	[dreg:$0x0] =	wrdreg $0x60  }
0xaf: {  	[dreg:$0x2] =	wrdreg s24  }
0xb0: {  	[dreg:$0x3] =	wrdreg s2  }
0xb1: {  	[dreg:$0x4] =	wrdreg s18  }
0xb2: {  	[dreg:$0x5] =	wrdreg $0x9  }
0xb3: {  	_ =	task.clear_ibuf [dreg:s8], $0x6FFFF;
	_ =	strace $0x90000046  }
0xb4: {  	s29 =	simm.s32 $0x9;
	_ =	strace $0x80000048  }
0xb5: {  	_ =	swait.ge [sflag:s29], $0x1  }
0xb6: {  	[sflag:s29] =	ssyncadd.s32 $0xFFFFFFFF  }
0xb7: {  	_ =	strace $0x90000048  }
0xb8: {  	_ =	sfence  }
0xb9: {  	s30 =	sld [smem:$0x0];
	_ =	sdelay $0x2  }
0xba: {  	s31 =	sshll.u32 s1, $0xD;
	s1 =	sshrl.u32 s1, $0x2  }
0xbb: {  	s3 =	sand.u32 $0x4000, s31;
	s1 =	sadd.s32 s1, s30  }
0xbc: {  	s0 =	sor.u32 s3, s0;
	s1 =	sshll.u32 s1, $0x11  }
0xbd: {  	s0 =	sor.u32 s1, s0  }
0xbe: {  	s0 =	sadd.s32 $0x8F2B, s0  }
0xbf: {  	[sflag:s0] =	ssyncadd.remote.s32 $0x1  }
0xc0: {  	_ =	sfence.sel $0xFFFF  }
0xc1: {  	[dreg:$0x0] =	wrdreg $0xFFFFFFFF;
	(pc) =	sbr.abs _section_cstart, $3  }
0xc2: {  	[dreg:$0x1] =	wrdreg $0xFFFFFFFF  }
0xc3: {  	_ =	task.clear_ibuf [dreg:s8], $0x2FFFF;
	_ =	strace $0x9FFFFFFF  }
0xc4: {  	(tm) =	ssettm $0x7FFFFFFF  }
0xc5: {  	_ =	shalt  }
tec
execute0_lowered:
.L_overlay_start_1:
0x0: {  	(tag) =	ssettag $0x1  }
0x1: {  	s0 =	rddreg [dreg:$0x0]  }
0x2: {  	s1 =	rddreg [dreg:$0x1]  }
0x3: {  	s5 =	rddreg [dreg:$0x2];
	s3 =	srdreg.scid  }
0x4: {  	s2 =	simm.s32 $0x0;
	s4 =	stileid.u32;
	s15 =	simm.s32 $0x20  }
0x5: {  	s30 =	simm.s32 $0x12A00;
	s10 =	simm.s32 $0x13A00;
	s18 =	simm.s32 $0x14200  }
0x6: {  	s22 =	simm.s32 $0x14A00;
	s31 =	simm.s32 $0x15A00;
	s13 =	simm.s32 $0x16200  }
0x7: {  	s24 =	simm.s32 $0x17200;
	s29 =	simm.s32 $0x3;
	s20 =	simm.s32 $0x17A00  }
0x8: {  	s12 =	simm.s32 $0x2;
	s14 =	simm.s32 $0x4;
	s6 =	sand.u32 $0x1, s3  }
0x9: {  	[smem:$0x7FF] =	sst s2;
	s4 =	sshll.u32 s4, $0xA;
	s7 =	sshll.u32 s6, $0x9  }
0xa: {  	s3 =	sadd.s32 $0x187400, s0;
	_ =	strace $0x80000047;
	s7 =	sor.u32 s7, s4  }
0xb: {  	s6 =	ssub.s32 $0x2, s6;
	s4 =	sadd.s32 $0x800, s0;
	s8 =	sshrl.u32 s7, $0x3  }
0xc: {  	s25 =	sshrl.u32 s6, $0x1;
	s28 =	sshll.u32 s7, $0x4;
	s9 =	sadd.s32 s8, s0  }
0xd: {  	s0 =	sadd.s32 $0xC800, s0;
	s1 =	sadd.s32 s1, s8;
	s8 =	sadd.s32 s5, s28  }
0xe: {  	s5 =	simm.s32 $0x18A00;
	[dreg:$0x4] =	wrdreg s0;
	s0 =	ssub.s32 s6, s25  }
0xf: {  	s26 =	sadd.s32 $0x2800, s9;
	[dreg:$0x6] =	wrdreg s1;
	s1 =	simm.s32 $0x1  }
0x10: {  	s9 =	simm.s32 $0x0;
	[dreg:$0x5] =	wrdreg s26;
	s0 =	smax.u32 s0, $0x1  }
0x11: {  	s26 =	simm.s32 $0x15200;
	[dreg:$0x7] =	wrdreg s0;
	s0 =	simm.s32 $0x13200  }
.LBB2_1:
0x12: {  	[dreg:$0x8] =	wrdreg s9  }
0x13: {  	s6 =	rddreg [dreg:$0x4];
	s7 =	simm.s32 $0x19A00;
	s23 =	simm.s32 $0x7  }
0x14: {  	[tilespmem:s7], [sflag:$0x7] =	stream.linear.gather [hbm4b:s6+s2], $0x20, $0x38;
	[tilespmem:$0x19A20] =	vst v63  }
0x15: {  	_ =	swait.ge [sflag:s23], $0x20  }
0x16: {  	[sflag:s23] =	ssyncset.done $0x0  }
0x17: {  	[sflag:s23] =	ssyncadd.s32 $0xFFFFFFE0  }
0x18: {  	s28 =	simm.s32 $0x200;
	s11 =	simm.s32 $0x4000;
	s25 =	rddreg [dreg:$0x5];
	v0 =	vld [tilespmem:$0x19A00]  }
0x19: {  	v1 =	vld [tilespmem:$0x19A10];
	[tilespmem:s2], [sflag:$0x7] =	stream.strided.gather [hbm4b:s25+s28], $0x2800, s11, s28, $0x38  }
0x1a: {  	_ =	swait.ge [sflag:s23], $0x2800  }
0x1b: {  	[sflag:s23] =	ssyncset.done $0x0  }
0x1c: {  	s11 =	simm.s32 $0x2800;
	s16 =	rddreg [dreg:$0x6];
	[sflag:s23] =	ssyncadd.s32 $0xFFFFD800  }
0x1d: {  	[tilespmem:s11], [sflag:$0x7] =	stream.linear.gather [hbm4b:s16+s2], $0x200, $0x38;
	[tilespmem:$0x19A20] =	vst v63  }
0x1e: {  	_ =	swait.ge [sflag:s23], $0x200  }
0x1f: {  	[sflag:s23] =	ssyncset.done $0x0  }
0x20: {  	s17 =	simm.s32 $0x2A00;
	[sflag:s23] =	ssyncadd.s32 $0xFFFFFE00  }
0x21: {  	[tilespmem:s17], [sflag:$0x1] =	stream.indirect.gather [hbm4b:s3+s15], $0x40, s2, s15, $0xb8;
	[tilespmem:$0x19A20] =	vst v63  }
0x22: {  	s19 =	simm.s32 $0x3200  }
0x23: {  	[tilespmem:s19], [sflag:$0x1] =	stream.indirect.gather [hbm4b:s3+s15], $0x40, s28, s15, $0xb8;
	[tilespmem:$0x19A20] =	vst v63  }
0x24: {  	s21 =	simm.s32 $0x400;
	s23 =	simm.s32 $0x3A00  }
0x25: {  	[tilespmem:s23], [sflag:$0x1] =	stream.indirect.gather [hbm4b:s3+s15], $0x40, s21, s15, $0xb8;
	[tilespmem:$0x19A20] =	vst v63  }
0x26: {  	s25 =	simm.s32 $0x600;
	s28 =	simm.s32 $0x4200  }
0x27: {  	[tilespmem:s28], [sflag:$0x1] =	stream.indirect.gather [hbm4b:s3+s15], $0x40, s25, s15, $0xb8;
	[tilespmem:$0x19A20] =	vst v63  }
0x28: {  	s9 =	simm.s32 $0x800;
	s16 =	simm.s32 $0x4A00  }
0x29: {  	[tilespmem:s16], [sflag:$0x1] =	stream.indirect.gather [hbm4b:s3+s15], $0x40, s9, s15, $0xb8;
	[tilespmem:$0x19A20] =	vst v63  }
0x2a: {  	s17 =	simm.s32 $0xA00;
	s19 =	simm.s32 $0x5200  }
0x2b: {  	[tilespmem:s19], [sflag:$0x1] =	stream.indirect.gather [hbm4b:s3+s15], $0x40, s17, s15, $0xb8;
	[tilespmem:$0x19A20] =	vst v63  }
0x2c: {  	s21 =	simm.s32 $0xC00;
	s23 =	simm.s32 $0x5A00  }
0x2d: {  	[tilespmem:s23], [sflag:$0x1] =	stream.indirect.gather [hbm4b:s3+s15], $0x40, s21, s15, $0xb8;
	[tilespmem:$0x19A20] =	vst v63  }
0x2e: {  	s25 =	simm.s32 $0xE00;
	s28 =	simm.s32 $0x6200  }
0x2f: {  	[tilespmem:s28], [sflag:$0x1] =	stream.indirect.gather [hbm4b:s3+s15], $0x40, s25, s15, $0xb8;
	[tilespmem:$0x19A20] =	vst v63  }
0x30: {  	s9 =	simm.s32 $0x1000;
	s16 =	simm.s32 $0x6A00  }
0x31: {  	[tilespmem:s16], [sflag:$0x1] =	stream.indirect.gather [hbm4b:s3+s15], $0x40, s9, s15, $0xb8;
	[tilespmem:$0x19A20] =	vst v63  }
0x32: {  	s17 =	simm.s32 $0x1200;
	s19 =	simm.s32 $0x7200  }
0x33: {  	[tilespmem:s19], [sflag:$0x1] =	stream.indirect.gather [hbm4b:s3+s15], $0x40, s17, s15, $0xb8;
	[tilespmem:$0x19A20] =	vst v63  }
0x34: {  	s21 =	simm.s32 $0x1400;
	s23 =	simm.s32 $0x7A00  }
0x35: {  	[tilespmem:s23], [sflag:$0x1] =	stream.indirect.gather [hbm4b:s3+s15], $0x40, s21, s15, $0xb8;
	[tilespmem:$0x19A20] =	vst v63  }
0x36: {  	s25 =	simm.s32 $0x1600;
	s28 =	simm.s32 $0x8200  }
0x37: {  	[tilespmem:s28], [sflag:$0x1] =	stream.indirect.gather [hbm4b:s3+s15], $0x40, s25, s15, $0xb8;
	[tilespmem:$0x19A20] =	vst v63  }
0x38: {  	s9 =	simm.s32 $0x1800;
	s16 =	simm.s32 $0x8A00  }
0x39: {  	[tilespmem:s16], [sflag:$0x1] =	stream.indirect.gather [hbm4b:s3+s15], $0x40, s9, s15, $0xb8;
	[tilespmem:$0x19A20] =	vst v63  }
0x3a: {  	s17 =	simm.s32 $0x1A00;
	s19 =	simm.s32 $0x9200  }
0x3b: {  	[tilespmem:s19], [sflag:$0x1] =	stream.indirect.gather [hbm4b:s3+s15], $0x40, s17, s15, $0xb8;
	[tilespmem:$0x19A20] =	vst v63  }
0x3c: {  	s21 =	simm.s32 $0x1C00;
	s23 =	simm.s32 $0x9A00  }
0x3d: {  	[tilespmem:s23], [sflag:$0x1] =	stream.indirect.gather [hbm4b:s3+s15], $0x40, s21, s15, $0xb8;
	[tilespmem:$0x19A20] =	vst v63  }
0x3e: {  	s25 =	simm.s32 $0x1E00;
	s28 =	simm.s32 $0xA200  }
0x3f: {  	[tilespmem:s28], [sflag:$0x1] =	stream.indirect.gather [hbm4b:s3+s15], $0x40, s25, s15, $0xb8;
	[tilespmem:$0x19A20] =	vst v63  }
0x40: {  	s7 =	simm.s32 $0x2000;
	s9 =	simm.s32 $0xAA00  }
0x41: {  	[tilespmem:s9], [sflag:$0x1] =	stream.indirect.gather [hbm4b:s3+s15], $0x40, s7, s15, $0xb8;
	[tilespmem:$0x19A20] =	vst v63  }
0x42: {  	s16 =	simm.s32 $0x2200;
	s17 =	simm.s32 $0xB200  }
0x43: {  	[tilespmem:s17], [sflag:$0x1] =	stream.indirect.gather [hbm4b:s3+s15], $0x40, s16, s15, $0xb8;
	[tilespmem:$0x19A20] =	vst v63  }
0x44: {  	s19 =	simm.s32 $0x2400;
	s21 =	simm.s32 $0xBA00  }
0x45: {  	[tilespmem:s21], [sflag:$0x1] =	stream.indirect.gather [hbm4b:s3+s15], $0x40, s19, s15, $0xb8;
	[tilespmem:$0x19A20] =	vst v63  }
0x46: {  	s23 =	simm.s32 $0x2600;
	s25 =	simm.s32 $0xC200  }
0x47: {  	[tilespmem:s25], [sflag:$0x1] =	stream.indirect.gather [hbm4b:s3+s15], $0x40, s23, s15, $0xb8;
	[tilespmem:$0x19A20] =	vst v63  }
0x48: {  	s6 =	simm.s32 $0x0;
	s28 =	simm.s32 $0x16A00  }
0x49: {  	[tilespmem:s28], [sflag:$0x3] =	stream.indirect.gather [hbm4b:s4+s15], $0x40, s11, s15, $0xb8;
	[tilespmem:$0x19A20] =	vst v63  }
.LBB2_2:
0x4a: {  	s7 =	sshllo.u32 s6, $0x1  }
0x4b: {  	s11 =	simm.s32 $0xCA00;
	s9 =	sshll.u32 s7, $0x5  }
0x4c: {  	[tilespmem:s11], [sflag:$0x2] =	stream.indirect.gather [hbm4b:s3+s15], $0x40, s9, s15, $0xb8;
	[tilespmem:$0x19A20] =	vst v63  }
0x4d: {  	s16 =	simm.s32 $0xD200;
	s23 =	sadd.s32 $0x200, s9  }
0x4e: {  	[tilespmem:s16], [sflag:$0x2] =	stream.indirect.gather [hbm4b:s3+s15], $0x40, s23, s15, $0xb8;
	[tilespmem:$0x19A20] =	vst v63  }
0x4f: {  	s28 =	simm.s32 $0xDA00;
	s25 =	sadd.s32 $0x400, s9  }
0x50: {  	[tilespmem:s28], [sflag:$0x2] =	stream.indirect.gather [hbm4b:s3+s15], $0x40, s25, s15, $0xb8;
	[tilespmem:$0x19A20] =	vst v63  }
0x51: {  	s19 =	simm.s32 $0xE200;
	s17 =	sadd.s32 $0x600, s9  }
0x52: {  	[tilespmem:s19], [sflag:$0x2] =	stream.indirect.gather [hbm4b:s3+s15], $0x40, s17, s15, $0xb8;
	[tilespmem:$0x19A20] =	vst v63  }
0x53: {  	s21 =	sadd.s32 $0x800, s9;
	s23 =	simm.s32 $0xEA00  }
0x54: {  	[tilespmem:s23], [sflag:$0x2] =	stream.indirect.gather [hbm4b:s3+s15], $0x40, s21, s15, $0xb8;
	[tilespmem:$0x19A20] =	vst v63  }
0x55: {  	s25 =	sadd.s32 $0xA00, s9;
	s28 =	simm.s32 $0xF200  }
0x56: {  	[tilespmem:s28], [sflag:$0x2] =	stream.indirect.gather [hbm4b:s3+s15], $0x40, s25, s15, $0xb8;
	[tilespmem:$0x19A20] =	vst v63  }
0x57: {  	s17 =	sadd.s32 $0xC00, s9;
	s19 =	simm.s32 $0xFA00  }
0x58: {  	[tilespmem:s19], [sflag:$0x2] =	stream.indirect.gather [hbm4b:s3+s15], $0x40, s17, s15, $0xb8;
	[tilespmem:$0x19A20] =	vst v63  }
0x59: {  	s21 =	sadd.s32 $0xE00, s9;
	s23 =	simm.s32 $0x10200  }
0x5a: {  	[tilespmem:s23], [sflag:$0x2] =	stream.indirect.gather [hbm4b:s3+s15], $0x40, s21, s15, $0xb8;
	[tilespmem:$0x19A20] =	vst v63  }
0x5b: {  	s25 =	sadd.s32 $0x1000, s9;
	s28 =	simm.s32 $0x10A00  }
0x5c: {  	[tilespmem:s28], [sflag:$0x2] =	stream.indirect.gather [hbm4b:s3+s15], $0x40, s25, s15, $0xb8;
	[tilespmem:$0x19A20] =	vst v63  }
0x5d: {  	s16 =	sadd.s32 $0x1200, s9;
	s17 =	simm.s32 $0x11200  }
0x5e: {  	[tilespmem:s17], [sflag:$0x2] =	stream.indirect.gather [hbm4b:s3+s15], $0x40, s16, s15, $0xb8;
	[tilespmem:$0x19A20] =	vst v63  }
0x5f: {  	s19 =	sadd.s32 $0x1400, s9;
	s21 =	simm.s32 $0x11A00  }
0x60: {  	[tilespmem:s21], [sflag:$0x2] =	stream.indirect.gather [hbm4b:s3+s15], $0x40, s19, s15, $0xb8;
	[tilespmem:$0x19A20] =	vst v63  }
0x61: {  	s23 =	sadd.s32 $0x1600, s9;
	s25 =	simm.s32 $0x12200  }
0x62: {  	[tilespmem:s25], [sflag:$0x2] =	stream.indirect.gather [hbm4b:s3+s15], $0x40, s23, s15, $0xb8;
	[tilespmem:$0x19A20] =	vst v63  }
0x63: {  	s28 =	sadd.s32 $0x1800, s9  }
0x64: {  	[tilespmem:s30], [sflag:$0x2] =	stream.indirect.gather [hbm4b:s3+s15], $0x40, s28, s15, $0xb8;
	[tilespmem:$0x19A20] =	vst v63  }
0x65: {  	s16 =	sadd.s32 $0x1A00, s9  }
0x66: {  	[tilespmem:s0], [sflag:$0x2] =	stream.indirect.gather [hbm4b:s3+s15], $0x40, s16, s15, $0xb8;
	[tilespmem:$0x19A20] =	vst v63  }
0x67: {  	s17 =	sadd.s32 $0x1C00, s9  }
0x68: {  	[tilespmem:s10], [sflag:$0x2] =	stream.indirect.gather [hbm4b:s3+s15], $0x40, s17, s15, $0xb8;
	[tilespmem:$0x19A20] =	vst v63  }
0x69: {  	s19 =	sadd.s32 $0x1E00, s9  }
0x6a: {  	[tilespmem:s18], [sflag:$0x2] =	stream.indirect.gather [hbm4b:s3+s15], $0x40, s19, s15, $0xb8;
	[tilespmem:$0x19A20] =	vst v63  }
0x6b: {  	s21 =	sadd.s32 $0x2000, s9  }
0x6c: {  	[tilespmem:s22], [sflag:$0x2] =	stream.indirect.gather [hbm4b:s3+s15], $0x40, s21, s15, $0xb8;
	[tilespmem:$0x19A20] =	vst v63  }
0x6d: {  	s23 =	sadd.s32 $0x2200, s9  }
0x6e: {  	[tilespmem:s26], [sflag:$0x2] =	stream.indirect.gather [hbm4b:s3+s15], $0x40, s23, s15, $0xb8;
	[tilespmem:$0x19A20] =	vst v63  }
0x6f: {  	s25 =	sadd.s32 $0x2400, s9  }
0x70: {  	[tilespmem:s31], [sflag:$0x2] =	stream.indirect.gather [hbm4b:s3+s15], $0x40, s25, s15, $0xb8;
	[tilespmem:$0x19A20] =	vst v63  }
0x71: {  	s28 =	sadd.s32 $0x2600, s9  }
0x72: {  	[tilespmem:s13], [sflag:$0x2] =	stream.indirect.gather [hbm4b:s3+s15], $0x40, s28, s15, $0xb8;
	[tilespmem:$0x19A20] =	vst v63  }
0x73: {  	s9 =	sadd.s32 $0x2800, s9  }
0x74: {  	[tilespmem:s24], [sflag:$0x4] =	stream.indirect.gather [hbm4b:s4+s15], $0x40, s9, s15, $0xb8;
	[tilespmem:$0x19A20] =	vst v63  }
0x75: {  	_ =	swait.ge [sflag:s1], $0xA000  }
0x76: {  	[sflag:s1] =	ssyncset.done $0x0  }
0x77: {  	[sflag:s1] =	ssyncadd.s32 $0xFFFF6000  }
0x78: {  	_ =	swait.ge [sflag:s29], $0x800  }
0x79: {  	p0 =	seq.s32 s6, $0x0;
	[sflag:s29] =	ssyncset.done $0x0  }
0x7a: {  	s9 =	simm.s32 @!p0 $0x5;
	[sflag:s29] =	ssyncadd.s32 $0xFFFFF800  }
0x7b: {  	_ =	swait.ge @!p0 [sflag:s9], $0x1000  }
0x7c: {  	[sflag:s9] =	ssyncset.done @!p0 $0x0  }
0x7d: {  	[sflag:s9] =	ssyncadd.s32 @!p0 $0xFFFFF000;
	s9 =	simm.s32 $0x0  }
.LBB2_3:
0x7e: {  	s11 =	sshll.u32 s9, $0x6  }
0x7f: {  	v2 =	vld [tilespmem:s11+$0x2A00]  }
0x80: {  	v3 =	vld [tilespmem:s11+$0x3200]  }
0x81: {  	v4 =	vld [tilespmem:s11+$0x3A00]  }
0x82: {  	v5 =	vld [tilespmem:s11+$0x4200]  }
0x83: {  	v6 =	vld [tilespmem:s11+$0x4A00]  }
0x84: {  	v7 =	vld [tilespmem:s11+$0x5200]  }
0x85: {  	v8 =	vld [tilespmem:s11+$0x5A00]  }
0x86: {  	v9 =	vld [tilespmem:s11+$0x6200]  }
0x87: {  	v10 =	vld [tilespmem:s11+$0x6A00]  }
0x88: {  	v11 =	vld [tilespmem:s11+$0x7200]  }
0x89: {  	v12 =	vld [tilespmem:s11+$0x7A00]  }
0x8a: {  	v13 =	vld [tilespmem:s11+$0x8200]  }
0x8b: {  	v14 =	vld [tilespmem:s11+$0x8A00]  }
0x8c: {  	v15 =	vld [tilespmem:s11+$0x9200]  }
0x8d: {  	v16 =	vld [tilespmem:s11+$0x9A00]  }
0x8e: {  	v17 =	vld [tilespmem:s11+$0xA200]  }
0x8f: {  	v18 =	vld [tilespmem:s11+$0xAA00]  }
0x90: {  	v19 =	vld [tilespmem:s11+$0xB200]  }
0x91: {  	v20 =	vld [tilespmem:s11+$0xBA00];
	v2 =	vadd.f32 v3, v2;
	v3 =	vadd.f32 v5, v4  }
0x92: {  	v41 =	vld [tilespmem:s11+$0xC200];
	v42 =	vadd.f32 v7, v6;
	v43 =	vadd.f32 v9, v8  }
0x93: {  	v44 =	vadd.f32 v11, v10;
	v45 =	vadd.f32 v13, v12  }
0x94: {  	v46 =	vadd.f32 v15, v14;
	v47 =	vadd.f32 v17, v16  }
0x95: {  	v2 =	vadd.f32 v3, v2;
	v3 =	vadd.f32 v43, v42  }
0x96: {  	v48 =	vadd.f32 v45, v44;
	v49 =	vadd.f32 v47, v46  }
0x97: {  	v50 =	vadd.f32 v19, v18;
	v4 =	vadd.f32 v41, v20  }
0x98: {  	v51 =	vld [tilespmem:s11+$0x16A00];
	v2 =	vadd.f32 v3, v2;
	v3 =	vadd.f32 v49, v48  }
0x99: {  	v21 =	vld [tilespmem:s11+$0x8240]  }
0x9a: {  	s19 =	sor.u32 $0x1, s9;
	v22 =	vld [tilespmem:s11+$0x8A40];
	v4 =	vadd.f32 v4, v50;
	v2 =	vadd.f32 v3, v2  }
0x9b: {  	s17 =	sshll.u32 s19, $0x6;
	v23 =	vld [tilespmem:s11+$0x9240]  }
0x9c: {  	v40 =	vld [tilespmem:s17+$0x2A00];
	v2 =	vadd.f32 v4, v2  }
0x9d: {  	s16 =	sshll.u32 s9, $0x7;
	v41 =	vld [tilespmem:s11+$0x3240];
	v3 =	vmul.f32 v51, v0  }
0x9e: {  	s16 =	sand.u32 $0x3FFFFF80, s16;
	v42 =	vld [tilespmem:s11+$0x3A40];
	v2 =	vmul.f32 v2, v1  }
0x9f: {  	v43 =	vld [tilespmem:s11+$0x4240];
	[tilespmem:s16+$0x17A00] =	vst v3  }
0xa0: {  	v44 =	vld [tilespmem:s11+$0x4A40];
	[tilespmem:s16+$0x17A40] =	vst v2  }
0xa1: {  	v2 =	vld [tilespmem:s11+$0x2A10]  }
0xa2: {  	v3 =	vld [tilespmem:s11+$0x3210]  }
0xa3: {  	v52 =	vld [tilespmem:s11+$0x3A10]  }
0xa4: {  	v53 =	vld [tilespmem:s11+$0x4210]  }
0xa5: {  	v54 =	vld [tilespmem:s11+$0x4A10]  }
0xa6: {  	v55 =	vld [tilespmem:s11+$0x5210]  }
0xa7: {  	v56 =	vld [tilespmem:s11+$0x5A10]  }
0xa8: {  	v57 =	vld [tilespmem:s11+$0x6210]  }
0xa9: {  	v58 =	vld [tilespmem:s11+$0x6A10]  }
0xaa: {  	v59 =	vld [tilespmem:s11+$0x7210]  }
0xab: {  	v60 =	vld [tilespmem:s11+$0x7A10]  }
0xac: {  	v61 =	vld [tilespmem:s11+$0x8210]  }
0xad: {  	v62 =	vld [tilespmem:s11+$0x8A10]  }
0xae: {  	v63 =	vld [tilespmem:s11+$0x9210]  }
0xaf: {  	v24 =	vld [tilespmem:s11+$0x9A10]  }
0xb0: {  	v25 =	vld [tilespmem:s11+$0xA210]  }
0xb1: {  	v26 =	vld [tilespmem:s11+$0xAA10]  }
0xb2: {  	v27 =	vld [tilespmem:s11+$0xB210]  }
0xb3: {  	v28 =	vld [tilespmem:s11+$0xBA10];
	v2 =	vadd.f32 v3, v2;
	v3 =	vadd.f32 v53, v52  }
0xb4: {  	v29 =	vld [tilespmem:s11+$0xC210];
	v30 =	vadd.f32 v55, v54;
	v31 =	vadd.f32 v57, v56  }
0xb5: {  	v45 =	vld [tilespmem:s11+$0x5240];
	v32 =	vadd.f32 v59, v58;
	v33 =	vadd.f32 v61, v60  }
0xb6: {  	v46 =	vld [tilespmem:s11+$0x5A40];
	v34 =	vadd.f32 v63, v62;
	v35 =	vadd.f32 v25, v24  }
0xb7: {  	v47 =	vld [tilespmem:s11+$0x6240];
	v2 =	vadd.f32 v3, v2;
	v3 =	vadd.f32 v31, v30  }
0xb8: {  	v50 =	vld [tilespmem:s11+$0x7A40];
	v36 =	vadd.f32 v33, v32;
	v37 =	vadd.f32 v35, v34  }
0xb9: {  	v48 =	vld [tilespmem:s11+$0x6A40];
	v38 =	vadd.f32 v27, v26;
	v4 =	vadd.f32 v29, v28  }
0xba: {  	v39 =	vld [tilespmem:s11+$0x16A10];
	v2 =	vadd.f32 v3, v2;
	v3 =	vadd.f32 v37, v36  }
0xbb: {  	v49 =	vld [tilespmem:s11+$0x7240]  }
0xbc: {  	v24 =	vld [tilespmem:s11+$0x9A40];
	v4 =	vadd.f32 v4, v38;
	v2 =	vadd.f32 v3, v2  }
0xbd: {  	v25 =	vld [tilespmem:s11+$0xA240]  }
0xbe: {  	v26 =	vld [tilespmem:s11+$0xAA40];
	v2 =	vadd.f32 v4, v2  }
0xbf: {  	v27 =	vld [tilespmem:s11+$0xB240];
	v3 =	vmul.f32 v39, v0  }
0xc0: {  	v28 =	vld [tilespmem:s11+$0xBA40];
	v2 =	vmul.f32 v2, v1  }
0xc1: {  	v52 =	vld [tilespmem:s11+$0xC240];
	[tilespmem:s16+$0x17A10] =	vst v3  }
0xc2: {  	v37 =	vld [tilespmem:s17+$0x16A00];
	[tilespmem:s16+$0x17A50] =	vst v2  }
0xc3: {  	v2 =	vld [tilespmem:s11+$0x2A20]  }
0xc4: {  	v3 =	vld [tilespmem:s11+$0x3220]  }
0xc5: {  	v4 =	vld [tilespmem:s11+$0x3A20]  }
0xc6: {  	v5 =	vld [tilespmem:s11+$0x4220]  }
0xc7: {  	v6 =	vld [tilespmem:s11+$0x4A20]  }
0xc8: {  	v10 =	vadd.f32 v41, v40;
	v51 =	vadd.f32 v43, v42;
	v7 =	vld [tilespmem:s11+$0x5220]  }
0xc9: {  	v53 =	vadd.f32 v45, v44;
	v54 =	vadd.f32 v47, v46;
	v8 =	vld [tilespmem:s11+$0x5A20]  }
0xca: {  	v56 =	vadd.f32 v49, v48;
	v57 =	vadd.f32 v21, v50;
	v9 =	vld [tilespmem:s11+$0x6220]  }
0xcb: {  	v59 =	vadd.f32 v23, v22;
	v60 =	vadd.f32 v25, v24;
	v55 =	vld [tilespmem:s11+$0x6A20]  }
0xcc: {  	v10 =	vadd.f32 v51, v10;
	v62 =	vadd.f32 v54, v53;
	v58 =	vld [tilespmem:s11+$0x7220]  }
0xcd: {  	v32 =	vadd.f32 v57, v56;
	v33 =	vadd.f32 v60, v59;
	v61 =	vld [tilespmem:s11+$0x7A20]  }
0xce: {  	v10 =	vadd.f32 v62, v10;
	v35 =	vadd.f32 v27, v26;
	v63 =	vld [tilespmem:s11+$0x8220]  }
0xcf: {  	v12 =	vadd.f32 v52, v28;
	v36 =	vadd.f32 v33, v32;
	v34 =	vld [tilespmem:s11+$0x8A20]  }
0xd0: {  	v38 =	vld [tilespmem:s11+$0x9220]  }
0xd1: {  	v12 =	vadd.f32 v12, v35;
	v10 =	vadd.f32 v36, v10;
	v39 =	vld [tilespmem:s11+$0x9A20]  }
0xd2: {  	v40 =	vld [tilespmem:s11+$0xA220]  }
0xd3: {  	v41 =	vld [tilespmem:s11+$0xAA20];
	v10 =	vadd.f32 v12, v10  }
0xd4: {  	s19 =	sshll.u32 s19, $0x7;
	v14 =	vmul.f32 v37, v0;
	v42 =	vld [tilespmem:s11+$0xB220]  }
0xd5: {  	s19 =	sand.u32 $0x3FFFFF80, s19;
	v43 =	vld [tilespmem:s11+$0xBA20];
	v10 =	vmul.f32 v10, v1  }
0xd6: {  	[tilespmem:s19+$0x17A00] =	vst v14;
	v44 =	vld [tilespmem:s11+$0xC220]  }
0xd7: {  	v45 =	vld [tilespmem:s11+$0x16A20];
	[tilespmem:s19+$0x17A40] =	vst v10  }
0xd8: {  	v10 =	vld [tilespmem:s17+$0x2A10]  }
0xd9: {  	v46 =	vld [tilespmem:s11+$0x3250]  }
0xda: {  	v47 =	vld [tilespmem:s11+$0x3A50]  }
0xdb: {  	v48 =	vld [tilespmem:s11+$0x4250]  }
0xdc: {  	v49 =	vld [tilespmem:s11+$0x4A50]  }
0xdd: {  	v50 =	vld [tilespmem:s11+$0x5250]  }
0xde: {  	v51 =	vld [tilespmem:s11+$0x5A50]  }
0xdf: {  	v54 =	vld [tilespmem:s11+$0x6250]  }
0xe0: {  	v57 =	vld [tilespmem:s11+$0x6A50]  }
0xe1: {  	v59 =	vld [tilespmem:s11+$0x7250]  }
0xe2: {  	v60 =	vld [tilespmem:s11+$0x7A50]  }
0xe3: {  	v56 =	vadd.f32 v63, v61;
	v63 =	vld [tilespmem:s11+$0x8250]  }
0xe4: {  	v31 =	vld [tilespmem:s11+$0x8A50]  }
0xe5: {  	v32 =	vld [tilespmem:s11+$0x9250]  }
0xe6: {  	v2 =	vadd.f32 v3, v2;
	v3 =	vadd.f32 v5, v4;
	v33 =	vld [tilespmem:s11+$0x9A50]  }
0xe7: {  	v55 =	vadd.f32 v58, v55;
	v58 =	vadd.f32 v38, v34;
	v34 =	vld [tilespmem:s11+$0xAA50]  }
0xe8: {  	v52 =	vadd.f32 v7, v6;
	v53 =	vadd.f32 v9, v8;
	v35 =	vld [tilespmem:s11+$0xB250]  }
0xe9: {  	v11 =	vadd.f32 v40, v39;
	v29 =	vadd.f32 v42, v41;
	v36 =	vld [tilespmem:s11+$0xBA50]  }
0xea: {  	s23 =	sor.u32 $0x2, s9;
	v30 =	vadd.f32 v44, v43;
	v38 =	vld [tilespmem:s11+$0xC250];
	v2 =	vadd.f32 v3, v2  }
0xeb: {  	s21 =	sshll.u32 s23, $0x6;
	v14 =	vmul.f32 v45, v0;
	v45 =	vld [tilespmem:s17+$0x16A10];
	v3 =	vadd.f32 v53, v52;
	v61 =	vadd.f32 v56, v55  }
0xec: {  	v62 =	vadd.f32 v11, v58;
	v6 =	vadd.f32 v32, v31;
	v32 =	vld [tilespmem:s21+$0x2A00]  }
0xed: {  	v11 =	vadd.f32 v30, v29;
	v42 =	vadd.f32 v35, v34;
	v34 =	vld [tilespmem:s11+$0x3A80]  }
0xee: {  	v2 =	vadd.f32 v3, v2;
	v3 =	vadd.f32 v62, v61;
	v35 =	vld [tilespmem:s11+$0x4280]  }
0xef: {  	v39 =	vadd.f32 v50, v49;
	v43 =	vadd.f32 v38, v36;
	v36 =	vld [tilespmem:s11+$0x4A80]  }
0xf0: {  	v4 =	vadd.f32 v54, v51;
	v40 =	vadd.f32 v59, v57;
	v38 =	vld [tilespmem:s11+$0x5A80]  }
0xf1: {  	v5 =	vadd.f32 v63, v60;
	v2 =	vadd.f32 v3, v2;
	v3 =	vld [tilespmem:s11+$0xA250]  }
0xf2: {  	v10 =	vadd.f32 v46, v10;
	v46 =	vmul.f32 v45, v0;
	v41 =	vadd.f32 v4, v39;
	v39 =	vld [tilespmem:s11+$0x6280]  }
0xf3: {  	v5 =	vadd.f32 v5, v40;
	v40 =	vld [tilespmem:s11+$0x6A80]  }
0xf4: {  	[tilespmem:s19+$0x17A10] =	vst v46;
	v46 =	vld [tilespmem:s11+$0x7A80];
	v2 =	vadd.f32 v11, v2  }
0xf5: {  	v11 =	vadd.f32 v43, v42;
	v43 =	vld [tilespmem:s11+$0x7280]  }
0xf6: {  	v37 =	vadd.f32 v48, v47;
	v2 =	vmul.f32 v2, v1;
	v34 =	vadd.f32 v35, v34;
	v35 =	vld [tilespmem:s11+$0xC280]  }
0xf7: {  	[tilespmem:s16+$0x17A20] =	vst v14;
	v8 =	vadd.f32 v3, v33;
	v33 =	vld [tilespmem:s11+$0x3280]  }
0xf8: {  	[tilespmem:s16+$0x17A60] =	vst v2;
	v2 =	vadd.f32 v37, v10;
	v37 =	vld [tilespmem:s11+$0x5280]  }
0xf9: {  	v3 =	vld [tilespmem:s11+$0x2A30]  }
0xfa: {  	v4 =	vld [tilespmem:s11+$0x3230]  }
0xfb: {  	v6 =	vadd.f32 v8, v6;
	v7 =	vld [tilespmem:s11+$0x4A30]  }
0xfc: {  	v8 =	vld [tilespmem:s11+$0x5230]  }
0xfd: {  	v9 =	vld [tilespmem:s11+$0x5A30];
	v2 =	vadd.f32 v41, v2;
	v44 =	vadd.f32 v6, v5  }
0xfe: {  	v10 =	vld [tilespmem:s11+$0x6230]  }
0xff: {  	v12 =	vld [tilespmem:s11+$0x7230];
	v2 =	vadd.f32 v44, v2  }
0x100: {  	v20 =	vld [tilespmem:s11+$0x7A30]  }
0x101: {  	v21 =	vld [tilespmem:s11+$0x8230];
	v2 =	vadd.f32 v11, v2  }
0x102: {  	v22 =	vld [tilespmem:s11+$0x8A30]  }
0x103: {  	v23 =	vld [tilespmem:s11+$0x9230];
	v2 =	vmul.f32 v2, v1  }
0x104: {  	v19 =	vld [tilespmem:s11+$0xA230]  }
0x105: {  	v18 =	vld [tilespmem:s11+$0xC230];
	[tilespmem:s19+$0x17A50] =	vst v2  }
0x106: {  	v2 =	vld [tilespmem:s17+$0x2A20]  }
0x107: {  	v47 =	vld [tilespmem:s11+$0x3260]  }
0x108: {  	v48 =	vld [tilespmem:s11+$0x3A60]  }
0x109: {  	v49 =	vld [tilespmem:s11+$0x4260]  }
0x10a: {  	v50 =	vld [tilespmem:s11+$0x4A60]  }
0x10b: {  	v51 =	vld [tilespmem:s11+$0x5260]  }
0x10c: {  	v52 =	vld [tilespmem:s11+$0x5A60]  }
0x10d: {  	v53 =	vld [tilespmem:s11+$0x6260]  }
0x10e: {  	v54 =	vld [tilespmem:s11+$0x6A60]  }
0x10f: {  	v55 =	vld [tilespmem:s11+$0x7260]  }
0x110: {  	v56 =	vld [tilespmem:s11+$0x7A60]  }
0x111: {  	v57 =	vld [tilespmem:s11+$0x8260]  }
0x112: {  	v58 =	vld [tilespmem:s11+$0x8A60]  }
0x113: {  	v59 =	vld [tilespmem:s11+$0x9260]  }
0x114: {  	v60 =	vld [tilespmem:s11+$0x9A60]  }
0x115: {  	v61 =	vld [tilespmem:s11+$0xA260]  }
0x116: {  	v62 =	vld [tilespmem:s11+$0xAA60]  }
0x117: {  	v29 =	vld [tilespmem:s11+$0xB260]  }
0x118: {  	v38 =	vadd.f32 v39, v38;
	v33 =	vadd.f32 v33, v32;
	v30 =	vld [tilespmem:s11+$0xBA60]  }
0x119: {  	v14 =	vadd.f32 v43, v40;
	v37 =	vadd.f32 v37, v36;
	v31 =	vld [tilespmem:s11+$0xC260]  }
0x11a: {  	v40 =	vadd.f32 v34, v33;
	v63 =	vadd.f32 v49, v48;
	v49 =	vld [tilespmem:s11+$0x8280]  }
0x11b: {  	v2 =	vadd.f32 v47, v2;
	v41 =	vadd.f32 v51, v50;
	v51 =	vld [tilespmem:s11+$0x8A80]  }
0x11c: {  	v42 =	vadd.f32 v53, v52;
	v44 =	vadd.f32 v55, v54;
	v54 =	vld [tilespmem:s11+$0x9280]  }
0x11d: {  	v45 =	vadd.f32 v57, v56;
	v47 =	vadd.f32 v59, v58;
	v57 =	vld [tilespmem:s11+$0x9A80]  }
0x11e: {  	v48 =	vadd.f32 v61, v60;
	v55 =	vadd.f32 v29, v62;
	v59 =	vld [tilespmem:s11+$0xA280]  }
0x11f: {  	v56 =	vadd.f32 v31, v30;
	v60 =	vld [tilespmem:s11+$0xAA80];
	v2 =	vadd.f32 v63, v2  }
0x120: {  	v62 =	vld [tilespmem:s11+$0xB280];
	v50 =	vadd.f32 v42, v41;
	v52 =	vadd.f32 v45, v44  }
0x121: {  	v53 =	vadd.f32 v48, v47;
	v61 =	vadd.f32 v56, v55;
	v63 =	vld [tilespmem:s11+$0xBA80]  }
0x122: {  	v41 =	vadd.f32 v38, v37;
	v42 =	vld [tilespmem:s17+$0x16A20];
	v2 =	vadd.f32 v50, v2  }
0x123: {  	v45 =	vld [tilespmem:s21+$0x16A00];
	v58 =	vadd.f32 v53, v52;
	v39 =	vadd.f32 v49, v46  }
0x124: {  	v5 =	vld [tilespmem:s11+$0x3A30];
	v15 =	vadd.f32 v54, v51;
	v16 =	vadd.f32 v59, v57  }
0x125: {  	v6 =	vld [tilespmem:s11+$0x4230];
	v13 =	vadd.f32 v62, v60;
	v2 =	vadd.f32 v58, v2  }
0x126: {  	s28 =	sor.u32 $0x3, s9;
	v11 =	vld [tilespmem:s11+$0x6A30];
	v14 =	vadd.f32 v39, v14;
	v15 =	vadd.f32 v16, v15  }
0x127: {  	s25 =	sshll.u32 s28, $0x6;
	v43 =	vadd.f32 v35, v63;
	v16 =	vld [tilespmem:s11+$0x9A30];
	v2 =	vadd.f32 v61, v2  }
0x128: {  	v44 =	vadd.f32 v41, v40;
	v48 =	vmul.f32 v42, v0;
	v24 =	vmul.f32 v45, v0;
	v45 =	vld [tilespmem:s25+$0x2A00]  }
0x129: {  	v14 =	vadd.f32 v15, v14;
	v46 =	vadd.f32 v43, v13;
	v13 =	vld [tilespmem:s11+$0xAA30];
	v2 =	vmul.f32 v2, v1  }
0x12a: {  	v15 =	vld [tilespmem:s11+$0xBA30];
	[tilespmem:s19+$0x17A20] =	vst v48  }
0x12b: {  	v47 =	vadd.f32 v14, v44;
	v14 =	vld [tilespmem:s11+$0xB230];
	[tilespmem:s19+$0x17A60] =	vst v2  }
0x12c: {  	v26 =	vld [tilespmem:s11+$0x4270]  }
0x12d: {  	v17 =	vadd.f32 v46, v47;
	v32 =	vld [tilespmem:s11+$0x7270]  }
0x12e: {  	s23 =	sshll.u32 s23, $0x7;
	v35 =	vld [tilespmem:s11+$0x8A70]  }
0x12f: {  	s23 =	sand.u32 $0x3FFFFF80, s23;
	v36 =	vld [tilespmem:s11+$0x9270];
	v49 =	vmul.f32 v17, v1  }
0x130: {  	[tilespmem:s23+$0x17A00] =	vst v24;
	v46 =	vld [tilespmem:s11+$0x32C0]  }
0x131: {  	v17 =	vld [tilespmem:s17+$0x2A30];
	[tilespmem:s23+$0x17A40] =	vst v49  }
0x132: {  	v24 =	vld [tilespmem:s21+$0x2A10]  }
0x133: {  	v25 =	vld [tilespmem:s11+$0x3290]  }
0x134: {  	v50 =	vld [tilespmem:s11+$0x3A90]  }
0x135: {  	v51 =	vld [tilespmem:s11+$0x4290]  }
0x136: {  	v52 =	vld [tilespmem:s11+$0x4A90]  }
0x137: {  	v53 =	vld [tilespmem:s11+$0x5290]  }
0x138: {  	v54 =	vld [tilespmem:s11+$0x5A90]  }
0x139: {  	v55 =	vld [tilespmem:s11+$0x6290]  }
0x13a: {  	v56 =	vld [tilespmem:s11+$0x6A90]  }
0x13b: {  	v57 =	vld [tilespmem:s11+$0x7290]  }
0x13c: {  	v58 =	vld [tilespmem:s11+$0x7A90]  }
0x13d: {  	v59 =	vld [tilespmem:s11+$0x8290]  }
0x13e: {  	v60 =	vld [tilespmem:s11+$0x8A90]  }
0x13f: {  	v61 =	vld [tilespmem:s11+$0x9290]  }
0x140: {  	v62 =	vld [tilespmem:s11+$0x9A90]  }
0x141: {  	v63 =	vld [tilespmem:s11+$0xA290]  }
0x142: {  	v40 =	vld [tilespmem:s11+$0xAA90]  }
0x143: {  	v41 =	vld [tilespmem:s11+$0xB290]  }
0x144: {  	v42 =	vld [tilespmem:s11+$0xBA90]  }
0x145: {  	v44 =	vld [tilespmem:s11+$0xC290]  }
0x146: {  	v43 =	vadd.f32 v25, v24;
	v24 =	vld [tilespmem:s11+$0x3270]  }
0x147: {  	v25 =	vld [tilespmem:s11+$0x3A70]  }
0x148: {  	v48 =	vadd.f32 v57, v56;
	v56 =	vld [tilespmem:s21+$0x16A10]  }
0x149: {  	v27 =	vadd.f32 v51, v50;
	v50 =	vadd.f32 v61, v60;
	v60 =	vld [tilespmem:s11+$0xA2C0]  }
0x14a: {  	v61 =	vld [tilespmem:s11+$0xAAC0]  }
0x14b: {  	v51 =	vadd.f32 v63, v62;
	v62 =	vld [tilespmem:s11+$0xB2C0]  }
0x14c: {  	v28 =	vadd.f32 v53, v52;
	v47 =	vadd.f32 v55, v54;
	v63 =	vld [tilespmem:s11+$0xBAC0]  }
0x14d: {  	v52 =	vadd.f32 v27, v43;
	v27 =	vld [tilespmem:s11+$0x4A70]  }
0x14e: {  	v49 =	vadd.f32 v59, v58;
	v29 =	vadd.f32 v47, v28;
	v28 =	vld [tilespmem:s11+$0x5270]  }
0x14f: {  	v47 =	vld [tilespmem:s11+$0x3AC0]  }
0x150: {  	v30 =	vadd.f32 v49, v48;
	v48 =	vld [tilespmem:s11+$0x42C0]  }
0x151: {  	v54 =	vadd.f32 v41, v40;
	v49 =	vld [tilespmem:s11+$0x4AC0]  }
0x152: {  	v55 =	vadd.f32 v44, v42;
	v53 =	vadd.f32 v51, v50;
	v50 =	vld [tilespmem:s11+$0x52C0]  }
0x153: {  	v51 =	vld [tilespmem:s11+$0x5AC0]  }
0x154: {  	v33 =	vadd.f32 v55, v54;
	v54 =	vld [tilespmem:s11+$0x72C0]  }
0x155: {  	v55 =	vld [tilespmem:s11+$0x7AC0]  }
0x156: {  	v34 =	vadd.f32 v29, v52;
	v29 =	vld [tilespmem:s11+$0x5A70]  }
0x157: {  	v31 =	vadd.f32 v53, v30;
	v30 =	vld [tilespmem:s11+$0x6270]  }
0x158: {  	v52 =	vld [tilespmem:s11+$0x62C0]  }
0x159: {  	v53 =	vld [tilespmem:s11+$0x6AC0]  }
0x15a: {  	v58 =	vmul.f32 v56, v0;
	v56 =	vld [tilespmem:s11+$0x82C0]  }
0x15b: {  	v34 =	vadd.f32 v31, v34;
	v31 =	vld [tilespmem:s11+$0x6A70]  }
0x15c: {  	v45 =	vadd.f32 v46, v45;
	[tilespmem:s23+$0x17A10] =	vst v58;
	v58 =	vld [tilespmem:s11+$0x92C0]  }
0x15d: {  	v46 =	vadd.f32 v48, v47;
	v47 =	vld [tilespmem:s11+$0xC2C0];
	v57 =	vadd.f32 v33, v34  }
0x15e: {  	v33 =	vld [tilespmem:s11+$0x7A70]  }
0x15f: {  	v34 =	vld [tilespmem:s11+$0x8270];
	v59 =	vmul.f32 v57, v1  }
0x160: {  	v57 =	vld [tilespmem:s11+$0x8AC0]  }
0x161: {  	[tilespmem:s23+$0x17A50] =	vst v59;
	v59 =	vld [tilespmem:s11+$0x9AC0]  }
0x162: {  	v47 =	vadd.f32 v47, v63;
	v63 =	vld [tilespmem:s25+$0x16A00]  }
0x163: {  	v37 =	vld [tilespmem:s21+$0x2A20]  }
0x164: {  	v38 =	vld [tilespmem:s11+$0x32A0]  }
0x165: {  	v39 =	vld [tilespmem:s11+$0x3AA0]  }
0x166: {  	v40 =	vld [tilespmem:s11+$0x42A0]  }
0x167: {  	v41 =	vld [tilespmem:s11+$0x4AA0]  }
0x168: {  	v42 =	vld [tilespmem:s11+$0x52A0]  }
0x169: {  	v48 =	vadd.f32 v50, v49;
	v49 =	vadd.f32 v52, v51;
	v43 =	vld [tilespmem:s11+$0x5AA0]  }
0x16a: {  	v51 =	vadd.f32 v54, v53;
	v52 =	vadd.f32 v56, v55;
	v44 =	vld [tilespmem:s11+$0x62A0]  }
0x16b: {  	v50 =	vld [tilespmem:s11+$0x6AA0];
	v54 =	vadd.f32 v58, v57;
	v60 =	vadd.f32 v60, v59  }
0x16c: {  	v45 =	vadd.f32 v46, v45;
	v53 =	vld [tilespmem:s11+$0x72A0];
	v58 =	vadd.f32 v49, v48  }
0x16d: {  	v56 =	vld [tilespmem:s11+$0x7AA0];
	v59 =	vadd.f32 v52, v51;
	v60 =	vadd.f32 v60, v54  }
0x16e: {  	v61 =	vadd.f32 v62, v61;
	v55 =	vld [tilespmem:s11+$0x9AA0]  }
0x16f: {  	v46 =	vld [tilespmem:s11+$0xA2A0];
	v45 =	vadd.f32 v58, v45;
	v62 =	vadd.f32 v60, v59  }
0x170: {  	v48 =	vld [tilespmem:s11+$0x82A0]  }
0x171: {  	v47 =	vadd.f32 v47, v61;
	v57 =	vld [tilespmem:s11+$0xBAA0];
	v45 =	vadd.f32 v62, v45  }
0x172: {  	v52 =	vld [tilespmem:s11+$0x8AA0]  }
0x173: {  	v51 =	vld [tilespmem:s11+$0x92A0];
	v45 =	vadd.f32 v47, v45  }
0x174: {  	s28 =	sshll.u32 s28, $0x7;
	v49 =	vmul.f32 v63, v0;
	v58 =	vld [tilespmem:s11+$0xC2A0]  }
0x175: {  	s28 =	sand.u32 $0x3FFFFF80, s28;
	v54 =	vld [tilespmem:s11+$0xAAA0];
	v45 =	vmul.f32 v45, v1  }
0x176: {  	[tilespmem:s28+$0x17A00] =	vst v49;
	v49 =	vld [tilespmem:s21+$0x16A20]  }
0x177: {  	v47 =	vld [tilespmem:s11+$0xB2A0];
	[tilespmem:s28+$0x17A40] =	vst v45  }
0x178: {  	v45 =	vld [tilespmem:s25+$0x2A10]  }
0x179: {  	v59 =	vld [tilespmem:s11+$0x32D0]  }
0x17a: {  	v60 =	vld [tilespmem:s11+$0x3AD0]  }
0x17b: {  	v61 =	vld [tilespmem:s11+$0x42D0]  }
0x17c: {  	v62 =	vld [tilespmem:s11+$0x4AD0]  }
0x17d: {  	v63 =	vld [tilespmem:s11+$0x52D0]  }
0x17e: {  	v37 =	vadd.f32 v38, v37;
	v38 =	vadd.f32 v40, v39;
	v39 =	vld [tilespmem:s11+$0x5AD0]  }
0x17f: {  	v40 =	vadd.f32 v42, v41;
	v41 =	vadd.f32 v44, v43;
	v42 =	vld [tilespmem:s11+$0x62D0]  }
0x180: {  	v43 =	vadd.f32 v53, v50;
	v44 =	vadd.f32 v48, v56;
	v48 =	vld [tilespmem:s11+$0x6AD0]  }
0x181: {  	v46 =	vadd.f32 v46, v55;
	v56 =	vadd.f32 v51, v52;
	v51 =	vld [tilespmem:s11+$0x72D0]  }
0x182: {  	v37 =	vadd.f32 v38, v37;
	v38 =	vadd.f32 v41, v40;
	v40 =	vld [tilespmem:s11+$0x7AD0]  }
0x183: {  	v52 =	vadd.f32 v44, v43;
	v44 =	vld [tilespmem:s11+$0x82D0]  }
0x184: {  	v53 =	vadd.f32 v46, v56;
	v50 =	vld [tilespmem:s11+$0x8AD0]  }
0x185: {  	v37 =	vadd.f32 v38, v37;
	v56 =	vadd.f32 v58, v57;
	v41 =	vld [tilespmem:s11+$0x92D0]  }
0x186: {  	v57 =	vadd.f32 v53, v52;
	v55 =	vadd.f32 v47, v54;
	v43 =	vld [tilespmem:s11+$0x9AD0]  }
0x187: {  	v38 =	vld [tilespmem:s11+$0xA2D0]  }
0x188: {  	v37 =	vadd.f32 v57, v37;
	v47 =	vld [tilespmem:s11+$0xAAD0];
	v46 =	vadd.f32 v56, v55  }
0x189: {  	v58 =	vld [tilespmem:s11+$0xBAD0]  }
0x18a: {  	v37 =	vadd.f32 v46, v37;
	v46 =	vld [tilespmem:s11+$0xB2D0]  }
0x18b: {  	v45 =	vadd.f32 v59, v45;
	v60 =	vadd.f32 v61, v60;
	v61 =	vld [tilespmem:s11+$0xC2D0]  }
0x18c: {  	v57 =	vadd.f32 v63, v62;
	v39 =	vadd.f32 v42, v39;
	v42 =	vld [tilespmem:s11+$0x9A70]  }
0x18d: {  	v48 =	vadd.f32 v51, v48;
	v40 =	vadd.f32 v44, v40;
	v44 =	vld [tilespmem:s11+$0xA270]  }
0x18e: {  	v41 =	vadd.f32 v41, v50;
	v38 =	vadd.f32 v38, v43;
	v43 =	vld [tilespmem:s11+$0xAA70]  }
0x18f: {  	v49 =	vmul.f32 v49, v0;
	v50 =	vld [tilespmem:s11+$0xB270];
	v45 =	vadd.f32 v60, v45;
	v39 =	vadd.f32 v39, v57  }
0x190: {  	v59 =	vld [tilespmem:s25+$0x16A10];
	v37 =	vmul.f32 v37, v1;
	v40 =	vadd.f32 v40, v48;
	v38 =	vadd.f32 v38, v41  }
0x191: {  	[tilespmem:s23+$0x17A20] =	vst v49;
	v41 =	vld [tilespmem:s11+$0xBA70];
	v46 =	vadd.f32 v46, v47;
	v39 =	vadd.f32 v39, v45  }
0x192: {  	[tilespmem:s23+$0x17A60] =	vst v37;
	v38 =	vadd.f32 v38, v40;
	v45 =	vld [tilespmem:s11+$0xC270];
	v58 =	vadd.f32 v61, v58  }
0x193: {  	v37 =	vld [tilespmem:s21+$0x2A30]  }
0x194: {  	v47 =	vld [tilespmem:s11+$0x3AB0];
	v38 =	vadd.f32 v38, v39;
	v46 =	vadd.f32 v58, v46  }
0x195: {  	v3 =	vadd.f32 v4, v3;
	v5 =	vadd.f32 v6, v5;
	v48 =	vld [tilespmem:s11+$0x4AB0]  }
0x196: {  	v6 =	vadd.f32 v8, v7;
	v49 =	vld [tilespmem:s11+$0x52B0];
	v38 =	vadd.f32 v46, v38  }
0x197: {  	v8 =	vadd.f32 v10, v9;
	v3 =	vadd.f32 v5, v3;
	v5 =	vld [tilespmem:s11+$0x8AB0];
	v40 =	vmul.f32 v59, v0  }
0x198: {  	v16 =	vadd.f32 v19, v16;
	v19 =	vld [tilespmem:s11+$0x92B0];
	v38 =	vmul.f32 v38, v1  }
0x199: {  	v6 =	vadd.f32 v8, v6;
	v8 =	vld [tilespmem:s11+$0xB2B0];
	[tilespmem:s28+$0x17A10] =	vst v40  }
0x19a: {  	v39 =	vld [tilespmem:s11+$0x32B0];
	[tilespmem:s28+$0x17A50] =	vst v38  }
0x19b: {  	v38 =	vld [tilespmem:s25+$0x2A20]  }
0x19c: {  	v51 =	vld [tilespmem:s11+$0x32E0]  }
0x19d: {  	v52 =	vld [tilespmem:s11+$0x3AE0]  }
0x19e: {  	v53 =	vld [tilespmem:s11+$0x42E0]  }
0x19f: {  	v54 =	vld [tilespmem:s11+$0x4AE0]  }
0x1a0: {  	v55 =	vld [tilespmem:s11+$0x52E0]  }
0x1a1: {  	v56 =	vld [tilespmem:s11+$0x5AE0]  }
0x1a2: {  	v57 =	vld [tilespmem:s11+$0x62E0]  }
0x1a3: {  	v58 =	vld [tilespmem:s11+$0x6AE0]  }
0x1a4: {  	v59 =	vld [tilespmem:s11+$0x72E0]  }
0x1a5: {  	v60 =	vld [tilespmem:s11+$0x7AE0]  }
0x1a6: {  	v61 =	vld [tilespmem:s11+$0x82E0]  }
0x1a7: {  	v62 =	vld [tilespmem:s11+$0x8AE0]  }
0x1a8: {  	v63 =	vld [tilespmem:s11+$0x92E0]  }
0x1a9: {  	v4 =	vld [tilespmem:s11+$0x9AE0]  }
0x1aa: {  	v9 =	vadd.f32 v12, v11;
	v7 =	vld [tilespmem:s11+$0xA2E0]  }
0x1ab: {  	v11 =	vadd.f32 v21, v20;
	v12 =	vadd.f32 v23, v22;
	v10 =	vld [tilespmem:s11+$0xAAE0]  }
0x1ac: {  	v20 =	vld [tilespmem:s11+$0xB2E0];
	v21 =	vadd.f32 v51, v38;
	v22 =	vadd.f32 v53, v52  }
0x1ad: {  	v23 =	vld [tilespmem:s11+$0xBAE0];
	v38 =	vadd.f32 v55, v54;
	v51 =	vadd.f32 v57, v56  }
0x1ae: {  	v52 =	vld [tilespmem:s11+$0xC2E0];
	v53 =	vadd.f32 v59, v58;
	v60 =	vadd.f32 v61, v60  }
0x1af: {  	v40 =	vld [tilespmem:s11+$0x5AB0];
	v61 =	vadd.f32 v63, v62;
	v4 =	vadd.f32 v7, v4  }
0x1b0: {  	v46 =	vld [tilespmem:s11+$0x42B0];
	v21 =	vadd.f32 v22, v21;
	v62 =	vadd.f32 v51, v38  }
0x1b1: {  	v55 =	vld [tilespmem:s11+$0x62B0];
	v63 =	vadd.f32 v60, v53;
	v4 =	vadd.f32 v4, v61  }
0x1b2: {  	v7 =	vld [tilespmem:s11+$0x6AB0];
	v10 =	vadd.f32 v20, v10;
	v21 =	vadd.f32 v62, v21  }
0x1b3: {  	v58 =	vld [tilespmem:s25+$0x16A20];
	v4 =	vadd.f32 v4, v63;
	v57 =	vadd.f32 v52, v23  }
0x1b4: {  	v59 =	vadd.f32 v11, v9;
	v9 =	vld [tilespmem:s11+$0x9AB0]  }
0x1b5: {  	v38 =	vld [tilespmem:s11+$0x72B0];
	v4 =	vadd.f32 v4, v21;
	v10 =	vadd.f32 v57, v10  }
0x1b6: {  	v53 =	vld [tilespmem:s11+$0x7AB0];
	v60 =	vadd.f32 v16, v12  }
0x1b7: {  	v12 =	vadd.f32 v14, v13;
	v14 =	vld [tilespmem:s11+$0xAAB0];
	v4 =	vadd.f32 v10, v4  }
0x1b8: {  	v13 =	vadd.f32 v18, v15;
	v15 =	vld [tilespmem:s11+$0xBAB0];
	v61 =	vmul.f32 v58, v0  }
0x1b9: {  	v23 =	vld [tilespmem:s11+$0x82B0];
	v4 =	vmul.f32 v4, v1  }
0x1ba: {  	v3 =	vadd.f32 v6, v3;
	v36 =	vadd.f32 v36, v35;
	[tilespmem:s28+$0x17A20] =	vst v61;
	v10 =	vld [tilespmem:s11+$0xA2B0]  }
0x1bb: {  	v28 =	vadd.f32 v28, v27;
	v30 =	vadd.f32 v30, v29;
	[tilespmem:s28+$0x17A60] =	vst v4;
	v4 =	vld [tilespmem:s11+$0xC2B0]  }
0x1bc: {  	v32 =	vadd.f32 v32, v31;
	v34 =	vadd.f32 v34, v33;
	v22 =	vld [tilespmem:s25+$0x2A30]  }
0x1bd: {  	v5 =	vadd.f32 v19, v5;
	v63 =	vadd.f32 v26, v25;
	v26 =	vld [tilespmem:s11+$0x32F0]  }
0x1be: {  	v35 =	vadd.f32 v39, v37;
	v62 =	vadd.f32 v24, v17;
	v17 =	vld [tilespmem:s11+$0x3AF0]  }
0x1bf: {  	v39 =	vadd.f32 v49, v48;
	v51 =	vadd.f32 v44, v42;
	v57 =	vld [tilespmem:s11+$0x42F0]  }
0x1c0: {  	v54 =	vadd.f32 v34, v32;
	v6 =	vadd.f32 v60, v59;
	v60 =	vld [tilespmem:s11+$0x4AF0]  }
0x1c1: {  	v56 =	vadd.f32 v51, v36;
	v11 =	vadd.f32 v63, v62;
	v62 =	vld [tilespmem:s11+$0x52F0]  }
0x1c2: {  	v59 =	vadd.f32 v45, v41;
	v12 =	vadd.f32 v13, v12;
	v63 =	vld [tilespmem:s11+$0x5AF0]  }
0x1c3: {  	v36 =	vadd.f32 v46, v47;
	v52 =	vadd.f32 v30, v28;
	v34 =	vld [tilespmem:s11+$0x62F0]  }
0x1c4: {  	v58 =	vadd.f32 v50, v43;
	v41 =	vadd.f32 v55, v40;
	v37 =	vld [tilespmem:s11+$0x6AF0]  }
0x1c5: {  	v3 =	vadd.f32 v6, v3;
	v45 =	vadd.f32 v36, v35;
	v42 =	vld [tilespmem:s11+$0x72F0]  }
0x1c6: {  	v61 =	vadd.f32 v56, v54;
	v33 =	vadd.f32 v59, v58;
	v43 =	vld [tilespmem:s11+$0x7AF0]  }
0x1c7: {  	v7 =	vadd.f32 v38, v7;
	v46 =	vadd.f32 v41, v39;
	v44 =	vld [tilespmem:s11+$0x82F0]  }
0x1c8: {  	v8 =	vadd.f32 v8, v14;
	v11 =	vadd.f32 v52, v11;
	v47 =	vld [tilespmem:s11+$0x8AF0]  }
0x1c9: {  	v23 =	vadd.f32 v23, v53;
	v9 =	vadd.f32 v10, v9;
	v48 =	vld [tilespmem:s11+$0x92F0]  }
0x1ca: {  	v3 =	vadd.f32 v12, v3;
	v11 =	vadd.f32 v61, v11;
	v49 =	vld [tilespmem:s11+$0x9AF0]  }
0x1cb: {  	v7 =	vadd.f32 v23, v7;
	v51 =	vld [tilespmem:s11+$0xA2F0];
	v5 =	vadd.f32 v9, v5  }
0x1cc: {  	v50 =	vadd.f32 v46, v45;
	v11 =	vadd.f32 v33, v11;
	v55 =	vld [tilespmem:s11+$0xBAF0]  }
0x1cd: {  	v56 =	vld [tilespmem:s11+$0xC2F0];
	v4 =	vadd.f32 v4, v15;
	v5 =	vadd.f32 v5, v7  }
0x1ce: {  	v2 =	vld [tilespmem:s11+$0x16A30];
	v54 =	vadd.f32 v26, v22;
	v17 =	vadd.f32 v57, v17  }
0x1cf: {  	v52 =	vld [tilespmem:s11+$0xAAF0];
	v18 =	vadd.f32 v62, v60;
	v6 =	vadd.f32 v34, v63  }
0x1d0: {  	v53 =	vld [tilespmem:s11+$0xB2F0];
	v57 =	vadd.f32 v42, v37;
	v10 =	vadd.f32 v44, v43  }
0x1d1: {  	v9 =	vadd.f32 v48, v47;
	v7 =	vadd.f32 v51, v49  }
0x1d2: {  	v58 =	vld [tilespmem:s17+$0x16A30];
	v60 =	vadd.f32 v56, v55;
	v4 =	vadd.f32 v4, v8  }
0x1d3: {  	v13 =	vadd.f32 v17, v54;
	v6 =	vadd.f32 v6, v18  }
0x1d4: {  	v59 =	vld [tilespmem:s21+$0x16A30];
	v10 =	vadd.f32 v10, v57;
	v7 =	vadd.f32 v7, v9  }
0x1d5: {  	v2 =	vmul.f32 v2, v0;
	v5 =	vadd.f32 v5, v50;
	v8 =	vadd.f32 v53, v52  }
0x1d6: {  	v3 =	vmul.f32 v3, v1;
	v61 =	vld [tilespmem:s25+$0x16A30];
	v6 =	vadd.f32 v6, v13;
	v7 =	vadd.f32 v7, v10  }
0x1d7: {  	[tilespmem:s16+$0x17A30] =	vst v2;
	v2 =	vmul.f32 v58, v0;
	v4 =	vadd.f32 v4, v5  }
0x1d8: {  	[tilespmem:s16+$0x17A70] =	vst v3;
	v3 =	vmul.f32 v11, v1;
	v62 =	vadd.f32 v60, v8;
	v6 =	vadd.f32 v7, v6  }
0x1d9: {  	p1 =	slt.u32 s9, $0x1C;
	[tilespmem:s19+$0x17A30] =	vst v2;
	v2 =	vmul.f32 v59, v0  }
.Ltmp0:
0x1da: {  	[tilespmem:s19+$0x17A70] =	vst v3;
	v3 =	vmul.f32 v4, v1;
	v63 =	vadd.f32 v62, v6;
	(pc) =	sbr.rel @p1 .LBB2_3-.Ltmp0, $4  }
0x1db: {  	[tilespmem:s23+$0x17A30] =	vst v2;
	v2 =	vmul.f32 v61, v0  }
0x1dc: {  	[tilespmem:s23+$0x17A70] =	vst v3;
	v3 =	vmul.f32 v63, v1  }
0x1dd: {  	s25 =	sadd.s32 $0x4, s9;
	[tilespmem:s28+$0x17A30] =	vst v2  }
0x1de: {  	s9 =	smov.u32 s25;
	[tilespmem:s28+$0x17A70] =	vst v3  }
0x1df: {  	p1 =	seq.s32 s6, $0x7  }
.Ltmp1:
0x1e0: {  	_ = 	snop;
	(pc) =	sbr.rel @p1 .LBB2_6-.Ltmp1, $4  }
0x1e1: {  	_ = 	snop  }
0x1e2: {  	s9 =	sshll.u32 s6, $0xA  }
0x1e3: {  	s9 =	sadd.s32 s9, s8  }
0x1e4: {  	[hbm4b:s9+s2] =	stream.linear.scatter [tilespmem:s20], [sflag:$0x5], $0x1000, $0x38;
	[tilespmem:$0x19A20] =	vst v63  }
0x1e5: {  	s9 =	sshll.u32 s6, $0x6  }
0x1e6: {  	s16 =	simm.s32 $0x2A00;
	s11 =	sadd.s32 $0x40, s9  }
0x1e7: {  	[tilespmem:s16], [sflag:$0x1] =	stream.indirect.gather [hbm4b:s3+s15], $0x40, s11, s15, $0xb8;
	[tilespmem:$0x19A20] =	vst v63  }
0x1e8: {  	s28 =	simm.s32 $0x3200;
	s25 =	sadd.s32 $0x240, s9  }
0x1e9: {  	[tilespmem:s28], [sflag:$0x1] =	stream.indirect.gather [hbm4b:s3+s15], $0x40, s25, s15, $0xb8;
	[tilespmem:$0x19A20] =	vst v63  }
0x1ea: {  	s19 =	simm.s32 $0x3A00;
	s17 =	sadd.s32 $0x440, s9  }
0x1eb: {  	[tilespmem:s19], [sflag:$0x1] =	stream.indirect.gather [hbm4b:s3+s15], $0x40, s17, s15, $0xb8;
	[tilespmem:$0x19A20] =	vst v63  }
0x1ec: {  	s23 =	simm.s32 $0x4200;
	s21 =	sadd.s32 $0x640, s9  }
0x1ed: {  	[tilespmem:s23], [sflag:$0x1] =	stream.indirect.gather [hbm4b:s3+s15], $0x40, s21, s15, $0xb8;
	[tilespmem:$0x19A20] =	vst v63  }
0x1ee: {  	s25 =	sadd.s32 $0x840, s9;
	s28 =	simm.s32 $0x4A00  }
0x1ef: {  	[tilespmem:s28], [sflag:$0x1] =	stream.indirect.gather [hbm4b:s3+s15], $0x40, s25, s15, $0xb8;
	[tilespmem:$0x19A20] =	vst v63  }
0x1f0: {  	s17 =	sadd.s32 $0xA40, s9;
	s19 =	simm.s32 $0x5200  }
0x1f1: {  	[tilespmem:s19], [sflag:$0x1] =	stream.indirect.gather [hbm4b:s3+s15], $0x40, s17, s15, $0xb8;
	[tilespmem:$0x19A20] =	vst v63  }
0x1f2: {  	s21 =	sadd.s32 $0xC40, s9;
	s23 =	simm.s32 $0x5A00  }
0x1f3: {  	[tilespmem:s23], [sflag:$0x1] =	stream.indirect.gather [hbm4b:s3+s15], $0x40, s21, s15, $0xb8;
	[tilespmem:$0x19A20] =	vst v63  }
0x1f4: {  	s25 =	sadd.s32 $0xE40, s9;
	s28 =	simm.s32 $0x6200  }
0x1f5: {  	[tilespmem:s28], [sflag:$0x1] =	stream.indirect.gather [hbm4b:s3+s15], $0x40, s25, s15, $0xb8;
	[tilespmem:$0x19A20] =	vst v63  }
0x1f6: {  	s17 =	sadd.s32 $0x1040, s9;
	s19 =	simm.s32 $0x6A00  }
0x1f7: {  	[tilespmem:s19], [sflag:$0x1] =	stream.indirect.gather [hbm4b:s3+s15], $0x40, s17, s15, $0xb8;
	[tilespmem:$0x19A20] =	vst v63  }
0x1f8: {  	s21 =	sadd.s32 $0x1240, s9;
	s23 =	simm.s32 $0x7200  }
0x1f9: {  	[tilespmem:s23], [sflag:$0x1] =	stream.indirect.gather [hbm4b:s3+s15], $0x40, s21, s15, $0xb8;
	[tilespmem:$0x19A20] =	vst v63  }
0x1fa: {  	s25 =	sadd.s32 $0x1440, s9;
	s28 =	simm.s32 $0x7A00  }
0x1fb: {  	[tilespmem:s28], [sflag:$0x1] =	stream.indirect.gather [hbm4b:s3+s15], $0x40, s25, s15, $0xb8;
	[tilespmem:$0x19A20] =	vst v63  }
0x1fc: {  	s17 =	sadd.s32 $0x1640, s9;
	s19 =	simm.s32 $0x8200  }
0x1fd: {  	[tilespmem:s19], [sflag:$0x1] =	stream.indirect.gather [hbm4b:s3+s15], $0x40, s17, s15, $0xb8;
	[tilespmem:$0x19A20] =	vst v63  }
0x1fe: {  	s21 =	sadd.s32 $0x1840, s9;
	s23 =	simm.s32 $0x8A00  }
0x1ff: {  	[tilespmem:s23], [sflag:$0x1] =	stream.indirect.gather [hbm4b:s3+s15], $0x40, s21, s15, $0xb8;
	[tilespmem:$0x19A20] =	vst v63  }
0x200: {  	s25 =	sadd.s32 $0x1A40, s9;
	s28 =	simm.s32 $0x9200  }
0x201: {  	[tilespmem:s28], [sflag:$0x1] =	stream.indirect.gather [hbm4b:s3+s15], $0x40, s25, s15, $0xb8;
	[tilespmem:$0x19A20] =	vst v63  }
0x202: {  	s17 =	sadd.s32 $0x1C40, s9;
	s19 =	simm.s32 $0x9A00  }
0x203: {  	[tilespmem:s19], [sflag:$0x1] =	stream.indirect.gather [hbm4b:s3+s15], $0x40, s17, s15, $0xb8;
	[tilespmem:$0x19A20] =	vst v63  }
0x204: {  	s21 =	sadd.s32 $0x1E40, s9;
	s23 =	simm.s32 $0xA200  }
0x205: {  	[tilespmem:s23], [sflag:$0x1] =	stream.indirect.gather [hbm4b:s3+s15], $0x40, s21, s15, $0xb8;
	[tilespmem:$0x19A20] =	vst v63  }
0x206: {  	s25 =	sadd.s32 $0x2040, s9;
	s28 =	simm.s32 $0xAA00  }
0x207: {  	[tilespmem:s28], [sflag:$0x1] =	stream.indirect.gather [hbm4b:s3+s15], $0x40, s25, s15, $0xb8;
	[tilespmem:$0x19A20] =	vst v63  }
0x208: {  	s16 =	sadd.s32 $0x2240, s9;
	s17 =	simm.s32 $0xB200  }
0x209: {  	[tilespmem:s17], [sflag:$0x1] =	stream.indirect.gather [hbm4b:s3+s15], $0x40, s16, s15, $0xb8;
	[tilespmem:$0x19A20] =	vst v63  }
0x20a: {  	s19 =	sadd.s32 $0x2440, s9;
	s21 =	simm.s32 $0xBA00  }
0x20b: {  	[tilespmem:s21], [sflag:$0x1] =	stream.indirect.gather [hbm4b:s3+s15], $0x40, s19, s15, $0xb8;
	[tilespmem:$0x19A20] =	vst v63  }
0x20c: {  	s23 =	sadd.s32 $0x2640, s9;
	s25 =	simm.s32 $0xC200  }
0x20d: {  	[tilespmem:s25], [sflag:$0x1] =	stream.indirect.gather [hbm4b:s3+s15], $0x40, s23, s15, $0xb8;
	[tilespmem:$0x19A20] =	vst v63  }
0x20e: {  	s9 =	sadd.s32 $0x2840, s9;
	s28 =	simm.s32 $0x16A00  }
0x20f: {  	[tilespmem:s28], [sflag:$0x3] =	stream.indirect.gather [hbm4b:s4+s15], $0x40, s9, s15, $0xb8;
	[tilespmem:$0x19A20] =	vst v63  }
.LBB2_6:
0x210: {  	_ =	swait.ge [sflag:s12], $0xA000  }
0x211: {  	[sflag:s12] =	ssyncset.done $0x0  }
0x212: {  	[sflag:s12] =	ssyncadd.s32 $0xFFFF6000  }
0x213: {  	_ =	swait.ge [sflag:s14], $0x800  }
0x214: {  	[sflag:s14] =	ssyncset.done $0x0  }
0x215: {  	s9 =	simm.s32 @!p0 $0x6;
	[sflag:s14] =	ssyncadd.s32 $0xFFFFF800  }
0x216: {  	_ =	swait.ge @!p0 [sflag:s9], $0x1000  }
0x217: {  	[sflag:s9] =	ssyncset.done @!p0 $0x0  }
0x218: {  	[sflag:s9] =	ssyncadd.s32 @!p0 $0xFFFFF000;
	s9 =	simm.s32 $0x0  }
.LBB2_7:
0x219: {  	s11 =	sshll.u32 s9, $0x6  }
0x21a: {  	v2 =	vld [tilespmem:s11+$0xCA00]  }
0x21b: {  	v3 =	vld [tilespmem:s11+$0xD200]  }
0x21c: {  	v4 =	vld [tilespmem:s11+$0xDA00]  }
0x21d: {  	v5 =	vld [tilespmem:s11+$0xE200]  }
0x21e: {  	v6 =	vld [tilespmem:s11+$0xEA00]  }
0x21f: {  	v7 =	vld [tilespmem:s11+$0xF200]  }
0x220: {  	v8 =	vld [tilespmem:s11+$0xFA00]  }
0x221: {  	v9 =	vld [tilespmem:s11+$0x10200]  }
0x222: {  	v10 =	vld [tilespmem:s11+$0x10A00]  }
0x223: {  	v11 =	vld [tilespmem:s11+$0x11200]  }
0x224: {  	v12 =	vld [tilespmem:s11+$0x11A00]  }
0x225: {  	v13 =	vld [tilespmem:s11+$0x12200]  }
0x226: {  	v14 =	vld [tilespmem:s11+$0x12A00]  }
0x227: {  	v15 =	vld [tilespmem:s11+$0x13200]  }
0x228: {  	v16 =	vld [tilespmem:s11+$0x13A00]  }
0x229: {  	v17 =	vld [tilespmem:s11+$0x14200]  }
0x22a: {  	v18 =	vld [tilespmem:s11+$0x14A00]  }
0x22b: {  	v19 =	vld [tilespmem:s11+$0x15200]  }
0x22c: {  	v20 =	vld [tilespmem:s11+$0x15A00];
	v2 =	vadd.f32 v3, v2;
	v3 =	vadd.f32 v5, v4  }
0x22d: {  	v41 =	vld [tilespmem:s11+$0x16200];
	v42 =	vadd.f32 v7, v6;
	v43 =	vadd.f32 v9, v8  }
0x22e: {  	v44 =	vadd.f32 v11, v10;
	v45 =	vadd.f32 v13, v12  }
0x22f: {  	v46 =	vadd.f32 v15, v14;
	v47 =	vadd.f32 v17, v16  }
0x230: {  	v2 =	vadd.f32 v3, v2;
	v3 =	vadd.f32 v43, v42  }
0x231: {  	v48 =	vadd.f32 v45, v44;
	v49 =	vadd.f32 v47, v46  }
0x232: {  	v50 =	vadd.f32 v19, v18;
	v4 =	vadd.f32 v41, v20  }
0x233: {  	v51 =	vld [tilespmem:s11+$0x17200];
	v2 =	vadd.f32 v3, v2;
	v3 =	vadd.f32 v49, v48  }
0x234: {  	v21 =	vld [tilespmem:s11+$0x12240]  }
0x235: {  	s19 =	sor.u32 $0x1, s9;
	v22 =	vld [tilespmem:s11+$0x12A40];
	v4 =	vadd.f32 v4, v50;
	v2 =	vadd.f32 v3, v2  }
0x236: {  	s17 =	sshll.u32 s19, $0x6;
	v23 =	vld [tilespmem:s11+$0x13240]  }
0x237: {  	v40 =	vld [tilespmem:s17+$0xCA00];
	v2 =	vadd.f32 v4, v2  }
0x238: {  	s16 =	sshll.u32 s9, $0x7;
	v41 =	vld [tilespmem:s11+$0xD240];
	v3 =	vmul.f32 v51, v0  }
0x239: {  	s16 =	sand.u32 $0x3FFFFF80, s16;
	v42 =	vld [tilespmem:s11+$0xDA40];
	v2 =	vmul.f32 v2, v1  }
0x23a: {  	v43 =	vld [tilespmem:s11+$0xE240];
	[tilespmem:s16+$0x18A00] =	vst v3  }
0x23b: {  	v44 =	vld [tilespmem:s11+$0xEA40];
	[tilespmem:s16+$0x18A40] =	vst v2  }
0x23c: {  	v2 =	vld [tilespmem:s11+$0xCA10]  }
0x23d: {  	v3 =	vld [tilespmem:s11+$0xD210]  }
0x23e: {  	v52 =	vld [tilespmem:s11+$0xDA10]  }
0x23f: {  	v53 =	vld [tilespmem:s11+$0xE210]  }
0x240: {  	v54 =	vld [tilespmem:s11+$0xEA10]  }
0x241: {  	v55 =	vld [tilespmem:s11+$0xF210]  }
0x242: {  	v56 =	vld [tilespmem:s11+$0xFA10]  }
0x243: {  	v57 =	vld [tilespmem:s11+$0x10210]  }
0x244: {  	v58 =	vld [tilespmem:s11+$0x10A10]  }
0x245: {  	v59 =	vld [tilespmem:s11+$0x11210]  }
0x246: {  	v60 =	vld [tilespmem:s11+$0x11A10]  }
0x247: {  	v61 =	vld [tilespmem:s11+$0x12210]  }
0x248: {  	v62 =	vld [tilespmem:s11+$0x12A10]  }
0x249: {  	v63 =	vld [tilespmem:s11+$0x13210]  }
0x24a: {  	v24 =	vld [tilespmem:s11+$0x13A10]  }
0x24b: {  	v25 =	vld [tilespmem:s11+$0x14210]  }
0x24c: {  	v26 =	vld [tilespmem:s11+$0x14A10]  }
0x24d: {  	v27 =	vld [tilespmem:s11+$0x15210]  }
0x24e: {  	v28 =	vld [tilespmem:s11+$0x15A10];
	v2 =	vadd.f32 v3, v2;
	v3 =	vadd.f32 v53, v52  }
0x24f: {  	v29 =	vld [tilespmem:s11+$0x16210];
	v30 =	vadd.f32 v55, v54;
	v31 =	vadd.f32 v57, v56  }
0x250: {  	v45 =	vld [tilespmem:s11+$0xF240];
	v32 =	vadd.f32 v59, v58;
	v33 =	vadd.f32 v61, v60  }
0x251: {  	v46 =	vld [tilespmem:s11+$0xFA40];
	v34 =	vadd.f32 v63, v62;
	v35 =	vadd.f32 v25, v24  }
0x252: {  	v47 =	vld [tilespmem:s11+$0x10240];
	v2 =	vadd.f32 v3, v2;
	v3 =	vadd.f32 v31, v30  }
0x253: {  	v50 =	vld [tilespmem:s11+$0x11A40];
	v36 =	vadd.f32 v33, v32;
	v37 =	vadd.f32 v35, v34  }
0x254: {  	v48 =	vld [tilespmem:s11+$0x10A40];
	v38 =	vadd.f32 v27, v26;
	v4 =	vadd.f32 v29, v28  }
0x255: {  	v39 =	vld [tilespmem:s11+$0x17210];
	v2 =	vadd.f32 v3, v2;
	v3 =	vadd.f32 v37, v36  }
0x256: {  	v49 =	vld [tilespmem:s11+$0x11240]  }
0x257: {  	v24 =	vld [tilespmem:s11+$0x13A40];
	v4 =	vadd.f32 v4, v38;
	v2 =	vadd.f32 v3, v2  }
0x258: {  	v25 =	vld [tilespmem:s11+$0x14240]  }
0x259: {  	v26 =	vld [tilespmem:s11+$0x14A40];
	v2 =	vadd.f32 v4, v2  }
0x25a: {  	v27 =	vld [tilespmem:s11+$0x15240];
	v3 =	vmul.f32 v39, v0  }
0x25b: {  	v28 =	vld [tilespmem:s11+$0x15A40];
	v2 =	vmul.f32 v2, v1  }
0x25c: {  	v52 =	vld [tilespmem:s11+$0x16240];
	[tilespmem:s16+$0x18A10] =	vst v3  }
0x25d: {  	v37 =	vld [tilespmem:s17+$0x17200];
	[tilespmem:s16+$0x18A50] =	vst v2  }
0x25e: {  	v2 =	vld [tilespmem:s11+$0xCA20]  }
0x25f: {  	v3 =	vld [tilespmem:s11+$0xD220]  }
0x260: {  	v4 =	vld [tilespmem:s11+$0xDA20]  }
0x261: {  	v5 =	vld [tilespmem:s11+$0xE220]  }
0x262: {  	v6 =	vld [tilespmem:s11+$0xEA20]  }
0x263: {  	v10 =	vadd.f32 v41, v40;
	v51 =	vadd.f32 v43, v42;
	v7 =	vld [tilespmem:s11+$0xF220]  }
0x264: {  	v53 =	vadd.f32 v45, v44;
	v54 =	vadd.f32 v47, v46;
	v8 =	vld [tilespmem:s11+$0xFA20]  }
0x265: {  	v56 =	vadd.f32 v49, v48;
	v57 =	vadd.f32 v21, v50;
	v9 =	vld [tilespmem:s11+$0x10220]  }
0x266: {  	v59 =	vadd.f32 v23, v22;
	v60 =	vadd.f32 v25, v24;
	v55 =	vld [tilespmem:s11+$0x10A20]  }
0x267: {  	v10 =	vadd.f32 v51, v10;
	v62 =	vadd.f32 v54, v53;
	v58 =	vld [tilespmem:s11+$0x11220]  }
0x268: {  	v32 =	vadd.f32 v57, v56;
	v33 =	vadd.f32 v60, v59;
	v61 =	vld [tilespmem:s11+$0x11A20]  }
0x269: {  	v10 =	vadd.f32 v62, v10;
	v35 =	vadd.f32 v27, v26;
	v63 =	vld [tilespmem:s11+$0x12220]  }
0x26a: {  	v12 =	vadd.f32 v52, v28;
	v36 =	vadd.f32 v33, v32;
	v34 =	vld [tilespmem:s11+$0x12A20]  }
0x26b: {  	v38 =	vld [tilespmem:s11+$0x13220]  }
0x26c: {  	v12 =	vadd.f32 v12, v35;
	v10 =	vadd.f32 v36, v10;
	v39 =	vld [tilespmem:s11+$0x13A20]  }
0x26d: {  	v40 =	vld [tilespmem:s11+$0x14220]  }
0x26e: {  	v41 =	vld [tilespmem:s11+$0x14A20];
	v10 =	vadd.f32 v12, v10  }
0x26f: {  	s19 =	sshll.u32 s19, $0x7;
	v14 =	vmul.f32 v37, v0;
	v42 =	vld [tilespmem:s11+$0x15220]  }
0x270: {  	s19 =	sand.u32 $0x3FFFFF80, s19;
	v43 =	vld [tilespmem:s11+$0x15A20];
	v10 =	vmul.f32 v10, v1  }
0x271: {  	[tilespmem:s19+$0x18A00] =	vst v14;
	v44 =	vld [tilespmem:s11+$0x16220]  }
0x272: {  	v45 =	vld [tilespmem:s11+$0x17220];
	[tilespmem:s19+$0x18A40] =	vst v10  }
0x273: {  	v10 =	vld [tilespmem:s17+$0xCA10]  }
0x274: {  	v46 =	vld [tilespmem:s11+$0xD250]  }
0x275: {  	v47 =	vld [tilespmem:s11+$0xDA50]  }
0x276: {  	v48 =	vld [tilespmem:s11+$0xE250]  }
0x277: {  	v49 =	vld [tilespmem:s11+$0xEA50]  }
0x278: {  	v50 =	vld [tilespmem:s11+$0xF250]  }
0x279: {  	v51 =	vld [tilespmem:s11+$0xFA50]  }
0x27a: {  	v54 =	vld [tilespmem:s11+$0x10250]  }
0x27b: {  	v57 =	vld [tilespmem:s11+$0x10A50]  }
0x27c: {  	v59 =	vld [tilespmem:s11+$0x11250]  }
0x27d: {  	v60 =	vld [tilespmem:s11+$0x11A50]  }
0x27e: {  	v56 =	vadd.f32 v63, v61;
	v63 =	vld [tilespmem:s11+$0x12250]  }
0x27f: {  	v31 =	vld [tilespmem:s11+$0x12A50]  }
0x280: {  	v32 =	vld [tilespmem:s11+$0x13250]  }
0x281: {  	v2 =	vadd.f32 v3, v2;
	v3 =	vadd.f32 v5, v4;
	v33 =	vld [tilespmem:s11+$0x13A50]  }
0x282: {  	v55 =	vadd.f32 v58, v55;
	v58 =	vadd.f32 v38, v34;
	v34 =	vld [tilespmem:s11+$0x14A50]  }
0x283: {  	v52 =	vadd.f32 v7, v6;
	v53 =	vadd.f32 v9, v8;
	v35 =	vld [tilespmem:s11+$0x15250]  }
0x284: {  	v11 =	vadd.f32 v40, v39;
	v29 =	vadd.f32 v42, v41;
	v36 =	vld [tilespmem:s11+$0x15A50]  }
0x285: {  	s23 =	sor.u32 $0x2, s9;
	v30 =	vadd.f32 v44, v43;
	v38 =	vld [tilespmem:s11+$0x16250];
	v2 =	vadd.f32 v3, v2  }
0x286: {  	s21 =	sshll.u32 s23, $0x6;
	v14 =	vmul.f32 v45, v0;
	v45 =	vld [tilespmem:s17+$0x17210];
	v3 =	vadd.f32 v53, v52;
	v61 =	vadd.f32 v56, v55  }
0x287: {  	v62 =	vadd.f32 v11, v58;
	v6 =	vadd.f32 v32, v31;
	v32 =	vld [tilespmem:s21+$0xCA00]  }
0x288: {  	v11 =	vadd.f32 v30, v29;
	v42 =	vadd.f32 v35, v34;
	v34 =	vld [tilespmem:s11+$0xDA80]  }
0x289: {  	v2 =	vadd.f32 v3, v2;
	v3 =	vadd.f32 v62, v61;
	v35 =	vld [tilespmem:s11+$0xE280]  }
0x28a: {  	v39 =	vadd.f32 v50, v49;
	v43 =	vadd.f32 v38, v36;
	v36 =	vld [tilespmem:s11+$0xEA80]  }
0x28b: {  	v4 =	vadd.f32 v54, v51;
	v40 =	vadd.f32 v59, v57;
	v38 =	vld [tilespmem:s11+$0xFA80]  }
0x28c: {  	v5 =	vadd.f32 v63, v60;
	v2 =	vadd.f32 v3, v2;
	v3 =	vld [tilespmem:s11+$0x14250]  }
0x28d: {  	v10 =	vadd.f32 v46, v10;
	v46 =	vmul.f32 v45, v0;
	v41 =	vadd.f32 v4, v39;
	v39 =	vld [tilespmem:s11+$0x10280]  }
0x28e: {  	v5 =	vadd.f32 v5, v40;
	v40 =	vld [tilespmem:s11+$0x10A80]  }
0x28f: {  	[tilespmem:s19+$0x18A10] =	vst v46;
	v46 =	vld [tilespmem:s11+$0x11A80];
	v2 =	vadd.f32 v11, v2  }
0x290: {  	v11 =	vadd.f32 v43, v42;
	v43 =	vld [tilespmem:s11+$0x11280]  }
0x291: {  	v37 =	vadd.f32 v48, v47;
	v2 =	vmul.f32 v2, v1;
	v34 =	vadd.f32 v35, v34;
	v35 =	vld [tilespmem:s11+$0x16280]  }
0x292: {  	[tilespmem:s16+$0x18A20] =	vst v14;
	v8 =	vadd.f32 v3, v33;
	v33 =	vld [tilespmem:s11+$0xD280]  }
0x293: {  	[tilespmem:s16+$0x18A60] =	vst v2;
	v2 =	vadd.f32 v37, v10;
	v37 =	vld [tilespmem:s11+$0xF280]  }
0x294: {  	v3 =	vld [tilespmem:s11+$0xCA30]  }
0x295: {  	v4 =	vld [tilespmem:s11+$0xD230]  }
0x296: {  	v6 =	vadd.f32 v8, v6;
	v7 =	vld [tilespmem:s11+$0xEA30]  }
0x297: {  	v8 =	vld [tilespmem:s11+$0xF230]  }
0x298: {  	v9 =	vld [tilespmem:s11+$0xFA30];
	v2 =	vadd.f32 v41, v2;
	v44 =	vadd.f32 v6, v5  }
0x299: {  	v10 =	vld [tilespmem:s11+$0x10230]  }
0x29a: {  	v12 =	vld [tilespmem:s11+$0x11230];
	v2 =	vadd.f32 v44, v2  }
0x29b: {  	v20 =	vld [tilespmem:s11+$0x11A30]  }
0x29c: {  	v21 =	vld [tilespmem:s11+$0x12230];
	v2 =	vadd.f32 v11, v2  }
0x29d: {  	v22 =	vld [tilespmem:s11+$0x12A30]  }
0x29e: {  	v23 =	vld [tilespmem:s11+$0x13230];
	v2 =	vmul.f32 v2, v1  }
0x29f: {  	v19 =	vld [tilespmem:s11+$0x14230]  }
0x2a0: {  	v18 =	vld [tilespmem:s11+$0x16230];
	[tilespmem:s19+$0x18A50] =	vst v2  }
0x2a1: {  	v2 =	vld [tilespmem:s17+$0xCA20]  }
0x2a2: {  	v47 =	vld [tilespmem:s11+$0xD260]  }
0x2a3: {  	v48 =	vld [tilespmem:s11+$0xDA60]  }
0x2a4: {  	v49 =	vld [tilespmem:s11+$0xE260]  }
0x2a5: {  	v50 =	vld [tilespmem:s11+$0xEA60]  }
0x2a6: {  	v51 =	vld [tilespmem:s11+$0xF260]  }
0x2a7: {  	v52 =	vld [tilespmem:s11+$0xFA60]  }
0x2a8: {  	v53 =	vld [tilespmem:s11+$0x10260]  }
0x2a9: {  	v54 =	vld [tilespmem:s11+$0x10A60]  }
0x2aa: {  	v55 =	vld [tilespmem:s11+$0x11260]  }
0x2ab: {  	v56 =	vld [tilespmem:s11+$0x11A60]  }
0x2ac: {  	v57 =	vld [tilespmem:s11+$0x12260]  }
0x2ad: {  	v58 =	vld [tilespmem:s11+$0x12A60]  }
0x2ae: {  	v59 =	vld [tilespmem:s11+$0x13260]  }
0x2af: {  	v60 =	vld [tilespmem:s11+$0x13A60]  }
0x2b0: {  	v61 =	vld [tilespmem:s11+$0x14260]  }
0x2b1: {  	v62 =	vld [tilespmem:s11+$0x14A60]  }
0x2b2: {  	v29 =	vld [tilespmem:s11+$0x15260]  }
0x2b3: {  	v38 =	vadd.f32 v39, v38;
	v33 =	vadd.f32 v33, v32;
	v30 =	vld [tilespmem:s11+$0x15A60]  }
0x2b4: {  	v14 =	vadd.f32 v43, v40;
	v37 =	vadd.f32 v37, v36;
	v31 =	vld [tilespmem:s11+$0x16260]  }
0x2b5: {  	v40 =	vadd.f32 v34, v33;
	v63 =	vadd.f32 v49, v48;
	v49 =	vld [tilespmem:s11+$0x12280]  }
0x2b6: {  	v2 =	vadd.f32 v47, v2;
	v41 =	vadd.f32 v51, v50;
	v51 =	vld [tilespmem:s11+$0x12A80]  }
0x2b7: {  	v42 =	vadd.f32 v53, v52;
	v44 =	vadd.f32 v55, v54;
	v54 =	vld [tilespmem:s11+$0x13280]  }
0x2b8: {  	v45 =	vadd.f32 v57, v56;
	v47 =	vadd.f32 v59, v58;
	v57 =	vld [tilespmem:s11+$0x13A80]  }
0x2b9: {  	v48 =	vadd.f32 v61, v60;
	v55 =	vadd.f32 v29, v62;
	v59 =	vld [tilespmem:s11+$0x14280]  }
0x2ba: {  	v56 =	vadd.f32 v31, v30;
	v60 =	vld [tilespmem:s11+$0x14A80];
	v2 =	vadd.f32 v63, v2  }
0x2bb: {  	v62 =	vld [tilespmem:s11+$0x15280];
	v50 =	vadd.f32 v42, v41;
	v52 =	vadd.f32 v45, v44  }
0x2bc: {  	v53 =	vadd.f32 v48, v47;
	v61 =	vadd.f32 v56, v55;
	v63 =	vld [tilespmem:s11+$0x15A80]  }
0x2bd: {  	v41 =	vadd.f32 v38, v37;
	v42 =	vld [tilespmem:s17+$0x17220];
	v2 =	vadd.f32 v50, v2  }
0x2be: {  	v45 =	vld [tilespmem:s21+$0x17200];
	v58 =	vadd.f32 v53, v52;
	v39 =	vadd.f32 v49, v46  }
0x2bf: {  	v5 =	vld [tilespmem:s11+$0xDA30];
	v15 =	vadd.f32 v54, v51;
	v16 =	vadd.f32 v59, v57  }
0x2c0: {  	v6 =	vld [tilespmem:s11+$0xE230];
	v13 =	vadd.f32 v62, v60;
	v2 =	vadd.f32 v58, v2  }
0x2c1: {  	s28 =	sor.u32 $0x3, s9;
	v11 =	vld [tilespmem:s11+$0x10A30];
	v14 =	vadd.f32 v39, v14;
	v15 =	vadd.f32 v16, v15  }
0x2c2: {  	s25 =	sshll.u32 s28, $0x6;
	v43 =	vadd.f32 v35, v63;
	v16 =	vld [tilespmem:s11+$0x13A30];
	v2 =	vadd.f32 v61, v2  }
0x2c3: {  	v44 =	vadd.f32 v41, v40;
	v48 =	vmul.f32 v42, v0;
	v24 =	vmul.f32 v45, v0;
	v45 =	vld [tilespmem:s25+$0xCA00]  }
0x2c4: {  	v14 =	vadd.f32 v15, v14;
	v46 =	vadd.f32 v43, v13;
	v13 =	vld [tilespmem:s11+$0x14A30];
	v2 =	vmul.f32 v2, v1  }
0x2c5: {  	v15 =	vld [tilespmem:s11+$0x15A30];
	[tilespmem:s19+$0x18A20] =	vst v48  }
0x2c6: {  	v47 =	vadd.f32 v14, v44;
	v14 =	vld [tilespmem:s11+$0x15230];
	[tilespmem:s19+$0x18A60] =	vst v2  }
0x2c7: {  	v26 =	vld [tilespmem:s11+$0xE270]  }
0x2c8: {  	v17 =	vadd.f32 v46, v47;
	v32 =	vld [tilespmem:s11+$0x11270]  }
0x2c9: {  	s23 =	sshll.u32 s23, $0x7;
	v35 =	vld [tilespmem:s11+$0x12A70]  }
0x2ca: {  	s23 =	sand.u32 $0x3FFFFF80, s23;
	v36 =	vld [tilespmem:s11+$0x13270];
	v49 =	vmul.f32 v17, v1  }
0x2cb: {  	[tilespmem:s23+$0x18A00] =	vst v24;
	v46 =	vld [tilespmem:s11+$0xD2C0]  }
0x2cc: {  	v17 =	vld [tilespmem:s17+$0xCA30];
	[tilespmem:s23+$0x18A40] =	vst v49  }
0x2cd: {  	v24 =	vld [tilespmem:s21+$0xCA10]  }
0x2ce: {  	v25 =	vld [tilespmem:s11+$0xD290]  }
0x2cf: {  	v50 =	vld [tilespmem:s11+$0xDA90]  }
0x2d0: {  	v51 =	vld [tilespmem:s11+$0xE290]  }
0x2d1: {  	v52 =	vld [tilespmem:s11+$0xEA90]  }
0x2d2: {  	v53 =	vld [tilespmem:s11+$0xF290]  }
0x2d3: {  	v54 =	vld [tilespmem:s11+$0xFA90]  }
0x2d4: {  	v55 =	vld [tilespmem:s11+$0x10290]  }
0x2d5: {  	v56 =	vld [tilespmem:s11+$0x10A90]  }
0x2d6: {  	v57 =	vld [tilespmem:s11+$0x11290]  }
0x2d7: {  	v58 =	vld [tilespmem:s11+$0x11A90]  }
0x2d8: {  	v59 =	vld [tilespmem:s11+$0x12290]  }
0x2d9: {  	v60 =	vld [tilespmem:s11+$0x12A90]  }
0x2da: {  	v61 =	vld [tilespmem:s11+$0x13290]  }
0x2db: {  	v62 =	vld [tilespmem:s11+$0x13A90]  }
0x2dc: {  	v63 =	vld [tilespmem:s11+$0x14290]  }
0x2dd: {  	v40 =	vld [tilespmem:s11+$0x14A90]  }
0x2de: {  	v41 =	vld [tilespmem:s11+$0x15290]  }
0x2df: {  	v42 =	vld [tilespmem:s11+$0x15A90]  }
0x2e0: {  	v44 =	vld [tilespmem:s11+$0x16290]  }
0x2e1: {  	v43 =	vadd.f32 v25, v24;
	v24 =	vld [tilespmem:s11+$0xD270]  }
0x2e2: {  	v25 =	vld [tilespmem:s11+$0xDA70]  }
0x2e3: {  	v48 =	vadd.f32 v57, v56;
	v56 =	vld [tilespmem:s21+$0x17210]  }
0x2e4: {  	v27 =	vadd.f32 v51, v50;
	v50 =	vadd.f32 v61, v60;
	v60 =	vld [tilespmem:s11+$0x142C0]  }
0x2e5: {  	v61 =	vld [tilespmem:s11+$0x14AC0]  }
0x2e6: {  	v51 =	vadd.f32 v63, v62;
	v62 =	vld [tilespmem:s11+$0x152C0]  }
0x2e7: {  	v28 =	vadd.f32 v53, v52;
	v47 =	vadd.f32 v55, v54;
	v63 =	vld [tilespmem:s11+$0x15AC0]  }
0x2e8: {  	v52 =	vadd.f32 v27, v43;
	v27 =	vld [tilespmem:s11+$0xEA70]  }
0x2e9: {  	v49 =	vadd.f32 v59, v58;
	v29 =	vadd.f32 v47, v28;
	v28 =	vld [tilespmem:s11+$0xF270]  }
0x2ea: {  	v47 =	vld [tilespmem:s11+$0xDAC0]  }
0x2eb: {  	v30 =	vadd.f32 v49, v48;
	v48 =	vld [tilespmem:s11+$0xE2C0]  }
0x2ec: {  	v54 =	vadd.f32 v41, v40;
	v49 =	vld [tilespmem:s11+$0xEAC0]  }
0x2ed: {  	v55 =	vadd.f32 v44, v42;
	v53 =	vadd.f32 v51, v50;
	v50 =	vld [tilespmem:s11+$0xF2C0]  }
0x2ee: {  	v51 =	vld [tilespmem:s11+$0xFAC0]  }
0x2ef: {  	v33 =	vadd.f32 v55, v54;
	v54 =	vld [tilespmem:s11+$0x112C0]  }
0x2f0: {  	v55 =	vld [tilespmem:s11+$0x11AC0]  }
0x2f1: {  	v34 =	vadd.f32 v29, v52;
	v29 =	vld [tilespmem:s11+$0xFA70]  }
0x2f2: {  	v31 =	vadd.f32 v53, v30;
	v30 =	vld [tilespmem:s11+$0x10270]  }
0x2f3: {  	v52 =	vld [tilespmem:s11+$0x102C0]  }
0x2f4: {  	v53 =	vld [tilespmem:s11+$0x10AC0]  }
0x2f5: {  	v58 =	vmul.f32 v56, v0;
	v56 =	vld [tilespmem:s11+$0x122C0]  }
0x2f6: {  	v34 =	vadd.f32 v31, v34;
	v31 =	vld [tilespmem:s11+$0x10A70]  }
0x2f7: {  	v45 =	vadd.f32 v46, v45;
	[tilespmem:s23+$0x18A10] =	vst v58;
	v58 =	vld [tilespmem:s11+$0x132C0]  }
0x2f8: {  	v46 =	vadd.f32 v48, v47;
	v47 =	vld [tilespmem:s11+$0x162C0];
	v57 =	vadd.f32 v33, v34  }
0x2f9: {  	v33 =	vld [tilespmem:s11+$0x11A70]  }
0x2fa: {  	v34 =	vld [tilespmem:s11+$0x12270];
	v59 =	vmul.f32 v57, v1  }
0x2fb: {  	v57 =	vld [tilespmem:s11+$0x12AC0]  }
0x2fc: {  	[tilespmem:s23+$0x18A50] =	vst v59;
	v59 =	vld [tilespmem:s11+$0x13AC0]  }
0x2fd: {  	v47 =	vadd.f32 v47, v63;
	v63 =	vld [tilespmem:s25+$0x17200]  }
0x2fe: {  	v37 =	vld [tilespmem:s21+$0xCA20]  }
0x2ff: {  	v38 =	vld [tilespmem:s11+$0xD2A0]  }
0x300: {  	v39 =	vld [tilespmem:s11+$0xDAA0]  }
0x301: {  	v40 =	vld [tilespmem:s11+$0xE2A0]  }
0x302: {  	v41 =	vld [tilespmem:s11+$0xEAA0]  }
0x303: {  	v42 =	vld [tilespmem:s11+$0xF2A0]  }
0x304: {  	v48 =	vadd.f32 v50, v49;
	v49 =	vadd.f32 v52, v51;
	v43 =	vld [tilespmem:s11+$0xFAA0]  }
0x305: {  	v51 =	vadd.f32 v54, v53;
	v52 =	vadd.f32 v56, v55;
	v44 =	vld [tilespmem:s11+$0x102A0]  }
0x306: {  	v50 =	vld [tilespmem:s11+$0x10AA0];
	v54 =	vadd.f32 v58, v57;
	v60 =	vadd.f32 v60, v59  }
0x307: {  	v45 =	vadd.f32 v46, v45;
	v53 =	vld [tilespmem:s11+$0x112A0];
	v58 =	vadd.f32 v49, v48  }
0x308: {  	v56 =	vld [tilespmem:s11+$0x11AA0];
	v59 =	vadd.f32 v52, v51;
	v60 =	vadd.f32 v60, v54  }
0x309: {  	v61 =	vadd.f32 v62, v61;
	v55 =	vld [tilespmem:s11+$0x13AA0]  }
0x30a: {  	v46 =	vld [tilespmem:s11+$0x142A0];
	v45 =	vadd.f32 v58, v45;
	v62 =	vadd.f32 v60, v59  }
0x30b: {  	v48 =	vld [tilespmem:s11+$0x122A0]  }
0x30c: {  	v47 =	vadd.f32 v47, v61;
	v57 =	vld [tilespmem:s11+$0x15AA0];
	v45 =	vadd.f32 v62, v45  }
0x30d: {  	v52 =	vld [tilespmem:s11+$0x12AA0]  }
0x30e: {  	v51 =	vld [tilespmem:s11+$0x132A0];
	v45 =	vadd.f32 v47, v45  }
0x30f: {  	s28 =	sshll.u32 s28, $0x7;
	v49 =	vmul.f32 v63, v0;
	v58 =	vld [tilespmem:s11+$0x162A0]  }
0x310: {  	s28 =	sand.u32 $0x3FFFFF80, s28;
	v54 =	vld [tilespmem:s11+$0x14AA0];
	v45 =	vmul.f32 v45, v1  }
0x311: {  	[tilespmem:s28+$0x18A00] =	vst v49;
	v49 =	vld [tilespmem:s21+$0x17220]  }
0x312: {  	v47 =	vld [tilespmem:s11+$0x152A0];
	[tilespmem:s28+$0x18A40] =	vst v45  }
0x313: {  	v45 =	vld [tilespmem:s25+$0xCA10]  }
0x314: {  	v59 =	vld [tilespmem:s11+$0xD2D0]  }
0x315: {  	v60 =	vld [tilespmem:s11+$0xDAD0]  }
0x316: {  	v61 =	vld [tilespmem:s11+$0xE2D0]  }
0x317: {  	v62 =	vld [tilespmem:s11+$0xEAD0]  }
0x318: {  	v63 =	vld [tilespmem:s11+$0xF2D0]  }
0x319: {  	v37 =	vadd.f32 v38, v37;
	v38 =	vadd.f32 v40, v39;
	v39 =	vld [tilespmem:s11+$0xFAD0]  }
0x31a: {  	v40 =	vadd.f32 v42, v41;
	v41 =	vadd.f32 v44, v43;
	v42 =	vld [tilespmem:s11+$0x102D0]  }
0x31b: {  	v43 =	vadd.f32 v53, v50;
	v44 =	vadd.f32 v48, v56;
	v48 =	vld [tilespmem:s11+$0x10AD0]  }
0x31c: {  	v46 =	vadd.f32 v46, v55;
	v56 =	vadd.f32 v51, v52;
	v51 =	vld [tilespmem:s11+$0x112D0]  }
0x31d: {  	v37 =	vadd.f32 v38, v37;
	v38 =	vadd.f32 v41, v40;
	v40 =	vld [tilespmem:s11+$0x11AD0]  }
0x31e: {  	v52 =	vadd.f32 v44, v43;
	v44 =	vld [tilespmem:s11+$0x122D0]  }
0x31f: {  	v53 =	vadd.f32 v46, v56;
	v50 =	vld [tilespmem:s11+$0x12AD0]  }
0x320: {  	v37 =	vadd.f32 v38, v37;
	v56 =	vadd.f32 v58, v57;
	v41 =	vld [tilespmem:s11+$0x132D0]  }
0x321: {  	v57 =	vadd.f32 v53, v52;
	v55 =	vadd.f32 v47, v54;
	v43 =	vld [tilespmem:s11+$0x13AD0]  }
0x322: {  	v38 =	vld [tilespmem:s11+$0x142D0]  }
0x323: {  	v37 =	vadd.f32 v57, v37;
	v47 =	vld [tilespmem:s11+$0x14AD0];
	v46 =	vadd.f32 v56, v55  }
0x324: {  	v58 =	vld [tilespmem:s11+$0x15AD0]  }
0x325: {  	v37 =	vadd.f32 v46, v37;
	v46 =	vld [tilespmem:s11+$0x152D0]  }
0x326: {  	v45 =	vadd.f32 v59, v45;
	v60 =	vadd.f32 v61, v60;
	v61 =	vld [tilespmem:s11+$0x162D0]  }
0x327: {  	v57 =	vadd.f32 v63, v62;
	v39 =	vadd.f32 v42, v39;
	v42 =	vld [tilespmem:s11+$0x13A70]  }
0x328: {  	v48 =	vadd.f32 v51, v48;
	v40 =	vadd.f32 v44, v40;
	v44 =	vld [tilespmem:s11+$0x14270]  }
0x329: {  	v41 =	vadd.f32 v41, v50;
	v38 =	vadd.f32 v38, v43;
	v43 =	vld [tilespmem:s11+$0x14A70]  }
0x32a: {  	v49 =	vmul.f32 v49, v0;
	v50 =	vld [tilespmem:s11+$0x15270];
	v45 =	vadd.f32 v60, v45;
	v39 =	vadd.f32 v39, v57  }
0x32b: {  	v59 =	vld [tilespmem:s25+$0x17210];
	v37 =	vmul.f32 v37, v1;
	v40 =	vadd.f32 v40, v48;
	v38 =	vadd.f32 v38, v41  }
0x32c: {  	[tilespmem:s23+$0x18A20] =	vst v49;
	v41 =	vld [tilespmem:s11+$0x15A70];
	v46 =	vadd.f32 v46, v47;
	v39 =	vadd.f32 v39, v45  }
0x32d: {  	[tilespmem:s23+$0x18A60] =	vst v37;
	v38 =	vadd.f32 v38, v40;
	v45 =	vld [tilespmem:s11+$0x16270];
	v58 =	vadd.f32 v61, v58  }
0x32e: {  	v37 =	vld [tilespmem:s21+$0xCA30]  }
0x32f: {  	v47 =	vld [tilespmem:s11+$0xDAB0];
	v38 =	vadd.f32 v38, v39;
	v46 =	vadd.f32 v58, v46  }
0x330: {  	v3 =	vadd.f32 v4, v3;
	v5 =	vadd.f32 v6, v5;
	v48 =	vld [tilespmem:s11+$0xEAB0]  }
0x331: {  	v6 =	vadd.f32 v8, v7;
	v49 =	vld [tilespmem:s11+$0xF2B0];
	v38 =	vadd.f32 v46, v38  }
0x332: {  	v8 =	vadd.f32 v10, v9;
	v3 =	vadd.f32 v5, v3;
	v5 =	vld [tilespmem:s11+$0x12AB0];
	v40 =	vmul.f32 v59, v0  }
0x333: {  	v16 =	vadd.f32 v19, v16;
	v19 =	vld [tilespmem:s11+$0x132B0];
	v38 =	vmul.f32 v38, v1  }
0x334: {  	v6 =	vadd.f32 v8, v6;
	v8 =	vld [tilespmem:s11+$0x152B0];
	[tilespmem:s28+$0x18A10] =	vst v40  }
0x335: {  	v39 =	vld [tilespmem:s11+$0xD2B0];
	[tilespmem:s28+$0x18A50] =	vst v38  }
0x336: {  	v38 =	vld [tilespmem:s25+$0xCA20]  }
0x337: {  	v51 =	vld [tilespmem:s11+$0xD2E0]  }
0x338: {  	v52 =	vld [tilespmem:s11+$0xDAE0]  }
0x339: {  	v53 =	vld [tilespmem:s11+$0xE2E0]  }
0x33a: {  	v54 =	vld [tilespmem:s11+$0xEAE0]  }
0x33b: {  	v55 =	vld [tilespmem:s11+$0xF2E0]  }
0x33c: {  	v56 =	vld [tilespmem:s11+$0xFAE0]  }
0x33d: {  	v57 =	vld [tilespmem:s11+$0x102E0]  }
0x33e: {  	v58 =	vld [tilespmem:s11+$0x10AE0]  }
0x33f: {  	v59 =	vld [tilespmem:s11+$0x112E0]  }
0x340: {  	v60 =	vld [tilespmem:s11+$0x11AE0]  }
0x341: {  	v61 =	vld [tilespmem:s11+$0x122E0]  }
0x342: {  	v62 =	vld [tilespmem:s11+$0x12AE0]  }
0x343: {  	v63 =	vld [tilespmem:s11+$0x132E0]  }
0x344: {  	v4 =	vld [tilespmem:s11+$0x13AE0]  }
0x345: {  	v9 =	vadd.f32 v12, v11;
	v7 =	vld [tilespmem:s11+$0x142E0]  }
0x346: {  	v11 =	vadd.f32 v21, v20;
	v12 =	vadd.f32 v23, v22;
	v10 =	vld [tilespmem:s11+$0x14AE0]  }
0x347: {  	v20 =	vld [tilespmem:s11+$0x152E0];
	v21 =	vadd.f32 v51, v38;
	v22 =	vadd.f32 v53, v52  }
0x348: {  	v23 =	vld [tilespmem:s11+$0x15AE0];
	v38 =	vadd.f32 v55, v54;
	v51 =	vadd.f32 v57, v56  }
0x349: {  	v52 =	vld [tilespmem:s11+$0x162E0];
	v53 =	vadd.f32 v59, v58;
	v60 =	vadd.f32 v61, v60  }
0x34a: {  	v40 =	vld [tilespmem:s11+$0xFAB0];
	v61 =	vadd.f32 v63, v62;
	v4 =	vadd.f32 v7, v4  }
0x34b: {  	v46 =	vld [tilespmem:s11+$0xE2B0];
	v21 =	vadd.f32 v22, v21;
	v62 =	vadd.f32 v51, v38  }
0x34c: {  	v55 =	vld [tilespmem:s11+$0x102B0];
	v63 =	vadd.f32 v60, v53;
	v4 =	vadd.f32 v4, v61  }
0x34d: {  	v7 =	vld [tilespmem:s11+$0x10AB0];
	v10 =	vadd.f32 v20, v10;
	v21 =	vadd.f32 v62, v21  }
0x34e: {  	v58 =	vld [tilespmem:s25+$0x17220];
	v4 =	vadd.f32 v4, v63;
	v57 =	vadd.f32 v52, v23  }
0x34f: {  	v59 =	vadd.f32 v11, v9;
	v9 =	vld [tilespmem:s11+$0x13AB0]  }
0x350: {  	v38 =	vld [tilespmem:s11+$0x112B0];
	v4 =	vadd.f32 v4, v21;
	v10 =	vadd.f32 v57, v10  }
0x351: {  	v53 =	vld [tilespmem:s11+$0x11AB0];
	v60 =	vadd.f32 v16, v12  }
0x352: {  	v12 =	vadd.f32 v14, v13;
	v14 =	vld [tilespmem:s11+$0x14AB0];
	v4 =	vadd.f32 v10, v4  }
0x353: {  	v13 =	vadd.f32 v18, v15;
	v15 =	vld [tilespmem:s11+$0x15AB0];
	v61 =	vmul.f32 v58, v0  }
0x354: {  	v23 =	vld [tilespmem:s11+$0x122B0];
	v4 =	vmul.f32 v4, v1  }
0x355: {  	v3 =	vadd.f32 v6, v3;
	v36 =	vadd.f32 v36, v35;
	[tilespmem:s28+$0x18A20] =	vst v61;
	v10 =	vld [tilespmem:s11+$0x142B0]  }
0x356: {  	v28 =	vadd.f32 v28, v27;
	v30 =	vadd.f32 v30, v29;
	[tilespmem:s28+$0x18A60] =	vst v4;
	v4 =	vld [tilespmem:s11+$0x162B0]  }
0x357: {  	v32 =	vadd.f32 v32, v31;
	v34 =	vadd.f32 v34, v33;
	v22 =	vld [tilespmem:s25+$0xCA30]  }
0x358: {  	v5 =	vadd.f32 v19, v5;
	v63 =	vadd.f32 v26, v25;
	v26 =	vld [tilespmem:s11+$0xD2F0]  }
0x359: {  	v35 =	vadd.f32 v39, v37;
	v62 =	vadd.f32 v24, v17;
	v17 =	vld [tilespmem:s11+$0xDAF0]  }
0x35a: {  	v39 =	vadd.f32 v49, v48;
	v51 =	vadd.f32 v44, v42;
	v57 =	vld [tilespmem:s11+$0xE2F0]  }
0x35b: {  	v54 =	vadd.f32 v34, v32;
	v6 =	vadd.f32 v60, v59;
	v60 =	vld [tilespmem:s11+$0xEAF0]  }
0x35c: {  	v56 =	vadd.f32 v51, v36;
	v11 =	vadd.f32 v63, v62;
	v62 =	vld [tilespmem:s11+$0xF2F0]  }
0x35d: {  	v59 =	vadd.f32 v45, v41;
	v12 =	vadd.f32 v13, v12;
	v63 =	vld [tilespmem:s11+$0xFAF0]  }
0x35e: {  	v36 =	vadd.f32 v46, v47;
	v52 =	vadd.f32 v30, v28;
	v34 =	vld [tilespmem:s11+$0x102F0]  }
0x35f: {  	v58 =	vadd.f32 v50, v43;
	v41 =	vadd.f32 v55, v40;
	v37 =	vld [tilespmem:s11+$0x10AF0]  }
0x360: {  	v3 =	vadd.f32 v6, v3;
	v45 =	vadd.f32 v36, v35;
	v42 =	vld [tilespmem:s11+$0x112F0]  }
0x361: {  	v61 =	vadd.f32 v56, v54;
	v33 =	vadd.f32 v59, v58;
	v43 =	vld [tilespmem:s11+$0x11AF0]  }
0x362: {  	v7 =	vadd.f32 v38, v7;
	v46 =	vadd.f32 v41, v39;
	v44 =	vld [tilespmem:s11+$0x122F0]  }
0x363: {  	v8 =	vadd.f32 v8, v14;
	v11 =	vadd.f32 v52, v11;
	v47 =	vld [tilespmem:s11+$0x12AF0]  }
0x364: {  	v23 =	vadd.f32 v23, v53;
	v9 =	vadd.f32 v10, v9;
	v48 =	vld [tilespmem:s11+$0x132F0]  }
0x365: {  	v3 =	vadd.f32 v12, v3;
	v11 =	vadd.f32 v61, v11;
	v49 =	vld [tilespmem:s11+$0x13AF0]  }
0x366: {  	v7 =	vadd.f32 v23, v7;
	v51 =	vld [tilespmem:s11+$0x142F0];
	v5 =	vadd.f32 v9, v5  }
0x367: {  	v50 =	vadd.f32 v46, v45;
	v11 =	vadd.f32 v33, v11;
	v55 =	vld [tilespmem:s11+$0x15AF0]  }
0x368: {  	v56 =	vld [tilespmem:s11+$0x162F0];
	v4 =	vadd.f32 v4, v15;
	v5 =	vadd.f32 v5, v7  }
0x369: {  	v2 =	vld [tilespmem:s11+$0x17230];
	v54 =	vadd.f32 v26, v22;
	v17 =	vadd.f32 v57, v17  }
0x36a: {  	v52 =	vld [tilespmem:s11+$0x14AF0];
	v18 =	vadd.f32 v62, v60;
	v6 =	vadd.f32 v34, v63  }
0x36b: {  	v53 =	vld [tilespmem:s11+$0x152F0];
	v57 =	vadd.f32 v42, v37;
	v10 =	vadd.f32 v44, v43  }
0x36c: {  	v9 =	vadd.f32 v48, v47;
	v7 =	vadd.f32 v51, v49  }
0x36d: {  	v58 =	vld [tilespmem:s17+$0x17230];
	v60 =	vadd.f32 v56, v55;
	v4 =	vadd.f32 v4, v8  }
0x36e: {  	v13 =	vadd.f32 v17, v54;
	v6 =	vadd.f32 v6, v18  }
0x36f: {  	v59 =	vld [tilespmem:s21+$0x17230];
	v10 =	vadd.f32 v10, v57;
	v7 =	vadd.f32 v7, v9  }
0x370: {  	v2 =	vmul.f32 v2, v0;
	v5 =	vadd.f32 v5, v50;
	v8 =	vadd.f32 v53, v52  }
0x371: {  	v3 =	vmul.f32 v3, v1;
	v61 =	vld [tilespmem:s25+$0x17230];
	v6 =	vadd.f32 v6, v13;
	v7 =	vadd.f32 v7, v10  }
0x372: {  	[tilespmem:s16+$0x18A30] =	vst v2;
	v2 =	vmul.f32 v58, v0;
	v4 =	vadd.f32 v4, v5  }
0x373: {  	[tilespmem:s16+$0x18A70] =	vst v3;
	v3 =	vmul.f32 v11, v1;
	v62 =	vadd.f32 v60, v8;
	v6 =	vadd.f32 v7, v6  }
0x374: {  	p0 =	slt.u32 s9, $0x1C;
	[tilespmem:s19+$0x18A30] =	vst v2;
	v2 =	vmul.f32 v59, v0  }
.Ltmp2:
0x375: {  	[tilespmem:s19+$0x18A70] =	vst v3;
	v3 =	vmul.f32 v4, v1;
	v63 =	vadd.f32 v62, v6;
	(pc) =	sbr.rel @p0 .LBB2_7-.Ltmp2, $4  }
0x376: {  	[tilespmem:s23+$0x18A30] =	vst v2;
	v2 =	vmul.f32 v61, v0  }
0x377: {  	[tilespmem:s23+$0x18A70] =	vst v3;
	v3 =	vmul.f32 v63, v1  }
0x378: {  	s25 =	sadd.s32 $0x4, s9;
	[tilespmem:s28+$0x18A30] =	vst v2  }
0x379: {  	s9 =	smov.u32 s25;
	[tilespmem:s28+$0x18A70] =	vst v3  }
0x37a: {  	s6 =	sadd.s32 $0x1, s6  }
0x37b: {  	p0 =	sne.s32 s6, $0x8  }
.Ltmp3:
0x37c: {  	_ = 	snop;
	(pc) =	sbr.rel @p0 .LBB2_2-.Ltmp3, $4  }
0x37d: {  	_ = 	snop  }
0x37e: {  	s7 =	sshll.u32 s7, $0x9  }
0x37f: {  	s7 =	sadd.s32 s7, s8  }
0x380: {  	[hbm4b:s7+s2] =	stream.linear.scatter [tilespmem:s5], [sflag:$0x6], $0x1000, $0x38;
	[tilespmem:$0x19A20] =	vst v63  }
0x381: {  	s6 =	simm.s32 $0x5  }
0x382: {  	_ =	swait.ge [sflag:s6], $0x1000  }
0x383: {  	[sflag:s6] =	ssyncset.done $0x0  }
0x384: {  	s7 =	simm.s32 $0x6;
	[sflag:s6] =	ssyncadd.s32 $0xFFFFF000  }
0x385: {  	_ =	swait.ge [sflag:s7], $0x1000  }
0x386: {  	s9 =	rddreg [dreg:$0x8]  }
0x387: {  	s28 =	rddreg [dreg:$0x7];
	s9 =	sadd.s32 $0x1, s9  }
0x388: {  	p0 =	sne.s32 s9, s28  }
.Ltmp4:
0x389: {  	_ = 	snop;
	(pc) =	sbr.rel @p0 .LBB2_1-.Ltmp4, $3  }
0x38a: {  	_ =	sdelay $0x1  }
0x38b: {  	[sflag:s7] =	ssyncset.done $0x0  }
0x38c: {  	[sflag:s7] =	ssyncadd.s32 $0xFFFFF000  }
0x38d: {  	_ =	sfence.sel $0x180000  }
0x38e: {  	[bflag:$0x0] =	sbarrier.arrive $0xFFFF  }
0x38f: {  	_ =	strace $0x90000047  }
0x390: {  	s0 =	stileid.u32;
	[bflag:$0x2] =	sbarrier.arrive $0xFFFF  }
0x391: {  	p0 =	sne.s32 s0, $0x0;
	s0 =	rddreg [dreg:$0x3]  }
0x392: {  	s0 =	sadd.s32 @!p0 $0x100000, s0  }
0x393: {  	[sflag:s0] =	ssyncadd.tile.s32 @!p0 $0x1;
	_ =	shalt  }
.Lfunc_end2:
_tile_overlayer_lowered:
.L_overlay_start_2:
0x394: {  	(tag) =	ssettag $0x2  }
0x395: {  	s0 =	rddreg [dreg:$0x0];
	s2 =	stileid.u32  }
0x396: {  	s1 =	rddreg [dreg:$0x1];
	p0 =	sne.s32 s2, $0x0  }
0x397: {  	s3 =	rddreg [dreg:$0x2];
	[bflag:$0x3] =	sbarrier.arrive $0xFFFF;
	s2 =	simm.s32 @!p0 $0x1C07  }
0x398: {  	[timem:s3], [sflag:s2] =	dma.local @!p0 [hbm:s0], s1  }
0x399: {  	s0 =	simm.s32 @!p0 $0x7  }
0x39a: {  	_ =	swait.ge @!p0 [sflag:s0], s1  }
0x39b: {  	s1 =	ssub.s32 @!p0 $0x0, s1;
	[sflag:s0] =	ssyncset.done @!p0 $0x0  }
0x39c: {  	[sflag:s0] =	ssyncadd.s32 @!p0 s1  }
0x39d: {  	[bflag:$0x3] =	sbarrier.arrive $0xFFFF  }
0x39e: {  	_ =	shalt  }

</sc_bundles>
